<compile_context>
chip_gen: v7x
topology: tpu7x:2x2x1
jax: 0.10.2.dev20260603
libtpu: 0.0.44.dev20260713+nightly
codegen_flags: <defaults>
</compile_context>

<pallas_src>
import functools

import jax
import jax.numpy as jnp
from jax import lax
from jax.experimental import pallas as pl
from jax.experimental.pallas import tpu as pltpu
from jax.experimental.pallas import tpu_sc as plsc

B = 16
L = 512
H = 16
V = 64
HH = H // 2

NC = 2
NS = 16
NW = NC * NS

ROWS = B * L
RPW = ROWS // NW
R = 8
NCHUNK = RPW // R
NPAIR = NCHUNK // 2


def _sc_body(tbl_hbm, data_hbm, out_hbm, tbl_v, idx0, idx1, bufa, bufb,
             sem_i0, sem_i1, sem_a, sem_b):
    wid = lax.axis_index("s") * NC + lax.axis_index("c")
    pltpu.sync_copy(tbl_hbm, tbl_v)

    idx_v = (idx0, idx1)

    b = wid // 2
    i_base = (wid % 2) * RPW

    pltpu.async_copy(data_hbm.at[b, pl.ds(i_base, R)], idx0, sem_i0)

    def gather_half(idx_slot, buf, h0):
        def r_body(r, carry):
            @plsc.parallel_loop(0, L, step=16, unroll=2)
            def group_body(col):
                idxv = idx_v[idx_slot][r, pl.ds(col, 16)]
                for h in range(HH):
                    buf[h, r, pl.ds(col, 16)] = plsc.load_gather(
                        tbl_v.at[pl.ds((h0 + h) * V, V)], [idxv])
            return carry

        lax.fori_loop(0, R, r_body, 0)

    def process(c, idx_slot):
        pltpu.make_async_copy(
            data_hbm.at[0, pl.ds(0, R)], idx_v[idx_slot],
            (sem_i0, sem_i1)[idx_slot]).wait()

        @pl.when(c + 1 < NCHUNK)
        def _():
            pltpu.async_copy(
                data_hbm.at[b, pl.ds(i_base + (c + 1) * R, R)],
                idx_v[1 - idx_slot], (sem_i0, sem_i1)[1 - idx_slot])

        i0 = i_base + c * R

        @pl.when(c >= 1)
        def _():
            for h in range(HH):
                pltpu.make_async_copy(
                    bufa.at[h], out_hbm.at[0, h, pl.ds(0, R)], sem_a).wait()

        gather_half(idx_slot, bufa, 0)
        for h in range(HH):
            pltpu.async_copy(
                bufa.at[h], out_hbm.at[b, h, pl.ds(i0, R)], sem_a)

        @pl.when(c >= 1)
        def _():
            for h in range(HH):
                pltpu.make_async_copy(
                    bufb.at[h], out_hbm.at[0, h, pl.ds(0, R)], sem_b).wait()

        gather_half(idx_slot, bufb, HH)
        for h in range(HH):
            pltpu.async_copy(
                bufb.at[h], out_hbm.at[b, HH + h, pl.ds(i0, R)], sem_b)

    def pair_body(p, carry):
        process(2 * p, 0)
        process(2 * p + 1, 1)
        return carry

    lax.fori_loop(0, NPAIR, pair_body, 0)

    for h in range(HH):
        pltpu.make_async_copy(
            bufa.at[h], out_hbm.at[0, h, pl.ds(0, R)], sem_a).wait()
        pltpu.make_async_copy(
            bufb.at[h], out_hbm.at[0, h, pl.ds(0, R)], sem_b).wait()


@jax.jit
def _hop_bias_sc(tbl, data):
    mesh = plsc.VectorSubcoreMesh(core_axis_name="c", subcore_axis_name="s")
    run = pl.kernel(
        _sc_body,
        out_type=jax.ShapeDtypeStruct((B, H, L, L), jnp.float32),
        mesh=mesh,
        scratch_types=[
            pltpu.VMEM((V * H,), jnp.float32),
            pltpu.VMEM((R, L), jnp.int32),
            pltpu.VMEM((R, L), jnp.int32),
            pltpu.VMEM((HH, R, L), jnp.float32),
            pltpu.VMEM((HH, R, L), jnp.float32),
            pltpu.SemaphoreType.DMA,
            pltpu.SemaphoreType.DMA,
            pltpu.SemaphoreType.DMA,
            pltpu.SemaphoreType.DMA,
        ],
        compiler_params=pltpu.CompilerParams(
            needs_layout_passes=False, use_tc_tiling_on_sc=True),
    )
    return run(tbl, data)


def kernel(data, hop_embeddings):
    return _hop_bias_sc(hop_embeddings.T.reshape(-1),
                        data.astype(jnp.int32))

# --- scband reference (transcript-rebuilt; emitter-appended) ---
"""Pipeline reference for scband-graph-attn-hop-bias-12395275616644 (READ-ONLY COPY).

The authoritative reference and input builder live on the scoring server;
editing this copy changes nothing except your own understanding.
"""

import jax, jax.numpy as jnp
import numpy as np

NUM_HEADS = 16
NUM_HOPS = 64  # use_super_node=False -> table rows = num_hops
B, L = 16, 512


def setup_inputs(seed: int = 0) -> dict:
    key = jax.random.key(seed)
    k_idx, k_w = jax.random.split(key)
    data = jax.random.randint(k_idx, (B, L, L), 0, NUM_HOPS, dtype=jnp.int64 if jax.config.jax_enable_x64 else jnp.int32)
    # xavier_uniform init for embedding weight [num_hops, num_heads]
    bound = float(np.sqrt(6.0 / (NUM_HOPS + NUM_HEADS)))
    hop_embeddings = jax.random.uniform(k_w, (NUM_HOPS, NUM_HEADS), dtype=jnp.float32, minval=-bound, maxval=bound)
    return {"data": data, "hop_embeddings": hop_embeddings}


def reference(data, hop_embeddings):
    # data is a 3D [B, L, L] hop-distance tensor -> _prepare_hop_dist returns it as-is
    # use_super_node=False -> no super-node index injection
    pos = data
    bias = jnp.take(hop_embeddings, pos, axis=0)  # [B, L, L, H]
    return jnp.transpose(bias, (0, 3, 1, 2))      # [B, H, L, L]

if __name__ == "__main__":
    import jax
    _d = setup_inputs()
    print(jax.jit(kernel)(*tuple(_d.values())))

</pallas_src>

<mosaic_0001>
#map = affine_map<(d0, d1) -> (0)>
#map1 = affine_map<(d0, d1) -> (0, 0, 0)>
#map2 = affine_map<(d0, d1) -> (0, 0, 0, 0)>
module attributes {stable_mosaic.version = 14 : i64} {
  func.func @_sc_body(%arg0: i32, %arg1: i32, %arg2: memref<1024xf32, #tpu.memory_space<hbm>>, %arg3: memref<16x512x512xi32, #tpu.memory_space<hbm>>, %arg4: memref<16x16x512x512xf32, #tpu.memory_space<hbm>>, %arg5: memref<1024xf32, #tpu.memory_space<vmem>>, %arg6: memref<8x512xi32, #tpu.memory_space<vmem>>, %arg7: memref<8x512xi32, #tpu.memory_space<vmem>>, %arg8: memref<8x8x512xf32, #tpu.memory_space<vmem>>, %arg9: memref<8x8x512xf32, #tpu.memory_space<vmem>>, %arg10: memref<!tpu.dma_semaphore, #tpu.memory_space<semaphore_mem>>, %arg11: memref<!tpu.dma_semaphore, #tpu.memory_space<semaphore_mem>>, %arg12: memref<!tpu.dma_semaphore, #tpu.memory_space<semaphore_mem>>, %arg13: memref<!tpu.dma_semaphore, #tpu.memory_space<semaphore_mem>>) attributes {dimension_semantics = [#tpu.dimension_semantics<core_parallel>, #tpu.dimension_semantics<subcore_parallel>], iteration_bounds = array<i64: 2, 16>, scalar_prefetch = 0 : i64, scratch_operands = 9 : i64, tpu.core_type = #tpu.core_type<sc_vector_subcore>, window_params = [{transform_indices = #map}, {transform_indices = #map1}, {transform_indices = #map2}]} {
    %mul3A = arith.constant 2 : i32
    %mul3A_0 = arith.muli %arg1, %mul3A : i32
    %add3A = arith.addi %mul3A_0, %arg0 : i32
    "tpu.region"() ({
      %run_scoped3A = tpu.sem_alloc : memref<!tpu.dma_semaphore, #tpu.memory_space<semaphore_mem>>
      tpu.enqueue_dma source(%arg2 : memref<1024xf32, #tpu.memory_space<hbm>>) target(%arg5 : memref<1024xf32, #tpu.memory_space<vmem>>) target_semaphore(%run_scoped3A : memref<!tpu.dma_semaphore, #tpu.memory_space<semaphore_mem>>)
      tpu.wait_dma2 semaphore(%run_scoped3A : memref<!tpu.dma_semaphore, #tpu.memory_space<semaphore_mem>>) src(%arg2 : memref<1024xf32, #tpu.memory_space<hbm>>) dst(%arg5 : memref<1024xf32, #tpu.memory_space<vmem>>)
      tpu.yield
    }) : () -> ()
    %jit3A = arith.constant 2 : i32
    %div3A = arith.divsi %add3A, %jit3A : i32
    %sign3A = arith.constant 0 : i32
    %sign3A_1 = arith.cmpi sgt, %add3A, %sign3A : i32
    %sign3A_2 = arith.extui %sign3A_1 : i1 to i32
    %sign3A_3 = arith.constant 0 : i32
    %sign3A_4 = arith.cmpi slt, %add3A, %sign3A_3 : i32
    %sign3A_5 = arith.extui %sign3A_4 : i1 to i32
    %sign3A_6 = arith.subi %sign3A_2, %sign3A_5 : i32
    %sign3A_7 = arith.constant 0 : i32
    %sign3A_8 = arith.cmpi sgt, %jit3A, %sign3A_7 : i32
    %sign3A_9 = arith.extui %sign3A_8 : i1 to i32
    %sign3A_10 = arith.constant 0 : i32
    %sign3A_11 = arith.cmpi slt, %jit3A, %sign3A_10 : i32
    %sign3A_12 = arith.extui %sign3A_11 : i1 to i32
    %sign3A_13 = arith.subi %sign3A_9, %sign3A_12 : i32
    %ne3A = arith.cmpi ne, %sign3A_6, %sign3A_13 : i32
    %rem3A = arith.remsi %add3A, %jit3A : i32
    %ne3A_14 = arith.constant 0 : i32
    %ne3A_15 = arith.cmpi ne, %rem3A, %ne3A_14 : i32
    %and3A = arith.andi %ne3A, %ne3A_15 : i1
    %sub3A = arith.constant 1 : i32
    %sub3A_16 = arith.subi %div3A, %sub3A : i32
    %select_n3A = arith.select %and3A, %sub3A_16, %div3A : i32
    %jit3A_17 = arith.constant 2 : i32
    %eq3A = arith.constant 0 : i32
    %eq3A_18 = arith.cmpi eq, %jit3A_17, %eq3A : i32
    %jit3A_19 = arith.constant 1 : i32
    %select_n3A_20 = arith.select %eq3A_18, %jit3A_19, %jit3A_17 : i32
    %rem3A_21 = arith.remsi %add3A, %select_n3A_20 : i32
    %ne3A_22 = arith.constant 0 : i32
    %ne3A_23 = arith.cmpi ne, %rem3A_21, %ne3A_22 : i32
    %lt3A = arith.constant 0 : i32
    %lt3A_24 = arith.cmpi slt, %rem3A_21, %lt3A : i32
    %lt3A_25 = arith.constant 0 : i32
    %lt3A_26 = arith.cmpi slt, %select_n3A_20, %lt3A_25 : i32
    %ne3A_27 = arith.xori %lt3A_24, %lt3A_26 : i1
    %and3A_28 = arith.andi %ne3A_27, %ne3A_23 : i1
    %add3A_29 = arith.addi %rem3A_21, %select_n3A_20 : i32
    %select_n3A_30 = arith.select %and3A_28, %add3A_29, %rem3A_21 : i32
    %mul3A_31 = arith.constant 256 : i32
    %mul3A_32 = arith.muli %select_n3A_30, %mul3A_31 : i32
    %dma_start3A = arith.constant 0 : i32
    %dma_start3A_33 = tpu.memref_slice %arg3[%select_n3A, %mul3A_32, %dma_start3A] : memref<16x512x512xi32, #tpu.memory_space<hbm>> -> memref<1x8x512xi32, #tpu.memory_space<hbm>>
    %dma_start3A_34 = tpu.memref_squeeze %dma_start3A_33 : memref<1x8x512xi32, #tpu.memory_space<hbm>> -> memref<8x512xi32, #tpu.memory_space<hbm>>
    %dma_start3A_35 = arith.constant 0 : i32
    %dma_start3A_36 = tpu.memref_slice %arg3[%select_n3A, %mul3A_32, %dma_start3A_35] : memref<16x512x512xi32, #tpu.memory_space<hbm>> -> memref<1x8x512xi32, #tpu.memory_space<hbm>>
    %dma_start3A_37 = tpu.memref_squeeze %dma_start3A_36 : memref<1x8x512xi32, #tpu.memory_space<hbm>> -> memref<8x512xi32, #tpu.memory_space<hbm>>
    tpu.enqueue_dma source(%dma_start3A_37 : memref<8x512xi32, #tpu.memory_space<hbm>>) target(%arg6 : memref<8x512xi32, #tpu.memory_space<vmem>>) target_semaphore(%arg10 : memref<!tpu.dma_semaphore, #tpu.memory_space<semaphore_mem>>)
    %scan3A = arith.constant 0 : i32
    %scan3A_38 = arith.constant 0 : i32
    %scan3A_39 = arith.constant 16 : i32
    %scan3A_40 = arith.addi %scan3A_38, %scan3A_39 : i32
    %scan3A_41 = arith.constant 1 : i32
    scf.for %scan3A_346 = %scan3A_38 to %scan3A_40 step %scan3A_41  : i32 {
      %mul3A_347 = arith.constant 2 : i32
      %mul3A_348 = arith.muli %mul3A_347, %scan3A_346 : i32
      %dma_wait3A_349 = arith.constant 0 : i32
      %dma_wait3A_350 = arith.constant 0 : i32
      %dma_wait3A_351 = arith.constant 0 : i32
      %dma_wait3A_352 = tpu.memref_slice %arg3[%dma_wait3A_349, %dma_wait3A_350, %dma_wait3A_351] : memref<16x512x512xi32, #tpu.memory_space<hbm>> -> memref<1x8x512xi32, #tpu.memory_space<hbm>>
      %dma_wait3A_353 = tpu.memref_squeeze %dma_wait3A_352 : memref<1x8x512xi32, #tpu.memory_space<hbm>> -> memref<8x512xi32, #tpu.memory_space<hbm>>
      %dma_wait3A_354 = arith.constant 0 : i32
      %dma_wait3A_355 = arith.constant 0 : i32
      %dma_wait3A_356 = tpu.memref_slice %arg3[%dma_wait3A_349, %dma_wait3A_354, %dma_wait3A_355] : memref<16x512x512xi32, #tpu.memory_space<hbm>> -> memref<1x8x512xi32, #tpu.memory_space<hbm>>
      %dma_wait3A_357 = tpu.memref_squeeze %dma_wait3A_356 : memref<1x8x512xi32, #tpu.memory_space<hbm>> -> memref<8x512xi32, #tpu.memory_space<hbm>>
      tpu.wait_dma2 semaphore(%arg10 : memref<!tpu.dma_semaphore, #tpu.memory_space<semaphore_mem>>) src(%dma_wait3A_357 : memref<8x512xi32, #tpu.memory_space<hbm>>) dst(%arg6 : memref<8x512xi32, #tpu.memory_space<vmem>>)
      %add3A_358 = arith.constant 1 : i32
      %add3A_359 = arith.addi %mul3A_348, %add3A_358 : i32
      %lt3A_360 = arith.constant 32 : i32
      %lt3A_361 = arith.cmpi slt, %add3A_359, %lt3A_360 : i32
      %convert_element_type3A = arith.extui %lt3A_361 : i1 to i32
      %cond3A = arith.constant 0 : i32
      %cond3A_362 = arith.cmpi ne, %convert_element_type3A, %cond3A : i32
      scf.if %cond3A_362 {
        %add3A_944 = arith.constant 1 : i32
        %add3A_945 = arith.addi %mul3A_348, %add3A_944 : i32
        %mul3A_946 = arith.constant 8 : i32
        %mul3A_947 = arith.muli %add3A_945, %mul3A_946 : i32
        %add3A_948 = arith.addi %mul3A_32, %mul3A_947 : i32
        %dma_start3A_949 = arith.constant 0 : i32
        %dma_start3A_950 = tpu.memref_slice %arg3[%select_n3A, %add3A_948, %dma_start3A_949] : memref<16x512x512xi32, #tpu.memory_space<hbm>> -> memref<1x8x512xi32, #tpu.memory_space<hbm>>
        %dma_start3A_951 = tpu.memref_squeeze %dma_start3A_950 : memref<1x8x512xi32, #tpu.memory_space<hbm>> -> memref<8x512xi32, #tpu.memory_space<hbm>>
        %dma_start3A_952 = arith.constant 0 : i32
        %dma_start3A_953 = tpu.memref_slice %arg3[%select_n3A, %add3A_948, %dma_start3A_952] : memref<16x512x512xi32, #tpu.memory_space<hbm>> -> memref<1x8x512xi32, #tpu.memory_space<hbm>>
        %dma_start3A_954 = tpu.memref_squeeze %dma_start3A_953 : memref<1x8x512xi32, #tpu.memory_space<hbm>> -> memref<8x512xi32, #tpu.memory_space<hbm>>
        tpu.enqueue_dma source(%dma_start3A_954 : memref<8x512xi32, #tpu.memory_space<hbm>>) target(%arg7 : memref<8x512xi32, #tpu.memory_space<vmem>>) target_semaphore(%arg11 : memref<!tpu.dma_semaphore, #tpu.memory_space<semaphore_mem>>)
      } else {
      }
      %mul3A_363 = arith.constant 8 : i32
      %mul3A_364 = arith.muli %mul3A_348, %mul3A_363 : i32
      %add3A_365 = arith.addi %mul3A_32, %mul3A_364 : i32
      %ge3A = arith.constant 1 : i32
      %ge3A_366 = arith.cmpi sge, %mul3A_348, %ge3A : i32
      %convert_element_type3A_367 = arith.extui %ge3A_366 : i1 to i32
      %cond3A_368 = arith.constant 0 : i32
      %cond3A_369 = arith.cmpi ne, %convert_element_type3A_367, %cond3A_368 : i32
      scf.if %cond3A_369 {
        %dma_wait3A_944 = arith.constant 0 : i32
        %dma_wait3A_945 = arith.constant 0 : i32
        %dma_wait3A_946 = arith.constant 0 : i32
        %dma_wait3A_947 = arith.constant 0 : i32
        %dma_wait3A_948 = arith.constant 0 : i32
        %dma_wait3A_949 = tpu.memref_slice %arg8[%dma_wait3A_944, %dma_wait3A_947, %dma_wait3A_948] : memref<8x8x512xf32, #tpu.memory_space<vmem>> -> memref<1x8x512xf32, #tpu.memory_space<vmem>>
        %dma_wait3A_950 = tpu.memref_squeeze %dma_wait3A_949 : memref<1x8x512xf32, #tpu.memory_space<vmem>> -> memref<8x512xf32, #tpu.memory_space<vmem>>
        %dma_wait3A_951 = arith.constant 0 : i32
        %dma_wait3A_952 = arith.constant 0 : i32
        %dma_wait3A_953 = tpu.memref_slice %arg4[%dma_wait3A_945, %dma_wait3A_946, %dma_wait3A_951, %dma_wait3A_952] : memref<16x16x512x512xf32, #tpu.memory_space<hbm>> -> memref<1x1x8x512xf32, #tpu.memory_space<hbm>>
        %dma_wait3A_954 = tpu.memref_squeeze %dma_wait3A_953 : memref<1x1x8x512xf32, #tpu.memory_space<hbm>> -> memref<8x512xf32, #tpu.memory_space<hbm>>
        %dma_wait3A_955 = arith.constant 0 : i32
        %dma_wait3A_956 = arith.constant 0 : i32
        %dma_wait3A_957 = tpu.memref_slice %arg4[%dma_wait3A_945, %dma_wait3A_946, %dma_wait3A_955, %dma_wait3A_956] : memref<16x16x512x512xf32, #tpu.memory_space<hbm>> -> memref<1x1x8x512xf32, #tpu.memory_space<hbm>>
        %dma_wait3A_958 = tpu.memref_squeeze %dma_wait3A_957 : memref<1x1x8x512xf32, #tpu.memory_space<hbm>> -> memref<8x512xf32, #tpu.memory_space<hbm>>
        %dma_wait3A_959 = arith.constant 0 : i32
        %dma_wait3A_960 = arith.constant 0 : i32
        %dma_wait3A_961 = tpu.memref_slice %arg8[%dma_wait3A_944, %dma_wait3A_959, %dma_wait3A_960] : memref<8x8x512xf32, #tpu.memory_space<vmem>> -> memref<1x8x512xf32, #tpu.memory_space<vmem>>
        %dma_wait3A_962 = tpu.memref_squeeze %dma_wait3A_961 : memref<1x8x512xf32, #tpu.memory_space<vmem>> -> memref<8x512xf32, #tpu.memory_space<vmem>>
        tpu.wait_dma2 semaphore(%arg12 : memref<!tpu.dma_semaphore, #tpu.memory_space<semaphore_mem>>) src(%dma_wait3A_962 : memref<8x512xf32, #tpu.memory_space<vmem>>) dst(%dma_wait3A_958 : memref<8x512xf32, #tpu.memory_space<hbm>>)
        %dma_wait3A_963 = arith.constant 1 : i32
        %dma_wait3A_964 = arith.constant 0 : i32
        %dma_wait3A_965 = arith.constant 1 : i32
        %dma_wait3A_966 = arith.constant 0 : i32
        %dma_wait3A_967 = arith.constant 0 : i32
        %dma_wait3A_968 = tpu.memref_slice %arg8[%dma_wait3A_963, %dma_wait3A_966, %dma_wait3A_967] : memref<8x8x512xf32, #tpu.memory_space<vmem>> -> memref<1x8x512xf32, #tpu.memory_space<vmem>>
        %dma_wait3A_969 = tpu.memref_squeeze %dma_wait3A_968 : memref<1x8x512xf32, #tpu.memory_space<vmem>> -> memref<8x512xf32, #tpu.memory_space<vmem>>
        %dma_wait3A_970 = arith.constant 0 : i32
        %dma_wait3A_971 = arith.constant 0 : i32
        %dma_wait3A_972 = tpu.memref_slice %arg4[%dma_wait3A_964, %dma_wait3A_965, %dma_wait3A_970, %dma_wait3A_971] : memref<16x16x512x512xf32, #tpu.memory_space<hbm>> -> memref<1x1x8x512xf32, #tpu.memory_space<hbm>>
        %dma_wait3A_973 = tpu.memref_squeeze %dma_wait3A_972 : memref<1x1x8x512xf32, #tpu.memory_space<hbm>> -> memref<8x512xf32, #tpu.memory_space<hbm>>
        %dma_wait3A_974 = arith.constant 0 : i32
        %dma_wait3A_975 = arith.constant 0 : i32
        %dma_wait3A_976 = tpu.memref_slice %arg4[%dma_wait3A_964, %dma_wait3A_965, %dma_wait3A_974, %dma_wait3A_975] : memref<16x16x512x512xf32, #tpu.memory_space<hbm>> -> memref<1x1x8x512xf32, #tpu.memory_space<hbm>>
        %dma_wait3A_977 = tpu.memref_squeeze %dma_wait3A_976 : memref<1x1x8x512xf32, #tpu.memory_space<hbm>> -> memref<8x512xf32, #tpu.memory_space<hbm>>
        %dma_wait3A_978 = arith.constant 0 : i32
        %dma_wait3A_979 = arith.constant 0 : i32
        %dma_wait3A_980 = tpu.memref_slice %arg8[%dma_wait3A_963, %dma_wait3A_978, %dma_wait3A_979] : memref<8x8x512xf32, #tpu.memory_space<vmem>> -> memref<1x8x512xf32, #tpu.memory_space<vmem>>
        %dma_wait3A_981 = tpu.memref_squeeze %dma_wait3A_980 : memref<1x8x512xf32, #tpu.memory_space<vmem>> -> memref<8x512xf32, #tpu.memory_space<vmem>>
        tpu.wait_dma2 semaphore(%arg12 : memref<!tpu.dma_semaphore, #tpu.memory_space<semaphore_mem>>) src(%dma_wait3A_981 : memref<8x512xf32, #tpu.memory_space<vmem>>) dst(%dma_wait3A_977 : memref<8x512xf32, #tpu.memory_space<hbm>>)
        %dma_wait3A_982 = arith.constant 2 : i32
        %dma_wait3A_983 = arith.constant 0 : i32
        %dma_wait3A_984 = arith.constant 2 : i32
        %dma_wait3A_985 = arith.constant 0 : i32
        %dma_wait3A_986 = arith.constant 0 : i32
        %dma_wait3A_987 = tpu.memref_slice %arg8[%dma_wait3A_982, %dma_wait3A_985, %dma_wait3A_986] : memref<8x8x512xf32, #tpu.memory_space<vmem>> -> memref<1x8x512xf32, #tpu.memory_space<vmem>>
        %dma_wait3A_988 = tpu.memref_squeeze %dma_wait3A_987 : memref<1x8x512xf32, #tpu.memory_space<vmem>> -> memref<8x512xf32, #tpu.memory_space<vmem>>
        %dma_wait3A_989 = arith.constant 0 : i32
        %dma_wait3A_990 = arith.constant 0 : i32
        %dma_wait3A_991 = tpu.memref_slice %arg4[%dma_wait3A_983, %dma_wait3A_984, %dma_wait3A_989, %dma_wait3A_990] : memref<16x16x512x512xf32, #tpu.memory_space<hbm>> -> memref<1x1x8x512xf32, #tpu.memory_space<hbm>>
        %dma_wait3A_992 = tpu.memref_squeeze %dma_wait3A_991 : memref<1x1x8x512xf32, #tpu.memory_space<hbm>> -> memref<8x512xf32, #tpu.memory_space<hbm>>
        %dma_wait3A_993 = arith.constant 0 : i32
        %dma_wait3A_994 = arith.constant 0 : i32
        %dma_wait3A_995 = tpu.memref_slice %arg4[%dma_wait3A_983, %dma_wait3A_984, %dma_wait3A_993, %dma_wait3A_994] : memref<16x16x512x512xf32, #tpu.memory_space<hbm>> -> memref<1x1x8x512xf32, #tpu.memory_space<hbm>>
        %dma_wait3A_996 = tpu.memref_squeeze %dma_wait3A_995 : memref<1x1x8x512xf32, #tpu.memory_space<hbm>> -> memref<8x512xf32, #tpu.memory_space<hbm>>
        %dma_wait3A_997 = arith.constant 0 : i32
        %dma_wait3A_998 = arith.constant 0 : i32
        %dma_wait3A_999 = tpu.memref_slice %arg8[%dma_wait3A_982, %dma_wait3A_997, %dma_wait3A_998] : memref<8x8x512xf32, #tpu.memory_space<vmem>> -> memref<1x8x512xf32, #tpu.memory_space<vmem>>
        %dma_wait3A_1000 = tpu.memref_squeeze %dma_wait3A_999 : memref<1x8x512xf32, #tpu.memory_space<vmem>> -> memref<8x512xf32, #tpu.memory_space<vmem>>
        tpu.wait_dma2 semaphore(%arg12 : memref<!tpu.dma_semaphore, #tpu.memory_space<semaphore_mem>>) src(%dma_wait3A_1000 : memref<8x512xf32, #tpu.memory_space<vmem>>) dst(%dma_wait3A_996 : memref<8x512xf32, #tpu.memory_space<hbm>>)
        %dma_wait3A_1001 = arith.constant 3 : i32
        %dma_wait3A_1002 = arith.constant 0 : i32
        %dma_wait3A_1003 = arith.constant 3 : i32
        %dma_wait3A_1004 = arith.constant 0 : i32
        %dma_wait3A_1005 = arith.constant 0 : i32
        %dma_wait3A_1006 = tpu.memref_slice %arg8[%dma_wait3A_1001, %dma_wait3A_1004, %dma_wait3A_1005] : memref<8x8x512xf32, #tpu.memory_space<vmem>> -> memref<1x8x512xf32, #tpu.memory_space<vmem>>
        %dma_wait3A_1007 = tpu.memref_squeeze %dma_wait3A_1006 : memref<1x8x512xf32, #tpu.memory_space<vmem>> -> memref<8x512xf32, #tpu.memory_space<vmem>>
        %dma_wait3A_1008 = arith.constant 0 : i32
        %dma_wait3A_1009 = arith.constant 0 : i32
        %dma_wait3A_1010 = tpu.memref_slice %arg4[%dma_wait3A_1002, %dma_wait3A_1003, %dma_wait3A_1008, %dma_wait3A_1009] : memref<16x16x512x512xf32, #tpu.memory_space<hbm>> -> memref<1x1x8x512xf32, #tpu.memory_space<hbm>>
        %dma_wait3A_1011 = tpu.memref_squeeze %dma_wait3A_1010 : memref<1x1x8x512xf32, #tpu.memory_space<hbm>> -> memref<8x512xf32, #tpu.memory_space<hbm>>
        %dma_wait3A_1012 = arith.constant 0 : i32
        %dma_wait3A_1013 = arith.constant 0 : i32
        %dma_wait3A_1014 = tpu.memref_slice %arg4[%dma_wait3A_1002, %dma_wait3A_1003, %dma_wait3A_1012, %dma_wait3A_1013] : memref<16x16x512x512xf32, #tpu.memory_space<hbm>> -> memref<1x1x8x512xf32, #tpu.memory_space<hbm>>
        %dma_wait3A_1015 = tpu.memref_squeeze %dma_wait3A_1014 : memref<1x1x8x512xf32, #tpu.memory_space<hbm>> -> memref<8x512xf32, #tpu.memory_space<hbm>>
        %dma_wait3A_1016 = arith.constant 0 : i32
        %dma_wait3A_1017 = arith.constant 0 : i32
        %dma_wait3A_1018 = tpu.memref_slice %arg8[%dma_wait3A_1001, %dma_wait3A_1016, %dma_wait3A_1017] : memref<8x8x512xf32, #tpu.memory_space<vmem>> -> memref<1x8x512xf32, #tpu.memory_space<vmem>>
        %dma_wait3A_1019 = tpu.memref_squeeze %dma_wait3A_1018 : memref<1x8x512xf32, #tpu.memory_space<vmem>> -> memref<8x512xf32, #tpu.memory_space<vmem>>
        tpu.wait_dma2 semaphore(%arg12 : memref<!tpu.dma_semaphore, #tpu.memory_space<semaphore_mem>>) src(%dma_wait3A_1019 : memref<8x512xf32, #tpu.memory_space<vmem>>) dst(%dma_wait3A_1015 : memref<8x512xf32, #tpu.memory_space<hbm>>)
        %dma_wait3A_1020 = arith.constant 4 : i32
        %dma_wait3A_1021 = arith.constant 0 : i32
        %dma_wait3A_1022 = arith.constant 4 : i32
        %dma_wait3A_1023 = arith.constant 0 : i32
        %dma_wait3A_1024 = arith.constant 0 : i32
        %dma_wait3A_1025 = tpu.memref_slice %arg8[%dma_wait3A_1020, %dma_wait3A_1023, %dma_wait3A_1024] : memref<8x8x512xf32, #tpu.memory_space<vmem>> -> memref<1x8x512xf32, #tpu.memory_space<vmem>>
        %dma_wait3A_1026 = tpu.memref_squeeze %dma_wait3A_1025 : memref<1x8x512xf32, #tpu.memory_space<vmem>> -> memref<8x512xf32, #tpu.memory_space<vmem>>
        %dma_wait3A_1027 = arith.constant 0 : i32
        %dma_wait3A_1028 = arith.constant 0 : i32
        %dma_wait3A_1029 = tpu.memref_slice %arg4[%dma_wait3A_1021, %dma_wait3A_1022, %dma_wait3A_1027, %dma_wait3A_1028] : memref<16x16x512x512xf32, #tpu.memory_space<hbm>> -> memref<1x1x8x512xf32, #tpu.memory_space<hbm>>
        %dma_wait3A_1030 = tpu.memref_squeeze %dma_wait3A_1029 : memref<1x1x8x512xf32, #tpu.memory_space<hbm>> -> memref<8x512xf32, #tpu.memory_space<hbm>>
        %dma_wait3A_1031 = arith.constant 0 : i32
        %dma_wait3A_1032 = arith.constant 0 : i32
        %dma_wait3A_1033 = tpu.memref_slice %arg4[%dma_wait3A_1021, %dma_wait3A_1022, %dma_wait3A_1031, %dma_wait3A_1032] : memref<16x16x512x512xf32, #tpu.memory_space<hbm>> -> memref<1x1x8x512xf32, #tpu.memory_space<hbm>>
        %dma_wait3A_1034 = tpu.memref_squeeze %dma_wait3A_1033 : memref<1x1x8x512xf32, #tpu.memory_space<hbm>> -> memref<8x512xf32, #tpu.memory_space<hbm>>
        %dma_wait3A_1035 = arith.constant 0 : i32
        %dma_wait3A_1036 = arith.constant 0 : i32
        %dma_wait3A_1037 = tpu.memref_slice %arg8[%dma_wait3A_1020, %dma_wait3A_1035, %dma_wait3A_1036] : memref<8x8x512xf32, #tpu.memory_space<vmem>> -> memref<1x8x512xf32, #tpu.memory_space<vmem>>
        %dma_wait3A_1038 = tpu.memref_squeeze %dma_wait3A_1037 : memref<1x8x512xf32, #tpu.memory_space<vmem>> -> memref<8x512xf32, #tpu.memory_space<vmem>>
        tpu.wait_dma2 semaphore(%arg12 : memref<!tpu.dma_semaphore, #tpu.memory_space<semaphore_mem>>) src(%dma_wait3A_1038 : memref<8x512xf32, #tpu.memory_space<vmem>>) dst(%dma_wait3A_1034 : memref<8x512xf32, #tpu.memory_space<hbm>>)
        %dma_wait3A_1039 = arith.constant 5 : i32
        %dma_wait3A_1040 = arith.constant 0 : i32
        %dma_wait3A_1041 = arith.constant 5 : i32
        %dma_wait3A_1042 = arith.constant 0 : i32
        %dma_wait3A_1043 = arith.constant 0 : i32
        %dma_wait3A_1044 = tpu.memref_slice %arg8[%dma_wait3A_1039, %dma_wait3A_1042, %dma_wait3A_1043] : memref<8x8x512xf32, #tpu.memory_space<vmem>> -> memref<1x8x512xf32, #tpu.memory_space<vmem>>
        %dma_wait3A_1045 = tpu.memref_squeeze %dma_wait3A_1044 : memref<1x8x512xf32, #tpu.memory_space<vmem>> -> memref<8x512xf32, #tpu.memory_space<vmem>>
        %dma_wait3A_1046 = arith.constant 0 : i32
        %dma_wait3A_1047 = arith.constant 0 : i32
        %dma_wait3A_1048 = tpu.memref_slice %arg4[%dma_wait3A_1040, %dma_wait3A_1041, %dma_wait3A_1046, %dma_wait3A_1047] : memref<16x16x512x512xf32, #tpu.memory_space<hbm>> -> memref<1x1x8x512xf32, #tpu.memory_space<hbm>>
        %dma_wait3A_1049 = tpu.memref_squeeze %dma_wait3A_1048 : memref<1x1x8x512xf32, #tpu.memory_space<hbm>> -> memref<8x512xf32, #tpu.memory_space<hbm>>
        %dma_wait3A_1050 = arith.constant 0 : i32
        %dma_wait3A_1051 = arith.constant 0 : i32
        %dma_wait3A_1052 = tpu.memref_slice %arg4[%dma_wait3A_1040, %dma_wait3A_1041, %dma_wait3A_1050, %dma_wait3A_1051] : memref<16x16x512x512xf32, #tpu.memory_space<hbm>> -> memref<1x1x8x512xf32, #tpu.memory_space<hbm>>
        %dma_wait3A_1053 = tpu.memref_squeeze %dma_wait3A_1052 : memref<1x1x8x512xf32, #tpu.memory_space<hbm>> -> memref<8x512xf32, #tpu.memory_space<hbm>>
        %dma_wait3A_1054 = arith.constant 0 : i32
        %dma_wait3A_1055 = arith.constant 0 : i32
        %dma_wait3A_1056 = tpu.memref_slice %arg8[%dma_wait3A_1039, %dma_wait3A_1054, %dma_wait3A_1055] : memref<8x8x512xf32, #tpu.memory_space<vmem>> -> memref<1x8x512xf32, #tpu.memory_space<vmem>>
        %dma_wait3A_1057 = tpu.memref_squeeze %dma_wait3A_1056 : memref<1x8x512xf32, #tpu.memory_space<vmem>> -> memref<8x512xf32, #tpu.memory_space<vmem>>
        tpu.wait_dma2 semaphore(%arg12 : memref<!tpu.dma_semaphore, #tpu.memory_space<semaphore_mem>>) src(%dma_wait3A_1057 : memref<8x512xf32, #tpu.memory_space<vmem>>) dst(%dma_wait3A_1053 : memref<8x512xf32, #tpu.memory_space<hbm>>)
        %dma_wait3A_1058 = arith.constant 6 : i32
        %dma_wait3A_1059 = arith.constant 0 : i32
        %dma_wait3A_1060 = arith.constant 6 : i32
        %dma_wait3A_1061 = arith.constant 0 : i32
        %dma_wait3A_1062 = arith.constant 0 : i32
        %dma_wait3A_1063 = tpu.memref_slice %arg8[%dma_wait3A_1058, %dma_wait3A_1061, %dma_wait3A_1062] : memref<8x8x512xf32, #tpu.memory_space<vmem>> -> memref<1x8x512xf32, #tpu.memory_space<vmem>>
        %dma_wait3A_1064 = tpu.memref_squeeze %dma_wait3A_1063 : memref<1x8x512xf32, #tpu.memory_space<vmem>> -> memref<8x512xf32, #tpu.memory_space<vmem>>
        %dma_wait3A_1065 = arith.constant 0 : i32
        %dma_wait3A_1066 = arith.constant 0 : i32
        %dma_wait3A_1067 = tpu.memref_slice %arg4[%dma_wait3A_1059, %dma_wait3A_1060, %dma_wait3A_1065, %dma_wait3A_1066] : memref<16x16x512x512xf32, #tpu.memory_space<hbm>> -> memref<1x1x8x512xf32, #tpu.memory_space<hbm>>
        %dma_wait3A_1068 = tpu.memref_squeeze %dma_wait3A_1067 : memref<1x1x8x512xf32, #tpu.memory_space<hbm>> -> memref<8x512xf32, #tpu.memory_space<hbm>>
        %dma_wait3A_1069 = arith.constant 0 : i32
        %dma_wait3A_1070 = arith.constant 0 : i32
        %dma_wait3A_1071 = tpu.memref_slice %arg4[%dma_wait3A_1059, %dma_wait3A_1060, %dma_wait3A_1069, %dma_wait3A_1070] : memref<16x16x512x512xf32, #tpu.memory_space<hbm>> -> memref<1x1x8x512xf32, #tpu.memory_space<hbm>>
        %dma_wait3A_1072 = tpu.memref_squeeze %dma_wait3A_1071 : memref<1x1x8x512xf32, #tpu.memory_space<hbm>> -> memref<8x512xf32, #tpu.memory_space<hbm>>
        %dma_wait3A_1073 = arith.constant 0 : i32
        %dma_wait3A_1074 = arith.constant 0 : i32
        %dma_wait3A_1075 = tpu.memref_slice %arg8[%dma_wait3A_1058, %dma_wait3A_1073, %dma_wait3A_1074] : memref<8x8x512xf32, #tpu.memory_space<vmem>> -> memref<1x8x512xf32, #tpu.memory_space<vmem>>
        %dma_wait3A_1076 = tpu.memref_squeeze %dma_wait3A_1075 : memref<1x8x512xf32, #tpu.memory_space<vmem>> -> memref<8x512xf32, #tpu.memory_space<vmem>>
        tpu.wait_dma2 semaphore(%arg12 : memref<!tpu.dma_semaphore, #tpu.memory_space<semaphore_mem>>) src(%dma_wait3A_1076 : memref<8x512xf32, #tpu.memory_space<vmem>>) dst(%dma_wait3A_1072 : memref<8x512xf32, #tpu.memory_space<hbm>>)
        %dma_wait3A_1077 = arith.constant 7 : i32
        %dma_wait3A_1078 = arith.constant 0 : i32
        %dma_wait3A_1079 = arith.constant 7 : i32
        %dma_wait3A_1080 = arith.constant 0 : i32
        %dma_wait3A_1081 = arith.constant 0 : i32
        %dma_wait3A_1082 = tpu.memref_slice %arg8[%dma_wait3A_1077, %dma_wait3A_1080, %dma_wait3A_1081] : memref<8x8x512xf32, #tpu.memory_space<vmem>> -> memref<1x8x512xf32, #tpu.memory_space<vmem>>
        %dma_wait3A_1083 = tpu.memref_squeeze %dma_wait3A_1082 : memref<1x8x512xf32, #tpu.memory_space<vmem>> -> memref<8x512xf32, #tpu.memory_space<vmem>>
        %dma_wait3A_1084 = arith.constant 0 : i32
        %dma_wait3A_1085 = arith.constant 0 : i32
        %dma_wait3A_1086 = tpu.memref_slice %arg4[%dma_wait3A_1078, %dma_wait3A_1079, %dma_wait3A_1084, %dma_wait3A_1085] : memref<16x16x512x512xf32, #tpu.memory_space<hbm>> -> memref<1x1x8x512xf32, #tpu.memory_space<hbm>>
        %dma_wait3A_1087 = tpu.memref_squeeze %dma_wait3A_1086 : memref<1x1x8x512xf32, #tpu.memory_space<hbm>> -> memref<8x512xf32, #tpu.memory_space<hbm>>
        %dma_wait3A_1088 = arith.constant 0 : i32
        %dma_wait3A_1089 = arith.constant 0 : i32
        %dma_wait3A_1090 = tpu.memref_slice %arg4[%dma_wait3A_1078, %dma_wait3A_1079, %dma_wait3A_1088, %dma_wait3A_1089] : memref<16x16x512x512xf32, #tpu.memory_space<hbm>> -> memref<1x1x8x512xf32, #tpu.memory_space<hbm>>
        %dma_wait3A_1091 = tpu.memref_squeeze %dma_wait3A_1090 : memref<1x1x8x512xf32, #tpu.memory_space<hbm>> -> memref<8x512xf32, #tpu.memory_space<hbm>>
        %dma_wait3A_1092 = arith.constant 0 : i32
        %dma_wait3A_1093 = arith.constant 0 : i32
        %dma_wait3A_1094 = tpu.memref_slice %arg8[%dma_wait3A_1077, %dma_wait3A_1092, %dma_wait3A_1093] : memref<8x8x512xf32, #tpu.memory_space<vmem>> -> memref<1x8x512xf32, #tpu.memory_space<vmem>>
        %dma_wait3A_1095 = tpu.memref_squeeze %dma_wait3A_1094 : memref<1x8x512xf32, #tpu.memory_space<vmem>> -> memref<8x512xf32, #tpu.memory_space<vmem>>
        tpu.wait_dma2 semaphore(%arg12 : memref<!tpu.dma_semaphore, #tpu.memory_space<semaphore_mem>>) src(%dma_wait3A_1095 : memref<8x512xf32, #tpu.memory_space<vmem>>) dst(%dma_wait3A_1091 : memref<8x512xf32, #tpu.memory_space<hbm>>)
      } else {
      }
      %scan3A_370 = arith.constant 0 : i32
      %scan3A_371 = arith.constant 0 : i32
      %scan3A_372 = arith.constant 8 : i32
      %scan3A_373 = arith.addi %scan3A_371, %scan3A_372 : i32
      %scan3A_374 = arith.constant 1 : i32
      scf.for %scan3A_944 = %scan3A_371 to %scan3A_373 step %scan3A_374  : i32 {
        %parallel_loop3A = arith.constant 0 : i32
        %parallel_loop3A_945 = arith.constant 512 : i32
        %parallel_loop3A_946 = arith.constant 16 : i32
        scf.for %parallel_loop3A_947 = %parallel_loop3A to %parallel_loop3A_945 step %parallel_loop3A_946  : i32 {
          %parallel_loop3A_948 = arith.index_cast %scan3A_944 : i32 to index
          %parallel_loop3A_949 = arith.index_cast %parallel_loop3A_947 : i32 to index
          %parallel_loop3A_950 = tpu.vector_load %arg6[%parallel_loop3A_948, %parallel_loop3A_949] {strides = array<i32>} : memref<8x512xi32, #tpu.memory_space<vmem>>, vector<16xi32>,
          %parallel_loop3A_951 = arith.constant 0 : i32
          %parallel_loop3A_952 = tpu.memref_slice %arg5[%parallel_loop3A_951] : memref<1024xf32, #tpu.memory_space<vmem>> -> memref<64xf32, #tpu.memory_space<vmem>>
          %parallel_loop3A_953 = tpu.vector_load_idx %parallel_loop3A_952[%parallel_loop3A_950] : memref<64xf32, #tpu.memory_space<vmem>>[vector<16xi32>], vector<16xf32>,
          %parallel_loop3A_954 = arith.constant 0 : i32
          %parallel_loop3A_955 = arith.index_cast %parallel_loop3A_954 : i32 to index
          %parallel_loop3A_956 = arith.index_cast %scan3A_944 : i32 to index
          %parallel_loop3A_957 = arith.index_cast %parallel_loop3A_947 : i32 to index
          %parallel_loop3A_958 = tpu.vector_load %arg8[%parallel_loop3A_955, %parallel_loop3A_956, %parallel_loop3A_957] {strides = array<i32>} : memref<8x8x512xf32, #tpu.memory_space<vmem>>, vector<16xf32>,
          tpu.vector_store %arg8[%parallel_loop3A_955, %parallel_loop3A_956, %parallel_loop3A_957], %parallel_loop3A_953 {strides = array<i32>} : memref<8x8x512xf32, #tpu.memory_space<vmem>>, vector<16xf32>,
          %parallel_loop3A_959 = arith.constant 64 : i32
          %parallel_loop3A_960 = tpu.memref_slice %arg5[%parallel_loop3A_959] : memref<1024xf32, #tpu.memory_space<vmem>> -> memref<64xf32, #tpu.memory_space<vmem>>
          %parallel_loop3A_961 = tpu.vector_load_idx %parallel_loop3A_960[%parallel_loop3A_950] : memref<64xf32, #tpu.memory_space<vmem>>[vector<16xi32>], vector<16xf32>,
          %parallel_loop3A_962 = arith.constant 1 : i32
          %parallel_loop3A_963 = arith.index_cast %parallel_loop3A_962 : i32 to index
          %parallel_loop3A_964 = arith.index_cast %scan3A_944 : i32 to index
          %parallel_loop3A_965 = arith.index_cast %parallel_loop3A_947 : i32 to index
          %parallel_loop3A_966 = tpu.vector_load %arg8[%parallel_loop3A_963, %parallel_loop3A_964, %parallel_loop3A_965] {strides = array<i32>} : memref<8x8x512xf32, #tpu.memory_space<vmem>>, vector<16xf32>,
          tpu.vector_store %arg8[%parallel_loop3A_963, %parallel_loop3A_964, %parallel_loop3A_965], %parallel_loop3A_961 {strides = array<i32>} : memref<8x8x512xf32, #tpu.memory_space<vmem>>, vector<16xf32>,
          %parallel_loop3A_967 = arith.constant 128 : i32
          %parallel_loop3A_968 = tpu.memref_slice %arg5[%parallel_loop3A_967] : memref<1024xf32, #tpu.memory_space<vmem>> -> memref<64xf32, #tpu.memory_space<vmem>>
          %parallel_loop3A_969 = tpu.vector_load_idx %parallel_loop3A_968[%parallel_loop3A_950] : memref<64xf32, #tpu.memory_space<vmem>>[vector<16xi32>], vector<16xf32>,
          %parallel_loop3A_970 = arith.constant 2 : i32
          %parallel_loop3A_971 = arith.index_cast %parallel_loop3A_970 : i32 to index
          %parallel_loop3A_972 = arith.index_cast %scan3A_944 : i32 to index
          %parallel_loop3A_973 = arith.index_cast %parallel_loop3A_947 : i32 to index
          %parallel_loop3A_974 = tpu.vector_load %arg8[%parallel_loop3A_971, %parallel_loop3A_972, %parallel_loop3A_973] {strides = array<i32>} : memref<8x8x512xf32, #tpu.memory_space<vmem>>, vector<16xf32>,
          tpu.vector_store %arg8[%parallel_loop3A_971, %parallel_loop3A_972, %parallel_loop3A_973], %parallel_loop3A_969 {strides = array<i32>} : memref<8x8x512xf32, #tpu.memory_space<vmem>>, vector<16xf32>,
          %parallel_loop3A_975 = arith.constant 192 : i32
          %parallel_loop3A_976 = tpu.memref_slice %arg5[%parallel_loop3A_975] : memref<1024xf32, #tpu.memory_space<vmem>> -> memref<64xf32, #tpu.memory_space<vmem>>
          %parallel_loop3A_977 = tpu.vector_load_idx %parallel_loop3A_976[%parallel_loop3A_950] : memref<64xf32, #tpu.memory_space<vmem>>[vector<16xi32>], vector<16xf32>,
          %parallel_loop3A_978 = arith.constant 3 : i32
          %parallel_loop3A_979 = arith.index_cast %parallel_loop3A_978 : i32 to index
          %parallel_loop3A_980 = arith.index_cast %scan3A_944 : i32 to index
          %parallel_loop3A_981 = arith.index_cast %parallel_loop3A_947 : i32 to index
          %parallel_loop3A_982 = tpu.vector_load %arg8[%parallel_loop3A_979, %parallel_loop3A_980, %parallel_loop3A_981] {strides = array<i32>} : memref<8x8x512xf32, #tpu.memory_space<vmem>>, vector<16xf32>,
          tpu.vector_store %arg8[%parallel_loop3A_979, %parallel_loop3A_980, %parallel_loop3A_981], %parallel_loop3A_977 {strides = array<i32>} : memref<8x8x512xf32, #tpu.memory_space<vmem>>, vector<16xf32>,
          %parallel_loop3A_983 = arith.constant 256 : i32
          %parallel_loop3A_984 = tpu.memref_slice %arg5[%parallel_loop3A_983] : memref<1024xf32, #tpu.memory_space<vmem>> -> memref<64xf32, #tpu.memory_space<vmem>>
          %parallel_loop3A_985 = tpu.vector_load_idx %parallel_loop3A_984[%parallel_loop3A_950] : memref<64xf32, #tpu.memory_space<vmem>>[vector<16xi32>], vector<16xf32>,
          %parallel_loop3A_986 = arith.constant 4 : i32
          %parallel_loop3A_987 = arith.index_cast %parallel_loop3A_986 : i32 to index
          %parallel_loop3A_988 = arith.index_cast %scan3A_944 : i32 to index
          %parallel_loop3A_989 = arith.index_cast %parallel_loop3A_947 : i32 to index
          %parallel_loop3A_990 = tpu.vector_load %arg8[%parallel_loop3A_987, %parallel_loop3A_988, %parallel_loop3A_989] {strides = array<i32>} : memref<8x8x512xf32, #tpu.memory_space<vmem>>, vector<16xf32>,
          tpu.vector_store %arg8[%parallel_loop3A_987, %parallel_loop3A_988, %parallel_loop3A_989], %parallel_loop3A_985 {strides = array<i32>} : memref<8x8x512xf32, #tpu.memory_space<vmem>>, vector<16xf32>,
          %parallel_loop3A_991 = arith.constant 320 : i32
          %parallel_loop3A_992 = tpu.memref_slice %arg5[%parallel_loop3A_991] : memref<1024xf32, #tpu.memory_space<vmem>> -> memref<64xf32, #tpu.memory_space<vmem>>
          %parallel_loop3A_993 = tpu.vector_load_idx %parallel_loop3A_992[%parallel_loop3A_950] : memref<64xf32, #tpu.memory_space<vmem>>[vector<16xi32>], vector<16xf32>,
          %parallel_loop3A_994 = arith.constant 5 : i32
          %parallel_loop3A_995 = arith.index_cast %parallel_loop3A_994 : i32 to index
          %parallel_loop3A_996 = arith.index_cast %scan3A_944 : i32 to index
          %parallel_loop3A_997 = arith.index_cast %parallel_loop3A_947 : i32 to index
          %parallel_loop3A_998 = tpu.vector_load %arg8[%parallel_loop3A_995, %parallel_loop3A_996, %parallel_loop3A_997] {strides = array<i32>} : memref<8x8x512xf32, #tpu.memory_space<vmem>>, vector<16xf32>,
          tpu.vector_store %arg8[%parallel_loop3A_995, %parallel_loop3A_996, %parallel_loop3A_997], %parallel_loop3A_993 {strides = array<i32>} : memref<8x8x512xf32, #tpu.memory_space<vmem>>, vector<16xf32>,
          %parallel_loop3A_999 = arith.constant 384 : i32
          %parallel_loop3A_1000 = tpu.memref_slice %arg5[%parallel_loop3A_999] : memref<1024xf32, #tpu.memory_space<vmem>> -> memref<64xf32, #tpu.memory_space<vmem>>
          %parallel_loop3A_1001 = tpu.vector_load_idx %parallel_loop3A_1000[%parallel_loop3A_950] : memref<64xf32, #tpu.memory_space<vmem>>[vector<16xi32>], vector<16xf32>,
          %parallel_loop3A_1002 = arith.constant 6 : i32
          %parallel_loop3A_1003 = arith.index_cast %parallel_loop3A_1002 : i32 to index
          %parallel_loop3A_1004 = arith.index_cast %scan3A_944 : i32 to index
          %parallel_loop3A_1005 = arith.index_cast %parallel_loop3A_947 : i32 to index
          %parallel_loop3A_1006 = tpu.vector_load %arg8[%parallel_loop3A_1003, %parallel_loop3A_1004, %parallel_loop3A_1005] {strides = array<i32>} : memref<8x8x512xf32, #tpu.memory_space<vmem>>, vector<16xf32>,
          tpu.vector_store %arg8[%parallel_loop3A_1003, %parallel_loop3A_1004, %parallel_loop3A_1005], %parallel_loop3A_1001 {strides = array<i32>} : memref<8x8x512xf32, #tpu.memory_space<vmem>>, vector<16xf32>,
          %parallel_loop3A_1007 = arith.constant 448 : i32
          %parallel_loop3A_1008 = tpu.memref_slice %arg5[%parallel_loop3A_1007] : memref<1024xf32, #tpu.memory_space<vmem>> -> memref<64xf32, #tpu.memory_space<vmem>>
          %parallel_loop3A_1009 = tpu.vector_load_idx %parallel_loop3A_1008[%parallel_loop3A_950] : memref<64xf32, #tpu.memory_space<vmem>>[vector<16xi32>], vector<16xf32>,
          %parallel_loop3A_1010 = arith.constant 7 : i32
          %parallel_loop3A_1011 = arith.index_cast %parallel_loop3A_1010 : i32 to index
          %parallel_loop3A_1012 = arith.index_cast %scan3A_944 : i32 to index
          %parallel_loop3A_1013 = arith.index_cast %parallel_loop3A_947 : i32 to index
          %parallel_loop3A_1014 = tpu.vector_load %arg8[%parallel_loop3A_1011, %parallel_loop3A_1012, %parallel_loop3A_1013] {strides = array<i32>} : memref<8x8x512xf32, #tpu.memory_space<vmem>>, vector<16xf32>,
          tpu.vector_store %arg8[%parallel_loop3A_1011, %parallel_loop3A_1012, %parallel_loop3A_1013], %parallel_loop3A_1009 {strides = array<i32>} : memref<8x8x512xf32, #tpu.memory_space<vmem>>, vector<16xf32>,
        } {sc.loop_unroll_factor = 2 : i64, sc.parallel_access}
      }
      %scan3A_375 = arith.constant 8 : i32
      %dma_start3A_376 = arith.constant 0 : i32
      %dma_start3A_377 = arith.constant 0 : i32
      %dma_start3A_378 = arith.constant 0 : i32
      %dma_start3A_379 = arith.constant 0 : i32
      %dma_start3A_380 = tpu.memref_slice %arg8[%dma_start3A_376, %dma_start3A_378, %dma_start3A_379] : memref<8x8x512xf32, #tpu.memory_space<vmem>> -> memref<1x8x512xf32, #tpu.memory_space<vmem>>
      %dma_start3A_381 = tpu.memref_squeeze %dma_start3A_380 : memref<1x8x512xf32, #tpu.memory_space<vmem>> -> memref<8x512xf32, #tpu.memory_space<vmem>>
      %dma_start3A_382 = arith.constant 0 : i32
      %dma_start3A_383 = tpu.memref_slice %arg4[%select_n3A, %dma_start3A_377, %add3A_365, %dma_start3A_382] : memref<16x16x512x512xf32, #tpu.memory_space<hbm>> -> memref<1x1x8x512xf32, #tpu.memory_space<hbm>>
      %dma_start3A_384 = tpu.memref_squeeze %dma_start3A_383 : memref<1x1x8x512xf32, #tpu.memory_space<hbm>> -> memref<8x512xf32, #tpu.memory_space<hbm>>
      %dma_start3A_385 = arith.constant 0 : i32
      %dma_start3A_386 = tpu.memref_slice %arg4[%select_n3A, %dma_start3A_377, %add3A_365, %dma_start3A_385] : memref<16x16x512x512xf32, #tpu.memory_space<hbm>> -> memref<1x1x8x512xf32, #tpu.memory_space<hbm>>
      %dma_start3A_387 = tpu.memref_squeeze %dma_start3A_386 : memref<1x1x8x512xf32, #tpu.memory_space<hbm>> -> memref<8x512xf32, #tpu.memory_space<hbm>>
      %dma_start3A_388 = arith.constant 0 : i32
      %dma_start3A_389 = arith.constant 0 : i32
      %dma_start3A_390 = tpu.memref_slice %arg8[%dma_start3A_376, %dma_start3A_388, %dma_start3A_389] : memref<8x8x512xf32, #tpu.memory_space<vmem>> -> memref<1x8x512xf32, #tpu.memory_space<vmem>>
      %dma_start3A_391 = tpu.memref_squeeze %dma_start3A_390 : memref<1x8x512xf32, #tpu.memory_space<vmem>> -> memref<8x512xf32, #tpu.memory_space<vmem>>
      tpu.enqueue_dma source(%dma_start3A_391 : memref<8x512xf32, #tpu.memory_space<vmem>>) target(%dma_start3A_387 : memref<8x512xf32, #tpu.memory_space<hbm>>) target_semaphore(%arg12 : memref<!tpu.dma_semaphore, #tpu.memory_space<semaphore_mem>>)
      %dma_start3A_392 = arith.constant 1 : i32
      %dma_start3A_393 = arith.constant 1 : i32
      %dma_start3A_394 = arith.constant 0 : i32
      %dma_start3A_395 = arith.constant 0 : i32
      %dma_start3A_396 = tpu.memref_slice %arg8[%dma_start3A_392, %dma_start3A_394, %dma_start3A_395] : memref<8x8x512xf32, #tpu.memory_space<vmem>> -> memref<1x8x512xf32, #tpu.memory_space<vmem>>
      %dma_start3A_397 = tpu.memref_squeeze %dma_start3A_396 : memref<1x8x512xf32, #tpu.memory_space<vmem>> -> memref<8x512xf32, #tpu.memory_space<vmem>>
      %dma_start3A_398 = arith.constant 0 : i32
      %dma_start3A_399 = tpu.memref_slice %arg4[%select_n3A, %dma_start3A_393, %add3A_365, %dma_start3A_398] : memref<16x16x512x512xf32, #tpu.memory_space<hbm>> -> memref<1x1x8x512xf32, #tpu.memory_space<hbm>>
      %dma_start3A_400 = tpu.memref_squeeze %dma_start3A_399 : memref<1x1x8x512xf32, #tpu.memory_space<hbm>> -> memref<8x512xf32, #tpu.memory_space<hbm>>
      %dma_start3A_401 = arith.constant 0 : i32
      %dma_start3A_402 = tpu.memref_slice %arg4[%select_n3A, %dma_start3A_393, %add3A_365, %dma_start3A_401] : memref<16x16x512x512xf32, #tpu.memory_space<hbm>> -> memref<1x1x8x512xf32, #tpu.memory_space<hbm>>
      %dma_start3A_403 = tpu.memref_squeeze %dma_start3A_402 : memref<1x1x8x512xf32, #tpu.memory_space<hbm>> -> memref<8x512xf32, #tpu.memory_space<hbm>>
      %dma_start3A_404 = arith.constant 0 : i32
      %dma_start3A_405 = arith.constant 0 : i32
      %dma_start3A_406 = tpu.memref_slice %arg8[%dma_start3A_392, %dma_start3A_404, %dma_start3A_405] : memref<8x8x512xf32, #tpu.memory_space<vmem>> -> memref<1x8x512xf32, #tpu.memory_space<vmem>>
      %dma_start3A_407 = tpu.memref_squeeze %dma_start3A_406 : memref<1x8x512xf32, #tpu.memory_space<vmem>> -> memref<8x512xf32, #tpu.memory_space<vmem>>
      tpu.enqueue_dma source(%dma_start3A_407 : memref<8x512xf32, #tpu.memory_space<vmem>>) target(%dma_start3A_403 : memref<8x512xf32, #tpu.memory_space<hbm>>) target_semaphore(%arg12 : memref<!tpu.dma_semaphore, #tpu.memory_space<semaphore_mem>>)
      %dma_start3A_408 = arith.constant 2 : i32
      %dma_start3A_409 = arith.constant 2 : i32
      %dma_start3A_410 = arith.constant 0 : i32
      %dma_start3A_411 = arith.constant 0 : i32
      %dma_start3A_412 = tpu.memref_slice %arg8[%dma_start3A_408, %dma_start3A_410, %dma_start3A_411] : memref<8x8x512xf32, #tpu.memory_space<vmem>> -> memref<1x8x512xf32, #tpu.memory_space<vmem>>
      %dma_start3A_413 = tpu.memref_squeeze %dma_start3A_412 : memref<1x8x512xf32, #tpu.memory_space<vmem>> -> memref<8x512xf32, #tpu.memory_space<vmem>>
      %dma_start3A_414 = arith.constant 0 : i32
      %dma_start3A_415 = tpu.memref_slice %arg4[%select_n3A, %dma_start3A_409, %add3A_365, %dma_start3A_414] : memref<16x16x512x512xf32, #tpu.memory_space<hbm>> -> memref<1x1x8x512xf32, #tpu.memory_space<hbm>>
      %dma_start3A_416 = tpu.memref_squeeze %dma_start3A_415 : memref<1x1x8x512xf32, #tpu.memory_space<hbm>> -> memref<8x512xf32, #tpu.memory_space<hbm>>
      %dma_start3A_417 = arith.constant 0 : i32
      %dma_start3A_418 = tpu.memref_slice %arg4[%select_n3A, %dma_start3A_409, %add3A_365, %dma_start3A_417] : memref<16x16x512x512xf32, #tpu.memory_space<hbm>> -> memref<1x1x8x512xf32, #tpu.memory_space<hbm>>
      %dma_start3A_419 = tpu.memref_squeeze %dma_start3A_418 : memref<1x1x8x512xf32, #tpu.memory_space<hbm>> -> memref<8x512xf32, #tpu.memory_space<hbm>>
      %dma_start3A_420 = arith.constant 0 : i32
      %dma_start3A_421 = arith.constant 0 : i32
      %dma_start3A_422 = tpu.memref_slice %arg8[%dma_start3A_408, %dma_start3A_420, %dma_start3A_421] : memref<8x8x512xf32, #tpu.memory_space<vmem>> -> memref<1x8x512xf32, #tpu.memory_space<vmem>>
      %dma_start3A_423 = tpu.memref_squeeze %dma_start3A_422 : memref<1x8x512xf32, #tpu.memory_space<vmem>> -> memref<8x512xf32, #tpu.memory_space<vmem>>
      tpu.enqueue_dma source(%dma_start3A_423 : memref<8x512xf32, #tpu.memory_space<vmem>>) target(%dma_start3A_419 : memref<8x512xf32, #tpu.memory_space<hbm>>) target_semaphore(%arg12 : memref<!tpu.dma_semaphore, #tpu.memory_space<semaphore_mem>>)
      %dma_start3A_424 = arith.constant 3 : i32
      %dma_start3A_425 = arith.constant 3 : i32
      %dma_start3A_426 = arith.constant 0 : i32
      %dma_start3A_427 = arith.constant 0 : i32
      %dma_start3A_428 = tpu.memref_slice %arg8[%dma_start3A_424, %dma_start3A_426, %dma_start3A_427] : memref<8x8x512xf32, #tpu.memory_space<vmem>> -> memref<1x8x512xf32, #tpu.memory_space<vmem>>
      %dma_start3A_429 = tpu.memref_squeeze %dma_start3A_428 : memref<1x8x512xf32, #tpu.memory_space<vmem>> -> memref<8x512xf32, #tpu.memory_space<vmem>>
      %dma_start3A_430 = arith.constant 0 : i32
      %dma_start3A_431 = tpu.memref_slice %arg4[%select_n3A, %dma_start3A_425, %add3A_365, %dma_start3A_430] : memref<16x16x512x512xf32, #tpu.memory_space<hbm>> -> memref<1x1x8x512xf32, #tpu.memory_space<hbm>>
      %dma_start3A_432 = tpu.memref_squeeze %dma_start3A_431 : memref<1x1x8x512xf32, #tpu.memory_space<hbm>> -> memref<8x512xf32, #tpu.memory_space<hbm>>
      %dma_start3A_433 = arith.constant 0 : i32
      %dma_start3A_434 = tpu.memref_slice %arg4[%select_n3A, %dma_start3A_425, %add3A_365, %dma_start3A_433] : memref<16x16x512x512xf32, #tpu.memory_space<hbm>> -> memref<1x1x8x512xf32, #tpu.memory_space<hbm>>
      %dma_start3A_435 = tpu.memref_squeeze %dma_start3A_434 : memref<1x1x8x512xf32, #tpu.memory_space<hbm>> -> memref<8x512xf32, #tpu.memory_space<hbm>>
      %dma_start3A_436 = arith.constant 0 : i32
      %dma_start3A_437 = arith.constant 0 : i32
      %dma_start3A_438 = tpu.memref_slice %arg8[%dma_start3A_424, %dma_start3A_436, %dma_start3A_437] : memref<8x8x512xf32, #tpu.memory_space<vmem>> -> memref<1x8x512xf32, #tpu.memory_space<vmem>>
      %dma_start3A_439 = tpu.memref_squeeze %dma_start3A_438 : memref<1x8x512xf32, #tpu.memory_space<vmem>> -> memref<8x512xf32, #tpu.memory_space<vmem>>
      tpu.enqueue_dma source(%dma_start3A_439 : memref<8x512xf32, #tpu.memory_space<vmem>>) target(%dma_start3A_435 : memref<8x512xf32, #tpu.memory_space<hbm>>) target_semaphore(%arg12 : memref<!tpu.dma_semaphore, #tpu.memory_space<semaphore_mem>>)
      %dma_start3A_440 = arith.constant 4 : i32
      %dma_start3A_441 = arith.constant 4 : i32
      %dma_start3A_442 = arith.constant 0 : i32
      %dma_start3A_443 = arith.constant 0 : i32
      %dma_start3A_444 = tpu.memref_slice %arg8[%dma_start3A_440, %dma_start3A_442, %dma_start3A_443] : memref<8x8x512xf32, #tpu.memory_space<vmem>> -> memref<1x8x512xf32, #tpu.memory_space<vmem>>
      %dma_start3A_445 = tpu.memref_squeeze %dma_start3A_444 : memref<1x8x512xf32, #tpu.memory_space<vmem>> -> memref<8x512xf32, #tpu.memory_space<vmem>>
      %dma_start3A_446 = arith.constant 0 : i32
      %dma_start3A_447 = tpu.memref_slice %arg4[%select_n3A, %dma_start3A_441, %add3A_365, %dma_start3A_446] : memref<16x16x512x512xf32, #tpu.memory_space<hbm>> -> memref<1x1x8x512xf32, #tpu.memory_space<hbm>>
      %dma_start3A_448 = tpu.memref_squeeze %dma_start3A_447 : memref<1x1x8x512xf32, #tpu.memory_space<hbm>> -> memref<8x512xf32, #tpu.memory_space<hbm>>
      %dma_start3A_449 = arith.constant 0 : i32
      %dma_start3A_450 = tpu.memref_slice %arg4[%select_n3A, %dma_start3A_441, %add3A_365, %dma_start3A_449] : memref<16x16x512x512xf32, #tpu.memory_space<hbm>> -> memref<1x1x8x512xf32, #tpu.memory_space<hbm>>
      %dma_start3A_451 = tpu.memref_squeeze %dma_start3A_450 : memref<1x1x8x512xf32, #tpu.memory_space<hbm>> -> memref<8x512xf32, #tpu.memory_space<hbm>>
      %dma_start3A_452 = arith.constant 0 : i32
      %dma_start3A_453 = arith.constant 0 : i32
      %dma_start3A_454 = tpu.memref_slice %arg8[%dma_start3A_440, %dma_start3A_452, %dma_start3A_453] : memref<8x8x512xf32, #tpu.memory_space<vmem>> -> memref<1x8x512xf32, #tpu.memory_space<vmem>>
      %dma_start3A_455 = tpu.memref_squeeze %dma_start3A_454 : memref<1x8x512xf32, #tpu.memory_space<vmem>> -> memref<8x512xf32, #tpu.memory_space<vmem>>
      tpu.enqueue_dma source(%dma_start3A_455 : memref<8x512xf32, #tpu.memory_space<vmem>>) target(%dma_start3A_451 : memref<8x512xf32, #tpu.memory_space<hbm>>) target_semaphore(%arg12 : memref<!tpu.dma_semaphore, #tpu.memory_space<semaphore_mem>>)
      %dma_start3A_456 = arith.constant 5 : i32
      %dma_start3A_457 = arith.constant 5 : i32
      %dma_start3A_458 = arith.constant 0 : i32
      %dma_start3A_459 = arith.constant 0 : i32
      %dma_start3A_460 = tpu.memref_slice %arg8[%dma_start3A_456, %dma_start3A_458, %dma_start3A_459] : memref<8x8x512xf32, #tpu.memory_space<vmem>> -> memref<1x8x512xf32, #tpu.memory_space<vmem>>
      %dma_start3A_461 = tpu.memref_squeeze %dma_start3A_460 : memref<1x8x512xf32, #tpu.memory_space<vmem>> -> memref<8x512xf32, #tpu.memory_space<vmem>>
      %dma_start3A_462 = arith.constant 0 : i32
      %dma_start3A_463 = tpu.memref_slice %arg4[%select_n3A, %dma_start3A_457, %add3A_365, %dma_start3A_462] : memref<16x16x512x512xf32, #tpu.memory_space<hbm>> -> memref<1x1x8x512xf32, #tpu.memory_space<hbm>>
      %dma_start3A_464 = tpu.memref_squeeze %dma_start3A_463 : memref<1x1x8x512xf32, #tpu.memory_space<hbm>> -> memref<8x512xf32, #tpu.memory_space<hbm>>
      %dma_start3A_465 = arith.constant 0 : i32
      %dma_start3A_466 = tpu.memref_slice %arg4[%select_n3A, %dma_start3A_457, %add3A_365, %dma_start3A_465] : memref<16x16x512x512xf32, #tpu.memory_space<hbm>> -> memref<1x1x8x512xf32, #tpu.memory_space<hbm>>
      %dma_start3A_467 = tpu.memref_squeeze %dma_start3A_466 : memref<1x1x8x512xf32, #tpu.memory_space<hbm>> -> memref<8x512xf32, #tpu.memory_space<hbm>>
      %dma_start3A_468 = arith.constant 0 : i32
      %dma_start3A_469 = arith.constant 0 : i32
      %dma_start3A_470 = tpu.memref_slice %arg8[%dma_start3A_456, %dma_start3A_468, %dma_start3A_469] : memref<8x8x512xf32, #tpu.memory_space<vmem>> -> memref<1x8x512xf32, #tpu.memory_space<vmem>>
      %dma_start3A_471 = tpu.memref_squeeze %dma_start3A_470 : memref<1x8x512xf32, #tpu.memory_space<vmem>> -> memref<8x512xf32, #tpu.memory_space<vmem>>
      tpu.enqueue_dma source(%dma_start3A_471 : memref<8x512xf32, #tpu.memory_space<vmem>>) target(%dma_start3A_467 : memref<8x512xf32, #tpu.memory_space<hbm>>) target_semaphore(%arg12 : memref<!tpu.dma_semaphore, #tpu.memory_space<semaphore_mem>>)
      %dma_start3A_472 = arith.constant 6 : i32
      %dma_start3A_473 = arith.constant 6 : i32
      %dma_start3A_474 = arith.constant 0 : i32
      %dma_start3A_475 = arith.constant 0 : i32
      %dma_start3A_476 = tpu.memref_slice %arg8[%dma_start3A_472, %dma_start3A_474, %dma_start3A_475] : memref<8x8x512xf32, #tpu.memory_space<vmem>> -> memref<1x8x512xf32, #tpu.memory_space<vmem>>
      %dma_start3A_477 = tpu.memref_squeeze %dma_start3A_476 : memref<1x8x512xf32, #tpu.memory_space<vmem>> -> memref<8x512xf32, #tpu.memory_space<vmem>>
      %dma_start3A_478 = arith.constant 0 : i32
      %dma_start3A_479 = tpu.memref_slice %arg4[%select_n3A, %dma_start3A_473, %add3A_365, %dma_start3A_478] : memref<16x16x512x512xf32, #tpu.memory_space<hbm>> -> memref<1x1x8x512xf32, #tpu.memory_space<hbm>>
      %dma_start3A_480 = tpu.memref_squeeze %dma_start3A_479 : memref<1x1x8x512xf32, #tpu.memory_space<hbm>> -> memref<8x512xf32, #tpu.memory_space<hbm>>
      %dma_start3A_481 = arith.constant 0 : i32
      %dma_start3A_482 = tpu.memref_slice %arg4[%select_n3A, %dma_start3A_473, %add3A_365, %dma_start3A_481] : memref<16x16x512x512xf32, #tpu.memory_space<hbm>> -> memref<1x1x8x512xf32, #tpu.memory_space<hbm>>
      %dma_start3A_483 = tpu.memref_squeeze %dma_start3A_482 : memref<1x1x8x512xf32, #tpu.memory_space<hbm>> -> memref<8x512xf32, #tpu.memory_space<hbm>>
      %dma_start3A_484 = arith.constant 0 : i32
      %dma_start3A_485 = arith.constant 0 : i32
      %dma_start3A_486 = tpu.memref_slice %arg8[%dma_start3A_472, %dma_start3A_484, %dma_start3A_485] : memref<8x8x512xf32, #tpu.memory_space<vmem>> -> memref<1x8x512xf32, #tpu.memory_space<vmem>>
      %dma_start3A_487 = tpu.memref_squeeze %dma_start3A_486 : memref<1x8x512xf32, #tpu.memory_space<vmem>> -> memref<8x512xf32, #tpu.memory_space<vmem>>
      tpu.enqueue_dma source(%dma_start3A_487 : memref<8x512xf32, #tpu.memory_space<vmem>>) target(%dma_start3A_483 : memref<8x512xf32, #tpu.memory_space<hbm>>) target_semaphore(%arg12 : memref<!tpu.dma_semaphore, #tpu.memory_space<semaphore_mem>>)
      %dma_start3A_488 = arith.constant 7 : i32
      %dma_start3A_489 = arith.constant 7 : i32
      %dma_start3A_490 = arith.constant 0 : i32
      %dma_start3A_491 = arith.constant 0 : i32
      %dma_start3A_492 = tpu.memref_slice %arg8[%dma_start3A_488, %dma_start3A_490, %dma_start3A_491] : memref<8x8x512xf32, #tpu.memory_space<vmem>> -> memref<1x8x512xf32, #tpu.memory_space<vmem>>
      %dma_start3A_493 = tpu.memref_squeeze %dma_start3A_492 : memref<1x8x512xf32, #tpu.memory_space<vmem>> -> memref<8x512xf32, #tpu.memory_space<vmem>>
      %dma_start3A_494 = arith.constant 0 : i32
      %dma_start3A_495 = tpu.memref_slice %arg4[%select_n3A, %dma_start3A_489, %add3A_365, %dma_start3A_494] : memref<16x16x512x512xf32, #tpu.memory_space<hbm>> -> memref<1x1x8x512xf32, #tpu.memory_space<hbm>>
      %dma_start3A_496 = tpu.memref_squeeze %dma_start3A_495 : memref<1x1x8x512xf32, #tpu.memory_space<hbm>> -> memref<8x512xf32, #tpu.memory_space<hbm>>
      %dma_start3A_497 = arith.constant 0 : i32
      %dma_start3A_498 = tpu.memref_slice %arg4[%select_n3A, %dma_start3A_489, %add3A_365, %dma_start3A_497] : memref<16x16x512x512xf32, #tpu.memory_space<hbm>> -> memref<1x1x8x512xf32, #tpu.memory_space<hbm>>
      %dma_start3A_499 = tpu.memref_squeeze %dma_start3A_498 : memref<1x1x8x512xf32, #tpu.memory_space<hbm>> -> memref<8x512xf32, #tpu.memory_space<hbm>>
      %dma_start3A_500 = arith.constant 0 : i32
      %dma_start3A_501 = arith.constant 0 : i32
      %dma_start3A_502 = tpu.memref_slice %arg8[%dma_start3A_488, %dma_start3A_500, %dma_start3A_501] : memref<8x8x512xf32, #tpu.memory_space<vmem>> -> memref<1x8x512xf32, #tpu.memory_space<vmem>>
      %dma_start3A_503 = tpu.memref_squeeze %dma_start3A_502 : memref<1x8x512xf32, #tpu.memory_space<vmem>> -> memref<8x512xf32, #tpu.memory_space<vmem>>
      tpu.enqueue_dma source(%dma_start3A_503 : memref<8x512xf32, #tpu.memory_space<vmem>>) target(%dma_start3A_499 : memref<8x512xf32, #tpu.memory_space<hbm>>) target_semaphore(%arg12 : memref<!tpu.dma_semaphore, #tpu.memory_space<semaphore_mem>>)
      %ge3A_504 = arith.constant 1 : i32
      %ge3A_505 = arith.cmpi sge, %mul3A_348, %ge3A_504 : i32
      %convert_element_type3A_506 = arith.extui %ge3A_505 : i1 to i32
      %cond3A_507 = arith.constant 0 : i32
      %cond3A_508 = arith.cmpi ne, %convert_element_type3A_506, %cond3A_507 : i32
      scf.if %cond3A_508 {
        %dma_wait3A_944 = arith.constant 0 : i32
        %dma_wait3A_945 = arith.constant 0 : i32
        %dma_wait3A_946 = arith.constant 0 : i32
        %dma_wait3A_947 = arith.constant 0 : i32
        %dma_wait3A_948 = arith.constant 0 : i32
        %dma_wait3A_949 = tpu.memref_slice %arg9[%dma_wait3A_944, %dma_wait3A_947, %dma_wait3A_948] : memref<8x8x512xf32, #tpu.memory_space<vmem>> -> memref<1x8x512xf32, #tpu.memory_space<vmem>>
        %dma_wait3A_950 = tpu.memref_squeeze %dma_wait3A_949 : memref<1x8x512xf32, #tpu.memory_space<vmem>> -> memref<8x512xf32, #tpu.memory_space<vmem>>
        %dma_wait3A_951 = arith.constant 0 : i32
        %dma_wait3A_952 = arith.constant 0 : i32
        %dma_wait3A_953 = tpu.memref_slice %arg4[%dma_wait3A_945, %dma_wait3A_946, %dma_wait3A_951, %dma_wait3A_952] : memref<16x16x512x512xf32, #tpu.memory_space<hbm>> -> memref<1x1x8x512xf32, #tpu.memory_space<hbm>>
        %dma_wait3A_954 = tpu.memref_squeeze %dma_wait3A_953 : memref<1x1x8x512xf32, #tpu.memory_space<hbm>> -> memref<8x512xf32, #tpu.memory_space<hbm>>
        %dma_wait3A_955 = arith.constant 0 : i32
        %dma_wait3A_956 = arith.constant 0 : i32
        %dma_wait3A_957 = tpu.memref_slice %arg4[%dma_wait3A_945, %dma_wait3A_946, %dma_wait3A_955, %dma_wait3A_956] : memref<16x16x512x512xf32, #tpu.memory_space<hbm>> -> memref<1x1x8x512xf32, #tpu.memory_space<hbm>>
        %dma_wait3A_958 = tpu.memref_squeeze %dma_wait3A_957 : memref<1x1x8x512xf32, #tpu.memory_space<hbm>> -> memref<8x512xf32, #tpu.memory_space<hbm>>
        %dma_wait3A_959 = arith.constant 0 : i32
        %dma_wait3A_960 = arith.constant 0 : i32
        %dma_wait3A_961 = tpu.memref_slice %arg9[%dma_wait3A_944, %dma_wait3A_959, %dma_wait3A_960] : memref<8x8x512xf32, #tpu.memory_space<vmem>> -> memref<1x8x512xf32, #tpu.memory_space<vmem>>
        %dma_wait3A_962 = tpu.memref_squeeze %dma_wait3A_961 : memref<1x8x512xf32, #tpu.memory_space<vmem>> -> memref<8x512xf32, #tpu.memory_space<vmem>>
        tpu.wait_dma2 semaphore(%arg13 : memref<!tpu.dma_semaphore, #tpu.memory_space<semaphore_mem>>) src(%dma_wait3A_962 : memref<8x512xf32, #tpu.memory_space<vmem>>) dst(%dma_wait3A_958 : memref<8x512xf32, #tpu.memory_space<hbm>>)
        %dma_wait3A_963 = arith.constant 1 : i32
        %dma_wait3A_964 = arith.constant 0 : i32
        %dma_wait3A_965 = arith.constant 1 : i32
        %dma_wait3A_966 = arith.constant 0 : i32
        %dma_wait3A_967 = arith.constant 0 : i32
        %dma_wait3A_968 = tpu.memref_slice %arg9[%dma_wait3A_963, %dma_wait3A_966, %dma_wait3A_967] : memref<8x8x512xf32, #tpu.memory_space<vmem>> -> memref<1x8x512xf32, #tpu.memory_space<vmem>>
        %dma_wait3A_969 = tpu.memref_squeeze %dma_wait3A_968 : memref<1x8x512xf32, #tpu.memory_space<vmem>> -> memref<8x512xf32, #tpu.memory_space<vmem>>
        %dma_wait3A_970 = arith.constant 0 : i32
        %dma_wait3A_971 = arith.constant 0 : i32
        %dma_wait3A_972 = tpu.memref_slice %arg4[%dma_wait3A_964, %dma_wait3A_965, %dma_wait3A_970, %dma_wait3A_971] : memref<16x16x512x512xf32, #tpu.memory_space<hbm>> -> memref<1x1x8x512xf32, #tpu.memory_space<hbm>>
        %dma_wait3A_973 = tpu.memref_squeeze %dma_wait3A_972 : memref<1x1x8x512xf32, #tpu.memory_space<hbm>> -> memref<8x512xf32, #tpu.memory_space<hbm>>
        %dma_wait3A_974 = arith.constant 0 : i32
        %dma_wait3A_975 = arith.constant 0 : i32
        %dma_wait3A_976 = tpu.memref_slice %arg4[%dma_wait3A_964, %dma_wait3A_965, %dma_wait3A_974, %dma_wait3A_975] : memref<16x16x512x512xf32, #tpu.memory_space<hbm>> -> memref<1x1x8x512xf32, #tpu.memory_space<hbm>>
        %dma_wait3A_977 = tpu.memref_squeeze %dma_wait3A_976 : memref<1x1x8x512xf32, #tpu.memory_space<hbm>> -> memref<8x512xf32, #tpu.memory_space<hbm>>
        %dma_wait3A_978 = arith.constant 0 : i32
        %dma_wait3A_979 = arith.constant 0 : i32
        %dma_wait3A_980 = tpu.memref_slice %arg9[%dma_wait3A_963, %dma_wait3A_978, %dma_wait3A_979] : memref<8x8x512xf32, #tpu.memory_space<vmem>> -> memref<1x8x512xf32, #tpu.memory_space<vmem>>
        %dma_wait3A_981 = tpu.memref_squeeze %dma_wait3A_980 : memref<1x8x512xf32, #tpu.memory_space<vmem>> -> memref<8x512xf32, #tpu.memory_space<vmem>>
        tpu.wait_dma2 semaphore(%arg13 : memref<!tpu.dma_semaphore, #tpu.memory_space<semaphore_mem>>) src(%dma_wait3A_981 : memref<8x512xf32, #tpu.memory_space<vmem>>) dst(%dma_wait3A_977 : memref<8x512xf32, #tpu.memory_space<hbm>>)
        %dma_wait3A_982 = arith.constant 2 : i32
        %dma_wait3A_983 = arith.constant 0 : i32
        %dma_wait3A_984 = arith.constant 2 : i32
        %dma_wait3A_985 = arith.constant 0 : i32
        %dma_wait3A_986 = arith.constant 0 : i32
        %dma_wait3A_987 = tpu.memref_slice %arg9[%dma_wait3A_982, %dma_wait3A_985, %dma_wait3A_986] : memref<8x8x512xf32, #tpu.memory_space<vmem>> -> memref<1x8x512xf32, #tpu.memory_space<vmem>>
        %dma_wait3A_988 = tpu.memref_squeeze %dma_wait3A_987 : memref<1x8x512xf32, #tpu.memory_space<vmem>> -> memref<8x512xf32, #tpu.memory_space<vmem>>
        %dma_wait3A_989 = arith.constant 0 : i32
        %dma_wait3A_990 = arith.constant 0 : i32
        %dma_wait3A_991 = tpu.memref_slice %arg4[%dma_wait3A_983, %dma_wait3A_984, %dma_wait3A_989, %dma_wait3A_990] : memref<16x16x512x512xf32, #tpu.memory_space<hbm>> -> memref<1x1x8x512xf32, #tpu.memory_space<hbm>>
        %dma_wait3A_992 = tpu.memref_squeeze %dma_wait3A_991 : memref<1x1x8x512xf32, #tpu.memory_space<hbm>> -> memref<8x512xf32, #tpu.memory_space<hbm>>
        %dma_wait3A_993 = arith.constant 0 : i32
        %dma_wait3A_994 = arith.constant 0 : i32
        %dma_wait3A_995 = tpu.memref_slice %arg4[%dma_wait3A_983, %dma_wait3A_984, %dma_wait3A_993, %dma_wait3A_994] : memref<16x16x512x512xf32, #tpu.memory_space<hbm>> -> memref<1x1x8x512xf32, #tpu.memory_space<hbm>>
        %dma_wait3A_996 = tpu.memref_squeeze %dma_wait3A_995 : memref<1x1x8x512xf32, #tpu.memory_space<hbm>> -> memref<8x512xf32, #tpu.memory_space<hbm>>
        %dma_wait3A_997 = arith.constant 0 : i32
        %dma_wait3A_998 = arith.constant 0 : i32
        %dma_wait3A_999 = tpu.memref_slice %arg9[%dma_wait3A_982, %dma_wait3A_997, %dma_wait3A_998] : memref<8x8x512xf32, #tpu.memory_space<vmem>> -> memref<1x8x512xf32, #tpu.memory_space<vmem>>
        %dma_wait3A_1000 = tpu.memref_squeeze %dma_wait3A_999 : memref<1x8x512xf32, #tpu.memory_space<vmem>> -> memref<8x512xf32, #tpu.memory_space<vmem>>
        tpu.wait_dma2 semaphore(%arg13 : memref<!tpu.dma_semaphore, #tpu.memory_space<semaphore_mem>>) src(%dma_wait3A_1000 : memref<8x512xf32, #tpu.memory_space<vmem>>) dst(%dma_wait3A_996 : memref<8x512xf32, #tpu.memory_space<hbm>>)
        %dma_wait3A_1001 = arith.constant 3 : i32
        %dma_wait3A_1002 = arith.constant 0 : i32
        %dma_wait3A_1003 = arith.constant 3 : i32
        %dma_wait3A_1004 = arith.constant 0 : i32
        %dma_wait3A_1005 = arith.constant 0 : i32
        %dma_wait3A_1006 = tpu.memref_slice %arg9[%dma_wait3A_1001, %dma_wait3A_1004, %dma_wait3A_1005] : memref<8x8x512xf32, #tpu.memory_space<vmem>> -> memref<1x8x512xf32, #tpu.memory_space<vmem>>
        %dma_wait3A_1007 = tpu.memref_squeeze %dma_wait3A_1006 : memref<1x8x512xf32, #tpu.memory_space<vmem>> -> memref<8x512xf32, #tpu.memory_space<vmem>>
        %dma_wait3A_1008 = arith.constant 0 : i32
        %dma_wait3A_1009 = arith.constant 0 : i32
        %dma_wait3A_1010 = tpu.memref_slice %arg4[%dma_wait3A_1002, %dma_wait3A_1003, %dma_wait3A_1008, %dma_wait3A_1009] : memref<16x16x512x512xf32, #tpu.memory_space<hbm>> -> memref<1x1x8x512xf32, #tpu.memory_space<hbm>>
        %dma_wait3A_1011 = tpu.memref_squeeze %dma_wait3A_1010 : memref<1x1x8x512xf32, #tpu.memory_space<hbm>> -> memref<8x512xf32, #tpu.memory_space<hbm>>
        %dma_wait3A_1012 = arith.constant 0 : i32
        %dma_wait3A_1013 = arith.constant 0 : i32
        %dma_wait3A_1014 = tpu.memref_slice %arg4[%dma_wait3A_1002, %dma_wait3A_1003, %dma_wait3A_1012, %dma_wait3A_1013] : memref<16x16x512x512xf32, #tpu.memory_space<hbm>> -> memref<1x1x8x512xf32, #tpu.memory_space<hbm>>
        %dma_wait3A_1015 = tpu.memref_squeeze %dma_wait3A_1014 : memref<1x1x8x512xf32, #tpu.memory_space<hbm>> -> memref<8x512xf32, #tpu.memory_space<hbm>>
        %dma_wait3A_1016 = arith.constant 0 : i32
        %dma_wait3A_1017 = arith.constant 0 : i32
        %dma_wait3A_1018 = tpu.memref_slice %arg9[%dma_wait3A_1001, %dma_wait3A_1016, %dma_wait3A_1017] : memref<8x8x512xf32, #tpu.memory_space<vmem>> -> memref<1x8x512xf32, #tpu.memory_space<vmem>>
        %dma_wait3A_1019 = tpu.memref_squeeze %dma_wait3A_1018 : memref<1x8x512xf32, #tpu.memory_space<vmem>> -> memref<8x512xf32, #tpu.memory_space<vmem>>
        tpu.wait_dma2 semaphore(%arg13 : memref<!tpu.dma_semaphore, #tpu.memory_space<semaphore_mem>>) src(%dma_wait3A_1019 : memref<8x512xf32, #tpu.memory_space<vmem>>) dst(%dma_wait3A_1015 : memref<8x512xf32, #tpu.memory_space<hbm>>)
        %dma_wait3A_1020 = arith.constant 4 : i32
        %dma_wait3A_1021 = arith.constant 0 : i32
        %dma_wait3A_1022 = arith.constant 4 : i32
        %dma_wait3A_1023 = arith.constant 0 : i32
        %dma_wait3A_1024 = arith.constant 0 : i32
        %dma_wait3A_1025 = tpu.memref_slice %arg9[%dma_wait3A_1020, %dma_wait3A_1023, %dma_wait3A_1024] : memref<8x8x512xf32, #tpu.memory_space<vmem>> -> memref<1x8x512xf32, #tpu.memory_space<vmem>>
        %dma_wait3A_1026 = tpu.memref_squeeze %dma_wait3A_1025 : memref<1x8x512xf32, #tpu.memory_space<vmem>> -> memref<8x512xf32, #tpu.memory_space<vmem>>
        %dma_wait3A_1027 = arith.constant 0 : i32
        %dma_wait3A_1028 = arith.constant 0 : i32
        %dma_wait3A_1029 = tpu.memref_slice %arg4[%dma_wait3A_1021, %dma_wait3A_1022, %dma_wait3A_1027, %dma_wait3A_1028] : memref<16x16x512x512xf32, #tpu.memory_space<hbm>> -> memref<1x1x8x512xf32, #tpu.memory_space<hbm>>
        %dma_wait3A_1030 = tpu.memref_squeeze %dma_wait3A_1029 : memref<1x1x8x512xf32, #tpu.memory_space<hbm>> -> memref<8x512xf32, #tpu.memory_space<hbm>>
        %dma_wait3A_1031 = arith.constant 0 : i32
        %dma_wait3A_1032 = arith.constant 0 : i32
        %dma_wait3A_1033 = tpu.memref_slice %arg4[%dma_wait3A_1021, %dma_wait3A_1022, %dma_wait3A_1031, %dma_wait3A_1032] : memref<16x16x512x512xf32, #tpu.memory_space<hbm>> -> memref<1x1x8x512xf32, #tpu.memory_space<hbm>>
        %dma_wait3A_1034 = tpu.memref_squeeze %dma_wait3A_1033 : memref<1x1x8x512xf32, #tpu.memory_space<hbm>> -> memref<8x512xf32, #tpu.memory_space<hbm>>
        %dma_wait3A_1035 = arith.constant 0 : i32
        %dma_wait3A_1036 = arith.constant 0 : i32
        %dma_wait3A_1037 = tpu.memref_slice %arg9[%dma_wait3A_1020, %dma_wait3A_1035, %dma_wait3A_1036] : memref<8x8x512xf32, #tpu.memory_space<vmem>> -> memref<1x8x512xf32, #tpu.memory_space<vmem>>
        %dma_wait3A_1038 = tpu.memref_squeeze %dma_wait3A_1037 : memref<1x8x512xf32, #tpu.memory_space<vmem>> -> memref<8x512xf32, #tpu.memory_space<vmem>>
        tpu.wait_dma2 semaphore(%arg13 : memref<!tpu.dma_semaphore, #tpu.memory_space<semaphore_mem>>) src(%dma_wait3A_1038 : memref<8x512xf32, #tpu.memory_space<vmem>>) dst(%dma_wait3A_1034 : memref<8x512xf32, #tpu.memory_space<hbm>>)
        %dma_wait3A_1039 = arith.constant 5 : i32
        %dma_wait3A_1040 = arith.constant 0 : i32
        %dma_wait3A_1041 = arith.constant 5 : i32
        %dma_wait3A_1042 = arith.constant 0 : i32
        %dma_wait3A_1043 = arith.constant 0 : i32
        %dma_wait3A_1044 = tpu.memref_slice %arg9[%dma_wait3A_1039, %dma_wait3A_1042, %dma_wait3A_1043] : memref<8x8x512xf32, #tpu.memory_space<vmem>> -> memref<1x8x512xf32, #tpu.memory_space<vmem>>
        %dma_wait3A_1045 = tpu.memref_squeeze %dma_wait3A_1044 : memref<1x8x512xf32, #tpu.memory_space<vmem>> -> memref<8x512xf32, #tpu.memory_space<vmem>>
        %dma_wait3A_1046 = arith.constant 0 : i32
        %dma_wait3A_1047 = arith.constant 0 : i32
        %dma_wait3A_1048 = tpu.memref_slice %arg4[%dma_wait3A_1040, %dma_wait3A_1041, %dma_wait3A_1046, %dma_wait3A_1047] : memref<16x16x512x512xf32, #tpu.memory_space<hbm>> -> memref<1x1x8x512xf32, #tpu.memory_space<hbm>>
        %dma_wait3A_1049 = tpu.memref_squeeze %dma_wait3A_1048 : memref<1x1x8x512xf32, #tpu.memory_space<hbm>> -> memref<8x512xf32, #tpu.memory_space<hbm>>
        %dma_wait3A_1050 = arith.constant 0 : i32
        %dma_wait3A_1051 = arith.constant 0 : i32
        %dma_wait3A_1052 = tpu.memref_slice %arg4[%dma_wait3A_1040, %dma_wait3A_1041, %dma_wait3A_1050, %dma_wait3A_1051] : memref<16x16x512x512xf32, #tpu.memory_space<hbm>> -> memref<1x1x8x512xf32, #tpu.memory_space<hbm>>
        %dma_wait3A_1053 = tpu.memref_squeeze %dma_wait3A_1052 : memref<1x1x8x512xf32, #tpu.memory_space<hbm>> -> memref<8x512xf32, #tpu.memory_space<hbm>>
        %dma_wait3A_1054 = arith.constant 0 : i32
        %dma_wait3A_1055 = arith.constant 0 : i32
        %dma_wait3A_1056 = tpu.memref_slice %arg9[%dma_wait3A_1039, %dma_wait3A_1054, %dma_wait3A_1055] : memref<8x8x512xf32, #tpu.memory_space<vmem>> -> memref<1x8x512xf32, #tpu.memory_space<vmem>>
        %dma_wait3A_1057 = tpu.memref_squeeze %dma_wait3A_1056 : memref<1x8x512xf32, #tpu.memory_space<vmem>> -> memref<8x512xf32, #tpu.memory_space<vmem>>
        tpu.wait_dma2 semaphore(%arg13 : memref<!tpu.dma_semaphore, #tpu.memory_space<semaphore_mem>>) src(%dma_wait3A_1057 : memref<8x512xf32, #tpu.memory_space<vmem>>) dst(%dma_wait3A_1053 : memref<8x512xf32, #tpu.memory_space<hbm>>)
        %dma_wait3A_1058 = arith.constant 6 : i32
        %dma_wait3A_1059 = arith.constant 0 : i32
        %dma_wait3A_1060 = arith.constant 6 : i32
        %dma_wait3A_1061 = arith.constant 0 : i32
        %dma_wait3A_1062 = arith.constant 0 : i32
        %dma_wait3A_1063 = tpu.memref_slice %arg9[%dma_wait3A_1058, %dma_wait3A_1061, %dma_wait3A_1062] : memref<8x8x512xf32, #tpu.memory_space<vmem>> -> memref<1x8x512xf32, #tpu.memory_space<vmem>>
        %dma_wait3A_1064 = tpu.memref_squeeze %dma_wait3A_1063 : memref<1x8x512xf32, #tpu.memory_space<vmem>> -> memref<8x512xf32, #tpu.memory_space<vmem>>
        %dma_wait3A_1065 = arith.constant 0 : i32
        %dma_wait3A_1066 = arith.constant 0 : i32
        %dma_wait3A_1067 = tpu.memref_slice %arg4[%dma_wait3A_1059, %dma_wait3A_1060, %dma_wait3A_1065, %dma_wait3A_1066] : memref<16x16x512x512xf32, #tpu.memory_space<hbm>> -> memref<1x1x8x512xf32, #tpu.memory_space<hbm>>
        %dma_wait3A_1068 = tpu.memref_squeeze %dma_wait3A_1067 : memref<1x1x8x512xf32, #tpu.memory_space<hbm>> -> memref<8x512xf32, #tpu.memory_space<hbm>>
        %dma_wait3A_1069 = arith.constant 0 : i32
        %dma_wait3A_1070 = arith.constant 0 : i32
        %dma_wait3A_1071 = tpu.memref_slice %arg4[%dma_wait3A_1059, %dma_wait3A_1060, %dma_wait3A_1069, %dma_wait3A_1070] : memref<16x16x512x512xf32, #tpu.memory_space<hbm>> -> memref<1x1x8x512xf32, #tpu.memory_space<hbm>>
        %dma_wait3A_1072 = tpu.memref_squeeze %dma_wait3A_1071 : memref<1x1x8x512xf32, #tpu.memory_space<hbm>> -> memref<8x512xf32, #tpu.memory_space<hbm>>
        %dma_wait3A_1073 = arith.constant 0 : i32
        %dma_wait3A_1074 = arith.constant 0 : i32
        %dma_wait3A_1075 = tpu.memref_slice %arg9[%dma_wait3A_1058, %dma_wait3A_1073, %dma_wait3A_1074] : memref<8x8x512xf32, #tpu.memory_space<vmem>> -> memref<1x8x512xf32, #tpu.memory_space<vmem>>
        %dma_wait3A_1076 = tpu.memref_squeeze %dma_wait3A_1075 : memref<1x8x512xf32, #tpu.memory_space<vmem>> -> memref<8x512xf32, #tpu.memory_space<vmem>>
        tpu.wait_dma2 semaphore(%arg13 : memref<!tpu.dma_semaphore, #tpu.memory_space<semaphore_mem>>) src(%dma_wait3A_1076 : memref<8x512xf32, #tpu.memory_space<vmem>>) dst(%dma_wait3A_1072 : memref<8x512xf32, #tpu.memory_space<hbm>>)
        %dma_wait3A_1077 = arith.constant 7 : i32
        %dma_wait3A_1078 = arith.constant 0 : i32
        %dma_wait3A_1079 = arith.constant 7 : i32
        %dma_wait3A_1080 = arith.constant 0 : i32
        %dma_wait3A_1081 = arith.constant 0 : i32
        %dma_wait3A_1082 = tpu.memref_slice %arg9[%dma_wait3A_1077, %dma_wait3A_1080, %dma_wait3A_1081] : memref<8x8x512xf32, #tpu.memory_space<vmem>> -> memref<1x8x512xf32, #tpu.memory_space<vmem>>
        %dma_wait3A_1083 = tpu.memref_squeeze %dma_wait3A_1082 : memref<1x8x512xf32, #tpu.memory_space<vmem>> -> memref<8x512xf32, #tpu.memory_space<vmem>>
        %dma_wait3A_1084 = arith.constant 0 : i32
        %dma_wait3A_1085 = arith.constant 0 : i32
        %dma_wait3A_1086 = tpu.memref_slice %arg4[%dma_wait3A_1078, %dma_wait3A_1079, %dma_wait3A_1084, %dma_wait3A_1085] : memref<16x16x512x512xf32, #tpu.memory_space<hbm>> -> memref<1x1x8x512xf32, #tpu.memory_space<hbm>>
        %dma_wait3A_1087 = tpu.memref_squeeze %dma_wait3A_1086 : memref<1x1x8x512xf32, #tpu.memory_space<hbm>> -> memref<8x512xf32, #tpu.memory_space<hbm>>
        %dma_wait3A_1088 = arith.constant 0 : i32
        %dma_wait3A_1089 = arith.constant 0 : i32
        %dma_wait3A_1090 = tpu.memref_slice %arg4[%dma_wait3A_1078, %dma_wait3A_1079, %dma_wait3A_1088, %dma_wait3A_1089] : memref<16x16x512x512xf32, #tpu.memory_space<hbm>> -> memref<1x1x8x512xf32, #tpu.memory_space<hbm>>
        %dma_wait3A_1091 = tpu.memref_squeeze %dma_wait3A_1090 : memref<1x1x8x512xf32, #tpu.memory_space<hbm>> -> memref<8x512xf32, #tpu.memory_space<hbm>>
        %dma_wait3A_1092 = arith.constant 0 : i32
        %dma_wait3A_1093 = arith.constant 0 : i32
        %dma_wait3A_1094 = tpu.memref_slice %arg9[%dma_wait3A_1077, %dma_wait3A_1092, %dma_wait3A_1093] : memref<8x8x512xf32, #tpu.memory_space<vmem>> -> memref<1x8x512xf32, #tpu.memory_space<vmem>>
        %dma_wait3A_1095 = tpu.memref_squeeze %dma_wait3A_1094 : memref<1x8x512xf32, #tpu.memory_space<vmem>> -> memref<8x512xf32, #tpu.memory_space<vmem>>
        tpu.wait_dma2 semaphore(%arg13 : memref<!tpu.dma_semaphore, #tpu.memory_space<semaphore_mem>>) src(%dma_wait3A_1095 : memref<8x512xf32, #tpu.memory_space<vmem>>) dst(%dma_wait3A_1091 : memref<8x512xf32, #tpu.memory_space<hbm>>)
      } else {
      }
      %scan3A_509 = arith.constant 0 : i32
      %scan3A_510 = arith.constant 0 : i32
      %scan3A_511 = arith.constant 8 : i32
      %scan3A_512 = arith.addi %scan3A_510, %scan3A_511 : i32
      %scan3A_513 = arith.constant 1 : i32
      scf.for %scan3A_944 = %scan3A_510 to %scan3A_512 step %scan3A_513  : i32 {
        %parallel_loop3A = arith.constant 0 : i32
        %parallel_loop3A_945 = arith.constant 512 : i32
        %parallel_loop3A_946 = arith.constant 16 : i32
        scf.for %parallel_loop3A_947 = %parallel_loop3A to %parallel_loop3A_945 step %parallel_loop3A_946  : i32 {
          %parallel_loop3A_948 = arith.index_cast %scan3A_944 : i32 to index
          %parallel_loop3A_949 = arith.index_cast %parallel_loop3A_947 : i32 to index
          %parallel_loop3A_950 = tpu.vector_load %arg6[%parallel_loop3A_948, %parallel_loop3A_949] {strides = array<i32>} : memref<8x512xi32, #tpu.memory_space<vmem>>, vector<16xi32>,
          %parallel_loop3A_951 = arith.constant 512 : i32
          %parallel_loop3A_952 = tpu.memref_slice %arg5[%parallel_loop3A_951] : memref<1024xf32, #tpu.memory_space<vmem>> -> memref<64xf32, #tpu.memory_space<vmem>>
          %parallel_loop3A_953 = tpu.vector_load_idx %parallel_loop3A_952[%parallel_loop3A_950] : memref<64xf32, #tpu.memory_space<vmem>>[vector<16xi32>], vector<16xf32>,
          %parallel_loop3A_954 = arith.constant 0 : i32
          %parallel_loop3A_955 = arith.index_cast %parallel_loop3A_954 : i32 to index
          %parallel_loop3A_956 = arith.index_cast %scan3A_944 : i32 to index
          %parallel_loop3A_957 = arith.index_cast %parallel_loop3A_947 : i32 to index
          %parallel_loop3A_958 = tpu.vector_load %arg9[%parallel_loop3A_955, %parallel_loop3A_956, %parallel_loop3A_957] {strides = array<i32>} : memref<8x8x512xf32, #tpu.memory_space<vmem>>, vector<16xf32>,
          tpu.vector_store %arg9[%parallel_loop3A_955, %parallel_loop3A_956, %parallel_loop3A_957], %parallel_loop3A_953 {strides = array<i32>} : memref<8x8x512xf32, #tpu.memory_space<vmem>>, vector<16xf32>,
          %parallel_loop3A_959 = arith.constant 576 : i32
          %parallel_loop3A_960 = tpu.memref_slice %arg5[%parallel_loop3A_959] : memref<1024xf32, #tpu.memory_space<vmem>> -> memref<64xf32, #tpu.memory_space<vmem>>
          %parallel_loop3A_961 = tpu.vector_load_idx %parallel_loop3A_960[%parallel_loop3A_950] : memref<64xf32, #tpu.memory_space<vmem>>[vector<16xi32>], vector<16xf32>,
          %parallel_loop3A_962 = arith.constant 1 : i32
          %parallel_loop3A_963 = arith.index_cast %parallel_loop3A_962 : i32 to index
          %parallel_loop3A_964 = arith.index_cast %scan3A_944 : i32 to index
          %parallel_loop3A_965 = arith.index_cast %parallel_loop3A_947 : i32 to index
          %parallel_loop3A_966 = tpu.vector_load %arg9[%parallel_loop3A_963, %parallel_loop3A_964, %parallel_loop3A_965] {strides = array<i32>} : memref<8x8x512xf32, #tpu.memory_space<vmem>>, vector<16xf32>,
          tpu.vector_store %arg9[%parallel_loop3A_963, %parallel_loop3A_964, %parallel_loop3A_965], %parallel_loop3A_961 {strides = array<i32>} : memref<8x8x512xf32, #tpu.memory_space<vmem>>, vector<16xf32>,
          %parallel_loop3A_967 = arith.constant 640 : i32
          %parallel_loop3A_968 = tpu.memref_slice %arg5[%parallel_loop3A_967] : memref<1024xf32, #tpu.memory_space<vmem>> -> memref<64xf32, #tpu.memory_space<vmem>>
          %parallel_loop3A_969 = tpu.vector_load_idx %parallel_loop3A_968[%parallel_loop3A_950] : memref<64xf32, #tpu.memory_space<vmem>>[vector<16xi32>], vector<16xf32>,
          %parallel_loop3A_970 = arith.constant 2 : i32
          %parallel_loop3A_971 = arith.index_cast %parallel_loop3A_970 : i32 to index
          %parallel_loop3A_972 = arith.index_cast %scan3A_944 : i32 to index
          %parallel_loop3A_973 = arith.index_cast %parallel_loop3A_947 : i32 to index
          %parallel_loop3A_974 = tpu.vector_load %arg9[%parallel_loop3A_971, %parallel_loop3A_972, %parallel_loop3A_973] {strides = array<i32>} : memref<8x8x512xf32, #tpu.memory_space<vmem>>, vector<16xf32>,
          tpu.vector_store %arg9[%parallel_loop3A_971, %parallel_loop3A_972, %parallel_loop3A_973], %parallel_loop3A_969 {strides = array<i32>} : memref<8x8x512xf32, #tpu.memory_space<vmem>>, vector<16xf32>,
          %parallel_loop3A_975 = arith.constant 704 : i32
          %parallel_loop3A_976 = tpu.memref_slice %arg5[%parallel_loop3A_975] : memref<1024xf32, #tpu.memory_space<vmem>> -> memref<64xf32, #tpu.memory_space<vmem>>
          %parallel_loop3A_977 = tpu.vector_load_idx %parallel_loop3A_976[%parallel_loop3A_950] : memref<64xf32, #tpu.memory_space<vmem>>[vector<16xi32>], vector<16xf32>,
          %parallel_loop3A_978 = arith.constant 3 : i32
          %parallel_loop3A_979 = arith.index_cast %parallel_loop3A_978 : i32 to index
          %parallel_loop3A_980 = arith.index_cast %scan3A_944 : i32 to index
          %parallel_loop3A_981 = arith.index_cast %parallel_loop3A_947 : i32 to index
          %parallel_loop3A_982 = tpu.vector_load %arg9[%parallel_loop3A_979, %parallel_loop3A_980, %parallel_loop3A_981] {strides = array<i32>} : memref<8x8x512xf32, #tpu.memory_space<vmem>>, vector<16xf32>,
          tpu.vector_store %arg9[%parallel_loop3A_979, %parallel_loop3A_980, %parallel_loop3A_981], %parallel_loop3A_977 {strides = array<i32>} : memref<8x8x512xf32, #tpu.memory_space<vmem>>, vector<16xf32>,
          %parallel_loop3A_983 = arith.constant 768 : i32
          %parallel_loop3A_984 = tpu.memref_slice %arg5[%parallel_loop3A_983] : memref<1024xf32, #tpu.memory_space<vmem>> -> memref<64xf32, #tpu.memory_space<vmem>>
          %parallel_loop3A_985 = tpu.vector_load_idx %parallel_loop3A_984[%parallel_loop3A_950] : memref<64xf32, #tpu.memory_space<vmem>>[vector<16xi32>], vector<16xf32>,
          %parallel_loop3A_986 = arith.constant 4 : i32
          %parallel_loop3A_987 = arith.index_cast %parallel_loop3A_986 : i32 to index
          %parallel_loop3A_988 = arith.index_cast %scan3A_944 : i32 to index
          %parallel_loop3A_989 = arith.index_cast %parallel_loop3A_947 : i32 to index
          %parallel_loop3A_990 = tpu.vector_load %arg9[%parallel_loop3A_987, %parallel_loop3A_988, %parallel_loop3A_989] {strides = array<i32>} : memref<8x8x512xf32, #tpu.memory_space<vmem>>, vector<16xf32>,
          tpu.vector_store %arg9[%parallel_loop3A_987, %parallel_loop3A_988, %parallel_loop3A_989], %parallel_loop3A_985 {strides = array<i32>} : memref<8x8x512xf32, #tpu.memory_space<vmem>>, vector<16xf32>,
          %parallel_loop3A_991 = arith.constant 832 : i32
          %parallel_loop3A_992 = tpu.memref_slice %arg5[%parallel_loop3A_991] : memref<1024xf32, #tpu.memory_space<vmem>> -> memref<64xf32, #tpu.memory_space<vmem>>
          %parallel_loop3A_993 = tpu.vector_load_idx %parallel_loop3A_992[%parallel_loop3A_950] : memref<64xf32, #tpu.memory_space<vmem>>[vector<16xi32>], vector<16xf32>,
          %parallel_loop3A_994 = arith.constant 5 : i32
          %parallel_loop3A_995 = arith.index_cast %parallel_loop3A_994 : i32 to index
          %parallel_loop3A_996 = arith.index_cast %scan3A_944 : i32 to index
          %parallel_loop3A_997 = arith.index_cast %parallel_loop3A_947 : i32 to index
          %parallel_loop3A_998 = tpu.vector_load %arg9[%parallel_loop3A_995, %parallel_loop3A_996, %parallel_loop3A_997] {strides = array<i32>} : memref<8x8x512xf32, #tpu.memory_space<vmem>>, vector<16xf32>,
          tpu.vector_store %arg9[%parallel_loop3A_995, %parallel_loop3A_996, %parallel_loop3A_997], %parallel_loop3A_993 {strides = array<i32>} : memref<8x8x512xf32, #tpu.memory_space<vmem>>, vector<16xf32>,
          %parallel_loop3A_999 = arith.constant 896 : i32
          %parallel_loop3A_1000 = tpu.memref_slice %arg5[%parallel_loop3A_999] : memref<1024xf32, #tpu.memory_space<vmem>> -> memref<64xf32, #tpu.memory_space<vmem>>
          %parallel_loop3A_1001 = tpu.vector_load_idx %parallel_loop3A_1000[%parallel_loop3A_950] : memref<64xf32, #tpu.memory_space<vmem>>[vector<16xi32>], vector<16xf32>,
          %parallel_loop3A_1002 = arith.constant 6 : i32
          %parallel_loop3A_1003 = arith.index_cast %parallel_loop3A_1002 : i32 to index
          %parallel_loop3A_1004 = arith.index_cast %scan3A_944 : i32 to index
          %parallel_loop3A_1005 = arith.index_cast %parallel_loop3A_947 : i32 to index
          %parallel_loop3A_1006 = tpu.vector_load %arg9[%parallel_loop3A_1003, %parallel_loop3A_1004, %parallel_loop3A_1005] {strides = array<i32>} : memref<8x8x512xf32, #tpu.memory_space<vmem>>, vector<16xf32>,
          tpu.vector_store %arg9[%parallel_loop3A_1003, %parallel_loop3A_1004, %parallel_loop3A_1005], %parallel_loop3A_1001 {strides = array<i32>} : memref<8x8x512xf32, #tpu.memory_space<vmem>>, vector<16xf32>,
          %parallel_loop3A_1007 = arith.constant 960 : i32
          %parallel_loop3A_1008 = tpu.memref_slice %arg5[%parallel_loop3A_1007] : memref<1024xf32, #tpu.memory_space<vmem>> -> memref<64xf32, #tpu.memory_space<vmem>>
          %parallel_loop3A_1009 = tpu.vector_load_idx %parallel_loop3A_1008[%parallel_loop3A_950] : memref<64xf32, #tpu.memory_space<vmem>>[vector<16xi32>], vector<16xf32>,
          %parallel_loop3A_1010 = arith.constant 7 : i32
          %parallel_loop3A_1011 = arith.index_cast %parallel_loop3A_1010 : i32 to index
          %parallel_loop3A_1012 = arith.index_cast %scan3A_944 : i32 to index
          %parallel_loop3A_1013 = arith.index_cast %parallel_loop3A_947 : i32 to index
          %parallel_loop3A_1014 = tpu.vector_load %arg9[%parallel_loop3A_1011, %parallel_loop3A_1012, %parallel_loop3A_1013] {strides = array<i32>} : memref<8x8x512xf32, #tpu.memory_space<vmem>>, vector<16xf32>,
          tpu.vector_store %arg9[%parallel_loop3A_1011, %parallel_loop3A_1012, %parallel_loop3A_1013], %parallel_loop3A_1009 {strides = array<i32>} : memref<8x8x512xf32, #tpu.memory_space<vmem>>, vector<16xf32>,
        } {sc.loop_unroll_factor = 2 : i64, sc.parallel_access}
      }
      %scan3A_514 = arith.constant 8 : i32
      %dma_start3A_515 = arith.constant 0 : i32
      %dma_start3A_516 = arith.constant 8 : i32
      %dma_start3A_517 = arith.constant 0 : i32
      %dma_start3A_518 = arith.constant 0 : i32
      %dma_start3A_519 = tpu.memref_slice %arg9[%dma_start3A_515, %dma_start3A_517, %dma_start3A_518] : memref<8x8x512xf32, #tpu.memory_space<vmem>> -> memref<1x8x512xf32, #tpu.memory_space<vmem>>
      %dma_start3A_520 = tpu.memref_squeeze %dma_start3A_519 : memref<1x8x512xf32, #tpu.memory_space<vmem>> -> memref<8x512xf32, #tpu.memory_space<vmem>>
      %dma_start3A_521 = arith.constant 0 : i32
      %dma_start3A_522 = tpu.memref_slice %arg4[%select_n3A, %dma_start3A_516, %add3A_365, %dma_start3A_521] : memref<16x16x512x512xf32, #tpu.memory_space<hbm>> -> memref<1x1x8x512xf32, #tpu.memory_space<hbm>>
      %dma_start3A_523 = tpu.memref_squeeze %dma_start3A_522 : memref<1x1x8x512xf32, #tpu.memory_space<hbm>> -> memref<8x512xf32, #tpu.memory_space<hbm>>
      %dma_start3A_524 = arith.constant 0 : i32
      %dma_start3A_525 = tpu.memref_slice %arg4[%select_n3A, %dma_start3A_516, %add3A_365, %dma_start3A_524] : memref<16x16x512x512xf32, #tpu.memory_space<hbm>> -> memref<1x1x8x512xf32, #tpu.memory_space<hbm>>
      %dma_start3A_526 = tpu.memref_squeeze %dma_start3A_525 : memref<1x1x8x512xf32, #tpu.memory_space<hbm>> -> memref<8x512xf32, #tpu.memory_space<hbm>>
      %dma_start3A_527 = arith.constant 0 : i32
      %dma_start3A_528 = arith.constant 0 : i32
      %dma_start3A_529 = tpu.memref_slice %arg9[%dma_start3A_515, %dma_start3A_527, %dma_start3A_528] : memref<8x8x512xf32, #tpu.memory_space<vmem>> -> memref<1x8x512xf32, #tpu.memory_space<vmem>>
      %dma_start3A_530 = tpu.memref_squeeze %dma_start3A_529 : memref<1x8x512xf32, #tpu.memory_space<vmem>> -> memref<8x512xf32, #tpu.memory_space<vmem>>
      tpu.enqueue_dma source(%dma_start3A_530 : memref<8x512xf32, #tpu.memory_space<vmem>>) target(%dma_start3A_526 : memref<8x512xf32, #tpu.memory_space<hbm>>) target_semaphore(%arg13 : memref<!tpu.dma_semaphore, #tpu.memory_space<semaphore_mem>>)
      %dma_start3A_531 = arith.constant 1 : i32
      %dma_start3A_532 = arith.constant 9 : i32
      %dma_start3A_533 = arith.constant 0 : i32
      %dma_start3A_534 = arith.constant 0 : i32
      %dma_start3A_535 = tpu.memref_slice %arg9[%dma_start3A_531, %dma_start3A_533, %dma_start3A_534] : memref<8x8x512xf32, #tpu.memory_space<vmem>> -> memref<1x8x512xf32, #tpu.memory_space<vmem>>
      %dma_start3A_536 = tpu.memref_squeeze %dma_start3A_535 : memref<1x8x512xf32, #tpu.memory_space<vmem>> -> memref<8x512xf32, #tpu.memory_space<vmem>>
      %dma_start3A_537 = arith.constant 0 : i32
      %dma_start3A_538 = tpu.memref_slice %arg4[%select_n3A, %dma_start3A_532, %add3A_365, %dma_start3A_537] : memref<16x16x512x512xf32, #tpu.memory_space<hbm>> -> memref<1x1x8x512xf32, #tpu.memory_space<hbm>>
      %dma_start3A_539 = tpu.memref_squeeze %dma_start3A_538 : memref<1x1x8x512xf32, #tpu.memory_space<hbm>> -> memref<8x512xf32, #tpu.memory_space<hbm>>
      %dma_start3A_540 = arith.constant 0 : i32
      %dma_start3A_541 = tpu.memref_slice %arg4[%select_n3A, %dma_start3A_532, %add3A_365, %dma_start3A_540] : memref<16x16x512x512xf32, #tpu.memory_space<hbm>> -> memref<1x1x8x512xf32, #tpu.memory_space<hbm>>
      %dma_start3A_542 = tpu.memref_squeeze %dma_start3A_541 : memref<1x1x8x512xf32, #tpu.memory_space<hbm>> -> memref<8x512xf32, #tpu.memory_space<hbm>>
      %dma_start3A_543 = arith.constant 0 : i32
      %dma_start3A_544 = arith.constant 0 : i32
      %dma_start3A_545 = tpu.memref_slice %arg9[%dma_start3A_531, %dma_start3A_543, %dma_start3A_544] : memref<8x8x512xf32, #tpu.memory_space<vmem>> -> memref<1x8x512xf32, #tpu.memory_space<vmem>>
      %dma_start3A_546 = tpu.memref_squeeze %dma_start3A_545 : memref<1x8x512xf32, #tpu.memory_space<vmem>> -> memref<8x512xf32, #tpu.memory_space<vmem>>
      tpu.enqueue_dma source(%dma_start3A_546 : memref<8x512xf32, #tpu.memory_space<vmem>>) target(%dma_start3A_542 : memref<8x512xf32, #tpu.memory_space<hbm>>) target_semaphore(%arg13 : memref<!tpu.dma_semaphore, #tpu.memory_space<semaphore_mem>>)
      %dma_start3A_547 = arith.constant 2 : i32
      %dma_start3A_548 = arith.constant 10 : i32
      %dma_start3A_549 = arith.constant 0 : i32
      %dma_start3A_550 = arith.constant 0 : i32
      %dma_start3A_551 = tpu.memref_slice %arg9[%dma_start3A_547, %dma_start3A_549, %dma_start3A_550] : memref<8x8x512xf32, #tpu.memory_space<vmem>> -> memref<1x8x512xf32, #tpu.memory_space<vmem>>
      %dma_start3A_552 = tpu.memref_squeeze %dma_start3A_551 : memref<1x8x512xf32, #tpu.memory_space<vmem>> -> memref<8x512xf32, #tpu.memory_space<vmem>>
      %dma_start3A_553 = arith.constant 0 : i32
      %dma_start3A_554 = tpu.memref_slice %arg4[%select_n3A, %dma_start3A_548, %add3A_365, %dma_start3A_553] : memref<16x16x512x512xf32, #tpu.memory_space<hbm>> -> memref<1x1x8x512xf32, #tpu.memory_space<hbm>>
      %dma_start3A_555 = tpu.memref_squeeze %dma_start3A_554 : memref<1x1x8x512xf32, #tpu.memory_space<hbm>> -> memref<8x512xf32, #tpu.memory_space<hbm>>
      %dma_start3A_556 = arith.constant 0 : i32
      %dma_start3A_557 = tpu.memref_slice %arg4[%select_n3A, %dma_start3A_548, %add3A_365, %dma_start3A_556] : memref<16x16x512x512xf32, #tpu.memory_space<hbm>> -> memref<1x1x8x512xf32, #tpu.memory_space<hbm>>
      %dma_start3A_558 = tpu.memref_squeeze %dma_start3A_557 : memref<1x1x8x512xf32, #tpu.memory_space<hbm>> -> memref<8x512xf32, #tpu.memory_space<hbm>>
      %dma_start3A_559 = arith.constant 0 : i32
      %dma_start3A_560 = arith.constant 0 : i32
      %dma_start3A_561 = tpu.memref_slice %arg9[%dma_start3A_547, %dma_start3A_559, %dma_start3A_560] : memref<8x8x512xf32, #tpu.memory_space<vmem>> -> memref<1x8x512xf32, #tpu.memory_space<vmem>>
      %dma_start3A_562 = tpu.memref_squeeze %dma_start3A_561 : memref<1x8x512xf32, #tpu.memory_space<vmem>> -> memref<8x512xf32, #tpu.memory_space<vmem>>
      tpu.enqueue_dma source(%dma_start3A_562 : memref<8x512xf32, #tpu.memory_space<vmem>>) target(%dma_start3A_558 : memref<8x512xf32, #tpu.memory_space<hbm>>) target_semaphore(%arg13 : memref<!tpu.dma_semaphore, #tpu.memory_space<semaphore_mem>>)
      %dma_start3A_563 = arith.constant 3 : i32
      %dma_start3A_564 = arith.constant 11 : i32
      %dma_start3A_565 = arith.constant 0 : i32
      %dma_start3A_566 = arith.constant 0 : i32
      %dma_start3A_567 = tpu.memref_slice %arg9[%dma_start3A_563, %dma_start3A_565, %dma_start3A_566] : memref<8x8x512xf32, #tpu.memory_space<vmem>> -> memref<1x8x512xf32, #tpu.memory_space<vmem>>
      %dma_start3A_568 = tpu.memref_squeeze %dma_start3A_567 : memref<1x8x512xf32, #tpu.memory_space<vmem>> -> memref<8x512xf32, #tpu.memory_space<vmem>>
      %dma_start3A_569 = arith.constant 0 : i32
      %dma_start3A_570 = tpu.memref_slice %arg4[%select_n3A, %dma_start3A_564, %add3A_365, %dma_start3A_569] : memref<16x16x512x512xf32, #tpu.memory_space<hbm>> -> memref<1x1x8x512xf32, #tpu.memory_space<hbm>>
      %dma_start3A_571 = tpu.memref_squeeze %dma_start3A_570 : memref<1x1x8x512xf32, #tpu.memory_space<hbm>> -> memref<8x512xf32, #tpu.memory_space<hbm>>
      %dma_start3A_572 = arith.constant 0 : i32
      %dma_start3A_573 = tpu.memref_slice %arg4[%select_n3A, %dma_start3A_564, %add3A_365, %dma_start3A_572] : memref<16x16x512x512xf32, #tpu.memory_space<hbm>> -> memref<1x1x8x512xf32, #tpu.memory_space<hbm>>
      %dma_start3A_574 = tpu.memref_squeeze %dma_start3A_573 : memref<1x1x8x512xf32, #tpu.memory_space<hbm>> -> memref<8x512xf32, #tpu.memory_space<hbm>>
      %dma_start3A_575 = arith.constant 0 : i32
      %dma_start3A_576 = arith.constant 0 : i32
      %dma_start3A_577 = tpu.memref_slice %arg9[%dma_start3A_563, %dma_start3A_575, %dma_start3A_576] : memref<8x8x512xf32, #tpu.memory_space<vmem>> -> memref<1x8x512xf32, #tpu.memory_space<vmem>>
      %dma_start3A_578 = tpu.memref_squeeze %dma_start3A_577 : memref<1x8x512xf32, #tpu.memory_space<vmem>> -> memref<8x512xf32, #tpu.memory_space<vmem>>
      tpu.enqueue_dma source(%dma_start3A_578 : memref<8x512xf32, #tpu.memory_space<vmem>>) target(%dma_start3A_574 : memref<8x512xf32, #tpu.memory_space<hbm>>) target_semaphore(%arg13 : memref<!tpu.dma_semaphore, #tpu.memory_space<semaphore_mem>>)
      %dma_start3A_579 = arith.constant 4 : i32
      %dma_start3A_580 = arith.constant 12 : i32
      %dma_start3A_581 = arith.constant 0 : i32
      %dma_start3A_582 = arith.constant 0 : i32
      %dma_start3A_583 = tpu.memref_slice %arg9[%dma_start3A_579, %dma_start3A_581, %dma_start3A_582] : memref<8x8x512xf32, #tpu.memory_space<vmem>> -> memref<1x8x512xf32, #tpu.memory_space<vmem>>
      %dma_start3A_584 = tpu.memref_squeeze %dma_start3A_583 : memref<1x8x512xf32, #tpu.memory_space<vmem>> -> memref<8x512xf32, #tpu.memory_space<vmem>>
      %dma_start3A_585 = arith.constant 0 : i32
      %dma_start3A_586 = tpu.memref_slice %arg4[%select_n3A, %dma_start3A_580, %add3A_365, %dma_start3A_585] : memref<16x16x512x512xf32, #tpu.memory_space<hbm>> -> memref<1x1x8x512xf32, #tpu.memory_space<hbm>>
      %dma_start3A_587 = tpu.memref_squeeze %dma_start3A_586 : memref<1x1x8x512xf32, #tpu.memory_space<hbm>> -> memref<8x512xf32, #tpu.memory_space<hbm>>
      %dma_start3A_588 = arith.constant 0 : i32
      %dma_start3A_589 = tpu.memref_slice %arg4[%select_n3A, %dma_start3A_580, %add3A_365, %dma_start3A_588] : memref<16x16x512x512xf32, #tpu.memory_space<hbm>> -> memref<1x1x8x512xf32, #tpu.memory_space<hbm>>
      %dma_start3A_590 = tpu.memref_squeeze %dma_start3A_589 : memref<1x1x8x512xf32, #tpu.memory_space<hbm>> -> memref<8x512xf32, #tpu.memory_space<hbm>>
      %dma_start3A_591 = arith.constant 0 : i32
      %dma_start3A_592 = arith.constant 0 : i32
      %dma_start3A_593 = tpu.memref_slice %arg9[%dma_start3A_579, %dma_start3A_591, %dma_start3A_592] : memref<8x8x512xf32, #tpu.memory_space<vmem>> -> memref<1x8x512xf32, #tpu.memory_space<vmem>>
      %dma_start3A_594 = tpu.memref_squeeze %dma_start3A_593 : memref<1x8x512xf32, #tpu.memory_space<vmem>> -> memref<8x512xf32, #tpu.memory_space<vmem>>
      tpu.enqueue_dma source(%dma_start3A_594 : memref<8x512xf32, #tpu.memory_space<vmem>>) target(%dma_start3A_590 : memref<8x512xf32, #tpu.memory_space<hbm>>) target_semaphore(%arg13 : memref<!tpu.dma_semaphore, #tpu.memory_space<semaphore_mem>>)
      %dma_start3A_595 = arith.constant 5 : i32
      %dma_start3A_596 = arith.constant 13 : i32
      %dma_start3A_597 = arith.constant 0 : i32
      %dma_start3A_598 = arith.constant 0 : i32
      %dma_start3A_599 = tpu.memref_slice %arg9[%dma_start3A_595, %dma_start3A_597, %dma_start3A_598] : memref<8x8x512xf32, #tpu.memory_space<vmem>> -> memref<1x8x512xf32, #tpu.memory_space<vmem>>
      %dma_start3A_600 = tpu.memref_squeeze %dma_start3A_599 : memref<1x8x512xf32, #tpu.memory_space<vmem>> -> memref<8x512xf32, #tpu.memory_space<vmem>>
      %dma_start3A_601 = arith.constant 0 : i32
      %dma_start3A_602 = tpu.memref_slice %arg4[%select_n3A, %dma_start3A_596, %add3A_365, %dma_start3A_601] : memref<16x16x512x512xf32, #tpu.memory_space<hbm>> -> memref<1x1x8x512xf32, #tpu.memory_space<hbm>>
      %dma_start3A_603 = tpu.memref_squeeze %dma_start3A_602 : memref<1x1x8x512xf32, #tpu.memory_space<hbm>> -> memref<8x512xf32, #tpu.memory_space<hbm>>
      %dma_start3A_604 = arith.constant 0 : i32
      %dma_start3A_605 = tpu.memref_slice %arg4[%select_n3A, %dma_start3A_596, %add3A_365, %dma_start3A_604] : memref<16x16x512x512xf32, #tpu.memory_space<hbm>> -> memref<1x1x8x512xf32, #tpu.memory_space<hbm>>
      %dma_start3A_606 = tpu.memref_squeeze %dma_start3A_605 : memref<1x1x8x512xf32, #tpu.memory_space<hbm>> -> memref<8x512xf32, #tpu.memory_space<hbm>>
      %dma_start3A_607 = arith.constant 0 : i32
      %dma_start3A_608 = arith.constant 0 : i32
      %dma_start3A_609 = tpu.memref_slice %arg9[%dma_start3A_595, %dma_start3A_607, %dma_start3A_608] : memref<8x8x512xf32, #tpu.memory_space<vmem>> -> memref<1x8x512xf32, #tpu.memory_space<vmem>>
      %dma_start3A_610 = tpu.memref_squeeze %dma_start3A_609 : memref<1x8x512xf32, #tpu.memory_space<vmem>> -> memref<8x512xf32, #tpu.memory_space<vmem>>
      tpu.enqueue_dma source(%dma_start3A_610 : memref<8x512xf32, #tpu.memory_space<vmem>>) target(%dma_start3A_606 : memref<8x512xf32, #tpu.memory_space<hbm>>) target_semaphore(%arg13 : memref<!tpu.dma_semaphore, #tpu.memory_space<semaphore_mem>>)
      %dma_start3A_611 = arith.constant 6 : i32
      %dma_start3A_612 = arith.constant 14 : i32
      %dma_start3A_613 = arith.constant 0 : i32
      %dma_start3A_614 = arith.constant 0 : i32
      %dma_start3A_615 = tpu.memref_slice %arg9[%dma_start3A_611, %dma_start3A_613, %dma_start3A_614] : memref<8x8x512xf32, #tpu.memory_space<vmem>> -> memref<1x8x512xf32, #tpu.memory_space<vmem>>
      %dma_start3A_616 = tpu.memref_squeeze %dma_start3A_615 : memref<1x8x512xf32, #tpu.memory_space<vmem>> -> memref<8x512xf32, #tpu.memory_space<vmem>>
      %dma_start3A_617 = arith.constant 0 : i32
      %dma_start3A_618 = tpu.memref_slice %arg4[%select_n3A, %dma_start3A_612, %add3A_365, %dma_start3A_617] : memref<16x16x512x512xf32, #tpu.memory_space<hbm>> -> memref<1x1x8x512xf32, #tpu.memory_space<hbm>>
      %dma_start3A_619 = tpu.memref_squeeze %dma_start3A_618 : memref<1x1x8x512xf32, #tpu.memory_space<hbm>> -> memref<8x512xf32, #tpu.memory_space<hbm>>
      %dma_start3A_620 = arith.constant 0 : i32
      %dma_start3A_621 = tpu.memref_slice %arg4[%select_n3A, %dma_start3A_612, %add3A_365, %dma_start3A_620] : memref<16x16x512x512xf32, #tpu.memory_space<hbm>> -> memref<1x1x8x512xf32, #tpu.memory_space<hbm>>
      %dma_start3A_622 = tpu.memref_squeeze %dma_start3A_621 : memref<1x1x8x512xf32, #tpu.memory_space<hbm>> -> memref<8x512xf32, #tpu.memory_space<hbm>>
      %dma_start3A_623 = arith.constant 0 : i32
      %dma_start3A_624 = arith.constant 0 : i32
      %dma_start3A_625 = tpu.memref_slice %arg9[%dma_start3A_611, %dma_start3A_623, %dma_start3A_624] : memref<8x8x512xf32, #tpu.memory_space<vmem>> -> memref<1x8x512xf32, #tpu.memory_space<vmem>>
      %dma_start3A_626 = tpu.memref_squeeze %dma_start3A_625 : memref<1x8x512xf32, #tpu.memory_space<vmem>> -> memref<8x512xf32, #tpu.memory_space<vmem>>
      tpu.enqueue_dma source(%dma_start3A_626 : memref<8x512xf32, #tpu.memory_space<vmem>>) target(%dma_start3A_622 : memref<8x512xf32, #tpu.memory_space<hbm>>) target_semaphore(%arg13 : memref<!tpu.dma_semaphore, #tpu.memory_space<semaphore_mem>>)
      %dma_start3A_627 = arith.constant 7 : i32
      %dma_start3A_628 = arith.constant 15 : i32
      %dma_start3A_629 = arith.constant 0 : i32
      %dma_start3A_630 = arith.constant 0 : i32
      %dma_start3A_631 = tpu.memref_slice %arg9[%dma_start3A_627, %dma_start3A_629, %dma_start3A_630] : memref<8x8x512xf32, #tpu.memory_space<vmem>> -> memref<1x8x512xf32, #tpu.memory_space<vmem>>
      %dma_start3A_632 = tpu.memref_squeeze %dma_start3A_631 : memref<1x8x512xf32, #tpu.memory_space<vmem>> -> memref<8x512xf32, #tpu.memory_space<vmem>>
      %dma_start3A_633 = arith.constant 0 : i32
      %dma_start3A_634 = tpu.memref_slice %arg4[%select_n3A, %dma_start3A_628, %add3A_365, %dma_start3A_633] : memref<16x16x512x512xf32, #tpu.memory_space<hbm>> -> memref<1x1x8x512xf32, #tpu.memory_space<hbm>>
      %dma_start3A_635 = tpu.memref_squeeze %dma_start3A_634 : memref<1x1x8x512xf32, #tpu.memory_space<hbm>> -> memref<8x512xf32, #tpu.memory_space<hbm>>
      %dma_start3A_636 = arith.constant 0 : i32
      %dma_start3A_637 = tpu.memref_slice %arg4[%select_n3A, %dma_start3A_628, %add3A_365, %dma_start3A_636] : memref<16x16x512x512xf32, #tpu.memory_space<hbm>> -> memref<1x1x8x512xf32, #tpu.memory_space<hbm>>
      %dma_start3A_638 = tpu.memref_squeeze %dma_start3A_637 : memref<1x1x8x512xf32, #tpu.memory_space<hbm>> -> memref<8x512xf32, #tpu.memory_space<hbm>>
      %dma_start3A_639 = arith.constant 0 : i32
      %dma_start3A_640 = arith.constant 0 : i32
      %dma_start3A_641 = tpu.memref_slice %arg9[%dma_start3A_627, %dma_start3A_639, %dma_start3A_640] : memref<8x8x512xf32, #tpu.memory_space<vmem>> -> memref<1x8x512xf32, #tpu.memory_space<vmem>>
      %dma_start3A_642 = tpu.memref_squeeze %dma_start3A_641 : memref<1x8x512xf32, #tpu.memory_space<vmem>> -> memref<8x512xf32, #tpu.memory_space<vmem>>
      tpu.enqueue_dma source(%dma_start3A_642 : memref<8x512xf32, #tpu.memory_space<vmem>>) target(%dma_start3A_638 : memref<8x512xf32, #tpu.memory_space<hbm>>) target_semaphore(%arg13 : memref<!tpu.dma_semaphore, #tpu.memory_space<semaphore_mem>>)
      %mul3A_643 = arith.constant 2 : i32
      %mul3A_644 = arith.muli %mul3A_643, %scan3A_346 : i32
      %add3A_645 = arith.constant 1 : i32
      %add3A_646 = arith.addi %mul3A_644, %add3A_645 : i32
      %dma_wait3A_647 = arith.constant 0 : i32
      %dma_wait3A_648 = arith.constant 0 : i32
      %dma_wait3A_649 = arith.constant 0 : i32
      %dma_wait3A_650 = tpu.memref_slice %arg3[%dma_wait3A_647, %dma_wait3A_648, %dma_wait3A_649] : memref<16x512x512xi32, #tpu.memory_space<hbm>> -> memref<1x8x512xi32, #tpu.memory_space<hbm>>
      %dma_wait3A_651 = tpu.memref_squeeze %dma_wait3A_650 : memref<1x8x512xi32, #tpu.memory_space<hbm>> -> memref<8x512xi32, #tpu.memory_space<hbm>>
      %dma_wait3A_652 = arith.constant 0 : i32
      %dma_wait3A_653 = arith.constant 0 : i32
      %dma_wait3A_654 = tpu.memref_slice %arg3[%dma_wait3A_647, %dma_wait3A_652, %dma_wait3A_653] : memref<16x512x512xi32, #tpu.memory_space<hbm>> -> memref<1x8x512xi32, #tpu.memory_space<hbm>>
      %dma_wait3A_655 = tpu.memref_squeeze %dma_wait3A_654 : memref<1x8x512xi32, #tpu.memory_space<hbm>> -> memref<8x512xi32, #tpu.memory_space<hbm>>
      tpu.wait_dma2 semaphore(%arg11 : memref<!tpu.dma_semaphore, #tpu.memory_space<semaphore_mem>>) src(%dma_wait3A_655 : memref<8x512xi32, #tpu.memory_space<hbm>>) dst(%arg7 : memref<8x512xi32, #tpu.memory_space<vmem>>)
      %add3A_656 = arith.constant 1 : i32
      %add3A_657 = arith.addi %add3A_646, %add3A_656 : i32
      %lt3A_658 = arith.constant 32 : i32
      %lt3A_659 = arith.cmpi slt, %add3A_657, %lt3A_658 : i32
      %convert_element_type3A_660 = arith.extui %lt3A_659 : i1 to i32
      %cond3A_661 = arith.constant 0 : i32
      %cond3A_662 = arith.cmpi ne, %convert_element_type3A_660, %cond3A_661 : i32
      scf.if %cond3A_662 {
        %add3A_944 = arith.constant 1 : i32
        %add3A_945 = arith.addi %add3A_646, %add3A_944 : i32
        %mul3A_946 = arith.constant 8 : i32
        %mul3A_947 = arith.muli %add3A_945, %mul3A_946 : i32
        %add3A_948 = arith.addi %mul3A_32, %mul3A_947 : i32
        %dma_start3A_949 = arith.constant 0 : i32
        %dma_start3A_950 = tpu.memref_slice %arg3[%select_n3A, %add3A_948, %dma_start3A_949] : memref<16x512x512xi32, #tpu.memory_space<hbm>> -> memref<1x8x512xi32, #tpu.memory_space<hbm>>
        %dma_start3A_951 = tpu.memref_squeeze %dma_start3A_950 : memref<1x8x512xi32, #tpu.memory_space<hbm>> -> memref<8x512xi32, #tpu.memory_space<hbm>>
        %dma_start3A_952 = arith.constant 0 : i32
        %dma_start3A_953 = tpu.memref_slice %arg3[%select_n3A, %add3A_948, %dma_start3A_952] : memref<16x512x512xi32, #tpu.memory_space<hbm>> -> memref<1x8x512xi32, #tpu.memory_space<hbm>>
        %dma_start3A_954 = tpu.memref_squeeze %dma_start3A_953 : memref<1x8x512xi32, #tpu.memory_space<hbm>> -> memref<8x512xi32, #tpu.memory_space<hbm>>
        tpu.enqueue_dma source(%dma_start3A_954 : memref<8x512xi32, #tpu.memory_space<hbm>>) target(%arg6 : memref<8x512xi32, #tpu.memory_space<vmem>>) target_semaphore(%arg10 : memref<!tpu.dma_semaphore, #tpu.memory_space<semaphore_mem>>)
      } else {
      }
      %mul3A_663 = arith.constant 8 : i32
      %mul3A_664 = arith.muli %add3A_646, %mul3A_663 : i32
      %add3A_665 = arith.addi %mul3A_32, %mul3A_664 : i32
      %ge3A_666 = arith.constant 1 : i32
      %ge3A_667 = arith.cmpi sge, %add3A_646, %ge3A_666 : i32
      %convert_element_type3A_668 = arith.extui %ge3A_667 : i1 to i32
      %cond3A_669 = arith.constant 0 : i32
      %cond3A_670 = arith.cmpi ne, %convert_element_type3A_668, %cond3A_669 : i32
      scf.if %cond3A_670 {
        %dma_wait3A_944 = arith.constant 0 : i32
        %dma_wait3A_945 = arith.constant 0 : i32
        %dma_wait3A_946 = arith.constant 0 : i32
        %dma_wait3A_947 = arith.constant 0 : i32
        %dma_wait3A_948 = arith.constant 0 : i32
        %dma_wait3A_949 = tpu.memref_slice %arg8[%dma_wait3A_944, %dma_wait3A_947, %dma_wait3A_948] : memref<8x8x512xf32, #tpu.memory_space<vmem>> -> memref<1x8x512xf32, #tpu.memory_space<vmem>>
        %dma_wait3A_950 = tpu.memref_squeeze %dma_wait3A_949 : memref<1x8x512xf32, #tpu.memory_space<vmem>> -> memref<8x512xf32, #tpu.memory_space<vmem>>
        %dma_wait3A_951 = arith.constant 0 : i32
        %dma_wait3A_952 = arith.constant 0 : i32
        %dma_wait3A_953 = tpu.memref_slice %arg4[%dma_wait3A_945, %dma_wait3A_946, %dma_wait3A_951, %dma_wait3A_952] : memref<16x16x512x512xf32, #tpu.memory_space<hbm>> -> memref<1x1x8x512xf32, #tpu.memory_space<hbm>>
        %dma_wait3A_954 = tpu.memref_squeeze %dma_wait3A_953 : memref<1x1x8x512xf32, #tpu.memory_space<hbm>> -> memref<8x512xf32, #tpu.memory_space<hbm>>
        %dma_wait3A_955 = arith.constant 0 : i32
        %dma_wait3A_956 = arith.constant 0 : i32
        %dma_wait3A_957 = tpu.memref_slice %arg4[%dma_wait3A_945, %dma_wait3A_946, %dma_wait3A_955, %dma_wait3A_956] : memref<16x16x512x512xf32, #tpu.memory_space<hbm>> -> memref<1x1x8x512xf32, #tpu.memory_space<hbm>>
        %dma_wait3A_958 = tpu.memref_squeeze %dma_wait3A_957 : memref<1x1x8x512xf32, #tpu.memory_space<hbm>> -> memref<8x512xf32, #tpu.memory_space<hbm>>
        %dma_wait3A_959 = arith.constant 0 : i32
        %dma_wait3A_960 = arith.constant 0 : i32
        %dma_wait3A_961 = tpu.memref_slice %arg8[%dma_wait3A_944, %dma_wait3A_959, %dma_wait3A_960] : memref<8x8x512xf32, #tpu.memory_space<vmem>> -> memref<1x8x512xf32, #tpu.memory_space<vmem>>
        %dma_wait3A_962 = tpu.memref_squeeze %dma_wait3A_961 : memref<1x8x512xf32, #tpu.memory_space<vmem>> -> memref<8x512xf32, #tpu.memory_space<vmem>>
        tpu.wait_dma2 semaphore(%arg12 : memref<!tpu.dma_semaphore, #tpu.memory_space<semaphore_mem>>) src(%dma_wait3A_962 : memref<8x512xf32, #tpu.memory_space<vmem>>) dst(%dma_wait3A_958 : memref<8x512xf32, #tpu.memory_space<hbm>>)
        %dma_wait3A_963 = arith.constant 1 : i32
        %dma_wait3A_964 = arith.constant 0 : i32
        %dma_wait3A_965 = arith.constant 1 : i32
        %dma_wait3A_966 = arith.constant 0 : i32
        %dma_wait3A_967 = arith.constant 0 : i32
        %dma_wait3A_968 = tpu.memref_slice %arg8[%dma_wait3A_963, %dma_wait3A_966, %dma_wait3A_967] : memref<8x8x512xf32, #tpu.memory_space<vmem>> -> memref<1x8x512xf32, #tpu.memory_space<vmem>>
        %dma_wait3A_969 = tpu.memref_squeeze %dma_wait3A_968 : memref<1x8x512xf32, #tpu.memory_space<vmem>> -> memref<8x512xf32, #tpu.memory_space<vmem>>
        %dma_wait3A_970 = arith.constant 0 : i32
        %dma_wait3A_971 = arith.constant 0 : i32
        %dma_wait3A_972 = tpu.memref_slice %arg4[%dma_wait3A_964, %dma_wait3A_965, %dma_wait3A_970, %dma_wait3A_971] : memref<16x16x512x512xf32, #tpu.memory_space<hbm>> -> memref<1x1x8x512xf32, #tpu.memory_space<hbm>>
        %dma_wait3A_973 = tpu.memref_squeeze %dma_wait3A_972 : memref<1x1x8x512xf32, #tpu.memory_space<hbm>> -> memref<8x512xf32, #tpu.memory_space<hbm>>
        %dma_wait3A_974 = arith.constant 0 : i32
        %dma_wait3A_975 = arith.constant 0 : i32
        %dma_wait3A_976 = tpu.memref_slice %arg4[%dma_wait3A_964, %dma_wait3A_965, %dma_wait3A_974, %dma_wait3A_975] : memref<16x16x512x512xf32, #tpu.memory_space<hbm>> -> memref<1x1x8x512xf32, #tpu.memory_space<hbm>>
        %dma_wait3A_977 = tpu.memref_squeeze %dma_wait3A_976 : memref<1x1x8x512xf32, #tpu.memory_space<hbm>> -> memref<8x512xf32, #tpu.memory_space<hbm>>
        %dma_wait3A_978 = arith.constant 0 : i32
        %dma_wait3A_979 = arith.constant 0 : i32
        %dma_wait3A_980 = tpu.memref_slice %arg8[%dma_wait3A_963, %dma_wait3A_978, %dma_wait3A_979] : memref<8x8x512xf32, #tpu.memory_space<vmem>> -> memref<1x8x512xf32, #tpu.memory_space<vmem>>
        %dma_wait3A_981 = tpu.memref_squeeze %dma_wait3A_980 : memref<1x8x512xf32, #tpu.memory_space<vmem>> -> memref<8x512xf32, #tpu.memory_space<vmem>>
        tpu.wait_dma2 semaphore(%arg12 : memref<!tpu.dma_semaphore, #tpu.memory_space<semaphore_mem>>) src(%dma_wait3A_981 : memref<8x512xf32, #tpu.memory_space<vmem>>) dst(%dma_wait3A_977 : memref<8x512xf32, #tpu.memory_space<hbm>>)
        %dma_wait3A_982 = arith.constant 2 : i32
        %dma_wait3A_983 = arith.constant 0 : i32
        %dma_wait3A_984 = arith.constant 2 : i32
        %dma_wait3A_985 = arith.constant 0 : i32
        %dma_wait3A_986 = arith.constant 0 : i32
        %dma_wait3A_987 = tpu.memref_slice %arg8[%dma_wait3A_982, %dma_wait3A_985, %dma_wait3A_986] : memref<8x8x512xf32, #tpu.memory_space<vmem>> -> memref<1x8x512xf32, #tpu.memory_space<vmem>>
        %dma_wait3A_988 = tpu.memref_squeeze %dma_wait3A_987 : memref<1x8x512xf32, #tpu.memory_space<vmem>> -> memref<8x512xf32, #tpu.memory_space<vmem>>
        %dma_wait3A_989 = arith.constant 0 : i32
        %dma_wait3A_990 = arith.constant 0 : i32
        %dma_wait3A_991 = tpu.memref_slice %arg4[%dma_wait3A_983, %dma_wait3A_984, %dma_wait3A_989, %dma_wait3A_990] : memref<16x16x512x512xf32, #tpu.memory_space<hbm>> -> memref<1x1x8x512xf32, #tpu.memory_space<hbm>>
        %dma_wait3A_992 = tpu.memref_squeeze %dma_wait3A_991 : memref<1x1x8x512xf32, #tpu.memory_space<hbm>> -> memref<8x512xf32, #tpu.memory_space<hbm>>
        %dma_wait3A_993 = arith.constant 0 : i32
        %dma_wait3A_994 = arith.constant 0 : i32
        %dma_wait3A_995 = tpu.memref_slice %arg4[%dma_wait3A_983, %dma_wait3A_984, %dma_wait3A_993, %dma_wait3A_994] : memref<16x16x512x512xf32, #tpu.memory_space<hbm>> -> memref<1x1x8x512xf32, #tpu.memory_space<hbm>>
        %dma_wait3A_996 = tpu.memref_squeeze %dma_wait3A_995 : memref<1x1x8x512xf32, #tpu.memory_space<hbm>> -> memref<8x512xf32, #tpu.memory_space<hbm>>
        %dma_wait3A_997 = arith.constant 0 : i32
        %dma_wait3A_998 = arith.constant 0 : i32
        %dma_wait3A_999 = tpu.memref_slice %arg8[%dma_wait3A_982, %dma_wait3A_997, %dma_wait3A_998] : memref<8x8x512xf32, #tpu.memory_space<vmem>> -> memref<1x8x512xf32, #tpu.memory_space<vmem>>
        %dma_wait3A_1000 = tpu.memref_squeeze %dma_wait3A_999 : memref<1x8x512xf32, #tpu.memory_space<vmem>> -> memref<8x512xf32, #tpu.memory_space<vmem>>
        tpu.wait_dma2 semaphore(%arg12 : memref<!tpu.dma_semaphore, #tpu.memory_space<semaphore_mem>>) src(%dma_wait3A_1000 : memref<8x512xf32, #tpu.memory_space<vmem>>) dst(%dma_wait3A_996 : memref<8x512xf32, #tpu.memory_space<hbm>>)
        %dma_wait3A_1001 = arith.constant 3 : i32
        %dma_wait3A_1002 = arith.constant 0 : i32
        %dma_wait3A_1003 = arith.constant 3 : i32
        %dma_wait3A_1004 = arith.constant 0 : i32
        %dma_wait3A_1005 = arith.constant 0 : i32
        %dma_wait3A_1006 = tpu.memref_slice %arg8[%dma_wait3A_1001, %dma_wait3A_1004, %dma_wait3A_1005] : memref<8x8x512xf32, #tpu.memory_space<vmem>> -> memref<1x8x512xf32, #tpu.memory_space<vmem>>
        %dma_wait3A_1007 = tpu.memref_squeeze %dma_wait3A_1006 : memref<1x8x512xf32, #tpu.memory_space<vmem>> -> memref<8x512xf32, #tpu.memory_space<vmem>>
        %dma_wait3A_1008 = arith.constant 0 : i32
        %dma_wait3A_1009 = arith.constant 0 : i32
        %dma_wait3A_1010 = tpu.memref_slice %arg4[%dma_wait3A_1002, %dma_wait3A_1003, %dma_wait3A_1008, %dma_wait3A_1009] : memref<16x16x512x512xf32, #tpu.memory_space<hbm>> -> memref<1x1x8x512xf32, #tpu.memory_space<hbm>>
        %dma_wait3A_1011 = tpu.memref_squeeze %dma_wait3A_1010 : memref<1x1x8x512xf32, #tpu.memory_space<hbm>> -> memref<8x512xf32, #tpu.memory_space<hbm>>
        %dma_wait3A_1012 = arith.constant 0 : i32
        %dma_wait3A_1013 = arith.constant 0 : i32
        %dma_wait3A_1014 = tpu.memref_slice %arg4[%dma_wait3A_1002, %dma_wait3A_1003, %dma_wait3A_1012, %dma_wait3A_1013] : memref<16x16x512x512xf32, #tpu.memory_space<hbm>> -> memref<1x1x8x512xf32, #tpu.memory_space<hbm>>
        %dma_wait3A_1015 = tpu.memref_squeeze %dma_wait3A_1014 : memref<1x1x8x512xf32, #tpu.memory_space<hbm>> -> memref<8x512xf32, #tpu.memory_space<hbm>>
        %dma_wait3A_1016 = arith.constant 0 : i32
        %dma_wait3A_1017 = arith.constant 0 : i32
        %dma_wait3A_1018 = tpu.memref_slice %arg8[%dma_wait3A_1001, %dma_wait3A_1016, %dma_wait3A_1017] : memref<8x8x512xf32, #tpu.memory_space<vmem>> -> memref<1x8x512xf32, #tpu.memory_space<vmem>>
        %dma_wait3A_1019 = tpu.memref_squeeze %dma_wait3A_1018 : memref<1x8x512xf32, #tpu.memory_space<vmem>> -> memref<8x512xf32, #tpu.memory_space<vmem>>
        tpu.wait_dma2 semaphore(%arg12 : memref<!tpu.dma_semaphore, #tpu.memory_space<semaphore_mem>>) src(%dma_wait3A_1019 : memref<8x512xf32, #tpu.memory_space<vmem>>) dst(%dma_wait3A_1015 : memref<8x512xf32, #tpu.memory_space<hbm>>)
        %dma_wait3A_1020 = arith.constant 4 : i32
        %dma_wait3A_1021 = arith.constant 0 : i32
        %dma_wait3A_1022 = arith.constant 4 : i32
        %dma_wait3A_1023 = arith.constant 0 : i32
        %dma_wait3A_1024 = arith.constant 0 : i32
        %dma_wait3A_1025 = tpu.memref_slice %arg8[%dma_wait3A_1020, %dma_wait3A_1023, %dma_wait3A_1024] : memref<8x8x512xf32, #tpu.memory_space<vmem>> -> memref<1x8x512xf32, #tpu.memory_space<vmem>>
        %dma_wait3A_1026 = tpu.memref_squeeze %dma_wait3A_1025 : memref<1x8x512xf32, #tpu.memory_space<vmem>> -> memref<8x512xf32, #tpu.memory_space<vmem>>
        %dma_wait3A_1027 = arith.constant 0 : i32
        %dma_wait3A_1028 = arith.constant 0 : i32
        %dma_wait3A_1029 = tpu.memref_slice %arg4[%dma_wait3A_1021, %dma_wait3A_1022, %dma_wait3A_1027, %dma_wait3A_1028] : memref<16x16x512x512xf32, #tpu.memory_space<hbm>> -> memref<1x1x8x512xf32, #tpu.memory_space<hbm>>
        %dma_wait3A_1030 = tpu.memref_squeeze %dma_wait3A_1029 : memref<1x1x8x512xf32, #tpu.memory_space<hbm>> -> memref<8x512xf32, #tpu.memory_space<hbm>>
        %dma_wait3A_1031 = arith.constant 0 : i32
        %dma_wait3A_1032 = arith.constant 0 : i32
        %dma_wait3A_1033 = tpu.memref_slice %arg4[%dma_wait3A_1021, %dma_wait3A_1022, %dma_wait3A_1031, %dma_wait3A_1032] : memref<16x16x512x512xf32, #tpu.memory_space<hbm>> -> memref<1x1x8x512xf32, #tpu.memory_space<hbm>>
        %dma_wait3A_1034 = tpu.memref_squeeze %dma_wait3A_1033 : memref<1x1x8x512xf32, #tpu.memory_space<hbm>> -> memref<8x512xf32, #tpu.memory_space<hbm>>
        %dma_wait3A_1035 = arith.constant 0 : i32
        %dma_wait3A_1036 = arith.constant 0 : i32
        %dma_wait3A_1037 = tpu.memref_slice %arg8[%dma_wait3A_1020, %dma_wait3A_1035, %dma_wait3A_1036] : memref<8x8x512xf32, #tpu.memory_space<vmem>> -> memref<1x8x512xf32, #tpu.memory_space<vmem>>
        %dma_wait3A_1038 = tpu.memref_squeeze %dma_wait3A_1037 : memref<1x8x512xf32, #tpu.memory_space<vmem>> -> memref<8x512xf32, #tpu.memory_space<vmem>>
        tpu.wait_dma2 semaphore(%arg12 : memref<!tpu.dma_semaphore, #tpu.memory_space<semaphore_mem>>) src(%dma_wait3A_1038 : memref<8x512xf32, #tpu.memory_space<vmem>>) dst(%dma_wait3A_1034 : memref<8x512xf32, #tpu.memory_space<hbm>>)
        %dma_wait3A_1039 = arith.constant 5 : i32
        %dma_wait3A_1040 = arith.constant 0 : i32
        %dma_wait3A_1041 = arith.constant 5 : i32
        %dma_wait3A_1042 = arith.constant 0 : i32
        %dma_wait3A_1043 = arith.constant 0 : i32
        %dma_wait3A_1044 = tpu.memref_slice %arg8[%dma_wait3A_1039, %dma_wait3A_1042, %dma_wait3A_1043] : memref<8x8x512xf32, #tpu.memory_space<vmem>> -> memref<1x8x512xf32, #tpu.memory_space<vmem>>
        %dma_wait3A_1045 = tpu.memref_squeeze %dma_wait3A_1044 : memref<1x8x512xf32, #tpu.memory_space<vmem>> -> memref<8x512xf32, #tpu.memory_space<vmem>>
        %dma_wait3A_1046 = arith.constant 0 : i32
        %dma_wait3A_1047 = arith.constant 0 : i32
        %dma_wait3A_1048 = tpu.memref_slice %arg4[%dma_wait3A_1040, %dma_wait3A_1041, %dma_wait3A_1046, %dma_wait3A_1047] : memref<16x16x512x512xf32, #tpu.memory_space<hbm>> -> memref<1x1x8x512xf32, #tpu.memory_space<hbm>>
        %dma_wait3A_1049 = tpu.memref_squeeze %dma_wait3A_1048 : memref<1x1x8x512xf32, #tpu.memory_space<hbm>> -> memref<8x512xf32, #tpu.memory_space<hbm>>
        %dma_wait3A_1050 = arith.constant 0 : i32
        %dma_wait3A_1051 = arith.constant 0 : i32
        %dma_wait3A_1052 = tpu.memref_slice %arg4[%dma_wait3A_1040, %dma_wait3A_1041, %dma_wait3A_1050, %dma_wait3A_1051] : memref<16x16x512x512xf32, #tpu.memory_space<hbm>> -> memref<1x1x8x512xf32, #tpu.memory_space<hbm>>
        %dma_wait3A_1053 = tpu.memref_squeeze %dma_wait3A_1052 : memref<1x1x8x512xf32, #tpu.memory_space<hbm>> -> memref<8x512xf32, #tpu.memory_space<hbm>>
        %dma_wait3A_1054 = arith.constant 0 : i32
        %dma_wait3A_1055 = arith.constant 0 : i32
        %dma_wait3A_1056 = tpu.memref_slice %arg8[%dma_wait3A_1039, %dma_wait3A_1054, %dma_wait3A_1055] : memref<8x8x512xf32, #tpu.memory_space<vmem>> -> memref<1x8x512xf32, #tpu.memory_space<vmem>>
        %dma_wait3A_1057 = tpu.memref_squeeze %dma_wait3A_1056 : memref<1x8x512xf32, #tpu.memory_space<vmem>> -> memref<8x512xf32, #tpu.memory_space<vmem>>
        tpu.wait_dma2 semaphore(%arg12 : memref<!tpu.dma_semaphore, #tpu.memory_space<semaphore_mem>>) src(%dma_wait3A_1057 : memref<8x512xf32, #tpu.memory_space<vmem>>) dst(%dma_wait3A_1053 : memref<8x512xf32, #tpu.memory_space<hbm>>)
        %dma_wait3A_1058 = arith.constant 6 : i32
        %dma_wait3A_1059 = arith.constant 0 : i32
        %dma_wait3A_1060 = arith.constant 6 : i32
        %dma_wait3A_1061 = arith.constant 0 : i32
        %dma_wait3A_1062 = arith.constant 0 : i32
        %dma_wait3A_1063 = tpu.memref_slice %arg8[%dma_wait3A_1058, %dma_wait3A_1061, %dma_wait3A_1062] : memref<8x8x512xf32, #tpu.memory_space<vmem>> -> memref<1x8x512xf32, #tpu.memory_space<vmem>>
        %dma_wait3A_1064 = tpu.memref_squeeze %dma_wait3A_1063 : memref<1x8x512xf32, #tpu.memory_space<vmem>> -> memref<8x512xf32, #tpu.memory_space<vmem>>
        %dma_wait3A_1065 = arith.constant 0 : i32
        %dma_wait3A_1066 = arith.constant 0 : i32
        %dma_wait3A_1067 = tpu.memref_slice %arg4[%dma_wait3A_1059, %dma_wait3A_1060, %dma_wait3A_1065, %dma_wait3A_1066] : memref<16x16x512x512xf32, #tpu.memory_space<hbm>> -> memref<1x1x8x512xf32, #tpu.memory_space<hbm>>
        %dma_wait3A_1068 = tpu.memref_squeeze %dma_wait3A_1067 : memref<1x1x8x512xf32, #tpu.memory_space<hbm>> -> memref<8x512xf32, #tpu.memory_space<hbm>>
        %dma_wait3A_1069 = arith.constant 0 : i32
        %dma_wait3A_1070 = arith.constant 0 : i32
        %dma_wait3A_1071 = tpu.memref_slice %arg4[%dma_wait3A_1059, %dma_wait3A_1060, %dma_wait3A_1069, %dma_wait3A_1070] : memref<16x16x512x512xf32, #tpu.memory_space<hbm>> -> memref<1x1x8x512xf32, #tpu.memory_space<hbm>>
        %dma_wait3A_1072 = tpu.memref_squeeze %dma_wait3A_1071 : memref<1x1x8x512xf32, #tpu.memory_space<hbm>> -> memref<8x512xf32, #tpu.memory_space<hbm>>
        %dma_wait3A_1073 = arith.constant 0 : i32
        %dma_wait3A_1074 = arith.constant 0 : i32
        %dma_wait3A_1075 = tpu.memref_slice %arg8[%dma_wait3A_1058, %dma_wait3A_1073, %dma_wait3A_1074] : memref<8x8x512xf32, #tpu.memory_space<vmem>> -> memref<1x8x512xf32, #tpu.memory_space<vmem>>
        %dma_wait3A_1076 = tpu.memref_squeeze %dma_wait3A_1075 : memref<1x8x512xf32, #tpu.memory_space<vmem>> -> memref<8x512xf32, #tpu.memory_space<vmem>>
        tpu.wait_dma2 semaphore(%arg12 : memref<!tpu.dma_semaphore, #tpu.memory_space<semaphore_mem>>) src(%dma_wait3A_1076 : memref<8x512xf32, #tpu.memory_space<vmem>>) dst(%dma_wait3A_1072 : memref<8x512xf32, #tpu.memory_space<hbm>>)
        %dma_wait3A_1077 = arith.constant 7 : i32
        %dma_wait3A_1078 = arith.constant 0 : i32
        %dma_wait3A_1079 = arith.constant 7 : i32
        %dma_wait3A_1080 = arith.constant 0 : i32
        %dma_wait3A_1081 = arith.constant 0 : i32
        %dma_wait3A_1082 = tpu.memref_slice %arg8[%dma_wait3A_1077, %dma_wait3A_1080, %dma_wait3A_1081] : memref<8x8x512xf32, #tpu.memory_space<vmem>> -> memref<1x8x512xf32, #tpu.memory_space<vmem>>
        %dma_wait3A_1083 = tpu.memref_squeeze %dma_wait3A_1082 : memref<1x8x512xf32, #tpu.memory_space<vmem>> -> memref<8x512xf32, #tpu.memory_space<vmem>>
        %dma_wait3A_1084 = arith.constant 0 : i32
        %dma_wait3A_1085 = arith.constant 0 : i32
        %dma_wait3A_1086 = tpu.memref_slice %arg4[%dma_wait3A_1078, %dma_wait3A_1079, %dma_wait3A_1084, %dma_wait3A_1085] : memref<16x16x512x512xf32, #tpu.memory_space<hbm>> -> memref<1x1x8x512xf32, #tpu.memory_space<hbm>>
        %dma_wait3A_1087 = tpu.memref_squeeze %dma_wait3A_1086 : memref<1x1x8x512xf32, #tpu.memory_space<hbm>> -> memref<8x512xf32, #tpu.memory_space<hbm>>
        %dma_wait3A_1088 = arith.constant 0 : i32
        %dma_wait3A_1089 = arith.constant 0 : i32
        %dma_wait3A_1090 = tpu.memref_slice %arg4[%dma_wait3A_1078, %dma_wait3A_1079, %dma_wait3A_1088, %dma_wait3A_1089] : memref<16x16x512x512xf32, #tpu.memory_space<hbm>> -> memref<1x1x8x512xf32, #tpu.memory_space<hbm>>
        %dma_wait3A_1091 = tpu.memref_squeeze %dma_wait3A_1090 : memref<1x1x8x512xf32, #tpu.memory_space<hbm>> -> memref<8x512xf32, #tpu.memory_space<hbm>>
        %dma_wait3A_1092 = arith.constant 0 : i32
        %dma_wait3A_1093 = arith.constant 0 : i32
        %dma_wait3A_1094 = tpu.memref_slice %arg8[%dma_wait3A_1077, %dma_wait3A_1092, %dma_wait3A_1093] : memref<8x8x512xf32, #tpu.memory_space<vmem>> -> memref<1x8x512xf32, #tpu.memory_space<vmem>>
        %dma_wait3A_1095 = tpu.memref_squeeze %dma_wait3A_1094 : memref<1x8x512xf32, #tpu.memory_space<vmem>> -> memref<8x512xf32, #tpu.memory_space<vmem>>
        tpu.wait_dma2 semaphore(%arg12 : memref<!tpu.dma_semaphore, #tpu.memory_space<semaphore_mem>>) src(%dma_wait3A_1095 : memref<8x512xf32, #tpu.memory_space<vmem>>) dst(%dma_wait3A_1091 : memref<8x512xf32, #tpu.memory_space<hbm>>)
      } else {
      }
      %scan3A_671 = arith.constant 0 : i32
      %scan3A_672 = arith.constant 0 : i32
      %scan3A_673 = arith.constant 8 : i32
      %scan3A_674 = arith.addi %scan3A_672, %scan3A_673 : i32
      %scan3A_675 = arith.constant 1 : i32
      scf.for %scan3A_944 = %scan3A_672 to %scan3A_674 step %scan3A_675  : i32 {
        %parallel_loop3A = arith.constant 0 : i32
        %parallel_loop3A_945 = arith.constant 512 : i32
        %parallel_loop3A_946 = arith.constant 16 : i32
        scf.for %parallel_loop3A_947 = %parallel_loop3A to %parallel_loop3A_945 step %parallel_loop3A_946  : i32 {
          %parallel_loop3A_948 = arith.index_cast %scan3A_944 : i32 to index
          %parallel_loop3A_949 = arith.index_cast %parallel_loop3A_947 : i32 to index
          %parallel_loop3A_950 = tpu.vector_load %arg7[%parallel_loop3A_948, %parallel_loop3A_949] {strides = array<i32>} : memref<8x512xi32, #tpu.memory_space<vmem>>, vector<16xi32>,
          %parallel_loop3A_951 = arith.constant 0 : i32
          %parallel_loop3A_952 = tpu.memref_slice %arg5[%parallel_loop3A_951] : memref<1024xf32, #tpu.memory_space<vmem>> -> memref<64xf32, #tpu.memory_space<vmem>>
          %parallel_loop3A_953 = tpu.vector_load_idx %parallel_loop3A_952[%parallel_loop3A_950] : memref<64xf32, #tpu.memory_space<vmem>>[vector<16xi32>], vector<16xf32>,
          %parallel_loop3A_954 = arith.constant 0 : i32
          %parallel_loop3A_955 = arith.index_cast %parallel_loop3A_954 : i32 to index
          %parallel_loop3A_956 = arith.index_cast %scan3A_944 : i32 to index
          %parallel_loop3A_957 = arith.index_cast %parallel_loop3A_947 : i32 to index
          %parallel_loop3A_958 = tpu.vector_load %arg8[%parallel_loop3A_955, %parallel_loop3A_956, %parallel_loop3A_957] {strides = array<i32>} : memref<8x8x512xf32, #tpu.memory_space<vmem>>, vector<16xf32>,
          tpu.vector_store %arg8[%parallel_loop3A_955, %parallel_loop3A_956, %parallel_loop3A_957], %parallel_loop3A_953 {strides = array<i32>} : memref<8x8x512xf32, #tpu.memory_space<vmem>>, vector<16xf32>,
          %parallel_loop3A_959 = arith.constant 64 : i32
          %parallel_loop3A_960 = tpu.memref_slice %arg5[%parallel_loop3A_959] : memref<1024xf32, #tpu.memory_space<vmem>> -> memref<64xf32, #tpu.memory_space<vmem>>
          %parallel_loop3A_961 = tpu.vector_load_idx %parallel_loop3A_960[%parallel_loop3A_950] : memref<64xf32, #tpu.memory_space<vmem>>[vector<16xi32>], vector<16xf32>,
          %parallel_loop3A_962 = arith.constant 1 : i32
          %parallel_loop3A_963 = arith.index_cast %parallel_loop3A_962 : i32 to index
          %parallel_loop3A_964 = arith.index_cast %scan3A_944 : i32 to index
          %parallel_loop3A_965 = arith.index_cast %parallel_loop3A_947 : i32 to index
          %parallel_loop3A_966 = tpu.vector_load %arg8[%parallel_loop3A_963, %parallel_loop3A_964, %parallel_loop3A_965] {strides = array<i32>} : memref<8x8x512xf32, #tpu.memory_space<vmem>>, vector<16xf32>,
          tpu.vector_store %arg8[%parallel_loop3A_963, %parallel_loop3A_964, %parallel_loop3A_965], %parallel_loop3A_961 {strides = array<i32>} : memref<8x8x512xf32, #tpu.memory_space<vmem>>, vector<16xf32>,
          %parallel_loop3A_967 = arith.constant 128 : i32
          %parallel_loop3A_968 = tpu.memref_slice %arg5[%parallel_loop3A_967] : memref<1024xf32, #tpu.memory_space<vmem>> -> memref<64xf32, #tpu.memory_space<vmem>>
          %parallel_loop3A_969 = tpu.vector_load_idx %parallel_loop3A_968[%parallel_loop3A_950] : memref<64xf32, #tpu.memory_space<vmem>>[vector<16xi32>], vector<16xf32>,
          %parallel_loop3A_970 = arith.constant 2 : i32
          %parallel_loop3A_971 = arith.index_cast %parallel_loop3A_970 : i32 to index
          %parallel_loop3A_972 = arith.index_cast %scan3A_944 : i32 to index
          %parallel_loop3A_973 = arith.index_cast %parallel_loop3A_947 : i32 to index
          %parallel_loop3A_974 = tpu.vector_load %arg8[%parallel_loop3A_971, %parallel_loop3A_972, %parallel_loop3A_973] {strides = array<i32>} : memref<8x8x512xf32, #tpu.memory_space<vmem>>, vector<16xf32>,
          tpu.vector_store %arg8[%parallel_loop3A_971, %parallel_loop3A_972, %parallel_loop3A_973], %parallel_loop3A_969 {strides = array<i32>} : memref<8x8x512xf32, #tpu.memory_space<vmem>>, vector<16xf32>,
          %parallel_loop3A_975 = arith.constant 192 : i32
          %parallel_loop3A_976 = tpu.memref_slice %arg5[%parallel_loop3A_975] : memref<1024xf32, #tpu.memory_space<vmem>> -> memref<64xf32, #tpu.memory_space<vmem>>
          %parallel_loop3A_977 = tpu.vector_load_idx %parallel_loop3A_976[%parallel_loop3A_950] : memref<64xf32, #tpu.memory_space<vmem>>[vector<16xi32>], vector<16xf32>,
          %parallel_loop3A_978 = arith.constant 3 : i32
          %parallel_loop3A_979 = arith.index_cast %parallel_loop3A_978 : i32 to index
          %parallel_loop3A_980 = arith.index_cast %scan3A_944 : i32 to index
          %parallel_loop3A_981 = arith.index_cast %parallel_loop3A_947 : i32 to index
          %parallel_loop3A_982 = tpu.vector_load %arg8[%parallel_loop3A_979, %parallel_loop3A_980, %parallel_loop3A_981] {strides = array<i32>} : memref<8x8x512xf32, #tpu.memory_space<vmem>>, vector<16xf32>,
          tpu.vector_store %arg8[%parallel_loop3A_979, %parallel_loop3A_980, %parallel_loop3A_981], %parallel_loop3A_977 {strides = array<i32>} : memref<8x8x512xf32, #tpu.memory_space<vmem>>, vector<16xf32>,
          %parallel_loop3A_983 = arith.constant 256 : i32
          %parallel_loop3A_984 = tpu.memref_slice %arg5[%parallel_loop3A_983] : memref<1024xf32, #tpu.memory_space<vmem>> -> memref<64xf32, #tpu.memory_space<vmem>>
          %parallel_loop3A_985 = tpu.vector_load_idx %parallel_loop3A_984[%parallel_loop3A_950] : memref<64xf32, #tpu.memory_space<vmem>>[vector<16xi32>], vector<16xf32>,
          %parallel_loop3A_986 = arith.constant 4 : i32
          %parallel_loop3A_987 = arith.index_cast %parallel_loop3A_986 : i32 to index
          %parallel_loop3A_988 = arith.index_cast %scan3A_944 : i32 to index
          %parallel_loop3A_989 = arith.index_cast %parallel_loop3A_947 : i32 to index
          %parallel_loop3A_990 = tpu.vector_load %arg8[%parallel_loop3A_987, %parallel_loop3A_988, %parallel_loop3A_989] {strides = array<i32>} : memref<8x8x512xf32, #tpu.memory_space<vmem>>, vector<16xf32>,
          tpu.vector_store %arg8[%parallel_loop3A_987, %parallel_loop3A_988, %parallel_loop3A_989], %parallel_loop3A_985 {strides = array<i32>} : memref<8x8x512xf32, #tpu.memory_space<vmem>>, vector<16xf32>,
          %parallel_loop3A_991 = arith.constant 320 : i32
          %parallel_loop3A_992 = tpu.memref_slice %arg5[%parallel_loop3A_991] : memref<1024xf32, #tpu.memory_space<vmem>> -> memref<64xf32, #tpu.memory_space<vmem>>
          %parallel_loop3A_993 = tpu.vector_load_idx %parallel_loop3A_992[%parallel_loop3A_950] : memref<64xf32, #tpu.memory_space<vmem>>[vector<16xi32>], vector<16xf32>,
          %parallel_loop3A_994 = arith.constant 5 : i32
          %parallel_loop3A_995 = arith.index_cast %parallel_loop3A_994 : i32 to index
          %parallel_loop3A_996 = arith.index_cast %scan3A_944 : i32 to index
          %parallel_loop3A_997 = arith.index_cast %parallel_loop3A_947 : i32 to index
          %parallel_loop3A_998 = tpu.vector_load %arg8[%parallel_loop3A_995, %parallel_loop3A_996, %parallel_loop3A_997] {strides = array<i32>} : memref<8x8x512xf32, #tpu.memory_space<vmem>>, vector<16xf32>,
          tpu.vector_store %arg8[%parallel_loop3A_995, %parallel_loop3A_996, %parallel_loop3A_997], %parallel_loop3A_993 {strides = array<i32>} : memref<8x8x512xf32, #tpu.memory_space<vmem>>, vector<16xf32>,
          %parallel_loop3A_999 = arith.constant 384 : i32
          %parallel_loop3A_1000 = tpu.memref_slice %arg5[%parallel_loop3A_999] : memref<1024xf32, #tpu.memory_space<vmem>> -> memref<64xf32, #tpu.memory_space<vmem>>
          %parallel_loop3A_1001 = tpu.vector_load_idx %parallel_loop3A_1000[%parallel_loop3A_950] : memref<64xf32, #tpu.memory_space<vmem>>[vector<16xi32>], vector<16xf32>,
          %parallel_loop3A_1002 = arith.constant 6 : i32
          %parallel_loop3A_1003 = arith.index_cast %parallel_loop3A_1002 : i32 to index
          %parallel_loop3A_1004 = arith.index_cast %scan3A_944 : i32 to index
          %parallel_loop3A_1005 = arith.index_cast %parallel_loop3A_947 : i32 to index
          %parallel_loop3A_1006 = tpu.vector_load %arg8[%parallel_loop3A_1003, %parallel_loop3A_1004, %parallel_loop3A_1005] {strides = array<i32>} : memref<8x8x512xf32, #tpu.memory_space<vmem>>, vector<16xf32>,
          tpu.vector_store %arg8[%parallel_loop3A_1003, %parallel_loop3A_1004, %parallel_loop3A_1005], %parallel_loop3A_1001 {strides = array<i32>} : memref<8x8x512xf32, #tpu.memory_space<vmem>>, vector<16xf32>,
          %parallel_loop3A_1007 = arith.constant 448 : i32
          %parallel_loop3A_1008 = tpu.memref_slice %arg5[%parallel_loop3A_1007] : memref<1024xf32, #tpu.memory_space<vmem>> -> memref<64xf32, #tpu.memory_space<vmem>>
          %parallel_loop3A_1009 = tpu.vector_load_idx %parallel_loop3A_1008[%parallel_loop3A_950] : memref<64xf32, #tpu.memory_space<vmem>>[vector<16xi32>], vector<16xf32>,
          %parallel_loop3A_1010 = arith.constant 7 : i32
          %parallel_loop3A_1011 = arith.index_cast %parallel_loop3A_1010 : i32 to index
          %parallel_loop3A_1012 = arith.index_cast %scan3A_944 : i32 to index
          %parallel_loop3A_1013 = arith.index_cast %parallel_loop3A_947 : i32 to index
          %parallel_loop3A_1014 = tpu.vector_load %arg8[%parallel_loop3A_1011, %parallel_loop3A_1012, %parallel_loop3A_1013] {strides = array<i32>} : memref<8x8x512xf32, #tpu.memory_space<vmem>>, vector<16xf32>,
          tpu.vector_store %arg8[%parallel_loop3A_1011, %parallel_loop3A_1012, %parallel_loop3A_1013], %parallel_loop3A_1009 {strides = array<i32>} : memref<8x8x512xf32, #tpu.memory_space<vmem>>, vector<16xf32>,
        } {sc.loop_unroll_factor = 2 : i64, sc.parallel_access}
      }
      %scan3A_676 = arith.constant 8 : i32
      %dma_start3A_677 = arith.constant 0 : i32
      %dma_start3A_678 = arith.constant 0 : i32
      %dma_start3A_679 = arith.constant 0 : i32
      %dma_start3A_680 = arith.constant 0 : i32
      %dma_start3A_681 = tpu.memref_slice %arg8[%dma_start3A_677, %dma_start3A_679, %dma_start3A_680] : memref<8x8x512xf32, #tpu.memory_space<vmem>> -> memref<1x8x512xf32, #tpu.memory_space<vmem>>
      %dma_start3A_682 = tpu.memref_squeeze %dma_start3A_681 : memref<1x8x512xf32, #tpu.memory_space<vmem>> -> memref<8x512xf32, #tpu.memory_space<vmem>>
      %dma_start3A_683 = arith.constant 0 : i32
      %dma_start3A_684 = tpu.memref_slice %arg4[%select_n3A, %dma_start3A_678, %add3A_665, %dma_start3A_683] : memref<16x16x512x512xf32, #tpu.memory_space<hbm>> -> memref<1x1x8x512xf32, #tpu.memory_space<hbm>>
      %dma_start3A_685 = tpu.memref_squeeze %dma_start3A_684 : memref<1x1x8x512xf32, #tpu.memory_space<hbm>> -> memref<8x512xf32, #tpu.memory_space<hbm>>
      %dma_start3A_686 = arith.constant 0 : i32
      %dma_start3A_687 = tpu.memref_slice %arg4[%select_n3A, %dma_start3A_678, %add3A_665, %dma_start3A_686] : memref<16x16x512x512xf32, #tpu.memory_space<hbm>> -> memref<1x1x8x512xf32, #tpu.memory_space<hbm>>
      %dma_start3A_688 = tpu.memref_squeeze %dma_start3A_687 : memref<1x1x8x512xf32, #tpu.memory_space<hbm>> -> memref<8x512xf32, #tpu.memory_space<hbm>>
      %dma_start3A_689 = arith.constant 0 : i32
      %dma_start3A_690 = arith.constant 0 : i32
      %dma_start3A_691 = tpu.memref_slice %arg8[%dma_start3A_677, %dma_start3A_689, %dma_start3A_690] : memref<8x8x512xf32, #tpu.memory_space<vmem>> -> memref<1x8x512xf32, #tpu.memory_space<vmem>>
      %dma_start3A_692 = tpu.memref_squeeze %dma_start3A_691 : memref<1x8x512xf32, #tpu.memory_space<vmem>> -> memref<8x512xf32, #tpu.memory_space<vmem>>
      tpu.enqueue_dma source(%dma_start3A_692 : memref<8x512xf32, #tpu.memory_space<vmem>>) target(%dma_start3A_688 : memref<8x512xf32, #tpu.memory_space<hbm>>) target_semaphore(%arg12 : memref<!tpu.dma_semaphore, #tpu.memory_space<semaphore_mem>>)
      %dma_start3A_693 = arith.constant 1 : i32
      %dma_start3A_694 = arith.constant 1 : i32
      %dma_start3A_695 = arith.constant 0 : i32
      %dma_start3A_696 = arith.constant 0 : i32
      %dma_start3A_697 = tpu.memref_slice %arg8[%dma_start3A_693, %dma_start3A_695, %dma_start3A_696] : memref<8x8x512xf32, #tpu.memory_space<vmem>> -> memref<1x8x512xf32, #tpu.memory_space<vmem>>
      %dma_start3A_698 = tpu.memref_squeeze %dma_start3A_697 : memref<1x8x512xf32, #tpu.memory_space<vmem>> -> memref<8x512xf32, #tpu.memory_space<vmem>>
      %dma_start3A_699 = arith.constant 0 : i32
      %dma_start3A_700 = tpu.memref_slice %arg4[%select_n3A, %dma_start3A_694, %add3A_665, %dma_start3A_699] : memref<16x16x512x512xf32, #tpu.memory_space<hbm>> -> memref<1x1x8x512xf32, #tpu.memory_space<hbm>>
      %dma_start3A_701 = tpu.memref_squeeze %dma_start3A_700 : memref<1x1x8x512xf32, #tpu.memory_space<hbm>> -> memref<8x512xf32, #tpu.memory_space<hbm>>
      %dma_start3A_702 = arith.constant 0 : i32
      %dma_start3A_703 = tpu.memref_slice %arg4[%select_n3A, %dma_start3A_694, %add3A_665, %dma_start3A_702] : memref<16x16x512x512xf32, #tpu.memory_space<hbm>> -> memref<1x1x8x512xf32, #tpu.memory_space<hbm>>
      %dma_start3A_704 = tpu.memref_squeeze %dma_start3A_703 : memref<1x1x8x512xf32, #tpu.memory_space<hbm>> -> memref<8x512xf32, #tpu.memory_space<hbm>>
      %dma_start3A_705 = arith.constant 0 : i32
      %dma_start3A_706 = arith.constant 0 : i32
      %dma_start3A_707 = tpu.memref_slice %arg8[%dma_start3A_693, %dma_start3A_705, %dma_start3A_706] : memref<8x8x512xf32, #tpu.memory_space<vmem>> -> memref<1x8x512xf32, #tpu.memory_space<vmem>>
      %dma_start3A_708 = tpu.memref_squeeze %dma_start3A_707 : memref<1x8x512xf32, #tpu.memory_space<vmem>> -> memref<8x512xf32, #tpu.memory_space<vmem>>
      tpu.enqueue_dma source(%dma_start3A_708 : memref<8x512xf32, #tpu.memory_space<vmem>>) target(%dma_start3A_704 : memref<8x512xf32, #tpu.memory_space<hbm>>) target_semaphore(%arg12 : memref<!tpu.dma_semaphore, #tpu.memory_space<semaphore_mem>>)
      %dma_start3A_709 = arith.constant 2 : i32
      %dma_start3A_710 = arith.constant 2 : i32
      %dma_start3A_711 = arith.constant 0 : i32
      %dma_start3A_712 = arith.constant 0 : i32
      %dma_start3A_713 = tpu.memref_slice %arg8[%dma_start3A_709, %dma_start3A_711, %dma_start3A_712] : memref<8x8x512xf32, #tpu.memory_space<vmem>> -> memref<1x8x512xf32, #tpu.memory_space<vmem>>
      %dma_start3A_714 = tpu.memref_squeeze %dma_start3A_713 : memref<1x8x512xf32, #tpu.memory_space<vmem>> -> memref<8x512xf32, #tpu.memory_space<vmem>>
      %dma_start3A_715 = arith.constant 0 : i32
      %dma_start3A_716 = tpu.memref_slice %arg4[%select_n3A, %dma_start3A_710, %add3A_665, %dma_start3A_715] : memref<16x16x512x512xf32, #tpu.memory_space<hbm>> -> memref<1x1x8x512xf32, #tpu.memory_space<hbm>>
      %dma_start3A_717 = tpu.memref_squeeze %dma_start3A_716 : memref<1x1x8x512xf32, #tpu.memory_space<hbm>> -> memref<8x512xf32, #tpu.memory_space<hbm>>
      %dma_start3A_718 = arith.constant 0 : i32
      %dma_start3A_719 = tpu.memref_slice %arg4[%select_n3A, %dma_start3A_710, %add3A_665, %dma_start3A_718] : memref<16x16x512x512xf32, #tpu.memory_space<hbm>> -> memref<1x1x8x512xf32, #tpu.memory_space<hbm>>
      %dma_start3A_720 = tpu.memref_squeeze %dma_start3A_719 : memref<1x1x8x512xf32, #tpu.memory_space<hbm>> -> memref<8x512xf32, #tpu.memory_space<hbm>>
      %dma_start3A_721 = arith.constant 0 : i32
      %dma_start3A_722 = arith.constant 0 : i32
      %dma_start3A_723 = tpu.memref_slice %arg8[%dma_start3A_709, %dma_start3A_721, %dma_start3A_722] : memref<8x8x512xf32, #tpu.memory_space<vmem>> -> memref<1x8x512xf32, #tpu.memory_space<vmem>>
      %dma_start3A_724 = tpu.memref_squeeze %dma_start3A_723 : memref<1x8x512xf32, #tpu.memory_space<vmem>> -> memref<8x512xf32, #tpu.memory_space<vmem>>
      tpu.enqueue_dma source(%dma_start3A_724 : memref<8x512xf32, #tpu.memory_space<vmem>>) target(%dma_start3A_720 : memref<8x512xf32, #tpu.memory_space<hbm>>) target_semaphore(%arg12 : memref<!tpu.dma_semaphore, #tpu.memory_space<semaphore_mem>>)
      %dma_start3A_725 = arith.constant 3 : i32
      %dma_start3A_726 = arith.constant 3 : i32
      %dma_start3A_727 = arith.constant 0 : i32
      %dma_start3A_728 = arith.constant 0 : i32
      %dma_start3A_729 = tpu.memref_slice %arg8[%dma_start3A_725, %dma_start3A_727, %dma_start3A_728] : memref<8x8x512xf32, #tpu.memory_space<vmem>> -> memref<1x8x512xf32, #tpu.memory_space<vmem>>
      %dma_start3A_730 = tpu.memref_squeeze %dma_start3A_729 : memref<1x8x512xf32, #tpu.memory_space<vmem>> -> memref<8x512xf32, #tpu.memory_space<vmem>>
      %dma_start3A_731 = arith.constant 0 : i32
      %dma_start3A_732 = tpu.memref_slice %arg4[%select_n3A, %dma_start3A_726, %add3A_665, %dma_start3A_731] : memref<16x16x512x512xf32, #tpu.memory_space<hbm>> -> memref<1x1x8x512xf32, #tpu.memory_space<hbm>>
      %dma_start3A_733 = tpu.memref_squeeze %dma_start3A_732 : memref<1x1x8x512xf32, #tpu.memory_space<hbm>> -> memref<8x512xf32, #tpu.memory_space<hbm>>
      %dma_start3A_734 = arith.constant 0 : i32
      %dma_start3A_735 = tpu.memref_slice %arg4[%select_n3A, %dma_start3A_726, %add3A_665, %dma_start3A_734] : memref<16x16x512x512xf32, #tpu.memory_space<hbm>> -> memref<1x1x8x512xf32, #tpu.memory_space<hbm>>
      %dma_start3A_736 = tpu.memref_squeeze %dma_start3A_735 : memref<1x1x8x512xf32, #tpu.memory_space<hbm>> -> memref<8x512xf32, #tpu.memory_space<hbm>>
      %dma_start3A_737 = arith.constant 0 : i32
      %dma_start3A_738 = arith.constant 0 : i32
      %dma_start3A_739 = tpu.memref_slice %arg8[%dma_start3A_725, %dma_start3A_737, %dma_start3A_738] : memref<8x8x512xf32, #tpu.memory_space<vmem>> -> memref<1x8x512xf32, #tpu.memory_space<vmem>>
      %dma_start3A_740 = tpu.memref_squeeze %dma_start3A_739 : memref<1x8x512xf32, #tpu.memory_space<vmem>> -> memref<8x512xf32, #tpu.memory_space<vmem>>
      tpu.enqueue_dma source(%dma_start3A_740 : memref<8x512xf32, #tpu.memory_space<vmem>>) target(%dma_start3A_736 : memref<8x512xf32, #tpu.memory_space<hbm>>) target_semaphore(%arg12 : memref<!tpu.dma_semaphore, #tpu.memory_space<semaphore_mem>>)
      %dma_start3A_741 = arith.constant 4 : i32
      %dma_start3A_742 = arith.constant 4 : i32
      %dma_start3A_743 = arith.constant 0 : i32
      %dma_start3A_744 = arith.constant 0 : i32
      %dma_start3A_745 = tpu.memref_slice %arg8[%dma_start3A_741, %dma_start3A_743, %dma_start3A_744] : memref<8x8x512xf32, #tpu.memory_space<vmem>> -> memref<1x8x512xf32, #tpu.memory_space<vmem>>
      %dma_start3A_746 = tpu.memref_squeeze %dma_start3A_745 : memref<1x8x512xf32, #tpu.memory_space<vmem>> -> memref<8x512xf32, #tpu.memory_space<vmem>>
      %dma_start3A_747 = arith.constant 0 : i32
      %dma_start3A_748 = tpu.memref_slice %arg4[%select_n3A, %dma_start3A_742, %add3A_665, %dma_start3A_747] : memref<16x16x512x512xf32, #tpu.memory_space<hbm>> -> memref<1x1x8x512xf32, #tpu.memory_space<hbm>>
      %dma_start3A_749 = tpu.memref_squeeze %dma_start3A_748 : memref<1x1x8x512xf32, #tpu.memory_space<hbm>> -> memref<8x512xf32, #tpu.memory_space<hbm>>
      %dma_start3A_750 = arith.constant 0 : i32
      %dma_start3A_751 = tpu.memref_slice %arg4[%select_n3A, %dma_start3A_742, %add3A_665, %dma_start3A_750] : memref<16x16x512x512xf32, #tpu.memory_space<hbm>> -> memref<1x1x8x512xf32, #tpu.memory_space<hbm>>
      %dma_start3A_752 = tpu.memref_squeeze %dma_start3A_751 : memref<1x1x8x512xf32, #tpu.memory_space<hbm>> -> memref<8x512xf32, #tpu.memory_space<hbm>>
      %dma_start3A_753 = arith.constant 0 : i32
      %dma_start3A_754 = arith.constant 0 : i32
      %dma_start3A_755 = tpu.memref_slice %arg8[%dma_start3A_741, %dma_start3A_753, %dma_start3A_754] : memref<8x8x512xf32, #tpu.memory_space<vmem>> -> memref<1x8x512xf32, #tpu.memory_space<vmem>>
      %dma_start3A_756 = tpu.memref_squeeze %dma_start3A_755 : memref<1x8x512xf32, #tpu.memory_space<vmem>> -> memref<8x512xf32, #tpu.memory_space<vmem>>
      tpu.enqueue_dma source(%dma_start3A_756 : memref<8x512xf32, #tpu.memory_space<vmem>>) target(%dma_start3A_752 : memref<8x512xf32, #tpu.memory_space<hbm>>) target_semaphore(%arg12 : memref<!tpu.dma_semaphore, #tpu.memory_space<semaphore_mem>>)
      %dma_start3A_757 = arith.constant 5 : i32
      %dma_start3A_758 = arith.constant 5 : i32
      %dma_start3A_759 = arith.constant 0 : i32
      %dma_start3A_760 = arith.constant 0 : i32
      %dma_start3A_761 = tpu.memref_slice %arg8[%dma_start3A_757, %dma_start3A_759, %dma_start3A_760] : memref<8x8x512xf32, #tpu.memory_space<vmem>> -> memref<1x8x512xf32, #tpu.memory_space<vmem>>
      %dma_start3A_762 = tpu.memref_squeeze %dma_start3A_761 : memref<1x8x512xf32, #tpu.memory_space<vmem>> -> memref<8x512xf32, #tpu.memory_space<vmem>>
      %dma_start3A_763 = arith.constant 0 : i32
      %dma_start3A_764 = tpu.memref_slice %arg4[%select_n3A, %dma_start3A_758, %add3A_665, %dma_start3A_763] : memref<16x16x512x512xf32, #tpu.memory_space<hbm>> -> memref<1x1x8x512xf32, #tpu.memory_space<hbm>>
      %dma_start3A_765 = tpu.memref_squeeze %dma_start3A_764 : memref<1x1x8x512xf32, #tpu.memory_space<hbm>> -> memref<8x512xf32, #tpu.memory_space<hbm>>
      %dma_start3A_766 = arith.constant 0 : i32
      %dma_start3A_767 = tpu.memref_slice %arg4[%select_n3A, %dma_start3A_758, %add3A_665, %dma_start3A_766] : memref<16x16x512x512xf32, #tpu.memory_space<hbm>> -> memref<1x1x8x512xf32, #tpu.memory_space<hbm>>
      %dma_start3A_768 = tpu.memref_squeeze %dma_start3A_767 : memref<1x1x8x512xf32, #tpu.memory_space<hbm>> -> memref<8x512xf32, #tpu.memory_space<hbm>>
      %dma_start3A_769 = arith.constant 0 : i32
      %dma_start3A_770 = arith.constant 0 : i32
      %dma_start3A_771 = tpu.memref_slice %arg8[%dma_start3A_757, %dma_start3A_769, %dma_start3A_770] : memref<8x8x512xf32, #tpu.memory_space<vmem>> -> memref<1x8x512xf32, #tpu.memory_space<vmem>>
      %dma_start3A_772 = tpu.memref_squeeze %dma_start3A_771 : memref<1x8x512xf32, #tpu.memory_space<vmem>> -> memref<8x512xf32, #tpu.memory_space<vmem>>
      tpu.enqueue_dma source(%dma_start3A_772 : memref<8x512xf32, #tpu.memory_space<vmem>>) target(%dma_start3A_768 : memref<8x512xf32, #tpu.memory_space<hbm>>) target_semaphore(%arg12 : memref<!tpu.dma_semaphore, #tpu.memory_space<semaphore_mem>>)
      %dma_start3A_773 = arith.constant 6 : i32
      %dma_start3A_774 = arith.constant 6 : i32
      %dma_start3A_775 = arith.constant 0 : i32
      %dma_start3A_776 = arith.constant 0 : i32
      %dma_start3A_777 = tpu.memref_slice %arg8[%dma_start3A_773, %dma_start3A_775, %dma_start3A_776] : memref<8x8x512xf32, #tpu.memory_space<vmem>> -> memref<1x8x512xf32, #tpu.memory_space<vmem>>
      %dma_start3A_778 = tpu.memref_squeeze %dma_start3A_777 : memref<1x8x512xf32, #tpu.memory_space<vmem>> -> memref<8x512xf32, #tpu.memory_space<vmem>>
      %dma_start3A_779 = arith.constant 0 : i32
      %dma_start3A_780 = tpu.memref_slice %arg4[%select_n3A, %dma_start3A_774, %add3A_665, %dma_start3A_779] : memref<16x16x512x512xf32, #tpu.memory_space<hbm>> -> memref<1x1x8x512xf32, #tpu.memory_space<hbm>>
      %dma_start3A_781 = tpu.memref_squeeze %dma_start3A_780 : memref<1x1x8x512xf32, #tpu.memory_space<hbm>> -> memref<8x512xf32, #tpu.memory_space<hbm>>
      %dma_start3A_782 = arith.constant 0 : i32
      %dma_start3A_783 = tpu.memref_slice %arg4[%select_n3A, %dma_start3A_774, %add3A_665, %dma_start3A_782] : memref<16x16x512x512xf32, #tpu.memory_space<hbm>> -> memref<1x1x8x512xf32, #tpu.memory_space<hbm>>
      %dma_start3A_784 = tpu.memref_squeeze %dma_start3A_783 : memref<1x1x8x512xf32, #tpu.memory_space<hbm>> -> memref<8x512xf32, #tpu.memory_space<hbm>>
      %dma_start3A_785 = arith.constant 0 : i32
      %dma_start3A_786 = arith.constant 0 : i32
      %dma_start3A_787 = tpu.memref_slice %arg8[%dma_start3A_773, %dma_start3A_785, %dma_start3A_786] : memref<8x8x512xf32, #tpu.memory_space<vmem>> -> memref<1x8x512xf32, #tpu.memory_space<vmem>>
      %dma_start3A_788 = tpu.memref_squeeze %dma_start3A_787 : memref<1x8x512xf32, #tpu.memory_space<vmem>> -> memref<8x512xf32, #tpu.memory_space<vmem>>
      tpu.enqueue_dma source(%dma_start3A_788 : memref<8x512xf32, #tpu.memory_space<vmem>>) target(%dma_start3A_784 : memref<8x512xf32, #tpu.memory_space<hbm>>) target_semaphore(%arg12 : memref<!tpu.dma_semaphore, #tpu.memory_space<semaphore_mem>>)
      %dma_start3A_789 = arith.constant 7 : i32
      %dma_start3A_790 = arith.constant 7 : i32
      %dma_start3A_791 = arith.constant 0 : i32
      %dma_start3A_792 = arith.constant 0 : i32
      %dma_start3A_793 = tpu.memref_slice %arg8[%dma_start3A_789, %dma_start3A_791, %dma_start3A_792] : memref<8x8x512xf32, #tpu.memory_space<vmem>> -> memref<1x8x512xf32, #tpu.memory_space<vmem>>
      %dma_start3A_794 = tpu.memref_squeeze %dma_start3A_793 : memref<1x8x512xf32, #tpu.memory_space<vmem>> -> memref<8x512xf32, #tpu.memory_space<vmem>>
      %dma_start3A_795 = arith.constant 0 : i32
      %dma_start3A_796 = tpu.memref_slice %arg4[%select_n3A, %dma_start3A_790, %add3A_665, %dma_start3A_795] : memref<16x16x512x512xf32, #tpu.memory_space<hbm>> -> memref<1x1x8x512xf32, #tpu.memory_space<hbm>>
      %dma_start3A_797 = tpu.memref_squeeze %dma_start3A_796 : memref<1x1x8x512xf32, #tpu.memory_space<hbm>> -> memref<8x512xf32, #tpu.memory_space<hbm>>
      %dma_start3A_798 = arith.constant 0 : i32
      %dma_start3A_799 = tpu.memref_slice %arg4[%select_n3A, %dma_start3A_790, %add3A_665, %dma_start3A_798] : memref<16x16x512x512xf32, #tpu.memory_space<hbm>> -> memref<1x1x8x512xf32, #tpu.memory_space<hbm>>
      %dma_start3A_800 = tpu.memref_squeeze %dma_start3A_799 : memref<1x1x8x512xf32, #tpu.memory_space<hbm>> -> memref<8x512xf32, #tpu.memory_space<hbm>>
      %dma_start3A_801 = arith.constant 0 : i32
      %dma_start3A_802 = arith.constant 0 : i32
      %dma_start3A_803 = tpu.memref_slice %arg8[%dma_start3A_789, %dma_start3A_801, %dma_start3A_802] : memref<8x8x512xf32, #tpu.memory_space<vmem>> -> memref<1x8x512xf32, #tpu.memory_space<vmem>>
      %dma_start3A_804 = tpu.memref_squeeze %dma_start3A_803 : memref<1x8x512xf32, #tpu.memory_space<vmem>> -> memref<8x512xf32, #tpu.memory_space<vmem>>
      tpu.enqueue_dma source(%dma_start3A_804 : memref<8x512xf32, #tpu.memory_space<vmem>>) target(%dma_start3A_800 : memref<8x512xf32, #tpu.memory_space<hbm>>) target_semaphore(%arg12 : memref<!tpu.dma_semaphore, #tpu.memory_space<semaphore_mem>>)
      %ge3A_805 = arith.constant 1 : i32
      %ge3A_806 = arith.cmpi sge, %add3A_646, %ge3A_805 : i32
      %convert_element_type3A_807 = arith.extui %ge3A_806 : i1 to i32
      %cond3A_808 = arith.constant 0 : i32
      %cond3A_809 = arith.cmpi ne, %convert_element_type3A_807, %cond3A_808 : i32
      scf.if %cond3A_809 {
        %dma_wait3A_944 = arith.constant 0 : i32
        %dma_wait3A_945 = arith.constant 0 : i32
        %dma_wait3A_946 = arith.constant 0 : i32
        %dma_wait3A_947 = arith.constant 0 : i32
        %dma_wait3A_948 = arith.constant 0 : i32
        %dma_wait3A_949 = tpu.memref_slice %arg9[%dma_wait3A_944, %dma_wait3A_947, %dma_wait3A_948] : memref<8x8x512xf32, #tpu.memory_space<vmem>> -> memref<1x8x512xf32, #tpu.memory_space<vmem>>
        %dma_wait3A_950 = tpu.memref_squeeze %dma_wait3A_949 : memref<1x8x512xf32, #tpu.memory_space<vmem>> -> memref<8x512xf32, #tpu.memory_space<vmem>>
        %dma_wait3A_951 = arith.constant 0 : i32
        %dma_wait3A_952 = arith.constant 0 : i32
        %dma_wait3A_953 = tpu.memref_slice %arg4[%dma_wait3A_945, %dma_wait3A_946, %dma_wait3A_951, %dma_wait3A_952] : memref<16x16x512x512xf32, #tpu.memory_space<hbm>> -> memref<1x1x8x512xf32, #tpu.memory_space<hbm>>
        %dma_wait3A_954 = tpu.memref_squeeze %dma_wait3A_953 : memref<1x1x8x512xf32, #tpu.memory_space<hbm>> -> memref<8x512xf32, #tpu.memory_space<hbm>>
        %dma_wait3A_955 = arith.constant 0 : i32
        %dma_wait3A_956 = arith.constant 0 : i32
        %dma_wait3A_957 = tpu.memref_slice %arg4[%dma_wait3A_945, %dma_wait3A_946, %dma_wait3A_955, %dma_wait3A_956] : memref<16x16x512x512xf32, #tpu.memory_space<hbm>> -> memref<1x1x8x512xf32, #tpu.memory_space<hbm>>
        %dma_wait3A_958 = tpu.memref_squeeze %dma_wait3A_957 : memref<1x1x8x512xf32, #tpu.memory_space<hbm>> -> memref<8x512xf32, #tpu.memory_space<hbm>>
        %dma_wait3A_959 = arith.constant 0 : i32
        %dma_wait3A_960 = arith.constant 0 : i32
        %dma_wait3A_961 = tpu.memref_slice %arg9[%dma_wait3A_944, %dma_wait3A_959, %dma_wait3A_960] : memref<8x8x512xf32, #tpu.memory_space<vmem>> -> memref<1x8x512xf32, #tpu.memory_space<vmem>>
        %dma_wait3A_962 = tpu.memref_squeeze %dma_wait3A_961 : memref<1x8x512xf32, #tpu.memory_space<vmem>> -> memref<8x512xf32, #tpu.memory_space<vmem>>
        tpu.wait_dma2 semaphore(%arg13 : memref<!tpu.dma_semaphore, #tpu.memory_space<semaphore_mem>>) src(%dma_wait3A_962 : memref<8x512xf32, #tpu.memory_space<vmem>>) dst(%dma_wait3A_958 : memref<8x512xf32, #tpu.memory_space<hbm>>)
        %dma_wait3A_963 = arith.constant 1 : i32
        %dma_wait3A_964 = arith.constant 0 : i32
        %dma_wait3A_965 = arith.constant 1 : i32
        %dma_wait3A_966 = arith.constant 0 : i32
        %dma_wait3A_967 = arith.constant 0 : i32
        %dma_wait3A_968 = tpu.memref_slice %arg9[%dma_wait3A_963, %dma_wait3A_966, %dma_wait3A_967] : memref<8x8x512xf32, #tpu.memory_space<vmem>> -> memref<1x8x512xf32, #tpu.memory_space<vmem>>
        %dma_wait3A_969 = tpu.memref_squeeze %dma_wait3A_968 : memref<1x8x512xf32, #tpu.memory_space<vmem>> -> memref<8x512xf32, #tpu.memory_space<vmem>>
        %dma_wait3A_970 = arith.constant 0 : i32
        %dma_wait3A_971 = arith.constant 0 : i32
        %dma_wait3A_972 = tpu.memref_slice %arg4[%dma_wait3A_964, %dma_wait3A_965, %dma_wait3A_970, %dma_wait3A_971] : memref<16x16x512x512xf32, #tpu.memory_space<hbm>> -> memref<1x1x8x512xf32, #tpu.memory_space<hbm>>
        %dma_wait3A_973 = tpu.memref_squeeze %dma_wait3A_972 : memref<1x1x8x512xf32, #tpu.memory_space<hbm>> -> memref<8x512xf32, #tpu.memory_space<hbm>>
        %dma_wait3A_974 = arith.constant 0 : i32
        %dma_wait3A_975 = arith.constant 0 : i32
        %dma_wait3A_976 = tpu.memref_slice %arg4[%dma_wait3A_964, %dma_wait3A_965, %dma_wait3A_974, %dma_wait3A_975] : memref<16x16x512x512xf32, #tpu.memory_space<hbm>> -> memref<1x1x8x512xf32, #tpu.memory_space<hbm>>
        %dma_wait3A_977 = tpu.memref_squeeze %dma_wait3A_976 : memref<1x1x8x512xf32, #tpu.memory_space<hbm>> -> memref<8x512xf32, #tpu.memory_space<hbm>>
        %dma_wait3A_978 = arith.constant 0 : i32
        %dma_wait3A_979 = arith.constant 0 : i32
        %dma_wait3A_980 = tpu.memref_slice %arg9[%dma_wait3A_963, %dma_wait3A_978, %dma_wait3A_979] : memref<8x8x512xf32, #tpu.memory_space<vmem>> -> memref<1x8x512xf32, #tpu.memory_space<vmem>>
        %dma_wait3A_981 = tpu.memref_squeeze %dma_wait3A_980 : memref<1x8x512xf32, #tpu.memory_space<vmem>> -> memref<8x512xf32, #tpu.memory_space<vmem>>
        tpu.wait_dma2 semaphore(%arg13 : memref<!tpu.dma_semaphore, #tpu.memory_space<semaphore_mem>>) src(%dma_wait3A_981 : memref<8x512xf32, #tpu.memory_space<vmem>>) dst(%dma_wait3A_977 : memref<8x512xf32, #tpu.memory_space<hbm>>)
        %dma_wait3A_982 = arith.constant 2 : i32
        %dma_wait3A_983 = arith.constant 0 : i32
        %dma_wait3A_984 = arith.constant 2 : i32
        %dma_wait3A_985 = arith.constant 0 : i32
        %dma_wait3A_986 = arith.constant 0 : i32
        %dma_wait3A_987 = tpu.memref_slice %arg9[%dma_wait3A_982, %dma_wait3A_985, %dma_wait3A_986] : memref<8x8x512xf32, #tpu.memory_space<vmem>> -> memref<1x8x512xf32, #tpu.memory_space<vmem>>
        %dma_wait3A_988 = tpu.memref_squeeze %dma_wait3A_987 : memref<1x8x512xf32, #tpu.memory_space<vmem>> -> memref<8x512xf32, #tpu.memory_space<vmem>>
        %dma_wait3A_989 = arith.constant 0 : i32
        %dma_wait3A_990 = arith.constant 0 : i32
        %dma_wait3A_991 = tpu.memref_slice %arg4[%dma_wait3A_983, %dma_wait3A_984, %dma_wait3A_989, %dma_wait3A_990] : memref<16x16x512x512xf32, #tpu.memory_space<hbm>> -> memref<1x1x8x512xf32, #tpu.memory_space<hbm>>
        %dma_wait3A_992 = tpu.memref_squeeze %dma_wait3A_991 : memref<1x1x8x512xf32, #tpu.memory_space<hbm>> -> memref<8x512xf32, #tpu.memory_space<hbm>>
        %dma_wait3A_993 = arith.constant 0 : i32
        %dma_wait3A_994 = arith.constant 0 : i32
        %dma_wait3A_995 = tpu.memref_slice %arg4[%dma_wait3A_983, %dma_wait3A_984, %dma_wait3A_993, %dma_wait3A_994] : memref<16x16x512x512xf32, #tpu.memory_space<hbm>> -> memref<1x1x8x512xf32, #tpu.memory_space<hbm>>
        %dma_wait3A_996 = tpu.memref_squeeze %dma_wait3A_995 : memref<1x1x8x512xf32, #tpu.memory_space<hbm>> -> memref<8x512xf32, #tpu.memory_space<hbm>>
        %dma_wait3A_997 = arith.constant 0 : i32
        %dma_wait3A_998 = arith.constant 0 : i32
        %dma_wait3A_999 = tpu.memref_slice %arg9[%dma_wait3A_982, %dma_wait3A_997, %dma_wait3A_998] : memref<8x8x512xf32, #tpu.memory_space<vmem>> -> memref<1x8x512xf32, #tpu.memory_space<vmem>>
        %dma_wait3A_1000 = tpu.memref_squeeze %dma_wait3A_999 : memref<1x8x512xf32, #tpu.memory_space<vmem>> -> memref<8x512xf32, #tpu.memory_space<vmem>>
        tpu.wait_dma2 semaphore(%arg13 : memref<!tpu.dma_semaphore, #tpu.memory_space<semaphore_mem>>) src(%dma_wait3A_1000 : memref<8x512xf32, #tpu.memory_space<vmem>>) dst(%dma_wait3A_996 : memref<8x512xf32, #tpu.memory_space<hbm>>)
        %dma_wait3A_1001 = arith.constant 3 : i32
        %dma_wait3A_1002 = arith.constant 0 : i32
        %dma_wait3A_1003 = arith.constant 3 : i32
        %dma_wait3A_1004 = arith.constant 0 : i32
        %dma_wait3A_1005 = arith.constant 0 : i32
        %dma_wait3A_1006 = tpu.memref_slice %arg9[%dma_wait3A_1001, %dma_wait3A_1004, %dma_wait3A_1005] : memref<8x8x512xf32, #tpu.memory_space<vmem>> -> memref<1x8x512xf32, #tpu.memory_space<vmem>>
        %dma_wait3A_1007 = tpu.memref_squeeze %dma_wait3A_1006 : memref<1x8x512xf32, #tpu.memory_space<vmem>> -> memref<8x512xf32, #tpu.memory_space<vmem>>
        %dma_wait3A_1008 = arith.constant 0 : i32
        %dma_wait3A_1009 = arith.constant 0 : i32
        %dma_wait3A_1010 = tpu.memref_slice %arg4[%dma_wait3A_1002, %dma_wait3A_1003, %dma_wait3A_1008, %dma_wait3A_1009] : memref<16x16x512x512xf32, #tpu.memory_space<hbm>> -> memref<1x1x8x512xf32, #tpu.memory_space<hbm>>
        %dma_wait3A_1011 = tpu.memref_squeeze %dma_wait3A_1010 : memref<1x1x8x512xf32, #tpu.memory_space<hbm>> -> memref<8x512xf32, #tpu.memory_space<hbm>>
        %dma_wait3A_1012 = arith.constant 0 : i32
        %dma_wait3A_1013 = arith.constant 0 : i32
        %dma_wait3A_1014 = tpu.memref_slice %arg4[%dma_wait3A_1002, %dma_wait3A_1003, %dma_wait3A_1012, %dma_wait3A_1013] : memref<16x16x512x512xf32, #tpu.memory_space<hbm>> -> memref<1x1x8x512xf32, #tpu.memory_space<hbm>>
        %dma_wait3A_1015 = tpu.memref_squeeze %dma_wait3A_1014 : memref<1x1x8x512xf32, #tpu.memory_space<hbm>> -> memref<8x512xf32, #tpu.memory_space<hbm>>
        %dma_wait3A_1016 = arith.constant 0 : i32
        %dma_wait3A_1017 = arith.constant 0 : i32
        %dma_wait3A_1018 = tpu.memref_slice %arg9[%dma_wait3A_1001, %dma_wait3A_1016, %dma_wait3A_1017] : memref<8x8x512xf32, #tpu.memory_space<vmem>> -> memref<1x8x512xf32, #tpu.memory_space<vmem>>
        %dma_wait3A_1019 = tpu.memref_squeeze %dma_wait3A_1018 : memref<1x8x512xf32, #tpu.memory_space<vmem>> -> memref<8x512xf32, #tpu.memory_space<vmem>>
        tpu.wait_dma2 semaphore(%arg13 : memref<!tpu.dma_semaphore, #tpu.memory_space<semaphore_mem>>) src(%dma_wait3A_1019 : memref<8x512xf32, #tpu.memory_space<vmem>>) dst(%dma_wait3A_1015 : memref<8x512xf32, #tpu.memory_space<hbm>>)
        %dma_wait3A_1020 = arith.constant 4 : i32
        %dma_wait3A_1021 = arith.constant 0 : i32
        %dma_wait3A_1022 = arith.constant 4 : i32
        %dma_wait3A_1023 = arith.constant 0 : i32
        %dma_wait3A_1024 = arith.constant 0 : i32
        %dma_wait3A_1025 = tpu.memref_slice %arg9[%dma_wait3A_1020, %dma_wait3A_1023, %dma_wait3A_1024] : memref<8x8x512xf32, #tpu.memory_space<vmem>> -> memref<1x8x512xf32, #tpu.memory_space<vmem>>
        %dma_wait3A_1026 = tpu.memref_squeeze %dma_wait3A_1025 : memref<1x8x512xf32, #tpu.memory_space<vmem>> -> memref<8x512xf32, #tpu.memory_space<vmem>>
        %dma_wait3A_1027 = arith.constant 0 : i32
        %dma_wait3A_1028 = arith.constant 0 : i32
        %dma_wait3A_1029 = tpu.memref_slice %arg4[%dma_wait3A_1021, %dma_wait3A_1022, %dma_wait3A_1027, %dma_wait3A_1028] : memref<16x16x512x512xf32, #tpu.memory_space<hbm>> -> memref<1x1x8x512xf32, #tpu.memory_space<hbm>>
        %dma_wait3A_1030 = tpu.memref_squeeze %dma_wait3A_1029 : memref<1x1x8x512xf32, #tpu.memory_space<hbm>> -> memref<8x512xf32, #tpu.memory_space<hbm>>
        %dma_wait3A_1031 = arith.constant 0 : i32
        %dma_wait3A_1032 = arith.constant 0 : i32
        %dma_wait3A_1033 = tpu.memref_slice %arg4[%dma_wait3A_1021, %dma_wait3A_1022, %dma_wait3A_1031, %dma_wait3A_1032] : memref<16x16x512x512xf32, #tpu.memory_space<hbm>> -> memref<1x1x8x512xf32, #tpu.memory_space<hbm>>
        %dma_wait3A_1034 = tpu.memref_squeeze %dma_wait3A_1033 : memref<1x1x8x512xf32, #tpu.memory_space<hbm>> -> memref<8x512xf32, #tpu.memory_space<hbm>>
        %dma_wait3A_1035 = arith.constant 0 : i32
        %dma_wait3A_1036 = arith.constant 0 : i32
        %dma_wait3A_1037 = tpu.memref_slice %arg9[%dma_wait3A_1020, %dma_wait3A_1035, %dma_wait3A_1036] : memref<8x8x512xf32, #tpu.memory_space<vmem>> -> memref<1x8x512xf32, #tpu.memory_space<vmem>>
        %dma_wait3A_1038 = tpu.memref_squeeze %dma_wait3A_1037 : memref<1x8x512xf32, #tpu.memory_space<vmem>> -> memref<8x512xf32, #tpu.memory_space<vmem>>
        tpu.wait_dma2 semaphore(%arg13 : memref<!tpu.dma_semaphore, #tpu.memory_space<semaphore_mem>>) src(%dma_wait3A_1038 : memref<8x512xf32, #tpu.memory_space<vmem>>) dst(%dma_wait3A_1034 : memref<8x512xf32, #tpu.memory_space<hbm>>)
        %dma_wait3A_1039 = arith.constant 5 : i32
        %dma_wait3A_1040 = arith.constant 0 : i32
        %dma_wait3A_1041 = arith.constant 5 : i32
        %dma_wait3A_1042 = arith.constant 0 : i32
        %dma_wait3A_1043 = arith.constant 0 : i32
        %dma_wait3A_1044 = tpu.memref_slice %arg9[%dma_wait3A_1039, %dma_wait3A_1042, %dma_wait3A_1043] : memref<8x8x512xf32, #tpu.memory_space<vmem>> -> memref<1x8x512xf32, #tpu.memory_space<vmem>>
        %dma_wait3A_1045 = tpu.memref_squeeze %dma_wait3A_1044 : memref<1x8x512xf32, #tpu.memory_space<vmem>> -> memref<8x512xf32, #tpu.memory_space<vmem>>
        %dma_wait3A_1046 = arith.constant 0 : i32
        %dma_wait3A_1047 = arith.constant 0 : i32
        %dma_wait3A_1048 = tpu.memref_slice %arg4[%dma_wait3A_1040, %dma_wait3A_1041, %dma_wait3A_1046, %dma_wait3A_1047] : memref<16x16x512x512xf32, #tpu.memory_space<hbm>> -> memref<1x1x8x512xf32, #tpu.memory_space<hbm>>
        %dma_wait3A_1049 = tpu.memref_squeeze %dma_wait3A_1048 : memref<1x1x8x512xf32, #tpu.memory_space<hbm>> -> memref<8x512xf32, #tpu.memory_space<hbm>>
        %dma_wait3A_1050 = arith.constant 0 : i32
        %dma_wait3A_1051 = arith.constant 0 : i32
        %dma_wait3A_1052 = tpu.memref_slice %arg4[%dma_wait3A_1040, %dma_wait3A_1041, %dma_wait3A_1050, %dma_wait3A_1051] : memref<16x16x512x512xf32, #tpu.memory_space<hbm>> -> memref<1x1x8x512xf32, #tpu.memory_space<hbm>>
        %dma_wait3A_1053 = tpu.memref_squeeze %dma_wait3A_1052 : memref<1x1x8x512xf32, #tpu.memory_space<hbm>> -> memref<8x512xf32, #tpu.memory_space<hbm>>
        %dma_wait3A_1054 = arith.constant 0 : i32
        %dma_wait3A_1055 = arith.constant 0 : i32
        %dma_wait3A_1056 = tpu.memref_slice %arg9[%dma_wait3A_1039, %dma_wait3A_1054, %dma_wait3A_1055] : memref<8x8x512xf32, #tpu.memory_space<vmem>> -> memref<1x8x512xf32, #tpu.memory_space<vmem>>
        %dma_wait3A_1057 = tpu.memref_squeeze %dma_wait3A_1056 : memref<1x8x512xf32, #tpu.memory_space<vmem>> -> memref<8x512xf32, #tpu.memory_space<vmem>>
        tpu.wait_dma2 semaphore(%arg13 : memref<!tpu.dma_semaphore, #tpu.memory_space<semaphore_mem>>) src(%dma_wait3A_1057 : memref<8x512xf32, #tpu.memory_space<vmem>>) dst(%dma_wait3A_1053 : memref<8x512xf32, #tpu.memory_space<hbm>>)
        %dma_wait3A_1058 = arith.constant 6 : i32
        %dma_wait3A_1059 = arith.constant 0 : i32
        %dma_wait3A_1060 = arith.constant 6 : i32
        %dma_wait3A_1061 = arith.constant 0 : i32
        %dma_wait3A_1062 = arith.constant 0 : i32
        %dma_wait3A_1063 = tpu.memref_slice %arg9[%dma_wait3A_1058, %dma_wait3A_1061, %dma_wait3A_1062] : memref<8x8x512xf32, #tpu.memory_space<vmem>> -> memref<1x8x512xf32, #tpu.memory_space<vmem>>
        %dma_wait3A_1064 = tpu.memref_squeeze %dma_wait3A_1063 : memref<1x8x512xf32, #tpu.memory_space<vmem>> -> memref<8x512xf32, #tpu.memory_space<vmem>>
        %dma_wait3A_1065 = arith.constant 0 : i32
        %dma_wait3A_1066 = arith.constant 0 : i32
        %dma_wait3A_1067 = tpu.memref_slice %arg4[%dma_wait3A_1059, %dma_wait3A_1060, %dma_wait3A_1065, %dma_wait3A_1066] : memref<16x16x512x512xf32, #tpu.memory_space<hbm>> -> memref<1x1x8x512xf32, #tpu.memory_space<hbm>>
        %dma_wait3A_1068 = tpu.memref_squeeze %dma_wait3A_1067 : memref<1x1x8x512xf32, #tpu.memory_space<hbm>> -> memref<8x512xf32, #tpu.memory_space<hbm>>
        %dma_wait3A_1069 = arith.constant 0 : i32
        %dma_wait3A_1070 = arith.constant 0 : i32
        %dma_wait3A_1071 = tpu.memref_slice %arg4[%dma_wait3A_1059, %dma_wait3A_1060, %dma_wait3A_1069, %dma_wait3A_1070] : memref<16x16x512x512xf32, #tpu.memory_space<hbm>> -> memref<1x1x8x512xf32, #tpu.memory_space<hbm>>
        %dma_wait3A_1072 = tpu.memref_squeeze %dma_wait3A_1071 : memref<1x1x8x512xf32, #tpu.memory_space<hbm>> -> memref<8x512xf32, #tpu.memory_space<hbm>>
        %dma_wait3A_1073 = arith.constant 0 : i32
        %dma_wait3A_1074 = arith.constant 0 : i32
        %dma_wait3A_1075 = tpu.memref_slice %arg9[%dma_wait3A_1058, %dma_wait3A_1073, %dma_wait3A_1074] : memref<8x8x512xf32, #tpu.memory_space<vmem>> -> memref<1x8x512xf32, #tpu.memory_space<vmem>>
        %dma_wait3A_1076 = tpu.memref_squeeze %dma_wait3A_1075 : memref<1x8x512xf32, #tpu.memory_space<vmem>> -> memref<8x512xf32, #tpu.memory_space<vmem>>
        tpu.wait_dma2 semaphore(%arg13 : memref<!tpu.dma_semaphore, #tpu.memory_space<semaphore_mem>>) src(%dma_wait3A_1076 : memref<8x512xf32, #tpu.memory_space<vmem>>) dst(%dma_wait3A_1072 : memref<8x512xf32, #tpu.memory_space<hbm>>)
        %dma_wait3A_1077 = arith.constant 7 : i32
        %dma_wait3A_1078 = arith.constant 0 : i32
        %dma_wait3A_1079 = arith.constant 7 : i32
        %dma_wait3A_1080 = arith.constant 0 : i32
        %dma_wait3A_1081 = arith.constant 0 : i32
        %dma_wait3A_1082 = tpu.memref_slice %arg9[%dma_wait3A_1077, %dma_wait3A_1080, %dma_wait3A_1081] : memref<8x8x512xf32, #tpu.memory_space<vmem>> -> memref<1x8x512xf32, #tpu.memory_space<vmem>>
        %dma_wait3A_1083 = tpu.memref_squeeze %dma_wait3A_1082 : memref<1x8x512xf32, #tpu.memory_space<vmem>> -> memref<8x512xf32, #tpu.memory_space<vmem>>
        %dma_wait3A_1084 = arith.constant 0 : i32
        %dma_wait3A_1085 = arith.constant 0 : i32
        %dma_wait3A_1086 = tpu.memref_slice %arg4[%dma_wait3A_1078, %dma_wait3A_1079, %dma_wait3A_1084, %dma_wait3A_1085] : memref<16x16x512x512xf32, #tpu.memory_space<hbm>> -> memref<1x1x8x512xf32, #tpu.memory_space<hbm>>
        %dma_wait3A_1087 = tpu.memref_squeeze %dma_wait3A_1086 : memref<1x1x8x512xf32, #tpu.memory_space<hbm>> -> memref<8x512xf32, #tpu.memory_space<hbm>>
        %dma_wait3A_1088 = arith.constant 0 : i32
        %dma_wait3A_1089 = arith.constant 0 : i32
        %dma_wait3A_1090 = tpu.memref_slice %arg4[%dma_wait3A_1078, %dma_wait3A_1079, %dma_wait3A_1088, %dma_wait3A_1089] : memref<16x16x512x512xf32, #tpu.memory_space<hbm>> -> memref<1x1x8x512xf32, #tpu.memory_space<hbm>>
        %dma_wait3A_1091 = tpu.memref_squeeze %dma_wait3A_1090 : memref<1x1x8x512xf32, #tpu.memory_space<hbm>> -> memref<8x512xf32, #tpu.memory_space<hbm>>
        %dma_wait3A_1092 = arith.constant 0 : i32
        %dma_wait3A_1093 = arith.constant 0 : i32
        %dma_wait3A_1094 = tpu.memref_slice %arg9[%dma_wait3A_1077, %dma_wait3A_1092, %dma_wait3A_1093] : memref<8x8x512xf32, #tpu.memory_space<vmem>> -> memref<1x8x512xf32, #tpu.memory_space<vmem>>
        %dma_wait3A_1095 = tpu.memref_squeeze %dma_wait3A_1094 : memref<1x8x512xf32, #tpu.memory_space<vmem>> -> memref<8x512xf32, #tpu.memory_space<vmem>>
        tpu.wait_dma2 semaphore(%arg13 : memref<!tpu.dma_semaphore, #tpu.memory_space<semaphore_mem>>) src(%dma_wait3A_1095 : memref<8x512xf32, #tpu.memory_space<vmem>>) dst(%dma_wait3A_1091 : memref<8x512xf32, #tpu.memory_space<hbm>>)
      } else {
      }
      %scan3A_810 = arith.constant 0 : i32
      %scan3A_811 = arith.constant 0 : i32
      %scan3A_812 = arith.constant 8 : i32
      %scan3A_813 = arith.addi %scan3A_811, %scan3A_812 : i32
      %scan3A_814 = arith.constant 1 : i32
      scf.for %scan3A_944 = %scan3A_811 to %scan3A_813 step %scan3A_814  : i32 {
        %parallel_loop3A = arith.constant 0 : i32
        %parallel_loop3A_945 = arith.constant 512 : i32
        %parallel_loop3A_946 = arith.constant 16 : i32
        scf.for %parallel_loop3A_947 = %parallel_loop3A to %parallel_loop3A_945 step %parallel_loop3A_946  : i32 {
          %parallel_loop3A_948 = arith.index_cast %scan3A_944 : i32 to index
          %parallel_loop3A_949 = arith.index_cast %parallel_loop3A_947 : i32 to index
          %parallel_loop3A_950 = tpu.vector_load %arg7[%parallel_loop3A_948, %parallel_loop3A_949] {strides = array<i32>} : memref<8x512xi32, #tpu.memory_space<vmem>>, vector<16xi32>,
          %parallel_loop3A_951 = arith.constant 512 : i32
          %parallel_loop3A_952 = tpu.memref_slice %arg5[%parallel_loop3A_951] : memref<1024xf32, #tpu.memory_space<vmem>> -> memref<64xf32, #tpu.memory_space<vmem>>
          %parallel_loop3A_953 = tpu.vector_load_idx %parallel_loop3A_952[%parallel_loop3A_950] : memref<64xf32, #tpu.memory_space<vmem>>[vector<16xi32>], vector<16xf32>,
          %parallel_loop3A_954 = arith.constant 0 : i32
          %parallel_loop3A_955 = arith.index_cast %parallel_loop3A_954 : i32 to index
          %parallel_loop3A_956 = arith.index_cast %scan3A_944 : i32 to index
          %parallel_loop3A_957 = arith.index_cast %parallel_loop3A_947 : i32 to index
          %parallel_loop3A_958 = tpu.vector_load %arg9[%parallel_loop3A_955, %parallel_loop3A_956, %parallel_loop3A_957] {strides = array<i32>} : memref<8x8x512xf32, #tpu.memory_space<vmem>>, vector<16xf32>,
          tpu.vector_store %arg9[%parallel_loop3A_955, %parallel_loop3A_956, %parallel_loop3A_957], %parallel_loop3A_953 {strides = array<i32>} : memref<8x8x512xf32, #tpu.memory_space<vmem>>, vector<16xf32>,
          %parallel_loop3A_959 = arith.constant 576 : i32
          %parallel_loop3A_960 = tpu.memref_slice %arg5[%parallel_loop3A_959] : memref<1024xf32, #tpu.memory_space<vmem>> -> memref<64xf32, #tpu.memory_space<vmem>>
          %parallel_loop3A_961 = tpu.vector_load_idx %parallel_loop3A_960[%parallel_loop3A_950] : memref<64xf32, #tpu.memory_space<vmem>>[vector<16xi32>], vector<16xf32>,
          %parallel_loop3A_962 = arith.constant 1 : i32
          %parallel_loop3A_963 = arith.index_cast %parallel_loop3A_962 : i32 to index
          %parallel_loop3A_964 = arith.index_cast %scan3A_944 : i32 to index
          %parallel_loop3A_965 = arith.index_cast %parallel_loop3A_947 : i32 to index
          %parallel_loop3A_966 = tpu.vector_load %arg9[%parallel_loop3A_963, %parallel_loop3A_964, %parallel_loop3A_965] {strides = array<i32>} : memref<8x8x512xf32, #tpu.memory_space<vmem>>, vector<16xf32>,
          tpu.vector_store %arg9[%parallel_loop3A_963, %parallel_loop3A_964, %parallel_loop3A_965], %parallel_loop3A_961 {strides = array<i32>} : memref<8x8x512xf32, #tpu.memory_space<vmem>>, vector<16xf32>,
          %parallel_loop3A_967 = arith.constant 640 : i32
          %parallel_loop3A_968 = tpu.memref_slice %arg5[%parallel_loop3A_967] : memref<1024xf32, #tpu.memory_space<vmem>> -> memref<64xf32, #tpu.memory_space<vmem>>
          %parallel_loop3A_969 = tpu.vector_load_idx %parallel_loop3A_968[%parallel_loop3A_950] : memref<64xf32, #tpu.memory_space<vmem>>[vector<16xi32>], vector<16xf32>,
          %parallel_loop3A_970 = arith.constant 2 : i32
          %parallel_loop3A_971 = arith.index_cast %parallel_loop3A_970 : i32 to index
          %parallel_loop3A_972 = arith.index_cast %scan3A_944 : i32 to index
          %parallel_loop3A_973 = arith.index_cast %parallel_loop3A_947 : i32 to index
          %parallel_loop3A_974 = tpu.vector_load %arg9[%parallel_loop3A_971, %parallel_loop3A_972, %parallel_loop3A_973] {strides = array<i32>} : memref<8x8x512xf32, #tpu.memory_space<vmem>>, vector<16xf32>,
          tpu.vector_store %arg9[%parallel_loop3A_971, %parallel_loop3A_972, %parallel_loop3A_973], %parallel_loop3A_969 {strides = array<i32>} : memref<8x8x512xf32, #tpu.memory_space<vmem>>, vector<16xf32>,
          %parallel_loop3A_975 = arith.constant 704 : i32
          %parallel_loop3A_976 = tpu.memref_slice %arg5[%parallel_loop3A_975] : memref<1024xf32, #tpu.memory_space<vmem>> -> memref<64xf32, #tpu.memory_space<vmem>>
          %parallel_loop3A_977 = tpu.vector_load_idx %parallel_loop3A_976[%parallel_loop3A_950] : memref<64xf32, #tpu.memory_space<vmem>>[vector<16xi32>], vector<16xf32>,
          %parallel_loop3A_978 = arith.constant 3 : i32
          %parallel_loop3A_979 = arith.index_cast %parallel_loop3A_978 : i32 to index
          %parallel_loop3A_980 = arith.index_cast %scan3A_944 : i32 to index
          %parallel_loop3A_981 = arith.index_cast %parallel_loop3A_947 : i32 to index
          %parallel_loop3A_982 = tpu.vector_load %arg9[%parallel_loop3A_979, %parallel_loop3A_980, %parallel_loop3A_981] {strides = array<i32>} : memref<8x8x512xf32, #tpu.memory_space<vmem>>, vector<16xf32>,
          tpu.vector_store %arg9[%parallel_loop3A_979, %parallel_loop3A_980, %parallel_loop3A_981], %parallel_loop3A_977 {strides = array<i32>} : memref<8x8x512xf32, #tpu.memory_space<vmem>>, vector<16xf32>,
          %parallel_loop3A_983 = arith.constant 768 : i32
          %parallel_loop3A_984 = tpu.memref_slice %arg5[%parallel_loop3A_983] : memref<1024xf32, #tpu.memory_space<vmem>> -> memref<64xf32, #tpu.memory_space<vmem>>
          %parallel_loop3A_985 = tpu.vector_load_idx %parallel_loop3A_984[%parallel_loop3A_950] : memref<64xf32, #tpu.memory_space<vmem>>[vector<16xi32>], vector<16xf32>,
          %parallel_loop3A_986 = arith.constant 4 : i32
          %parallel_loop3A_987 = arith.index_cast %parallel_loop3A_986 : i32 to index
          %parallel_loop3A_988 = arith.index_cast %scan3A_944 : i32 to index
          %parallel_loop3A_989 = arith.index_cast %parallel_loop3A_947 : i32 to index
          %parallel_loop3A_990 = tpu.vector_load %arg9[%parallel_loop3A_987, %parallel_loop3A_988, %parallel_loop3A_989] {strides = array<i32>} : memref<8x8x512xf32, #tpu.memory_space<vmem>>, vector<16xf32>,
          tpu.vector_store %arg9[%parallel_loop3A_987, %parallel_loop3A_988, %parallel_loop3A_989], %parallel_loop3A_985 {strides = array<i32>} : memref<8x8x512xf32, #tpu.memory_space<vmem>>, vector<16xf32>,
          %parallel_loop3A_991 = arith.constant 832 : i32
          %parallel_loop3A_992 = tpu.memref_slice %arg5[%parallel_loop3A_991] : memref<1024xf32, #tpu.memory_space<vmem>> -> memref<64xf32, #tpu.memory_space<vmem>>
          %parallel_loop3A_993 = tpu.vector_load_idx %parallel_loop3A_992[%parallel_loop3A_950] : memref<64xf32, #tpu.memory_space<vmem>>[vector<16xi32>], vector<16xf32>,
          %parallel_loop3A_994 = arith.constant 5 : i32
          %parallel_loop3A_995 = arith.index_cast %parallel_loop3A_994 : i32 to index
          %parallel_loop3A_996 = arith.index_cast %scan3A_944 : i32 to index
          %parallel_loop3A_997 = arith.index_cast %parallel_loop3A_947 : i32 to index
          %parallel_loop3A_998 = tpu.vector_load %arg9[%parallel_loop3A_995, %parallel_loop3A_996, %parallel_loop3A_997] {strides = array<i32>} : memref<8x8x512xf32, #tpu.memory_space<vmem>>, vector<16xf32>,
          tpu.vector_store %arg9[%parallel_loop3A_995, %parallel_loop3A_996, %parallel_loop3A_997], %parallel_loop3A_993 {strides = array<i32>} : memref<8x8x512xf32, #tpu.memory_space<vmem>>, vector<16xf32>,
          %parallel_loop3A_999 = arith.constant 896 : i32
          %parallel_loop3A_1000 = tpu.memref_slice %arg5[%parallel_loop3A_999] : memref<1024xf32, #tpu.memory_space<vmem>> -> memref<64xf32, #tpu.memory_space<vmem>>
          %parallel_loop3A_1001 = tpu.vector_load_idx %parallel_loop3A_1000[%parallel_loop3A_950] : memref<64xf32, #tpu.memory_space<vmem>>[vector<16xi32>], vector<16xf32>,
          %parallel_loop3A_1002 = arith.constant 6 : i32
          %parallel_loop3A_1003 = arith.index_cast %parallel_loop3A_1002 : i32 to index
          %parallel_loop3A_1004 = arith.index_cast %scan3A_944 : i32 to index
          %parallel_loop3A_1005 = arith.index_cast %parallel_loop3A_947 : i32 to index
          %parallel_loop3A_1006 = tpu.vector_load %arg9[%parallel_loop3A_1003, %parallel_loop3A_1004, %parallel_loop3A_1005] {strides = array<i32>} : memref<8x8x512xf32, #tpu.memory_space<vmem>>, vector<16xf32>,
          tpu.vector_store %arg9[%parallel_loop3A_1003, %parallel_loop3A_1004, %parallel_loop3A_1005], %parallel_loop3A_1001 {strides = array<i32>} : memref<8x8x512xf32, #tpu.memory_space<vmem>>, vector<16xf32>,
          %parallel_loop3A_1007 = arith.constant 960 : i32
          %parallel_loop3A_1008 = tpu.memref_slice %arg5[%parallel_loop3A_1007] : memref<1024xf32, #tpu.memory_space<vmem>> -> memref<64xf32, #tpu.memory_space<vmem>>
          %parallel_loop3A_1009 = tpu.vector_load_idx %parallel_loop3A_1008[%parallel_loop3A_950] : memref<64xf32, #tpu.memory_space<vmem>>[vector<16xi32>], vector<16xf32>,
          %parallel_loop3A_1010 = arith.constant 7 : i32
          %parallel_loop3A_1011 = arith.index_cast %parallel_loop3A_1010 : i32 to index
          %parallel_loop3A_1012 = arith.index_cast %scan3A_944 : i32 to index
          %parallel_loop3A_1013 = arith.index_cast %parallel_loop3A_947 : i32 to index
          %parallel_loop3A_1014 = tpu.vector_load %arg9[%parallel_loop3A_1011, %parallel_loop3A_1012, %parallel_loop3A_1013] {strides = array<i32>} : memref<8x8x512xf32, #tpu.memory_space<vmem>>, vector<16xf32>,
          tpu.vector_store %arg9[%parallel_loop3A_1011, %parallel_loop3A_1012, %parallel_loop3A_1013], %parallel_loop3A_1009 {strides = array<i32>} : memref<8x8x512xf32, #tpu.memory_space<vmem>>, vector<16xf32>,
        } {sc.loop_unroll_factor = 2 : i64, sc.parallel_access}
      }
      %scan3A_815 = arith.constant 8 : i32
      %dma_start3A_816 = arith.constant 0 : i32
      %dma_start3A_817 = arith.constant 8 : i32
      %dma_start3A_818 = arith.constant 0 : i32
      %dma_start3A_819 = arith.constant 0 : i32
      %dma_start3A_820 = tpu.memref_slice %arg9[%dma_start3A_816, %dma_start3A_818, %dma_start3A_819] : memref<8x8x512xf32, #tpu.memory_space<vmem>> -> memref<1x8x512xf32, #tpu.memory_space<vmem>>
      %dma_start3A_821 = tpu.memref_squeeze %dma_start3A_820 : memref<1x8x512xf32, #tpu.memory_space<vmem>> -> memref<8x512xf32, #tpu.memory_space<vmem>>
      %dma_start3A_822 = arith.constant 0 : i32
      %dma_start3A_823 = tpu.memref_slice %arg4[%select_n3A, %dma_start3A_817, %add3A_665, %dma_start3A_822] : memref<16x16x512x512xf32, #tpu.memory_space<hbm>> -> memref<1x1x8x512xf32, #tpu.memory_space<hbm>>
      %dma_start3A_824 = tpu.memref_squeeze %dma_start3A_823 : memref<1x1x8x512xf32, #tpu.memory_space<hbm>> -> memref<8x512xf32, #tpu.memory_space<hbm>>
      %dma_start3A_825 = arith.constant 0 : i32
      %dma_start3A_826 = tpu.memref_slice %arg4[%select_n3A, %dma_start3A_817, %add3A_665, %dma_start3A_825] : memref<16x16x512x512xf32, #tpu.memory_space<hbm>> -> memref<1x1x8x512xf32, #tpu.memory_space<hbm>>
      %dma_start3A_827 = tpu.memref_squeeze %dma_start3A_826 : memref<1x1x8x512xf32, #tpu.memory_space<hbm>> -> memref<8x512xf32, #tpu.memory_space<hbm>>
      %dma_start3A_828 = arith.constant 0 : i32
      %dma_start3A_829 = arith.constant 0 : i32
      %dma_start3A_830 = tpu.memref_slice %arg9[%dma_start3A_816, %dma_start3A_828, %dma_start3A_829] : memref<8x8x512xf32, #tpu.memory_space<vmem>> -> memref<1x8x512xf32, #tpu.memory_space<vmem>>
      %dma_start3A_831 = tpu.memref_squeeze %dma_start3A_830 : memref<1x8x512xf32, #tpu.memory_space<vmem>> -> memref<8x512xf32, #tpu.memory_space<vmem>>
      tpu.enqueue_dma source(%dma_start3A_831 : memref<8x512xf32, #tpu.memory_space<vmem>>) target(%dma_start3A_827 : memref<8x512xf32, #tpu.memory_space<hbm>>) target_semaphore(%arg13 : memref<!tpu.dma_semaphore, #tpu.memory_space<semaphore_mem>>)
      %dma_start3A_832 = arith.constant 1 : i32
      %dma_start3A_833 = arith.constant 9 : i32
      %dma_start3A_834 = arith.constant 0 : i32
      %dma_start3A_835 = arith.constant 0 : i32
      %dma_start3A_836 = tpu.memref_slice %arg9[%dma_start3A_832, %dma_start3A_834, %dma_start3A_835] : memref<8x8x512xf32, #tpu.memory_space<vmem>> -> memref<1x8x512xf32, #tpu.memory_space<vmem>>
      %dma_start3A_837 = tpu.memref_squeeze %dma_start3A_836 : memref<1x8x512xf32, #tpu.memory_space<vmem>> -> memref<8x512xf32, #tpu.memory_space<vmem>>
      %dma_start3A_838 = arith.constant 0 : i32
      %dma_start3A_839 = tpu.memref_slice %arg4[%select_n3A, %dma_start3A_833, %add3A_665, %dma_start3A_838] : memref<16x16x512x512xf32, #tpu.memory_space<hbm>> -> memref<1x1x8x512xf32, #tpu.memory_space<hbm>>
      %dma_start3A_840 = tpu.memref_squeeze %dma_start3A_839 : memref<1x1x8x512xf32, #tpu.memory_space<hbm>> -> memref<8x512xf32, #tpu.memory_space<hbm>>
      %dma_start3A_841 = arith.constant 0 : i32
      %dma_start3A_842 = tpu.memref_slice %arg4[%select_n3A, %dma_start3A_833, %add3A_665, %dma_start3A_841] : memref<16x16x512x512xf32, #tpu.memory_space<hbm>> -> memref<1x1x8x512xf32, #tpu.memory_space<hbm>>
      %dma_start3A_843 = tpu.memref_squeeze %dma_start3A_842 : memref<1x1x8x512xf32, #tpu.memory_space<hbm>> -> memref<8x512xf32, #tpu.memory_space<hbm>>
      %dma_start3A_844 = arith.constant 0 : i32
      %dma_start3A_845 = arith.constant 0 : i32
      %dma_start3A_846 = tpu.memref_slice %arg9[%dma_start3A_832, %dma_start3A_844, %dma_start3A_845] : memref<8x8x512xf32, #tpu.memory_space<vmem>> -> memref<1x8x512xf32, #tpu.memory_space<vmem>>
      %dma_start3A_847 = tpu.memref_squeeze %dma_start3A_846 : memref<1x8x512xf32, #tpu.memory_space<vmem>> -> memref<8x512xf32, #tpu.memory_space<vmem>>
      tpu.enqueue_dma source(%dma_start3A_847 : memref<8x512xf32, #tpu.memory_space<vmem>>) target(%dma_start3A_843 : memref<8x512xf32, #tpu.memory_space<hbm>>) target_semaphore(%arg13 : memref<!tpu.dma_semaphore, #tpu.memory_space<semaphore_mem>>)
      %dma_start3A_848 = arith.constant 2 : i32
      %dma_start3A_849 = arith.constant 10 : i32
      %dma_start3A_850 = arith.constant 0 : i32
      %dma_start3A_851 = arith.constant 0 : i32
      %dma_start3A_852 = tpu.memref_slice %arg9[%dma_start3A_848, %dma_start3A_850, %dma_start3A_851] : memref<8x8x512xf32, #tpu.memory_space<vmem>> -> memref<1x8x512xf32, #tpu.memory_space<vmem>>
      %dma_start3A_853 = tpu.memref_squeeze %dma_start3A_852 : memref<1x8x512xf32, #tpu.memory_space<vmem>> -> memref<8x512xf32, #tpu.memory_space<vmem>>
      %dma_start3A_854 = arith.constant 0 : i32
      %dma_start3A_855 = tpu.memref_slice %arg4[%select_n3A, %dma_start3A_849, %add3A_665, %dma_start3A_854] : memref<16x16x512x512xf32, #tpu.memory_space<hbm>> -> memref<1x1x8x512xf32, #tpu.memory_space<hbm>>
      %dma_start3A_856 = tpu.memref_squeeze %dma_start3A_855 : memref<1x1x8x512xf32, #tpu.memory_space<hbm>> -> memref<8x512xf32, #tpu.memory_space<hbm>>
      %dma_start3A_857 = arith.constant 0 : i32
      %dma_start3A_858 = tpu.memref_slice %arg4[%select_n3A, %dma_start3A_849, %add3A_665, %dma_start3A_857] : memref<16x16x512x512xf32, #tpu.memory_space<hbm>> -> memref<1x1x8x512xf32, #tpu.memory_space<hbm>>
      %dma_start3A_859 = tpu.memref_squeeze %dma_start3A_858 : memref<1x1x8x512xf32, #tpu.memory_space<hbm>> -> memref<8x512xf32, #tpu.memory_space<hbm>>
      %dma_start3A_860 = arith.constant 0 : i32
      %dma_start3A_861 = arith.constant 0 : i32
      %dma_start3A_862 = tpu.memref_slice %arg9[%dma_start3A_848, %dma_start3A_860, %dma_start3A_861] : memref<8x8x512xf32, #tpu.memory_space<vmem>> -> memref<1x8x512xf32, #tpu.memory_space<vmem>>
      %dma_start3A_863 = tpu.memref_squeeze %dma_start3A_862 : memref<1x8x512xf32, #tpu.memory_space<vmem>> -> memref<8x512xf32, #tpu.memory_space<vmem>>
      tpu.enqueue_dma source(%dma_start3A_863 : memref<8x512xf32, #tpu.memory_space<vmem>>) target(%dma_start3A_859 : memref<8x512xf32, #tpu.memory_space<hbm>>) target_semaphore(%arg13 : memref<!tpu.dma_semaphore, #tpu.memory_space<semaphore_mem>>)
      %dma_start3A_864 = arith.constant 3 : i32
      %dma_start3A_865 = arith.constant 11 : i32
      %dma_start3A_866 = arith.constant 0 : i32
      %dma_start3A_867 = arith.constant 0 : i32
      %dma_start3A_868 = tpu.memref_slice %arg9[%dma_start3A_864, %dma_start3A_866, %dma_start3A_867] : memref<8x8x512xf32, #tpu.memory_space<vmem>> -> memref<1x8x512xf32, #tpu.memory_space<vmem>>
      %dma_start3A_869 = tpu.memref_squeeze %dma_start3A_868 : memref<1x8x512xf32, #tpu.memory_space<vmem>> -> memref<8x512xf32, #tpu.memory_space<vmem>>
      %dma_start3A_870 = arith.constant 0 : i32
      %dma_start3A_871 = tpu.memref_slice %arg4[%select_n3A, %dma_start3A_865, %add3A_665, %dma_start3A_870] : memref<16x16x512x512xf32, #tpu.memory_space<hbm>> -> memref<1x1x8x512xf32, #tpu.memory_space<hbm>>
      %dma_start3A_872 = tpu.memref_squeeze %dma_start3A_871 : memref<1x1x8x512xf32, #tpu.memory_space<hbm>> -> memref<8x512xf32, #tpu.memory_space<hbm>>
      %dma_start3A_873 = arith.constant 0 : i32
      %dma_start3A_874 = tpu.memref_slice %arg4[%select_n3A, %dma_start3A_865, %add3A_665, %dma_start3A_873] : memref<16x16x512x512xf32, #tpu.memory_space<hbm>> -> memref<1x1x8x512xf32, #tpu.memory_space<hbm>>
      %dma_start3A_875 = tpu.memref_squeeze %dma_start3A_874 : memref<1x1x8x512xf32, #tpu.memory_space<hbm>> -> memref<8x512xf32, #tpu.memory_space<hbm>>
      %dma_start3A_876 = arith.constant 0 : i32
      %dma_start3A_877 = arith.constant 0 : i32
      %dma_start3A_878 = tpu.memref_slice %arg9[%dma_start3A_864, %dma_start3A_876, %dma_start3A_877] : memref<8x8x512xf32, #tpu.memory_space<vmem>> -> memref<1x8x512xf32, #tpu.memory_space<vmem>>
      %dma_start3A_879 = tpu.memref_squeeze %dma_start3A_878 : memref<1x8x512xf32, #tpu.memory_space<vmem>> -> memref<8x512xf32, #tpu.memory_space<vmem>>
      tpu.enqueue_dma source(%dma_start3A_879 : memref<8x512xf32, #tpu.memory_space<vmem>>) target(%dma_start3A_875 : memref<8x512xf32, #tpu.memory_space<hbm>>) target_semaphore(%arg13 : memref<!tpu.dma_semaphore, #tpu.memory_space<semaphore_mem>>)
      %dma_start3A_880 = arith.constant 4 : i32
      %dma_start3A_881 = arith.constant 12 : i32
      %dma_start3A_882 = arith.constant 0 : i32
      %dma_start3A_883 = arith.constant 0 : i32
      %dma_start3A_884 = tpu.memref_slice %arg9[%dma_start3A_880, %dma_start3A_882, %dma_start3A_883] : memref<8x8x512xf32, #tpu.memory_space<vmem>> -> memref<1x8x512xf32, #tpu.memory_space<vmem>>
      %dma_start3A_885 = tpu.memref_squeeze %dma_start3A_884 : memref<1x8x512xf32, #tpu.memory_space<vmem>> -> memref<8x512xf32, #tpu.memory_space<vmem>>
      %dma_start3A_886 = arith.constant 0 : i32
      %dma_start3A_887 = tpu.memref_slice %arg4[%select_n3A, %dma_start3A_881, %add3A_665, %dma_start3A_886] : memref<16x16x512x512xf32, #tpu.memory_space<hbm>> -> memref<1x1x8x512xf32, #tpu.memory_space<hbm>>
      %dma_start3A_888 = tpu.memref_squeeze %dma_start3A_887 : memref<1x1x8x512xf32, #tpu.memory_space<hbm>> -> memref<8x512xf32, #tpu.memory_space<hbm>>
      %dma_start3A_889 = arith.constant 0 : i32
      %dma_start3A_890 = tpu.memref_slice %arg4[%select_n3A, %dma_start3A_881, %add3A_665, %dma_start3A_889] : memref<16x16x512x512xf32, #tpu.memory_space<hbm>> -> memref<1x1x8x512xf32, #tpu.memory_space<hbm>>
      %dma_start3A_891 = tpu.memref_squeeze %dma_start3A_890 : memref<1x1x8x512xf32, #tpu.memory_space<hbm>> -> memref<8x512xf32, #tpu.memory_space<hbm>>
      %dma_start3A_892 = arith.constant 0 : i32
      %dma_start3A_893 = arith.constant 0 : i32
      %dma_start3A_894 = tpu.memref_slice %arg9[%dma_start3A_880, %dma_start3A_892, %dma_start3A_893] : memref<8x8x512xf32, #tpu.memory_space<vmem>> -> memref<1x8x512xf32, #tpu.memory_space<vmem>>
      %dma_start3A_895 = tpu.memref_squeeze %dma_start3A_894 : memref<1x8x512xf32, #tpu.memory_space<vmem>> -> memref<8x512xf32, #tpu.memory_space<vmem>>
      tpu.enqueue_dma source(%dma_start3A_895 : memref<8x512xf32, #tpu.memory_space<vmem>>) target(%dma_start3A_891 : memref<8x512xf32, #tpu.memory_space<hbm>>) target_semaphore(%arg13 : memref<!tpu.dma_semaphore, #tpu.memory_space<semaphore_mem>>)
      %dma_start3A_896 = arith.constant 5 : i32
      %dma_start3A_897 = arith.constant 13 : i32
      %dma_start3A_898 = arith.constant 0 : i32
      %dma_start3A_899 = arith.constant 0 : i32
      %dma_start3A_900 = tpu.memref_slice %arg9[%dma_start3A_896, %dma_start3A_898, %dma_start3A_899] : memref<8x8x512xf32, #tpu.memory_space<vmem>> -> memref<1x8x512xf32, #tpu.memory_space<vmem>>
      %dma_start3A_901 = tpu.memref_squeeze %dma_start3A_900 : memref<1x8x512xf32, #tpu.memory_space<vmem>> -> memref<8x512xf32, #tpu.memory_space<vmem>>
      %dma_start3A_902 = arith.constant 0 : i32
      %dma_start3A_903 = tpu.memref_slice %arg4[%select_n3A, %dma_start3A_897, %add3A_665, %dma_start3A_902] : memref<16x16x512x512xf32, #tpu.memory_space<hbm>> -> memref<1x1x8x512xf32, #tpu.memory_space<hbm>>
      %dma_start3A_904 = tpu.memref_squeeze %dma_start3A_903 : memref<1x1x8x512xf32, #tpu.memory_space<hbm>> -> memref<8x512xf32, #tpu.memory_space<hbm>>
      %dma_start3A_905 = arith.constant 0 : i32
      %dma_start3A_906 = tpu.memref_slice %arg4[%select_n3A, %dma_start3A_897, %add3A_665, %dma_start3A_905] : memref<16x16x512x512xf32, #tpu.memory_space<hbm>> -> memref<1x1x8x512xf32, #tpu.memory_space<hbm>>
      %dma_start3A_907 = tpu.memref_squeeze %dma_start3A_906 : memref<1x1x8x512xf32, #tpu.memory_space<hbm>> -> memref<8x512xf32, #tpu.memory_space<hbm>>
      %dma_start3A_908 = arith.constant 0 : i32
      %dma_start3A_909 = arith.constant 0 : i32
      %dma_start3A_910 = tpu.memref_slice %arg9[%dma_start3A_896, %dma_start3A_908, %dma_start3A_909] : memref<8x8x512xf32, #tpu.memory_space<vmem>> -> memref<1x8x512xf32, #tpu.memory_space<vmem>>
      %dma_start3A_911 = tpu.memref_squeeze %dma_start3A_910 : memref<1x8x512xf32, #tpu.memory_space<vmem>> -> memref<8x512xf32, #tpu.memory_space<vmem>>
      tpu.enqueue_dma source(%dma_start3A_911 : memref<8x512xf32, #tpu.memory_space<vmem>>) target(%dma_start3A_907 : memref<8x512xf32, #tpu.memory_space<hbm>>) target_semaphore(%arg13 : memref<!tpu.dma_semaphore, #tpu.memory_space<semaphore_mem>>)
      %dma_start3A_912 = arith.constant 6 : i32
      %dma_start3A_913 = arith.constant 14 : i32
      %dma_start3A_914 = arith.constant 0 : i32
      %dma_start3A_915 = arith.constant 0 : i32
      %dma_start3A_916 = tpu.memref_slice %arg9[%dma_start3A_912, %dma_start3A_914, %dma_start3A_915] : memref<8x8x512xf32, #tpu.memory_space<vmem>> -> memref<1x8x512xf32, #tpu.memory_space<vmem>>
      %dma_start3A_917 = tpu.memref_squeeze %dma_start3A_916 : memref<1x8x512xf32, #tpu.memory_space<vmem>> -> memref<8x512xf32, #tpu.memory_space<vmem>>
      %dma_start3A_918 = arith.constant 0 : i32
      %dma_start3A_919 = tpu.memref_slice %arg4[%select_n3A, %dma_start3A_913, %add3A_665, %dma_start3A_918] : memref<16x16x512x512xf32, #tpu.memory_space<hbm>> -> memref<1x1x8x512xf32, #tpu.memory_space<hbm>>
      %dma_start3A_920 = tpu.memref_squeeze %dma_start3A_919 : memref<1x1x8x512xf32, #tpu.memory_space<hbm>> -> memref<8x512xf32, #tpu.memory_space<hbm>>
      %dma_start3A_921 = arith.constant 0 : i32
      %dma_start3A_922 = tpu.memref_slice %arg4[%select_n3A, %dma_start3A_913, %add3A_665, %dma_start3A_921] : memref<16x16x512x512xf32, #tpu.memory_space<hbm>> -> memref<1x1x8x512xf32, #tpu.memory_space<hbm>>
      %dma_start3A_923 = tpu.memref_squeeze %dma_start3A_922 : memref<1x1x8x512xf32, #tpu.memory_space<hbm>> -> memref<8x512xf32, #tpu.memory_space<hbm>>
      %dma_start3A_924 = arith.constant 0 : i32
      %dma_start3A_925 = arith.constant 0 : i32
      %dma_start3A_926 = tpu.memref_slice %arg9[%dma_start3A_912, %dma_start3A_924, %dma_start3A_925] : memref<8x8x512xf32, #tpu.memory_space<vmem>> -> memref<1x8x512xf32, #tpu.memory_space<vmem>>
      %dma_start3A_927 = tpu.memref_squeeze %dma_start3A_926 : memref<1x8x512xf32, #tpu.memory_space<vmem>> -> memref<8x512xf32, #tpu.memory_space<vmem>>
      tpu.enqueue_dma source(%dma_start3A_927 : memref<8x512xf32, #tpu.memory_space<vmem>>) target(%dma_start3A_923 : memref<8x512xf32, #tpu.memory_space<hbm>>) target_semaphore(%arg13 : memref<!tpu.dma_semaphore, #tpu.memory_space<semaphore_mem>>)
      %dma_start3A_928 = arith.constant 7 : i32
      %dma_start3A_929 = arith.constant 15 : i32
      %dma_start3A_930 = arith.constant 0 : i32
      %dma_start3A_931 = arith.constant 0 : i32
      %dma_start3A_932 = tpu.memref_slice %arg9[%dma_start3A_928, %dma_start3A_930, %dma_start3A_931] : memref<8x8x512xf32, #tpu.memory_space<vmem>> -> memref<1x8x512xf32, #tpu.memory_space<vmem>>
      %dma_start3A_933 = tpu.memref_squeeze %dma_start3A_932 : memref<1x8x512xf32, #tpu.memory_space<vmem>> -> memref<8x512xf32, #tpu.memory_space<vmem>>
      %dma_start3A_934 = arith.constant 0 : i32
      %dma_start3A_935 = tpu.memref_slice %arg4[%select_n3A, %dma_start3A_929, %add3A_665, %dma_start3A_934] : memref<16x16x512x512xf32, #tpu.memory_space<hbm>> -> memref<1x1x8x512xf32, #tpu.memory_space<hbm>>
      %dma_start3A_936 = tpu.memref_squeeze %dma_start3A_935 : memref<1x1x8x512xf32, #tpu.memory_space<hbm>> -> memref<8x512xf32, #tpu.memory_space<hbm>>
      %dma_start3A_937 = arith.constant 0 : i32
      %dma_start3A_938 = tpu.memref_slice %arg4[%select_n3A, %dma_start3A_929, %add3A_665, %dma_start3A_937] : memref<16x16x512x512xf32, #tpu.memory_space<hbm>> -> memref<1x1x8x512xf32, #tpu.memory_space<hbm>>
      %dma_start3A_939 = tpu.memref_squeeze %dma_start3A_938 : memref<1x1x8x512xf32, #tpu.memory_space<hbm>> -> memref<8x512xf32, #tpu.memory_space<hbm>>
      %dma_start3A_940 = arith.constant 0 : i32
      %dma_start3A_941 = arith.constant 0 : i32
      %dma_start3A_942 = tpu.memref_slice %arg9[%dma_start3A_928, %dma_start3A_940, %dma_start3A_941] : memref<8x8x512xf32, #tpu.memory_space<vmem>> -> memref<1x8x512xf32, #tpu.memory_space<vmem>>
      %dma_start3A_943 = tpu.memref_squeeze %dma_start3A_942 : memref<1x8x512xf32, #tpu.memory_space<vmem>> -> memref<8x512xf32, #tpu.memory_space<vmem>>
      tpu.enqueue_dma source(%dma_start3A_943 : memref<8x512xf32, #tpu.memory_space<vmem>>) target(%dma_start3A_939 : memref<8x512xf32, #tpu.memory_space<hbm>>) target_semaphore(%arg13 : memref<!tpu.dma_semaphore, #tpu.memory_space<semaphore_mem>>)
    }
    %scan3A_42 = arith.constant 16 : i32
    %dma_wait3A = arith.constant 0 : i32
    %dma_wait3A_43 = arith.constant 0 : i32
    %dma_wait3A_44 = arith.constant 0 : i32
    %dma_wait3A_45 = arith.constant 0 : i32
    %dma_wait3A_46 = arith.constant 0 : i32
    %dma_wait3A_47 = tpu.memref_slice %arg8[%dma_wait3A, %dma_wait3A_45, %dma_wait3A_46] : memref<8x8x512xf32, #tpu.memory_space<vmem>> -> memref<1x8x512xf32, #tpu.memory_space<vmem>>
    %dma_wait3A_48 = tpu.memref_squeeze %dma_wait3A_47 : memref<1x8x512xf32, #tpu.memory_space<vmem>> -> memref<8x512xf32, #tpu.memory_space<vmem>>
    %dma_wait3A_49 = arith.constant 0 : i32
    %dma_wait3A_50 = arith.constant 0 : i32
    %dma_wait3A_51 = tpu.memref_slice %arg4[%dma_wait3A_43, %dma_wait3A_44, %dma_wait3A_49, %dma_wait3A_50] : memref<16x16x512x512xf32, #tpu.memory_space<hbm>> -> memref<1x1x8x512xf32, #tpu.memory_space<hbm>>
    %dma_wait3A_52 = tpu.memref_squeeze %dma_wait3A_51 : memref<1x1x8x512xf32, #tpu.memory_space<hbm>> -> memref<8x512xf32, #tpu.memory_space<hbm>>
    %dma_wait3A_53 = arith.constant 0 : i32
    %dma_wait3A_54 = arith.constant 0 : i32
    %dma_wait3A_55 = tpu.memref_slice %arg4[%dma_wait3A_43, %dma_wait3A_44, %dma_wait3A_53, %dma_wait3A_54] : memref<16x16x512x512xf32, #tpu.memory_space<hbm>> -> memref<1x1x8x512xf32, #tpu.memory_space<hbm>>
    %dma_wait3A_56 = tpu.memref_squeeze %dma_wait3A_55 : memref<1x1x8x512xf32, #tpu.memory_space<hbm>> -> memref<8x512xf32, #tpu.memory_space<hbm>>
    %dma_wait3A_57 = arith.constant 0 : i32
    %dma_wait3A_58 = arith.constant 0 : i32
    %dma_wait3A_59 = tpu.memref_slice %arg8[%dma_wait3A, %dma_wait3A_57, %dma_wait3A_58] : memref<8x8x512xf32, #tpu.memory_space<vmem>> -> memref<1x8x512xf32, #tpu.memory_space<vmem>>
    %dma_wait3A_60 = tpu.memref_squeeze %dma_wait3A_59 : memref<1x8x512xf32, #tpu.memory_space<vmem>> -> memref<8x512xf32, #tpu.memory_space<vmem>>
    tpu.wait_dma2 semaphore(%arg12 : memref<!tpu.dma_semaphore, #tpu.memory_space<semaphore_mem>>) src(%dma_wait3A_60 : memref<8x512xf32, #tpu.memory_space<vmem>>) dst(%dma_wait3A_56 : memref<8x512xf32, #tpu.memory_space<hbm>>)
    %dma_wait3A_61 = arith.constant 0 : i32
    %dma_wait3A_62 = arith.constant 0 : i32
    %dma_wait3A_63 = arith.constant 0 : i32
    %dma_wait3A_64 = arith.constant 0 : i32
    %dma_wait3A_65 = arith.constant 0 : i32
    %dma_wait3A_66 = tpu.memref_slice %arg9[%dma_wait3A_61, %dma_wait3A_64, %dma_wait3A_65] : memref<8x8x512xf32, #tpu.memory_space<vmem>> -> memref<1x8x512xf32, #tpu.memory_space<vmem>>
    %dma_wait3A_67 = tpu.memref_squeeze %dma_wait3A_66 : memref<1x8x512xf32, #tpu.memory_space<vmem>> -> memref<8x512xf32, #tpu.memory_space<vmem>>
    %dma_wait3A_68 = arith.constant 0 : i32
    %dma_wait3A_69 = arith.constant 0 : i32
    %dma_wait3A_70 = tpu.memref_slice %arg4[%dma_wait3A_62, %dma_wait3A_63, %dma_wait3A_68, %dma_wait3A_69] : memref<16x16x512x512xf32, #tpu.memory_space<hbm>> -> memref<1x1x8x512xf32, #tpu.memory_space<hbm>>
    %dma_wait3A_71 = tpu.memref_squeeze %dma_wait3A_70 : memref<1x1x8x512xf32, #tpu.memory_space<hbm>> -> memref<8x512xf32, #tpu.memory_space<hbm>>
    %dma_wait3A_72 = arith.constant 0 : i32
    %dma_wait3A_73 = arith.constant 0 : i32
    %dma_wait3A_74 = tpu.memref_slice %arg4[%dma_wait3A_62, %dma_wait3A_63, %dma_wait3A_72, %dma_wait3A_73] : memref<16x16x512x512xf32, #tpu.memory_space<hbm>> -> memref<1x1x8x512xf32, #tpu.memory_space<hbm>>
    %dma_wait3A_75 = tpu.memref_squeeze %dma_wait3A_74 : memref<1x1x8x512xf32, #tpu.memory_space<hbm>> -> memref<8x512xf32, #tpu.memory_space<hbm>>
    %dma_wait3A_76 = arith.constant 0 : i32
    %dma_wait3A_77 = arith.constant 0 : i32
    %dma_wait3A_78 = tpu.memref_slice %arg9[%dma_wait3A_61, %dma_wait3A_76, %dma_wait3A_77] : memref<8x8x512xf32, #tpu.memory_space<vmem>> -> memref<1x8x512xf32, #tpu.memory_space<vmem>>
    %dma_wait3A_79 = tpu.memref_squeeze %dma_wait3A_78 : memref<1x8x512xf32, #tpu.memory_space<vmem>> -> memref<8x512xf32, #tpu.memory_space<vmem>>
    tpu.wait_dma2 semaphore(%arg13 : memref<!tpu.dma_semaphore, #tpu.memory_space<semaphore_mem>>) src(%dma_wait3A_79 : memref<8x512xf32, #tpu.memory_space<vmem>>) dst(%dma_wait3A_75 : memref<8x512xf32, #tpu.memory_space<hbm>>)
    %dma_wait3A_80 = arith.constant 1 : i32
    %dma_wait3A_81 = arith.constant 0 : i32
    %dma_wait3A_82 = arith.constant 1 : i32
    %dma_wait3A_83 = arith.constant 0 : i32
    %dma_wait3A_84 = arith.constant 0 : i32
    %dma_wait3A_85 = tpu.memref_slice %arg8[%dma_wait3A_80, %dma_wait3A_83, %dma_wait3A_84] : memref<8x8x512xf32, #tpu.memory_space<vmem>> -> memref<1x8x512xf32, #tpu.memory_space<vmem>>
    %dma_wait3A_86 = tpu.memref_squeeze %dma_wait3A_85 : memref<1x8x512xf32, #tpu.memory_space<vmem>> -> memref<8x512xf32, #tpu.memory_space<vmem>>
    %dma_wait3A_87 = arith.constant 0 : i32
    %dma_wait3A_88 = arith.constant 0 : i32
    %dma_wait3A_89 = tpu.memref_slice %arg4[%dma_wait3A_81, %dma_wait3A_82, %dma_wait3A_87, %dma_wait3A_88] : memref<16x16x512x512xf32, #tpu.memory_space<hbm>> -> memref<1x1x8x512xf32, #tpu.memory_space<hbm>>
    %dma_wait3A_90 = tpu.memref_squeeze %dma_wait3A_89 : memref<1x1x8x512xf32, #tpu.memory_space<hbm>> -> memref<8x512xf32, #tpu.memory_space<hbm>>
    %dma_wait3A_91 = arith.constant 0 : i32
    %dma_wait3A_92 = arith.constant 0 : i32
    %dma_wait3A_93 = tpu.memref_slice %arg4[%dma_wait3A_81, %dma_wait3A_82, %dma_wait3A_91, %dma_wait3A_92] : memref<16x16x512x512xf32, #tpu.memory_space<hbm>> -> memref<1x1x8x512xf32, #tpu.memory_space<hbm>>
    %dma_wait3A_94 = tpu.memref_squeeze %dma_wait3A_93 : memref<1x1x8x512xf32, #tpu.memory_space<hbm>> -> memref<8x512xf32, #tpu.memory_space<hbm>>
    %dma_wait3A_95 = arith.constant 0 : i32
    %dma_wait3A_96 = arith.constant 0 : i32
    %dma_wait3A_97 = tpu.memref_slice %arg8[%dma_wait3A_80, %dma_wait3A_95, %dma_wait3A_96] : memref<8x8x512xf32, #tpu.memory_space<vmem>> -> memref<1x8x512xf32, #tpu.memory_space<vmem>>
    %dma_wait3A_98 = tpu.memref_squeeze %dma_wait3A_97 : memref<1x8x512xf32, #tpu.memory_space<vmem>> -> memref<8x512xf32, #tpu.memory_space<vmem>>
    tpu.wait_dma2 semaphore(%arg12 : memref<!tpu.dma_semaphore, #tpu.memory_space<semaphore_mem>>) src(%dma_wait3A_98 : memref<8x512xf32, #tpu.memory_space<vmem>>) dst(%dma_wait3A_94 : memref<8x512xf32, #tpu.memory_space<hbm>>)
    %dma_wait3A_99 = arith.constant 1 : i32
    %dma_wait3A_100 = arith.constant 0 : i32
    %dma_wait3A_101 = arith.constant 1 : i32
    %dma_wait3A_102 = arith.constant 0 : i32
    %dma_wait3A_103 = arith.constant 0 : i32
    %dma_wait3A_104 = tpu.memref_slice %arg9[%dma_wait3A_99, %dma_wait3A_102, %dma_wait3A_103] : memref<8x8x512xf32, #tpu.memory_space<vmem>> -> memref<1x8x512xf32, #tpu.memory_space<vmem>>
    %dma_wait3A_105 = tpu.memref_squeeze %dma_wait3A_104 : memref<1x8x512xf32, #tpu.memory_space<vmem>> -> memref<8x512xf32, #tpu.memory_space<vmem>>
    %dma_wait3A_106 = arith.constant 0 : i32
    %dma_wait3A_107 = arith.constant 0 : i32
    %dma_wait3A_108 = tpu.memref_slice %arg4[%dma_wait3A_100, %dma_wait3A_101, %dma_wait3A_106, %dma_wait3A_107] : memref<16x16x512x512xf32, #tpu.memory_space<hbm>> -> memref<1x1x8x512xf32, #tpu.memory_space<hbm>>
    %dma_wait3A_109 = tpu.memref_squeeze %dma_wait3A_108 : memref<1x1x8x512xf32, #tpu.memory_space<hbm>> -> memref<8x512xf32, #tpu.memory_space<hbm>>
    %dma_wait3A_110 = arith.constant 0 : i32
    %dma_wait3A_111 = arith.constant 0 : i32
    %dma_wait3A_112 = tpu.memref_slice %arg4[%dma_wait3A_100, %dma_wait3A_101, %dma_wait3A_110, %dma_wait3A_111] : memref<16x16x512x512xf32, #tpu.memory_space<hbm>> -> memref<1x1x8x512xf32, #tpu.memory_space<hbm>>
    %dma_wait3A_113 = tpu.memref_squeeze %dma_wait3A_112 : memref<1x1x8x512xf32, #tpu.memory_space<hbm>> -> memref<8x512xf32, #tpu.memory_space<hbm>>
    %dma_wait3A_114 = arith.constant 0 : i32
    %dma_wait3A_115 = arith.constant 0 : i32
    %dma_wait3A_116 = tpu.memref_slice %arg9[%dma_wait3A_99, %dma_wait3A_114, %dma_wait3A_115] : memref<8x8x512xf32, #tpu.memory_space<vmem>> -> memref<1x8x512xf32, #tpu.memory_space<vmem>>
    %dma_wait3A_117 = tpu.memref_squeeze %dma_wait3A_116 : memref<1x8x512xf32, #tpu.memory_space<vmem>> -> memref<8x512xf32, #tpu.memory_space<vmem>>
    tpu.wait_dma2 semaphore(%arg13 : memref<!tpu.dma_semaphore, #tpu.memory_space<semaphore_mem>>) src(%dma_wait3A_117 : memref<8x512xf32, #tpu.memory_space<vmem>>) dst(%dma_wait3A_113 : memref<8x512xf32, #tpu.memory_space<hbm>>)
    %dma_wait3A_118 = arith.constant 2 : i32
    %dma_wait3A_119 = arith.constant 0 : i32
    %dma_wait3A_120 = arith.constant 2 : i32
    %dma_wait3A_121 = arith.constant 0 : i32
    %dma_wait3A_122 = arith.constant 0 : i32
    %dma_wait3A_123 = tpu.memref_slice %arg8[%dma_wait3A_118, %dma_wait3A_121, %dma_wait3A_122] : memref<8x8x512xf32, #tpu.memory_space<vmem>> -> memref<1x8x512xf32, #tpu.memory_space<vmem>>
    %dma_wait3A_124 = tpu.memref_squeeze %dma_wait3A_123 : memref<1x8x512xf32, #tpu.memory_space<vmem>> -> memref<8x512xf32, #tpu.memory_space<vmem>>
    %dma_wait3A_125 = arith.constant 0 : i32
    %dma_wait3A_126 = arith.constant 0 : i32
    %dma_wait3A_127 = tpu.memref_slice %arg4[%dma_wait3A_119, %dma_wait3A_120, %dma_wait3A_125, %dma_wait3A_126] : memref<16x16x512x512xf32, #tpu.memory_space<hbm>> -> memref<1x1x8x512xf32, #tpu.memory_space<hbm>>
    %dma_wait3A_128 = tpu.memref_squeeze %dma_wait3A_127 : memref<1x1x8x512xf32, #tpu.memory_space<hbm>> -> memref<8x512xf32, #tpu.memory_space<hbm>>
    %dma_wait3A_129 = arith.constant 0 : i32
    %dma_wait3A_130 = arith.constant 0 : i32
    %dma_wait3A_131 = tpu.memref_slice %arg4[%dma_wait3A_119, %dma_wait3A_120, %dma_wait3A_129, %dma_wait3A_130] : memref<16x16x512x512xf32, #tpu.memory_space<hbm>> -> memref<1x1x8x512xf32, #tpu.memory_space<hbm>>
    %dma_wait3A_132 = tpu.memref_squeeze %dma_wait3A_131 : memref<1x1x8x512xf32, #tpu.memory_space<hbm>> -> memref<8x512xf32, #tpu.memory_space<hbm>>
    %dma_wait3A_133 = arith.constant 0 : i32
    %dma_wait3A_134 = arith.constant 0 : i32
    %dma_wait3A_135 = tpu.memref_slice %arg8[%dma_wait3A_118, %dma_wait3A_133, %dma_wait3A_134] : memref<8x8x512xf32, #tpu.memory_space<vmem>> -> memref<1x8x512xf32, #tpu.memory_space<vmem>>
    %dma_wait3A_136 = tpu.memref_squeeze %dma_wait3A_135 : memref<1x8x512xf32, #tpu.memory_space<vmem>> -> memref<8x512xf32, #tpu.memory_space<vmem>>
    tpu.wait_dma2 semaphore(%arg12 : memref<!tpu.dma_semaphore, #tpu.memory_space<semaphore_mem>>) src(%dma_wait3A_136 : memref<8x512xf32, #tpu.memory_space<vmem>>) dst(%dma_wait3A_132 : memref<8x512xf32, #tpu.memory_space<hbm>>)
    %dma_wait3A_137 = arith.constant 2 : i32
    %dma_wait3A_138 = arith.constant 0 : i32
    %dma_wait3A_139 = arith.constant 2 : i32
    %dma_wait3A_140 = arith.constant 0 : i32
    %dma_wait3A_141 = arith.constant 0 : i32
    %dma_wait3A_142 = tpu.memref_slice %arg9[%dma_wait3A_137, %dma_wait3A_140, %dma_wait3A_141] : memref<8x8x512xf32, #tpu.memory_space<vmem>> -> memref<1x8x512xf32, #tpu.memory_space<vmem>>
    %dma_wait3A_143 = tpu.memref_squeeze %dma_wait3A_142 : memref<1x8x512xf32, #tpu.memory_space<vmem>> -> memref<8x512xf32, #tpu.memory_space<vmem>>
    %dma_wait3A_144 = arith.constant 0 : i32
    %dma_wait3A_145 = arith.constant 0 : i32
    %dma_wait3A_146 = tpu.memref_slice %arg4[%dma_wait3A_138, %dma_wait3A_139, %dma_wait3A_144, %dma_wait3A_145] : memref<16x16x512x512xf32, #tpu.memory_space<hbm>> -> memref<1x1x8x512xf32, #tpu.memory_space<hbm>>
    %dma_wait3A_147 = tpu.memref_squeeze %dma_wait3A_146 : memref<1x1x8x512xf32, #tpu.memory_space<hbm>> -> memref<8x512xf32, #tpu.memory_space<hbm>>
    %dma_wait3A_148 = arith.constant 0 : i32
    %dma_wait3A_149 = arith.constant 0 : i32
    %dma_wait3A_150 = tpu.memref_slice %arg4[%dma_wait3A_138, %dma_wait3A_139, %dma_wait3A_148, %dma_wait3A_149] : memref<16x16x512x512xf32, #tpu.memory_space<hbm>> -> memref<1x1x8x512xf32, #tpu.memory_space<hbm>>
    %dma_wait3A_151 = tpu.memref_squeeze %dma_wait3A_150 : memref<1x1x8x512xf32, #tpu.memory_space<hbm>> -> memref<8x512xf32, #tpu.memory_space<hbm>>
    %dma_wait3A_152 = arith.constant 0 : i32
    %dma_wait3A_153 = arith.constant 0 : i32
    %dma_wait3A_154 = tpu.memref_slice %arg9[%dma_wait3A_137, %dma_wait3A_152, %dma_wait3A_153] : memref<8x8x512xf32, #tpu.memory_space<vmem>> -> memref<1x8x512xf32, #tpu.memory_space<vmem>>
    %dma_wait3A_155 = tpu.memref_squeeze %dma_wait3A_154 : memref<1x8x512xf32, #tpu.memory_space<vmem>> -> memref<8x512xf32, #tpu.memory_space<vmem>>
    tpu.wait_dma2 semaphore(%arg13 : memref<!tpu.dma_semaphore, #tpu.memory_space<semaphore_mem>>) src(%dma_wait3A_155 : memref<8x512xf32, #tpu.memory_space<vmem>>) dst(%dma_wait3A_151 : memref<8x512xf32, #tpu.memory_space<hbm>>)
    %dma_wait3A_156 = arith.constant 3 : i32
    %dma_wait3A_157 = arith.constant 0 : i32
    %dma_wait3A_158 = arith.constant 3 : i32
    %dma_wait3A_159 = arith.constant 0 : i32
    %dma_wait3A_160 = arith.constant 0 : i32
    %dma_wait3A_161 = tpu.memref_slice %arg8[%dma_wait3A_156, %dma_wait3A_159, %dma_wait3A_160] : memref<8x8x512xf32, #tpu.memory_space<vmem>> -> memref<1x8x512xf32, #tpu.memory_space<vmem>>
    %dma_wait3A_162 = tpu.memref_squeeze %dma_wait3A_161 : memref<1x8x512xf32, #tpu.memory_space<vmem>> -> memref<8x512xf32, #tpu.memory_space<vmem>>
    %dma_wait3A_163 = arith.constant 0 : i32
    %dma_wait3A_164 = arith.constant 0 : i32
    %dma_wait3A_165 = tpu.memref_slice %arg4[%dma_wait3A_157, %dma_wait3A_158, %dma_wait3A_163, %dma_wait3A_164] : memref<16x16x512x512xf32, #tpu.memory_space<hbm>> -> memref<1x1x8x512xf32, #tpu.memory_space<hbm>>
    %dma_wait3A_166 = tpu.memref_squeeze %dma_wait3A_165 : memref<1x1x8x512xf32, #tpu.memory_space<hbm>> -> memref<8x512xf32, #tpu.memory_space<hbm>>
    %dma_wait3A_167 = arith.constant 0 : i32
    %dma_wait3A_168 = arith.constant 0 : i32
    %dma_wait3A_169 = tpu.memref_slice %arg4[%dma_wait3A_157, %dma_wait3A_158, %dma_wait3A_167, %dma_wait3A_168] : memref<16x16x512x512xf32, #tpu.memory_space<hbm>> -> memref<1x1x8x512xf32, #tpu.memory_space<hbm>>
    %dma_wait3A_170 = tpu.memref_squeeze %dma_wait3A_169 : memref<1x1x8x512xf32, #tpu.memory_space<hbm>> -> memref<8x512xf32, #tpu.memory_space<hbm>>
    %dma_wait3A_171 = arith.constant 0 : i32
    %dma_wait3A_172 = arith.constant 0 : i32
    %dma_wait3A_173 = tpu.memref_slice %arg8[%dma_wait3A_156, %dma_wait3A_171, %dma_wait3A_172] : memref<8x8x512xf32, #tpu.memory_space<vmem>> -> memref<1x8x512xf32, #tpu.memory_space<vmem>>
    %dma_wait3A_174 = tpu.memref_squeeze %dma_wait3A_173 : memref<1x8x512xf32, #tpu.memory_space<vmem>> -> memref<8x512xf32, #tpu.memory_space<vmem>>
    tpu.wait_dma2 semaphore(%arg12 : memref<!tpu.dma_semaphore, #tpu.memory_space<semaphore_mem>>) src(%dma_wait3A_174 : memref<8x512xf32, #tpu.memory_space<vmem>>) dst(%dma_wait3A_170 : memref<8x512xf32, #tpu.memory_space<hbm>>)
    %dma_wait3A_175 = arith.constant 3 : i32
    %dma_wait3A_176 = arith.constant 0 : i32
    %dma_wait3A_177 = arith.constant 3 : i32
    %dma_wait3A_178 = arith.constant 0 : i32
    %dma_wait3A_179 = arith.constant 0 : i32
    %dma_wait3A_180 = tpu.memref_slice %arg9[%dma_wait3A_175, %dma_wait3A_178, %dma_wait3A_179] : memref<8x8x512xf32, #tpu.memory_space<vmem>> -> memref<1x8x512xf32, #tpu.memory_space<vmem>>
    %dma_wait3A_181 = tpu.memref_squeeze %dma_wait3A_180 : memref<1x8x512xf32, #tpu.memory_space<vmem>> -> memref<8x512xf32, #tpu.memory_space<vmem>>
    %dma_wait3A_182 = arith.constant 0 : i32
    %dma_wait3A_183 = arith.constant 0 : i32
    %dma_wait3A_184 = tpu.memref_slice %arg4[%dma_wait3A_176, %dma_wait3A_177, %dma_wait3A_182, %dma_wait3A_183] : memref<16x16x512x512xf32, #tpu.memory_space<hbm>> -> memref<1x1x8x512xf32, #tpu.memory_space<hbm>>
    %dma_wait3A_185 = tpu.memref_squeeze %dma_wait3A_184 : memref<1x1x8x512xf32, #tpu.memory_space<hbm>> -> memref<8x512xf32, #tpu.memory_space<hbm>>
    %dma_wait3A_186 = arith.constant 0 : i32
    %dma_wait3A_187 = arith.constant 0 : i32
    %dma_wait3A_188 = tpu.memref_slice %arg4[%dma_wait3A_176, %dma_wait3A_177, %dma_wait3A_186, %dma_wait3A_187] : memref<16x16x512x512xf32, #tpu.memory_space<hbm>> -> memref<1x1x8x512xf32, #tpu.memory_space<hbm>>
    %dma_wait3A_189 = tpu.memref_squeeze %dma_wait3A_188 : memref<1x1x8x512xf32, #tpu.memory_space<hbm>> -> memref<8x512xf32, #tpu.memory_space<hbm>>
    %dma_wait3A_190 = arith.constant 0 : i32
    %dma_wait3A_191 = arith.constant 0 : i32
    %dma_wait3A_192 = tpu.memref_slice %arg9[%dma_wait3A_175, %dma_wait3A_190, %dma_wait3A_191] : memref<8x8x512xf32, #tpu.memory_space<vmem>> -> memref<1x8x512xf32, #tpu.memory_space<vmem>>
    %dma_wait3A_193 = tpu.memref_squeeze %dma_wait3A_192 : memref<1x8x512xf32, #tpu.memory_space<vmem>> -> memref<8x512xf32, #tpu.memory_space<vmem>>
    tpu.wait_dma2 semaphore(%arg13 : memref<!tpu.dma_semaphore, #tpu.memory_space<semaphore_mem>>) src(%dma_wait3A_193 : memref<8x512xf32, #tpu.memory_space<vmem>>) dst(%dma_wait3A_189 : memref<8x512xf32, #tpu.memory_space<hbm>>)
    %dma_wait3A_194 = arith.constant 4 : i32
    %dma_wait3A_195 = arith.constant 0 : i32
    %dma_wait3A_196 = arith.constant 4 : i32
    %dma_wait3A_197 = arith.constant 0 : i32
    %dma_wait3A_198 = arith.constant 0 : i32
    %dma_wait3A_199 = tpu.memref_slice %arg8[%dma_wait3A_194, %dma_wait3A_197, %dma_wait3A_198] : memref<8x8x512xf32, #tpu.memory_space<vmem>> -> memref<1x8x512xf32, #tpu.memory_space<vmem>>
    %dma_wait3A_200 = tpu.memref_squeeze %dma_wait3A_199 : memref<1x8x512xf32, #tpu.memory_space<vmem>> -> memref<8x512xf32, #tpu.memory_space<vmem>>
    %dma_wait3A_201 = arith.constant 0 : i32
    %dma_wait3A_202 = arith.constant 0 : i32
    %dma_wait3A_203 = tpu.memref_slice %arg4[%dma_wait3A_195, %dma_wait3A_196, %dma_wait3A_201, %dma_wait3A_202] : memref<16x16x512x512xf32, #tpu.memory_space<hbm>> -> memref<1x1x8x512xf32, #tpu.memory_space<hbm>>
    %dma_wait3A_204 = tpu.memref_squeeze %dma_wait3A_203 : memref<1x1x8x512xf32, #tpu.memory_space<hbm>> -> memref<8x512xf32, #tpu.memory_space<hbm>>
    %dma_wait3A_205 = arith.constant 0 : i32
    %dma_wait3A_206 = arith.constant 0 : i32
    %dma_wait3A_207 = tpu.memref_slice %arg4[%dma_wait3A_195, %dma_wait3A_196, %dma_wait3A_205, %dma_wait3A_206] : memref<16x16x512x512xf32, #tpu.memory_space<hbm>> -> memref<1x1x8x512xf32, #tpu.memory_space<hbm>>
    %dma_wait3A_208 = tpu.memref_squeeze %dma_wait3A_207 : memref<1x1x8x512xf32, #tpu.memory_space<hbm>> -> memref<8x512xf32, #tpu.memory_space<hbm>>
    %dma_wait3A_209 = arith.constant 0 : i32
    %dma_wait3A_210 = arith.constant 0 : i32
    %dma_wait3A_211 = tpu.memref_slice %arg8[%dma_wait3A_194, %dma_wait3A_209, %dma_wait3A_210] : memref<8x8x512xf32, #tpu.memory_space<vmem>> -> memref<1x8x512xf32, #tpu.memory_space<vmem>>
    %dma_wait3A_212 = tpu.memref_squeeze %dma_wait3A_211 : memref<1x8x512xf32, #tpu.memory_space<vmem>> -> memref<8x512xf32, #tpu.memory_space<vmem>>
    tpu.wait_dma2 semaphore(%arg12 : memref<!tpu.dma_semaphore, #tpu.memory_space<semaphore_mem>>) src(%dma_wait3A_212 : memref<8x512xf32, #tpu.memory_space<vmem>>) dst(%dma_wait3A_208 : memref<8x512xf32, #tpu.memory_space<hbm>>)
    %dma_wait3A_213 = arith.constant 4 : i32
    %dma_wait3A_214 = arith.constant 0 : i32
    %dma_wait3A_215 = arith.constant 4 : i32
    %dma_wait3A_216 = arith.constant 0 : i32
    %dma_wait3A_217 = arith.constant 0 : i32
    %dma_wait3A_218 = tpu.memref_slice %arg9[%dma_wait3A_213, %dma_wait3A_216, %dma_wait3A_217] : memref<8x8x512xf32, #tpu.memory_space<vmem>> -> memref<1x8x512xf32, #tpu.memory_space<vmem>>
    %dma_wait3A_219 = tpu.memref_squeeze %dma_wait3A_218 : memref<1x8x512xf32, #tpu.memory_space<vmem>> -> memref<8x512xf32, #tpu.memory_space<vmem>>
    %dma_wait3A_220 = arith.constant 0 : i32
    %dma_wait3A_221 = arith.constant 0 : i32
    %dma_wait3A_222 = tpu.memref_slice %arg4[%dma_wait3A_214, %dma_wait3A_215, %dma_wait3A_220, %dma_wait3A_221] : memref<16x16x512x512xf32, #tpu.memory_space<hbm>> -> memref<1x1x8x512xf32, #tpu.memory_space<hbm>>
    %dma_wait3A_223 = tpu.memref_squeeze %dma_wait3A_222 : memref<1x1x8x512xf32, #tpu.memory_space<hbm>> -> memref<8x512xf32, #tpu.memory_space<hbm>>
    %dma_wait3A_224 = arith.constant 0 : i32
    %dma_wait3A_225 = arith.constant 0 : i32
    %dma_wait3A_226 = tpu.memref_slice %arg4[%dma_wait3A_214, %dma_wait3A_215, %dma_wait3A_224, %dma_wait3A_225] : memref<16x16x512x512xf32, #tpu.memory_space<hbm>> -> memref<1x1x8x512xf32, #tpu.memory_space<hbm>>
    %dma_wait3A_227 = tpu.memref_squeeze %dma_wait3A_226 : memref<1x1x8x512xf32, #tpu.memory_space<hbm>> -> memref<8x512xf32, #tpu.memory_space<hbm>>
    %dma_wait3A_228 = arith.constant 0 : i32
    %dma_wait3A_229 = arith.constant 0 : i32
    %dma_wait3A_230 = tpu.memref_slice %arg9[%dma_wait3A_213, %dma_wait3A_228, %dma_wait3A_229] : memref<8x8x512xf32, #tpu.memory_space<vmem>> -> memref<1x8x512xf32, #tpu.memory_space<vmem>>
    %dma_wait3A_231 = tpu.memref_squeeze %dma_wait3A_230 : memref<1x8x512xf32, #tpu.memory_space<vmem>> -> memref<8x512xf32, #tpu.memory_space<vmem>>
    tpu.wait_dma2 semaphore(%arg13 : memref<!tpu.dma_semaphore, #tpu.memory_space<semaphore_mem>>) src(%dma_wait3A_231 : memref<8x512xf32, #tpu.memory_space<vmem>>) dst(%dma_wait3A_227 : memref<8x512xf32, #tpu.memory_space<hbm>>)
    %dma_wait3A_232 = arith.constant 5 : i32
    %dma_wait3A_233 = arith.constant 0 : i32
    %dma_wait3A_234 = arith.constant 5 : i32
    %dma_wait3A_235 = arith.constant 0 : i32
    %dma_wait3A_236 = arith.constant 0 : i32
    %dma_wait3A_237 = tpu.memref_slice %arg8[%dma_wait3A_232, %dma_wait3A_235, %dma_wait3A_236] : memref<8x8x512xf32, #tpu.memory_space<vmem>> -> memref<1x8x512xf32, #tpu.memory_space<vmem>>
    %dma_wait3A_238 = tpu.memref_squeeze %dma_wait3A_237 : memref<1x8x512xf32, #tpu.memory_space<vmem>> -> memref<8x512xf32, #tpu.memory_space<vmem>>
    %dma_wait3A_239 = arith.constant 0 : i32
    %dma_wait3A_240 = arith.constant 0 : i32
    %dma_wait3A_241 = tpu.memref_slice %arg4[%dma_wait3A_233, %dma_wait3A_234, %dma_wait3A_239, %dma_wait3A_240] : memref<16x16x512x512xf32, #tpu.memory_space<hbm>> -> memref<1x1x8x512xf32, #tpu.memory_space<hbm>>
    %dma_wait3A_242 = tpu.memref_squeeze %dma_wait3A_241 : memref<1x1x8x512xf32, #tpu.memory_space<hbm>> -> memref<8x512xf32, #tpu.memory_space<hbm>>
    %dma_wait3A_243 = arith.constant 0 : i32
    %dma_wait3A_244 = arith.constant 0 : i32
    %dma_wait3A_245 = tpu.memref_slice %arg4[%dma_wait3A_233, %dma_wait3A_234, %dma_wait3A_243, %dma_wait3A_244] : memref<16x16x512x512xf32, #tpu.memory_space<hbm>> -> memref<1x1x8x512xf32, #tpu.memory_space<hbm>>
    %dma_wait3A_246 = tpu.memref_squeeze %dma_wait3A_245 : memref<1x1x8x512xf32, #tpu.memory_space<hbm>> -> memref<8x512xf32, #tpu.memory_space<hbm>>
    %dma_wait3A_247 = arith.constant 0 : i32
    %dma_wait3A_248 = arith.constant 0 : i32
    %dma_wait3A_249 = tpu.memref_slice %arg8[%dma_wait3A_232, %dma_wait3A_247, %dma_wait3A_248] : memref<8x8x512xf32, #tpu.memory_space<vmem>> -> memref<1x8x512xf32, #tpu.memory_space<vmem>>
    %dma_wait3A_250 = tpu.memref_squeeze %dma_wait3A_249 : memref<1x8x512xf32, #tpu.memory_space<vmem>> -> memref<8x512xf32, #tpu.memory_space<vmem>>
    tpu.wait_dma2 semaphore(%arg12 : memref<!tpu.dma_semaphore, #tpu.memory_space<semaphore_mem>>) src(%dma_wait3A_250 : memref<8x512xf32, #tpu.memory_space<vmem>>) dst(%dma_wait3A_246 : memref<8x512xf32, #tpu.memory_space<hbm>>)
    %dma_wait3A_251 = arith.constant 5 : i32
    %dma_wait3A_252 = arith.constant 0 : i32
    %dma_wait3A_253 = arith.constant 5 : i32
    %dma_wait3A_254 = arith.constant 0 : i32
    %dma_wait3A_255 = arith.constant 0 : i32
    %dma_wait3A_256 = tpu.memref_slice %arg9[%dma_wait3A_251, %dma_wait3A_254, %dma_wait3A_255] : memref<8x8x512xf32, #tpu.memory_space<vmem>> -> memref<1x8x512xf32, #tpu.memory_space<vmem>>
    %dma_wait3A_257 = tpu.memref_squeeze %dma_wait3A_256 : memref<1x8x512xf32, #tpu.memory_space<vmem>> -> memref<8x512xf32, #tpu.memory_space<vmem>>
    %dma_wait3A_258 = arith.constant 0 : i32
    %dma_wait3A_259 = arith.constant 0 : i32
    %dma_wait3A_260 = tpu.memref_slice %arg4[%dma_wait3A_252, %dma_wait3A_253, %dma_wait3A_258, %dma_wait3A_259] : memref<16x16x512x512xf32, #tpu.memory_space<hbm>> -> memref<1x1x8x512xf32, #tpu.memory_space<hbm>>
    %dma_wait3A_261 = tpu.memref_squeeze %dma_wait3A_260 : memref<1x1x8x512xf32, #tpu.memory_space<hbm>> -> memref<8x512xf32, #tpu.memory_space<hbm>>
    %dma_wait3A_262 = arith.constant 0 : i32
    %dma_wait3A_263 = arith.constant 0 : i32
    %dma_wait3A_264 = tpu.memref_slice %arg4[%dma_wait3A_252, %dma_wait3A_253, %dma_wait3A_262, %dma_wait3A_263] : memref<16x16x512x512xf32, #tpu.memory_space<hbm>> -> memref<1x1x8x512xf32, #tpu.memory_space<hbm>>
    %dma_wait3A_265 = tpu.memref_squeeze %dma_wait3A_264 : memref<1x1x8x512xf32, #tpu.memory_space<hbm>> -> memref<8x512xf32, #tpu.memory_space<hbm>>
    %dma_wait3A_266 = arith.constant 0 : i32
    %dma_wait3A_267 = arith.constant 0 : i32
    %dma_wait3A_268 = tpu.memref_slice %arg9[%dma_wait3A_251, %dma_wait3A_266, %dma_wait3A_267] : memref<8x8x512xf32, #tpu.memory_space<vmem>> -> memref<1x8x512xf32, #tpu.memory_space<vmem>>
    %dma_wait3A_269 = tpu.memref_squeeze %dma_wait3A_268 : memref<1x8x512xf32, #tpu.memory_space<vmem>> -> memref<8x512xf32, #tpu.memory_space<vmem>>
    tpu.wait_dma2 semaphore(%arg13 : memref<!tpu.dma_semaphore, #tpu.memory_space<semaphore_mem>>) src(%dma_wait3A_269 : memref<8x512xf32, #tpu.memory_space<vmem>>) dst(%dma_wait3A_265 : memref<8x512xf32, #tpu.memory_space<hbm>>)
    %dma_wait3A_270 = arith.constant 6 : i32
    %dma_wait3A_271 = arith.constant 0 : i32
    %dma_wait3A_272 = arith.constant 6 : i32
    %dma_wait3A_273 = arith.constant 0 : i32
    %dma_wait3A_274 = arith.constant 0 : i32
    %dma_wait3A_275 = tpu.memref_slice %arg8[%dma_wait3A_270, %dma_wait3A_273, %dma_wait3A_274] : memref<8x8x512xf32, #tpu.memory_space<vmem>> -> memref<1x8x512xf32, #tpu.memory_space<vmem>>
    %dma_wait3A_276 = tpu.memref_squeeze %dma_wait3A_275 : memref<1x8x512xf32, #tpu.memory_space<vmem>> -> memref<8x512xf32, #tpu.memory_space<vmem>>
    %dma_wait3A_277 = arith.constant 0 : i32
    %dma_wait3A_278 = arith.constant 0 : i32
    %dma_wait3A_279 = tpu.memref_slice %arg4[%dma_wait3A_271, %dma_wait3A_272, %dma_wait3A_277, %dma_wait3A_278] : memref<16x16x512x512xf32, #tpu.memory_space<hbm>> -> memref<1x1x8x512xf32, #tpu.memory_space<hbm>>
    %dma_wait3A_280 = tpu.memref_squeeze %dma_wait3A_279 : memref<1x1x8x512xf32, #tpu.memory_space<hbm>> -> memref<8x512xf32, #tpu.memory_space<hbm>>
    %dma_wait3A_281 = arith.constant 0 : i32
    %dma_wait3A_282 = arith.constant 0 : i32
    %dma_wait3A_283 = tpu.memref_slice %arg4[%dma_wait3A_271, %dma_wait3A_272, %dma_wait3A_281, %dma_wait3A_282] : memref<16x16x512x512xf32, #tpu.memory_space<hbm>> -> memref<1x1x8x512xf32, #tpu.memory_space<hbm>>
    %dma_wait3A_284 = tpu.memref_squeeze %dma_wait3A_283 : memref<1x1x8x512xf32, #tpu.memory_space<hbm>> -> memref<8x512xf32, #tpu.memory_space<hbm>>
    %dma_wait3A_285 = arith.constant 0 : i32
    %dma_wait3A_286 = arith.constant 0 : i32
    %dma_wait3A_287 = tpu.memref_slice %arg8[%dma_wait3A_270, %dma_wait3A_285, %dma_wait3A_286] : memref<8x8x512xf32, #tpu.memory_space<vmem>> -> memref<1x8x512xf32, #tpu.memory_space<vmem>>
    %dma_wait3A_288 = tpu.memref_squeeze %dma_wait3A_287 : memref<1x8x512xf32, #tpu.memory_space<vmem>> -> memref<8x512xf32, #tpu.memory_space<vmem>>
    tpu.wait_dma2 semaphore(%arg12 : memref<!tpu.dma_semaphore, #tpu.memory_space<semaphore_mem>>) src(%dma_wait3A_288 : memref<8x512xf32, #tpu.memory_space<vmem>>) dst(%dma_wait3A_284 : memref<8x512xf32, #tpu.memory_space<hbm>>)
    %dma_wait3A_289 = arith.constant 6 : i32
    %dma_wait3A_290 = arith.constant 0 : i32
    %dma_wait3A_291 = arith.constant 6 : i32
    %dma_wait3A_292 = arith.constant 0 : i32
    %dma_wait3A_293 = arith.constant 0 : i32
    %dma_wait3A_294 = tpu.memref_slice %arg9[%dma_wait3A_289, %dma_wait3A_292, %dma_wait3A_293] : memref<8x8x512xf32, #tpu.memory_space<vmem>> -> memref<1x8x512xf32, #tpu.memory_space<vmem>>
    %dma_wait3A_295 = tpu.memref_squeeze %dma_wait3A_294 : memref<1x8x512xf32, #tpu.memory_space<vmem>> -> memref<8x512xf32, #tpu.memory_space<vmem>>
    %dma_wait3A_296 = arith.constant 0 : i32
    %dma_wait3A_297 = arith.constant 0 : i32
    %dma_wait3A_298 = tpu.memref_slice %arg4[%dma_wait3A_290, %dma_wait3A_291, %dma_wait3A_296, %dma_wait3A_297] : memref<16x16x512x512xf32, #tpu.memory_space<hbm>> -> memref<1x1x8x512xf32, #tpu.memory_space<hbm>>
    %dma_wait3A_299 = tpu.memref_squeeze %dma_wait3A_298 : memref<1x1x8x512xf32, #tpu.memory_space<hbm>> -> memref<8x512xf32, #tpu.memory_space<hbm>>
    %dma_wait3A_300 = arith.constant 0 : i32
    %dma_wait3A_301 = arith.constant 0 : i32
    %dma_wait3A_302 = tpu.memref_slice %arg4[%dma_wait3A_290, %dma_wait3A_291, %dma_wait3A_300, %dma_wait3A_301] : memref<16x16x512x512xf32, #tpu.memory_space<hbm>> -> memref<1x1x8x512xf32, #tpu.memory_space<hbm>>
    %dma_wait3A_303 = tpu.memref_squeeze %dma_wait3A_302 : memref<1x1x8x512xf32, #tpu.memory_space<hbm>> -> memref<8x512xf32, #tpu.memory_space<hbm>>
    %dma_wait3A_304 = arith.constant 0 : i32
    %dma_wait3A_305 = arith.constant 0 : i32
    %dma_wait3A_306 = tpu.memref_slice %arg9[%dma_wait3A_289, %dma_wait3A_304, %dma_wait3A_305] : memref<8x8x512xf32, #tpu.memory_space<vmem>> -> memref<1x8x512xf32, #tpu.memory_space<vmem>>
    %dma_wait3A_307 = tpu.memref_squeeze %dma_wait3A_306 : memref<1x8x512xf32, #tpu.memory_space<vmem>> -> memref<8x512xf32, #tpu.memory_space<vmem>>
    tpu.wait_dma2 semaphore(%arg13 : memref<!tpu.dma_semaphore, #tpu.memory_space<semaphore_mem>>) src(%dma_wait3A_307 : memref<8x512xf32, #tpu.memory_space<vmem>>) dst(%dma_wait3A_303 : memref<8x512xf32, #tpu.memory_space<hbm>>)
    %dma_wait3A_308 = arith.constant 7 : i32
    %dma_wait3A_309 = arith.constant 0 : i32
    %dma_wait3A_310 = arith.constant 7 : i32
    %dma_wait3A_311 = arith.constant 0 : i32
    %dma_wait3A_312 = arith.constant 0 : i32
    %dma_wait3A_313 = tpu.memref_slice %arg8[%dma_wait3A_308, %dma_wait3A_311, %dma_wait3A_312] : memref<8x8x512xf32, #tpu.memory_space<vmem>> -> memref<1x8x512xf32, #tpu.memory_space<vmem>>
    %dma_wait3A_314 = tpu.memref_squeeze %dma_wait3A_313 : memref<1x8x512xf32, #tpu.memory_space<vmem>> -> memref<8x512xf32, #tpu.memory_space<vmem>>
    %dma_wait3A_315 = arith.constant 0 : i32
    %dma_wait3A_316 = arith.constant 0 : i32
    %dma_wait3A_317 = tpu.memref_slice %arg4[%dma_wait3A_309, %dma_wait3A_310, %dma_wait3A_315, %dma_wait3A_316] : memref<16x16x512x512xf32, #tpu.memory_space<hbm>> -> memref<1x1x8x512xf32, #tpu.memory_space<hbm>>
    %dma_wait3A_318 = tpu.memref_squeeze %dma_wait3A_317 : memref<1x1x8x512xf32, #tpu.memory_space<hbm>> -> memref<8x512xf32, #tpu.memory_space<hbm>>
    %dma_wait3A_319 = arith.constant 0 : i32
    %dma_wait3A_320 = arith.constant 0 : i32
    %dma_wait3A_321 = tpu.memref_slice %arg4[%dma_wait3A_309, %dma_wait3A_310, %dma_wait3A_319, %dma_wait3A_320] : memref<16x16x512x512xf32, #tpu.memory_space<hbm>> -> memref<1x1x8x512xf32, #tpu.memory_space<hbm>>
    %dma_wait3A_322 = tpu.memref_squeeze %dma_wait3A_321 : memref<1x1x8x512xf32, #tpu.memory_space<hbm>> -> memref<8x512xf32, #tpu.memory_space<hbm>>
    %dma_wait3A_323 = arith.constant 0 : i32
    %dma_wait3A_324 = arith.constant 0 : i32
    %dma_wait3A_325 = tpu.memref_slice %arg8[%dma_wait3A_308, %dma_wait3A_323, %dma_wait3A_324] : memref<8x8x512xf32, #tpu.memory_space<vmem>> -> memref<1x8x512xf32, #tpu.memory_space<vmem>>
    %dma_wait3A_326 = tpu.memref_squeeze %dma_wait3A_325 : memref<1x8x512xf32, #tpu.memory_space<vmem>> -> memref<8x512xf32, #tpu.memory_space<vmem>>
    tpu.wait_dma2 semaphore(%arg12 : memref<!tpu.dma_semaphore, #tpu.memory_space<semaphore_mem>>) src(%dma_wait3A_326 : memref<8x512xf32, #tpu.memory_space<vmem>>) dst(%dma_wait3A_322 : memref<8x512xf32, #tpu.memory_space<hbm>>)
    %dma_wait3A_327 = arith.constant 7 : i32
    %dma_wait3A_328 = arith.constant 0 : i32
    %dma_wait3A_329 = arith.constant 7 : i32
    %dma_wait3A_330 = arith.constant 0 : i32
    %dma_wait3A_331 = arith.constant 0 : i32
    %dma_wait3A_332 = tpu.memref_slice %arg9[%dma_wait3A_327, %dma_wait3A_330, %dma_wait3A_331] : memref<8x8x512xf32, #tpu.memory_space<vmem>> -> memref<1x8x512xf32, #tpu.memory_space<vmem>>
    %dma_wait3A_333 = tpu.memref_squeeze %dma_wait3A_332 : memref<1x8x512xf32, #tpu.memory_space<vmem>> -> memref<8x512xf32, #tpu.memory_space<vmem>>
    %dma_wait3A_334 = arith.constant 0 : i32
    %dma_wait3A_335 = arith.constant 0 : i32
    %dma_wait3A_336 = tpu.memref_slice %arg4[%dma_wait3A_328, %dma_wait3A_329, %dma_wait3A_334, %dma_wait3A_335] : memref<16x16x512x512xf32, #tpu.memory_space<hbm>> -> memref<1x1x8x512xf32, #tpu.memory_space<hbm>>
    %dma_wait3A_337 = tpu.memref_squeeze %dma_wait3A_336 : memref<1x1x8x512xf32, #tpu.memory_space<hbm>> -> memref<8x512xf32, #tpu.memory_space<hbm>>
    %dma_wait3A_338 = arith.constant 0 : i32
    %dma_wait3A_339 = arith.constant 0 : i32
    %dma_wait3A_340 = tpu.memref_slice %arg4[%dma_wait3A_328, %dma_wait3A_329, %dma_wait3A_338, %dma_wait3A_339] : memref<16x16x512x512xf32, #tpu.memory_space<hbm>> -> memref<1x1x8x512xf32, #tpu.memory_space<hbm>>
    %dma_wait3A_341 = tpu.memref_squeeze %dma_wait3A_340 : memref<1x1x8x512xf32, #tpu.memory_space<hbm>> -> memref<8x512xf32, #tpu.memory_space<hbm>>
    %dma_wait3A_342 = arith.constant 0 : i32
    %dma_wait3A_343 = arith.constant 0 : i32
    %dma_wait3A_344 = tpu.memref_slice %arg9[%dma_wait3A_327, %dma_wait3A_342, %dma_wait3A_343] : memref<8x8x512xf32, #tpu.memory_space<vmem>> -> memref<1x8x512xf32, #tpu.memory_space<vmem>>
    %dma_wait3A_345 = tpu.memref_squeeze %dma_wait3A_344 : memref<1x8x512xf32, #tpu.memory_space<vmem>> -> memref<8x512xf32, #tpu.memory_space<vmem>>
    tpu.wait_dma2 semaphore(%arg13 : memref<!tpu.dma_semaphore, #tpu.memory_space<semaphore_mem>>) src(%dma_wait3A_345 : memref<8x512xf32, #tpu.memory_space<vmem>>) dst(%dma_wait3A_341 : memref<8x512xf32, #tpu.memory_space<hbm>>)
    return
  }
}

</mosaic_0001>

<sc_bundles>
// kernel: _hop_bias_sc.3.cloned.1.call-start
scs
__scs_entry_jumppad:
0x0: {  	(pc) =	sbr.rel $0x88, $3  }
0x1: {  	(tag) =	ssettag $0x0;
	lr =	simm.s32 $0x1  }
0x2: {  	[smem:$0x3F9F] =	sst lr;
	_ =	strace $0xD0000000  }
0x3: {  	_ = 	snop  }
0x4: {  	_ = 	snop  }
0x5: {  	_ = 	snop  }
0x6: {  	_ = 	snop  }
0x7: {  	_ = 	snop  }
__scs_overlays_trampoline_lowered:
0x8: {  	[smem:$0x3FAE] =	sst s0  }
0x9: {  	[smem:$0x3FAF] =	sst s1  }
0xa: {  	[smem:$0x3FB0] =	sst s2  }
0xb: {  	[smem:$0x3FB1] =	sst s3  }
0xc: {  	[smem:$0x3FB2] =	sst s4  }
0xd: {  	[smem:$0x3FB3] =	sst s5  }
0xe: {  	[smem:$0x3FB4] =	sst s6  }
0xf: {  	[smem:$0x3FB5] =	sst s7  }
0x10: {  	[smem:$0x3FB6] =	sst s8  }
0x11: {  	[smem:$0x3FB7] =	sst s9;
	s0 =	simm.s32 @!p0 $0x0  }
0x12: {  	s1 =	sld [smem:$0x3F9D];
	s0 =	simm.s32 @p0 $0x1  }
0x13: {  	[smem:$0x3FB8] =	sst s0;
	s0 =	simm.s32 @!p1 $0x0  }
0x14: {  	s2 =	sld [smem:$0x3F9C];
	s0 =	simm.s32 @p1 $0x1  }
0x15: {  	[smem:$0x3FB9] =	sst s0;
	s0 =	simm.s32 @!p2 $0x0  }
0x16: {  	s3 =	sld [smem:$0x3FDB];
	s0 =	simm.s32 @p2 $0x1  }
0x17: {  	s4 =	simm.s32 $0x1BF5;
	[smem:$0x3FBB] =	sst s0  }
0x18: {  	s0 =	sld [smem:$0x3F9E];
	_ =	swait.ge [sflag:s4], $0x0  }
0x19: {  	s7 =	sld [smem:$0x3F9F]  }
0x1a: {  	s8 =	sadd.s32 $0xFFFFE003, lr  }
0x1b: {  	s9 =	sadd.s32 $0xFFFFFEF7, lr;
	s5 =	simm.s32 $0xFFFFFFFF;
	p2 =	slt.u32 s8, $0xFFFFF086  }
0x1c: {  	p1 =	slt.u32 s9, $0xF7A;
	s5 =	simm.s32 @!p2 $0x0  }
0x1d: {  	s5 =	simm.s32 @p1 $0x1;
	p0 =	seq.s32 s7, s2  }
0x1e: {  	s7 =	smul.u32 @!p0 $0xF7A, s2;
	p2 =	seq.s32 @!p0 s5, $0x0  }
0x1f: {  	s9 =	smul.u32 $0xF7A, s1;
	s8 =	simm.s32 @!p0 $0x1BF5;
	p2 =	por !p2, p0  }
0x20: {  	[sflag:s8] =	ssyncset.s32 @!p0 $0xFFFFF086;
	s6 =	sadd.s32 @!p0 s3, s7;
	s7 =	simm.s32 @!p0 $0x108  }
0x21: {  	s3 =	sadd.s32 s3, s9;
	s6 =	sadd.s32 @!p0 $0x88, s6;
	s7 =	simm.s32 @p2 $0x1082  }
0x22: {  	[simem:s7], [sflag:s8] =	dma.local @!p0 [hbm:s6], $0xF7A  }
0x23: {  	s9 =	sor.u32 $0xD0000000, s2;
	s6 =	simm.s32 $0x108;
	_ =	swait.ge @!p0 [sflag:s8], $0x0  }
0x24: {  	s3 =	sadd.s32 $0x88, s3;
	s6 =	simm.s32 @!p1 $0x1082;
	[sflag:s4] =	ssyncset.s32 $0xFFFFF086  }
0x25: {  	[simem:s6], [sflag:s4] =	dma.local [hbm:s3], $0xF7A  }
0x26: {  	[smem:$0x3F9F] =	sst s1;
	(tag) =	ssettag s2;
	_ =	strace s9  }
0x27: {  	s1 =	sld [smem:$0x3FAF]  }
0x28: {  	s2 =	sld [smem:$0x3FB0]  }
0x29: {  	s4 =	sld [smem:$0x3FB2]  }
0x2a: {  	p0 =	seq.s32 s5, $0x0;
	s5 =	sld [smem:$0x3FB3]  }
0x2b: {  	s6 =	sld [smem:$0x3FB4]  }
0x2c: {  	s7 =	sld [smem:$0x3FB5]  }
0x2d: {  	s3 =	simm.s32 $0x108;
	s8 =	sld [smem:$0x3FB6]  }
0x2e: {  	s3 =	simm.s32 @!p0 $0x1082;
	s9 =	sld [smem:$0x3FB7]  }
0x2f: {  	lr =	sadd.s32 s0, s3;
	s0 =	sld [smem:$0x3FAE]  }
0x30: {  	s3 =	sld [smem:$0x3FB1]  }
0x31: {  	[smem:$0x3FBA] =	sst s10  }
0x32: {  	s10 =	sld [smem:$0x3FB8];
	_ =	sdelay $0x3  }
0x33: {  	p0 =	seq.s32 s10, $0x1;
	s10 =	sld [smem:$0x3FBA];
	_ =	sdelay $0x3  }
0x34: {  	[smem:$0x3FBA] =	sst s10  }
0x35: {  	s10 =	sld [smem:$0x3FB9];
	_ =	sdelay $0x3  }
0x36: {  	p1 =	seq.s32 s10, $0x1;
	s10 =	sld [smem:$0x3FBA];
	_ =	sdelay $0x3  }
0x37: {  	[smem:$0x3FBA] =	sst s10  }
0x38: {  	s10 =	sld [smem:$0x3FBB]  }
0x39: {  	_ = 	snop;
	(pc) =	sbr.ind lr, $3  }
0x3a: {  	_ = 	snop  }
0x3b: {  	_ = 	snop  }
0x3c: {  	p2 =	seq.s32 s10, $0x1;
	s10 =	sld [smem:$0x3FBA]  }
0x3d: {  	_ =	shalt  }
0x3e: {  	_ =	shalt  }
0x3f: {  	_ =	shalt  }
0x40: {  	_ =	shalt  }
0x41: {  	_ =	shalt  }
0x42: {  	_ =	shalt  }
0x43: {  	_ =	shalt  }
0x44: {  	_ =	shalt  }
0x45: {  	_ =	shalt  }
0x46: {  	_ =	shalt  }
0x47: {  	_ =	shalt  }
0x48: {  	_ =	shalt  }
0x49: {  	_ =	shalt  }
0x4a: {  	_ =	shalt  }
0x4b: {  	_ =	shalt  }
0x4c: {  	_ =	shalt  }
0x4d: {  	_ =	shalt  }
0x4e: {  	_ =	shalt  }
0x4f: {  	_ =	shalt  }
0x50: {  	_ =	shalt  }
0x51: {  	_ =	shalt  }
0x52: {  	_ =	shalt  }
0x53: {  	_ =	shalt  }
0x54: {  	_ =	shalt  }
0x55: {  	_ =	shalt  }
0x56: {  	_ =	shalt  }
0x57: {  	_ =	shalt  }
0x58: {  	_ =	shalt  }
0x59: {  	_ =	shalt  }
0x5a: {  	_ =	shalt  }
0x5b: {  	_ =	shalt  }
0x5c: {  	_ =	shalt  }
0x5d: {  	_ =	shalt  }
0x5e: {  	_ =	shalt  }
0x5f: {  	_ =	shalt  }
0x60: {  	_ =	shalt  }
0x61: {  	_ =	shalt  }
0x62: {  	_ =	shalt  }
0x63: {  	_ =	shalt  }
0x64: {  	_ =	shalt  }
0x65: {  	_ =	shalt  }
0x66: {  	_ =	shalt  }
0x67: {  	_ =	shalt  }
0x68: {  	_ =	shalt  }
0x69: {  	_ =	shalt  }
0x6a: {  	_ =	shalt  }
0x6b: {  	_ =	shalt  }
0x6c: {  	_ =	shalt  }
0x6d: {  	_ =	shalt  }
0x6e: {  	_ =	shalt  }
0x6f: {  	_ =	shalt  }
0x70: {  	_ =	shalt  }
0x71: {  	_ =	shalt  }
0x72: {  	_ =	shalt  }
0x73: {  	_ =	shalt  }
0x74: {  	_ =	shalt  }
0x75: {  	_ =	shalt  }
0x76: {  	_ =	shalt  }
0x77: {  	_ =	shalt  }
0x78: {  	_ =	shalt  }
0x79: {  	_ =	shalt  }
0x7a: {  	_ =	shalt  }
0x7b: {  	_ =	shalt  }
0x7c: {  	_ =	shalt  }
0x7d: {  	_ =	shalt  }
0x7e: {  	_ =	shalt  }
0x7f: {  	_ =	shalt  }
0x80: {  	_ =	shalt  }
0x81: {  	_ =	shalt  }
0x82: {  	_ =	shalt  }
0x83: {  	_ =	shalt  }
0x84: {  	_ =	shalt  }
0x85: {  	_ =	shalt  }
0x86: {  	_ =	shalt  }
0x87: {  	_ =	shalt  }
.Lfunc_end0:
.L_simem_size_0:
called_computation_lowered:
.L_overlay_start_0:
0x88: {  	s2 =	sld [smem:$0x3FD9]  }
0x89: {  	s3 =	sld [smem:$0x3FFE];
	_ =	sdelay $0x1  }
0x8a: {  	s1 =	srdreg.scid  }
0x8b: {  	s0 =	sand.u32 $0x1, s1  }
0x8c: {  	s18 =	sshll.u32 s0, $0xA;
	s2 =	sadd.s32 s3, s2  }
0x8d: {  	s2 =	sadd.s32 s2, s18  }
0x8e: {  	[smem:$0x3FC6] =	sst s2  }
0x8f: {  	_ = 	snop  }
0x90: {  	s2 =	sld [smem:$0x3FC9]  }
0x91: {  	s19 =	sld [smem:$0x3FC8]  }
0x92: {  	s4 =	sld [smem:$0x3FD0];
	(tm) =	ssettm $0x1  }
0x93: {  	s5 =	sld [smem:$0x3FFB];
	_ =	sdelay $0x3  }
0x94: {  	_ =	strace s5  }
0x95: {  	s5 =	sld [smem:$0x3FFC];
	_ =	sdelay $0x3  }
0x96: {  	_ =	strace s5  }
0x97: {  	s5 =	sld [smem:$0x3FFD];
	_ =	sdelay $0x3  }
0x98: {  	_ =	strace s5  }
0x99: {  	_ =	strace $0x8FFFFFFF  }
0x9a: {  	s20 =	sld [smem:$0x3FDB];
	_ =	sdelay $0x1  }
0x9b: {  	s6 =	simm.s32 $_scs_section_size  }
0x9c: {  	s7 =	simm.s32 $_size__tile_overlayer_lowered;
	s8 =	simm.s32 $_tile_overlayer_lowered  }
0x9d: {  	s23 =	simm.s32 $0x1BFF;
	s22 =	sshll.u32 s8, $0x1;
	s5 =	sadd.s32 s6, s20  }
0x9e: {  	s9 =	simm.s32 $0x0;
	s21 =	sshll.u32 s7, $0x1;
	s7 =	sadd.s32 s22, s5  }
0x9f: {  	[timem:s9], [sflag:s23] =	dma.local [hbm:s7], s21  }
0xa0: {  	_ =	swait.ge [sflag:s23], s21  }
0xa1: {  	s6 =	ssub.s32 $0x0, s21;
	[sflag:s23] =	ssyncset.done $0x0  }
0xa2: {  	[sflag:s23] =	ssyncadd.s32 s6;
	_ =	sdelay $0x1  }
0xa3: {  	s24 =	simm.s32 $0x1B8B  }
0xa4: {  	_ =	swait.ge [sflag:s24], $0x1  }
0xa5: {  	[sflag:s24] =	ssyncset.done $0x0  }
0xa6: {  	s25 =	simm.s32 $0x1B8E;
	[sflag:s24] =	ssyncadd.s32 $0xFFFFFFFF  }
0xa7: {  	s26 =	simm.s32 $execute0_lowered;
	[smem:$0x3FD2] =	sst s25  }
0xa8: {  	s6 =	sshll.u32 s26, $0x1;
	_ =	strace $0x80000046;
	[dreg:$0x1] =	wrdreg $0xFFFFFFFF  }
0xa9: {  	s28 =	simm.s32 $_size_execute0_lowered;
	s5 =	sadd.s32 s5, s6;
	[dreg:$0x0] =	wrdreg $0x0  }
0xaa: {  	s6 =	sshll.u32 s28, $0x1;
	[dreg:$0x2] =	wrdreg s5  }
0xab: {  	[dreg:$0x3] =	wrdreg s6  }
0xac: {  	[dreg:$0x4] =	wrdreg $0xC0  }
0xad: {  	_ =	task [dreg:s9], $0x5FFFF  }
0xae: {  	[dreg:$0x1] =	wrdreg $0xFFFFFFFF  }
0xaf: {  	[dreg:$0x0] =	wrdreg $0x60  }
0xb0: {  	[dreg:$0x2] =	wrdreg s2  }
0xb1: {  	[dreg:$0x3] =	wrdreg s19  }
0xb2: {  	[dreg:$0x4] =	wrdreg s4  }
0xb3: {  	[dreg:$0x5] =	wrdreg $0x9  }
0xb4: {  	_ =	task.clear_ibuf [dreg:s9], $0x6FFFF;
	_ =	strace $0x90000046  }
0xb5: {  	s29 =	simm.s32 $0x9;
	_ =	strace $0x80000048  }
0xb6: {  	_ =	swait.ge [sflag:s29], $0x1  }
0xb7: {  	[sflag:s29] =	ssyncadd.s32 $0xFFFFFFFF  }
0xb8: {  	_ =	strace $0x90000048  }
0xb9: {  	_ =	sfence  }
0xba: {  	s30 =	sld [smem:$0x0];
	_ =	sdelay $0x2  }
0xbb: {  	s31 =	sshll.u32 s1, $0xD;
	s1 =	sshrl.u32 s1, $0x2  }
0xbc: {  	s3 =	sand.u32 $0x4000, s31;
	s1 =	sadd.s32 s1, s30  }
0xbd: {  	s0 =	sor.u32 s3, s0;
	s1 =	sshll.u32 s1, $0x11  }
0xbe: {  	s0 =	sor.u32 s1, s0  }
0xbf: {  	s0 =	sadd.s32 $0x8F2B, s0  }
0xc0: {  	[sflag:s0] =	ssyncadd.remote.s32 $0x1  }
0xc1: {  	_ =	sfence.sel $0xFFFF  }
0xc2: {  	[dreg:$0x0] =	wrdreg $0xFFFFFFFF;
	(pc) =	sbr.abs _section_cstart, $3  }
0xc3: {  	[dreg:$0x1] =	wrdreg $0xFFFFFFFF  }
0xc4: {  	_ =	task.clear_ibuf [dreg:s9], $0x2FFFF;
	_ =	strace $0x9FFFFFFF  }
0xc5: {  	(tm) =	ssettm $0x7FFFFFFF  }
tec
execute0_lowered:
.L_overlay_start_1:
0x0: {  	(tag) =	ssettag $0x1  }
0x1: {  	s0 =	srdreg.scid  }
0x2: {  	s2 =	stileid.u32;
	s0 =	sand.u32 $0x1, s0  }
0x3: {  	s1 =	sor.u32 s0, s2  }
0x4: {  	p1 =	seq.s32 s0, $0x1;
	p0 =	seq.s32 s1, $0x0  }
0x5: {  	p0 =	por !p0, !p1  }
0x6: {  	s5 =	rddreg [dreg:$0x1];
	s1 =	simm.s32 $0x1;
	p0 =	por !p0, !p0  }
0x7: {  	s6 =	rddreg [dreg:$0x2];
	s30 =	simm.s32 $0x0;
	s1 =	simm.s32 @!p0 $0x0  }
0x8: {  	[smem:$0x7FF] =	sst s30;
	s1 =	ssub.s32 s2, s1  }
0x9: {  	s10 =	ssub.s32 $0x2, s0;
	s0 =	sshll.u32 s0, $0x11;
	s4 =	sshll.u32 s1, $0x12  }
0xa: {  	s12 =	sor.u32 $0x1000, s0;
	[smem:$0x7E8] =	sst s4  }
0xb: {  	s1 =	sshll.u32 s1, $0x16;
	_ =	strace $0x80000047;
	[smem:$0x7EA] =	sst s12  }
0xc: {  	s4 =	sor.u32 s0, s4;
	s0 =	sor.u32 s0, s1;
	[smem:$0x7EB] =	sst s1  }
0xd: {  	s13 =	sadd.s32 $0x8000, s6;
	[smem:$0x7EC] =	sst s0  }
0xe: {  	s14 =	sadd.s32 $0x10000, s6;
	[smem:$0x7ED] =	sst s13  }
0xf: {  	s15 =	sadd.s32 $0x18000, s6;
	[smem:$0x7EE] =	sst s14  }
0x10: {  	s16 =	sadd.s32 $0x20000, s6;
	[smem:$0x7EF] =	sst s15  }
0x11: {  	s17 =	sadd.s32 $0x28000, s6;
	[smem:$0x7F0] =	sst s16  }
0x12: {  	s18 =	sadd.s32 $0x30000, s6;
	[smem:$0x7F1] =	sst s17  }
0x13: {  	s19 =	sadd.s32 $0x38000, s6;
	[smem:$0x7F2] =	sst s18  }
0x14: {  	s20 =	sadd.s32 $0x40000, s6;
	[smem:$0x7F3] =	sst s19  }
0x15: {  	s21 =	sadd.s32 $0x48000, s6;
	[smem:$0x7F4] =	sst s20  }
0x16: {  	s22 =	sadd.s32 $0x50000, s6;
	[smem:$0x7F5] =	sst s21  }
0x17: {  	s23 =	sadd.s32 $0x58000, s6;
	s3 =	sshrl.u32 s10, $0x1;
	[smem:$0x7F6] =	sst s22  }
0x18: {  	s24 =	sadd.s32 $0x60000, s6;
	s2 =	ssub.s32 s10, s3;
	[smem:$0x7F7] =	sst s23  }
0x19: {  	s26 =	smax.u32 s2, $0x1;
	[smem:$0x7F8] =	sst s24  }
0x1a: {  	s9 =	simm.s32 $0x80;
	s28 =	sadd.s32 $0x68000, s6;
	[smem:$0x7FA] =	sst s26  }
0x1b: {  	s29 =	sadd.s32 $0x70000, s6;
	s31 =	sadd.s32 $0x78000, s6;
	[smem:$0x7FB] =	sst s28  }
0x1c: {  	s2 =	simm.s32 $0x0;
	s11 =	sshrl.u32 s4, $0x3;
	[smem:$0x7FC] =	sst s29  }
0x1d: {  	s25 =	sor.u32 $0x2000, s4;
	[smem:$0x7FD] =	sst s31;
	s15 =	simm.s32 $0x40  }
0x1e: {  	s22 =	simm.s32 $0x140;
	s21 =	simm.s32 $0x180;
	s20 =	simm.s32 $0x1C0  }
0x1f: {  	s18 =	simm.s32 $0x380;
	s3 =	sadd.s32 s5, s11;
	[smem:$0x7F9] =	sst s25  }
0x20: {  	s25 =	simm.s32 $0xC0;
	s11 =	simm.s32 $0x100;
	[smem:$0x7E9] =	sst s3  }
.LBB2_1:
0x21: {  	[smem:$0x7E7] =	sst s2  }
0x22: {  	s0 =	rddreg [dreg:$0x0];
	s29 =	simm.s32 $0x5  }
0x23: {  	[tilespmem:s30], [sflag:$0x5] =	stream.linear.gather [hbm4b:s0+s30], $0x400, $0x38;
	[tilespmem:$0x12400] =	vst v63  }
0x24: {  	_ =	swait.ge [sflag:s29], $0x400  }
0x25: {  	s31 =	sld [smem:$0x7E9]  }
0x26: {  	[sflag:s29] =	ssyncset.done $0x0  }
0x27: {  	s1 =	simm.s32 $0x400;
	s2 =	simm.s32 $0x0;
	[sflag:s29] =	ssyncadd.s32 $0xFFFFFC00  }
0x28: {  	[tilespmem:s1], [sflag:$0x1] =	stream.linear.gather [hbm4b:s31+s30], $0x1000, $0x38;
	[tilespmem:$0x12400] =	vst v63  }
.LBB2_2:
0x29: {  	s1 =	sshll.u32 s2, $0xD  }
0x2a: {  	s28 =	simm.s32 $0x1;
	[smem:$0x7E4] =	sst s1  }
0x2b: {  	s0 =	sld [smem:$0x7EA];
	_ =	swait.ge [sflag:s28], $0x1000  }
0x2c: {  	s29 =	sld [smem:$0x7E8];
	_ =	sdelay $0x1  }
0x2d: {  	s3 =	sadd.s32 s0, s1;
	[sflag:s28] =	ssyncset.done $0x0  }
0x2e: {  	[sflag:s28] =	ssyncadd.s32 $0xFFFFF000;
	s0 =	sor.u32 s29, s3  }
0x2f: {  	s31 =	simm.s32 $0x1400;
	s1 =	rddreg [dreg:$0x1];
	s0 =	sshrl.u32 s0, $0x3  }
0x30: {  	p0 =	seq.s32 s2, $0x0;
	[smem:$0x7E6] =	sst s2;
	s0 =	sadd.s32 s1, s0  }
0x31: {  	[tilespmem:s31], [sflag:$0x2] =	stream.linear.gather [hbm4b:s0+s30], $0x1000, $0x38;
	[tilespmem:$0x12400] =	vst v63  }
0x32: {  	[smem:$0x7E5] =	sst s3;
	s0 =	simm.s32 @!p0 $0x3  }
0x33: {  	_ =	swait.ge @!p0 [sflag:s0], $0x1000  }
0x34: {  	[sflag:s0] =	ssyncset.done @!p0 $0x0  }
0x35: {  	[sflag:s0] =	ssyncadd.s32 @!p0 $0xFFFFF000  }
0x36: {  	_ =	swait.ge @!p0 [sflag:s0], $0x1000  }
0x37: {  	[sflag:s0] =	ssyncset.done @!p0 $0x0  }
0x38: {  	[sflag:s0] =	ssyncadd.s32 @!p0 $0xFFFFF000  }
0x39: {  	_ =	swait.ge @!p0 [sflag:s0], $0x1000  }
0x3a: {  	[sflag:s0] =	ssyncset.done @!p0 $0x0  }
0x3b: {  	[sflag:s0] =	ssyncadd.s32 @!p0 $0xFFFFF000  }
0x3c: {  	_ =	swait.ge @!p0 [sflag:s0], $0x1000  }
0x3d: {  	[sflag:s0] =	ssyncset.done @!p0 $0x0  }
0x3e: {  	[sflag:s0] =	ssyncadd.s32 @!p0 $0xFFFFF000  }
0x3f: {  	_ =	swait.ge @!p0 [sflag:s0], $0x1000  }
0x40: {  	[sflag:s0] =	ssyncset.done @!p0 $0x0  }
0x41: {  	[sflag:s0] =	ssyncadd.s32 @!p0 $0xFFFFF000  }
0x42: {  	_ =	swait.ge @!p0 [sflag:s0], $0x1000  }
0x43: {  	[sflag:s0] =	ssyncset.done @!p0 $0x0  }
0x44: {  	[sflag:s0] =	ssyncadd.s32 @!p0 $0xFFFFF000  }
0x45: {  	_ =	swait.ge @!p0 [sflag:s0], $0x1000  }
0x46: {  	[sflag:s0] =	ssyncset.done @!p0 $0x0  }
0x47: {  	[sflag:s0] =	ssyncadd.s32 @!p0 $0xFFFFF000  }
0x48: {  	_ =	swait.ge @!p0 [sflag:s0], $0x1000  }
0x49: {  	[sflag:s0] =	ssyncset.done @!p0 $0x0  }
0x4a: {  	s2 =	simm.s32 $0x0;
	[sflag:s0] =	ssyncadd.s32 @!p0 $0xFFFFF000  }
.LBB2_3:
0x4b: {  	s14 =	sshll.u32 s2, $0x7  }
0x4c: {  	[smem:$0x7E3] =	sst s2;
	s0 =	sadd.s32 $0x3400, s14  }
0x4d: {  	s1 =	simm.s32 $0x0;
	s13 =	sadd.s32 $0x4400, s14;
	[dreg:$0x4] =	wrdreg s0  }
0x4e: {  	s24 =	simm.s32 $0x0;
	s16 =	sadd.s32 $0x5400, s14;
	[dreg:$0x5] =	wrdreg s13  }
0x4f: {  	s17 =	sadd.s32 $0x6400, s14;
	s19 =	sadd.s32 $0x7400, s14;
	[dreg:$0x6] =	wrdreg s16  }
0x50: {  	s23 =	sadd.s32 $0x8400, s14;
	s12 =	sand.u32 $0x60, s1;
	[dreg:$0x7] =	wrdreg s17  }
0x51: {  	s26 =	sadd.s32 $0x9400, s14;
	[dreg:$0x8] =	wrdreg s19;
	s16 =	sand.u32 $0xC00, s24  }
0x52: {  	[dreg:$0x9] =	wrdreg s23;
	s2 =	sor.u32 $0x10, s12;
	s31 =	sor.u32 s14, s16  }
0x53: {  	[dreg:$0xa] =	wrdreg s26;
	s3 =	sor.u32 s2, s31  }
0x54: {  	v6 =	vld [tilespmem:s3+$0x400]  }
0x55: {  	s1 =	sor.u32 s12, s31  }
0x56: {  	v0 =	vld [tilespmem:s1+$0x400];
	_ =	sdelay $0x5  }
0x57: {  	v1 =	vld.idx.msk [tilespmem:v6+s30+$0x0], $0xffff;
	_ =	sdelay $0x1  }
0x58: {  	v2 =	vld.idx.msk [tilespmem:v0+s30+$0x0], $0xffff;
	_ =	sdelay $0x2  }
0x59: {  	s4 =	simm.s32 $0x20;
	[tilespmem:s3+$0x2400] =	vst v1;
	s3 =	simm.s32 $0x100  }
0x5a: {  	s28 =	sand.u32 $0x60, s4;
	s29 =	sand.u32 $0xC00, s3  }
0x5b: {  	s6 =	sor.u32 $0x10, s28;
	[tilespmem:s1+$0x2400] =	vst v2;
	v3 =	vld.idx.msk [tilespmem:v6+s15+$0x0], $0xffff;
	s7 =	sor.u32 s14, s29  }
0x5c: {  	v4 =	vld.idx.msk [tilespmem:v0+s15+$0x0], $0xffff;
	s4 =	sor.u32 s6, s7  }
0x5d: {  	s1 =	sor.u32 s28, s7;
	v2 =	vld [tilespmem:s4+$0x400]  }
0x5e: {  	s5 =	rddreg [dreg:$0x4];
	v1 =	vld [tilespmem:s1+$0x400]  }
0x5f: {  	s0 =	sadd.s32 s16, s5  }
0x60: {  	s8 =	sadd.s32 s2, s0  }
0x61: {  	s0 =	sadd.s32 s12, s0;
	[tilespmem:s8+$0x0] =	vst v3  }
0x62: {  	[tilespmem:s0+$0x0] =	vst v4;
	v3 =	vld.idx.msk [tilespmem:v6+s9+$0x0], $0xffff  }
0x63: {  	v4 =	vld.idx.msk [tilespmem:v0+s9+$0x0], $0xffff  }
0x64: {  	s0 =	rddreg [dreg:$0x5]  }
0x65: {  	s0 =	sadd.s32 s16, s0;
	v5 =	vld.idx.msk [tilespmem:v2+s30+$0x0], $0xffff  }
0x66: {  	s10 =	sadd.s32 s2, s0;
	v7 =	vld.idx.msk [tilespmem:v1+s30+$0x0], $0xffff  }
0x67: {  	s0 =	sadd.s32 s12, s0;
	[tilespmem:s10+$0x0] =	vst v3  }
0x68: {  	[tilespmem:s0+$0x0] =	vst v4;
	v4 =	vld.idx.msk [tilespmem:v6+s25+$0x0], $0xffff  }
0x69: {  	s13 =	simm.s32 $0x40;
	s5 =	simm.s32 $0x200;
	v8 =	vld.idx.msk [tilespmem:v0+s25+$0x0], $0xffff  }
0x6a: {  	s3 =	sand.u32 $0x60, s13;
	s10 =	sand.u32 $0xC00, s5;
	s0 =	rddreg [dreg:$0x6];
	[tilespmem:s4+$0x2400] =	vst v5  }
0x6b: {  	s7 =	sor.u32 $0x10, s3;
	s17 =	sor.u32 s14, s10;
	s0 =	sadd.s32 s16, s0;
	[tilespmem:s1+$0x2400] =	vst v7;
	v5 =	vld.idx.msk [tilespmem:v2+s15+$0x0], $0xffff  }
0x6c: {  	s8 =	sadd.s32 s2, s0;
	s1 =	sor.u32 s7, s17;
	v7 =	vld.idx.msk [tilespmem:v1+s15+$0x0], $0xffff  }
0x6d: {  	s0 =	sadd.s32 s12, s0;
	v3 =	vld [tilespmem:s1+$0x400];
	[tilespmem:s8+$0x0] =	vst v4  }
0x6e: {  	s19 =	rddreg [dreg:$0x4];
	s8 =	sor.u32 s3, s17;
	[tilespmem:s0+$0x0] =	vst v8;
	v8 =	vld.idx.msk [tilespmem:v6+s11+$0x0], $0xffff  }
0x6f: {  	v4 =	vld [tilespmem:s8+$0x400];
	s23 =	sadd.s32 s29, s19  }
0x70: {  	s5 =	sadd.s32 s6, s23  }
0x71: {  	s24 =	rddreg [dreg:$0x7];
	v9 =	vld.idx.msk [tilespmem:v0+s11+$0x0], $0xffff;
	s0 =	sadd.s32 s28, s23;
	[tilespmem:s5+$0x0] =	vst v5  }
0x72: {  	s26 =	sadd.s32 s16, s24;
	[tilespmem:s0+$0x0] =	vst v7;
	v5 =	vld.idx.msk [tilespmem:v2+s9+$0x0], $0xffff  }
0x73: {  	s11 =	sadd.s32 s2, s26;
	v7 =	vld.idx.msk [tilespmem:v1+s9+$0x0], $0xffff  }
0x74: {  	s31 =	rddreg [dreg:$0x5];
	[tilespmem:s11+$0x0] =	vst v8  }
0x75: {  	s0 =	sadd.s32 s12, s26;
	v8 =	vld.idx.msk [tilespmem:v6+s22+$0x0], $0xffff;
	s13 =	sadd.s32 s29, s31  }
0x76: {  	[tilespmem:s0+$0x0] =	vst v9;
	v9 =	vld.idx.msk [tilespmem:v3+s30+$0x0], $0xffff;
	s19 =	sadd.s32 s6, s13  }
0x77: {  	s17 =	rddreg [dreg:$0x8];
	s0 =	sadd.s32 s28, s13;
	v10 =	vld.idx.msk [tilespmem:v4+s30+$0x0], $0xffff;
	[tilespmem:s19+$0x0] =	vst v5  }
0x78: {  	v5 =	vld.idx.msk [tilespmem:v0+s22+$0x0], $0xffff;
	[tilespmem:s0+$0x0] =	vst v7;
	s0 =	sadd.s32 s16, s17  }
0x79: {  	v11 =	vld.idx.msk [tilespmem:v2+s25+$0x0], $0xffff;
	s4 =	sadd.s32 s2, s0  }
0x7a: {  	s11 =	simm.s32 $0x300;
	s13 =	simm.s32 $0x60;
	v12 =	vld.idx.msk [tilespmem:v1+s25+$0x0], $0xffff;
	[tilespmem:s4+$0x0] =	vst v8  }
0x7b: {  	s23 =	sand.u32 $0xC00, s11;
	s9 =	sand.u32 $0x60, s13;
	[tilespmem:s1+$0x2400] =	vst v9;
	v8 =	vld.idx.msk [tilespmem:v6+s21+$0x0], $0xffff  }
0x7c: {  	s26 =	sor.u32 s14, s23;
	s4 =	sor.u32 $0x10, s9;
	[tilespmem:s8+$0x2400] =	vst v10;
	v9 =	vld.idx.msk [tilespmem:v3+s15+$0x0], $0xffff  }
0x7d: {  	s5 =	rddreg [dreg:$0x6];
	s24 =	sor.u32 s4, s26;
	v10 =	vld.idx.msk [tilespmem:v4+s15+$0x0], $0xffff  }
0x7e: {  	s0 =	sadd.s32 s12, s0;
	s5 =	sadd.s32 s29, s5;
	s26 =	sor.u32 s9, s26;
	v7 =	vld [tilespmem:s24+$0x400]  }
0x7f: {  	s19 =	simm.s32 $0x100;
	s1 =	rddreg [dreg:$0x9];
	s31 =	sadd.s32 s6, s5;
	[tilespmem:s0+$0x0] =	vst v5;
	v5 =	vld [tilespmem:s26+$0x400]  }
0x80: {  	s5 =	sadd.s32 s28, s5;
	s8 =	rddreg [dreg:$0x4];
	s1 =	sadd.s32 s16, s1;
	[tilespmem:s31+$0x0] =	vst v11;
	v16 =	vld.idx.msk [tilespmem:v0+s21+$0x0], $0xffff  }
0x81: {  	s0 =	sadd.s32 s10, s8;
	s8 =	sadd.s32 s2, s1;
	[tilespmem:s5+$0x0] =	vst v12;
	v11 =	vld.idx.msk [tilespmem:v2+s19+$0x0], $0xffff  }
0x82: {  	s31 =	sadd.s32 s7, s0;
	v12 =	vld.idx.msk [tilespmem:v1+s19+$0x0], $0xffff;
	[tilespmem:s8+$0x0] =	vst v8  }
0x83: {  	s17 =	simm.s32 $0x80;
	s0 =	sadd.s32 s3, s0;
	s5 =	rddreg [dreg:$0x7];
	[tilespmem:s31+$0x0] =	vst v9;
	v6 =	vld.idx.msk [tilespmem:v6+s20+$0x0], $0xffff  }
0x84: {  	[tilespmem:s0+$0x0] =	vst v10;
	v8 =	vld.idx.msk [tilespmem:v3+s17+$0x0], $0xffff;
	s0 =	sadd.s32 s29, s5  }
0x85: {  	s5 =	rddreg [dreg:$0xa];
	v15 =	vld.idx.msk [tilespmem:v4+s17+$0x0], $0xffff;
	s20 =	sadd.s32 s6, s0  }
0x86: {  	s8 =	rddreg [dreg:$0x5];
	s0 =	sadd.s32 s28, s0;
	s5 =	sadd.s32 s16, s5;
	[tilespmem:s20+$0x0] =	vst v11;
	v13 =	vld.idx.msk [tilespmem:v7+s30+$0x0], $0xffff  }
0x87: {  	s8 =	sadd.s32 s10, s8;
	[tilespmem:s0+$0x0] =	vst v12;
	s20 =	sadd.s32 s2, s5;
	v10 =	vld.idx.msk [tilespmem:v2+s22+$0x0], $0xffff  }
0x88: {  	s1 =	sadd.s32 s12, s1;
	s12 =	sadd.s32 s12, s5;
	v14 =	vld.idx.msk [tilespmem:v5+s30+$0x0], $0xffff;
	s30 =	sadd.s32 s7, s8;
	[tilespmem:s20+$0x0] =	vst v6  }
0x89: {  	s0 =	sadd.s32 s3, s8;
	s16 =	rddreg [dreg:$0x8];
	v9 =	vld.idx.msk [tilespmem:v1+s22+$0x0], $0xffff;
	s22 =	simm.s32 $0xC0;
	[tilespmem:s30+$0x0] =	vst v8  }
0x8a: {  	s31 =	sadd.s32 s29, s16;
	s16 =	simm.s32 $0x1C0;
	s20 =	simm.s32 $0x140;
	[tilespmem:s0+$0x0] =	vst v15;
	v11 =	vld.idx.msk [tilespmem:v3+s25+$0x0], $0xffff  }
0x8b: {  	[tilespmem:s1+$0x0] =	vst v16;
	v6 =	vmov v7;
	v8 =	vmov v3;
	s5 =	sadd.s32 s28, s31;
	s0 =	sadd.s32 s6, s31;
	v12 =	vld.idx.msk [tilespmem:v4+s25+$0x0], $0xffff;
	s8 =	rddreg [dreg:$0x6]  }
.LBB2_4:
0x8c: {  	[tilespmem:s0+$0x0] =	vst v10  }
0x8d: {  	s13 =	sadd.s32 $0x20, s13;
	s11 =	sadd.s32 $0x100, s11;
	v10 =	vld.idx.msk [tilespmem:v0+s16+$0x0], $0xffff;
	[tilespmem:s26+$0x2400] =	vst v14  }
0x8e: {  	s8 =	sadd.s32 s10, s8;
	s31 =	sand.u32 $0x60, s13;
	s1 =	sand.u32 $0xC00, s11;
	[tilespmem:s24+$0x2400] =	vst v13;
	v16 =	vld.idx.msk [tilespmem:v5+s15+$0x0], $0xffff  }
0x8f: {  	s25 =	sor.u32 s14, s1;
	s30 =	sor.u32 $0x10, s31;
	v0 =	vmov v1;
	v1 =	vmov v4;
	s0 =	smov.u32 s7;
	v13 =	vld.idx.msk [tilespmem:v2+s21+$0x0], $0xffff  }
0x90: {  	v4 =	vmov v5;
	s24 =	sor.u32 s30, s25;
	[tilespmem:s5+$0x0] =	vst v9;
	v14 =	vld.idx.msk [tilespmem:v6+s15+$0x0], $0xffff;
	s15 =	sadd.s32 s0, s8;
	s8 =	sadd.s32 s3, s8  }
0x91: {  	v15 =	vmov v7;
	s2 =	rddreg [dreg:$0x4];
	s26 =	sor.u32 s31, s25;
	v7 =	vld [tilespmem:s24+$0x400];
	[tilespmem:s8+$0x0] =	vst v12  }
0x92: {  	s2 =	sadd.s32 s23, s2;
	s7 =	rddreg [dreg:$0x9];
	[tilespmem:s15+$0x0] =	vst v11;
	v5 =	vld [tilespmem:s26+$0x400]  }
0x93: {  	s25 =	sadd.s32 s29, s7;
	v9 =	vld.idx.msk [tilespmem:v3+s19+$0x0], $0xffff;
	[tilespmem:s12+$0x0] =	vst v10;
	s12 =	sadd.s32 s9, s2  }
0x94: {  	p1 =	slt.u32 s13, $0x1E0;
	s7 =	smov.u32 s4;
	s15 =	sadd.s32 s6, s25;
	v11 =	vld.idx.msk [tilespmem:v1+s19+$0x0], $0xffff;
	[tilespmem:s12+$0x0] =	vst v16  }
0x95: {  	s4 =	smov.u32 s30;
	s8 =	rddreg [dreg:$0x7];
	s2 =	sadd.s32 s7, s2;
	[tilespmem:s15+$0x0] =	vst v13;
	v17 =	vld.idx.msk [tilespmem:v4+s17+$0x0], $0xffff  }
0x96: {  	s30 =	simm.s32 $0x0;
	s5 =	sadd.s32 s10, s8;
	s8 =	rddreg [dreg:$0xa];
	[tilespmem:s2+$0x0] =	vst v14;
	v18 =	vld.idx.msk [tilespmem:v0+s21+$0x0], $0xffff  }
0x97: {  	s12 =	rddreg [dreg:$0x5];
	s15 =	sadd.s32 s3, s5;
	s2 =	sadd.s32 s0, s5;
	v12 =	vld.idx.msk [tilespmem:v2+s16+$0x0], $0xffff  }
0x98: {  	v63 =	vld.idx.msk [tilespmem:v6+s17+$0x0], $0xffff;
	[tilespmem:s2+$0x0] =	vst v9;
	s2 =	sadd.s32 s29, s8;
	s29 =	smov.u32 s10;
	s10 =	smov.u32 s23  }
0x99: {  	s25 =	sadd.s32 s28, s25;
	v2 =	vmov v3;
	v3 =	vmov v6;
	s8 =	rddreg [dreg:$0x8];
	v10 =	vld.idx.msk [tilespmem:v8+s20+$0x0], $0xffff;
	s5 =	sadd.s32 s10, s12;
	[tilespmem:s15+$0x0] =	vst v11  }
.Ltmp0:
0x9a: {  	s12 =	sadd.s32 s28, s2;
	s23 =	sadd.s32 s9, s5;
	v14 =	vld.idx.msk [tilespmem:v5+s30+$0x0], $0xffff;
	(pc) =	sbr.rel @p1 .LBB2_4-.Ltmp0, $4  }
0x9b: {  	s28 =	smov.u32 s3;
	s3 =	smov.u32 s9;
	s15 =	sadd.s32 s6, s2;
	v9 =	vld.idx.msk [tilespmem:v1+s20+$0x0], $0xffff;
	[tilespmem:s23+$0x0] =	vst v17  }
0x9c: {  	v13 =	vld.idx.msk [tilespmem:v7+s30+$0x0], $0xffff;
	s5 =	sadd.s32 s7, s5;
	s9 =	smov.u32 s31;
	s31 =	sadd.s32 s29, s8;
	[tilespmem:s15+$0x0] =	vst v12  }
0x9d: {  	s6 =	smov.u32 s0;
	s8 =	rddreg [dreg:$0x6];
	s23 =	smov.u32 s1;
	[tilespmem:s5+$0x0] =	vst v63;
	v12 =	vld.idx.msk [tilespmem:v4+s22+$0x0], $0xffff  }
0x9e: {  	v6 =	vmov v7;
	v8 =	vmov v15;
	s0 =	sadd.s32 s6, s31;
	s15 =	simm.s32 $0x40;
	s5 =	sadd.s32 s28, s31;
	[tilespmem:s25+$0x0] =	vst v18;
	v11 =	vld.idx.msk [tilespmem:v3+s22+$0x0], $0xffff  }
0x9f: {  	_ =	sdelay $0x2  }
0xa0: {  	[tilespmem:s26+$0x2400] =	vst v14  }
0xa1: {  	v14 =	vld.idx.msk [tilespmem:v5+s15+$0x0], $0xffff  }
0xa2: {  	[tilespmem:s24+$0x2400] =	vst v13  }
0xa3: {  	v13 =	vld.idx.msk [tilespmem:v6+s15+$0x0], $0xffff;
	s1 =	rddreg [dreg:$0x4]  }
0xa4: {  	s1 =	sadd.s32 s23, s1  }
0xa5: {  	s2 =	sadd.s32 s4, s1;
	s1 =	sadd.s32 s9, s1  }
0xa6: {  	[tilespmem:s1+$0x0] =	vst v14  }
0xa7: {  	v14 =	vld.idx.msk [tilespmem:v5+s17+$0x0], $0xffff  }
0xa8: {  	[tilespmem:s2+$0x0] =	vst v13  }
0xa9: {  	v13 =	vld.idx.msk [tilespmem:v6+s17+$0x0], $0xffff;
	s1 =	rddreg [dreg:$0x5];
	s17 =	sadd.s32 s10, s8  }
0xaa: {  	s1 =	sadd.s32 s23, s1;
	s8 =	sadd.s32 s7, s17  }
0xab: {  	s14 =	sadd.s32 s4, s1;
	s1 =	sadd.s32 s9, s1;
	[tilespmem:s8+$0x0] =	vst v11  }
0xac: {  	[tilespmem:s1+$0x0] =	vst v14;
	s1 =	sadd.s32 s3, s17;
	v11 =	vld.idx.msk [tilespmem:v3+s19+$0x0], $0xffff  }
0xad: {  	v14 =	vld.idx.msk [tilespmem:v5+s22+$0x0], $0xffff;
	[tilespmem:s1+$0x0] =	vst v12  }
0xae: {  	[tilespmem:s14+$0x0] =	vst v13;
	s24 =	rddreg [dreg:$0x7];
	v12 =	vld.idx.msk [tilespmem:v4+s19+$0x0], $0xffff  }
0xaf: {  	v13 =	vld.idx.msk [tilespmem:v6+s22+$0x0], $0xffff;
	s2 =	rddreg [dreg:$0x6];
	s26 =	sadd.s32 s10, s24  }
0xb0: {  	[tilespmem:s0+$0x0] =	vst v10;
	s22 =	sadd.s32 s23, s2;
	s11 =	sadd.s32 s7, s26  }
0xb1: {  	v10 =	vld.idx.msk [tilespmem:v2+s21+$0x0], $0xffff;
	s1 =	sadd.s32 s9, s22;
	[tilespmem:s11+$0x0] =	vst v11  }
0xb2: {  	[tilespmem:s1+$0x0] =	vst v14;
	s1 =	sadd.s32 s3, s26;
	v8 =	vld.idx.msk [tilespmem:v8+s20+$0x0], $0xffff  }
0xb3: {  	s25 =	sadd.s32 s4, s22;
	v14 =	vld.idx.msk [tilespmem:v5+s19+$0x0], $0xffff;
	[tilespmem:s1+$0x0] =	vst v12  }
0xb4: {  	[tilespmem:s25+$0x0] =	vst v13;
	s14 =	rddreg [dreg:$0x8];
	v54 =	vld.idx.msk [tilespmem:v4+s20+$0x0], $0xffff  }
0xb5: {  	s22 =	rddreg [dreg:$0x9];
	v13 =	vld.idx.msk [tilespmem:v6+s19+$0x0], $0xffff;
	s19 =	sadd.s32 s10, s14  }
0xb6: {  	[tilespmem:s5+$0x0] =	vst v9;
	s2 =	sadd.s32 s29, s22;
	s31 =	rddreg [dreg:$0x7];
	s24 =	sadd.s32 s7, s19  }
0xb7: {  	v57 =	vld.idx.msk [tilespmem:v1+s21+$0x0], $0xffff;
	s13 =	sadd.s32 s23, s31;
	s31 =	sadd.s32 s6, s2;
	[tilespmem:s24+$0x0] =	vst v8  }
0xb8: {  	v0 =	vld.idx.msk [tilespmem:v0+s16+$0x0], $0xffff;
	s0 =	sadd.s32 s3, s19;
	[tilespmem:s31+$0x0] =	vst v10  }
0xb9: {  	s17 =	sadd.s32 s4, s13;
	s25 =	rddreg [dreg:$0x9];
	v56 =	vld.idx.msk [tilespmem:v3+s21+$0x0], $0xffff;
	[tilespmem:s0+$0x0] =	vst v54  }
0xba: {  	s1 =	sadd.s32 s9, s13;
	[tilespmem:s17+$0x0] =	vst v13;
	v11 =	vld.idx.msk [tilespmem:v4+s21+$0x0], $0xffff  }
0xbb: {  	s14 =	sadd.s32 s28, s2;
	[tilespmem:s1+$0x0] =	vst v14;
	v7 =	vld.idx.msk [tilespmem:v7+s20+$0x0], $0xffff  }
0xbc: {  	v55 =	vld.idx.msk [tilespmem:v5+s20+$0x0], $0xffff;
	s5 =	sadd.s32 s10, s25;
	s17 =	rddreg [dreg:$0xa];
	[tilespmem:s14+$0x0] =	vst v57  }
0xbd: {  	[tilespmem:s12+$0x0] =	vst v0;
	s13 =	sadd.s32 s7, s5;
	s1 =	rddreg [dreg:$0x8];
	v59 =	vld.idx.msk [tilespmem:v1+s16+$0x0], $0xffff  }
0xbe: {  	v58 =	vld.idx.msk [tilespmem:v2+s16+$0x0], $0xffff;
	s0 =	sadd.s32 s3, s5;
	s1 =	sadd.s32 s23, s1;
	[tilespmem:s13+$0x0] =	vst v56  }
0xbf: {  	s26 =	sadd.s32 s4, s1;
	s19 =	rddreg [dreg:$0xa];
	v60 =	vld.idx.msk [tilespmem:v3+s16+$0x0], $0xffff;
	[tilespmem:s0+$0x0] =	vst v11  }
0xc0: {  	s22 =	sadd.s32 s29, s17;
	s1 =	sadd.s32 s9, s1;
	[tilespmem:s26+$0x0] =	vst v7;
	v61 =	vld.idx.msk [tilespmem:v4+s16+$0x0], $0xffff  }
0xc1: {  	s0 =	sadd.s32 s28, s22;
	s11 =	rddreg [dreg:$0x9];
	v7 =	vld.idx.msk [tilespmem:v6+s21+$0x0], $0xffff;
	[tilespmem:s1+$0x0] =	vst v55  }
0xc2: {  	s26 =	sadd.s32 s6, s22;
	[tilespmem:s0+$0x0] =	vst v59;
	s1 =	sadd.s32 s10, s19;
	v8 =	vld.idx.msk [tilespmem:v5+s21+$0x0], $0xffff  }
0xc3: {  	[tilespmem:s26+$0x0] =	vst v58;
	s28 =	sadd.s32 s7, s1  }
0xc4: {  	s5 =	sadd.s32 s23, s11;
	s1 =	sadd.s32 s3, s1;
	[tilespmem:s28+$0x0] =	vst v60  }
0xc5: {  	s20 =	sadd.s32 s4, s5;
	[tilespmem:s1+$0x0] =	vst v61  }
0xc6: {  	s24 =	sadd.s32 s9, s5;
	[tilespmem:s20+$0x0] =	vst v7  }
0xc7: {  	s25 =	rddreg [dreg:$0xa];
	[tilespmem:s24+$0x0] =	vst v8  }
0xc8: {  	s2 =	sld [smem:$0x7E3];
	_ =	sdelay $0x2  }
0xc9: {  	v62 =	vld.idx.msk [tilespmem:v6+s16+$0x0], $0xffff;
	s2 =	sadd.s32 $0x1, s2  }
0xca: {  	v63 =	vld.idx.msk [tilespmem:v5+s16+$0x0], $0xffff;
	p1 =	sne.s32 s2, $0x8  }
.Ltmp1:
0xcb: {  	_ = 	snop;
	(pc) =	sbr.rel @p1 .LBB2_3-.Ltmp1, $4  }
0xcc: {  	s29 =	sadd.s32 s23, s25  }
0xcd: {  	s31 =	sadd.s32 s4, s29  }
0xce: {  	s22 =	simm.s32 $0x140;
	s11 =	simm.s32 $0x100;
	s0 =	sadd.s32 s9, s29;
	[tilespmem:s31+$0x0] =	vst v62  }
0xcf: {  	s20 =	simm.s32 $0x1C0;
	s25 =	simm.s32 $0xC0;
	s9 =	simm.s32 $0x80;
	[tilespmem:s0+$0x0] =	vst v63  }
0xd0: {  	s0 =	sld [smem:$0x7EC]  }
0xd1: {  	s1 =	sld [smem:$0x7E4];
	_ =	sdelay $0x2  }
0xd2: {  	s12 =	rddreg [dreg:$0x2];
	s0 =	sor.u32 s1, s0  }
0xd3: {  	s14 =	sld [smem:$0x7ED];
	s2 =	sshrl.u32 s0, $0x3  }
0xd4: {  	s13 =	simm.s32 $0x2400;
	s16 =	sld [smem:$0x7EE];
	s0 =	sadd.s32 s12, s2  }
0xd5: {  	[hbm4b:s0+s30] =	stream.linear.scatter [tilespmem:s13], [sflag:$0x3], $0x1000, $0x38;
	[tilespmem:$0x12400] =	vst v63  }
0xd6: {  	s15 =	simm.s32 $0x3400;
	s19 =	sld [smem:$0x7EF];
	s0 =	sadd.s32 s2, s14  }
0xd7: {  	[hbm4b:s0+s30] =	stream.linear.scatter [tilespmem:s15], [sflag:$0x3], $0x1000, $0x38;
	[tilespmem:$0x12400] =	vst v63  }
0xd8: {  	s17 =	simm.s32 $0x4400;
	s21 =	sld [smem:$0x7F0];
	s0 =	sadd.s32 s2, s16  }
0xd9: {  	[hbm4b:s0+s30] =	stream.linear.scatter [tilespmem:s17], [sflag:$0x3], $0x1000, $0x38;
	[tilespmem:$0x12400] =	vst v63  }
0xda: {  	s20 =	simm.s32 $0x5400;
	s23 =	sld [smem:$0x7F1];
	s0 =	sadd.s32 s2, s19  }
0xdb: {  	[hbm4b:s0+s30] =	stream.linear.scatter [tilespmem:s20], [sflag:$0x3], $0x1000, $0x38;
	[tilespmem:$0x12400] =	vst v63  }
0xdc: {  	s22 =	simm.s32 $0x6400;
	s25 =	sld [smem:$0x7F2];
	s0 =	sadd.s32 s2, s21  }
0xdd: {  	[hbm4b:s0+s30] =	stream.linear.scatter [tilespmem:s22], [sflag:$0x3], $0x1000, $0x38;
	[tilespmem:$0x12400] =	vst v63  }
0xde: {  	s24 =	simm.s32 $0x7400;
	s28 =	sld [smem:$0x7F3];
	s0 =	sadd.s32 s2, s23  }
0xdf: {  	[hbm4b:s0+s30] =	stream.linear.scatter [tilespmem:s24], [sflag:$0x3], $0x1000, $0x38;
	[tilespmem:$0x12400] =	vst v63  }
0xe0: {  	s26 =	simm.s32 $0x8400;
	s0 =	sadd.s32 s2, s25  }
0xe1: {  	[hbm4b:s0+s30] =	stream.linear.scatter [tilespmem:s26], [sflag:$0x3], $0x1000, $0x38;
	[tilespmem:$0x12400] =	vst v63  }
0xe2: {  	s29 =	simm.s32 $0x9400;
	s0 =	sadd.s32 s2, s28  }
0xe3: {  	[hbm4b:s0+s30] =	stream.linear.scatter [tilespmem:s29], [sflag:$0x3], $0x1000, $0x38;
	[tilespmem:$0x12400] =	vst v63  }
0xe4: {  	[smem:$0x7E2] =	sst s2;
	s0 =	simm.s32 @!p0 $0x4  }
0xe5: {  	_ =	swait.ge @!p0 [sflag:s0], $0x1000  }
0xe6: {  	[sflag:s0] =	ssyncset.done @!p0 $0x0  }
0xe7: {  	[sflag:s0] =	ssyncadd.s32 @!p0 $0xFFFFF000  }
0xe8: {  	_ =	swait.ge @!p0 [sflag:s0], $0x1000  }
0xe9: {  	[sflag:s0] =	ssyncset.done @!p0 $0x0  }
0xea: {  	[sflag:s0] =	ssyncadd.s32 @!p0 $0xFFFFF000  }
0xeb: {  	_ =	swait.ge @!p0 [sflag:s0], $0x1000  }
0xec: {  	[sflag:s0] =	ssyncset.done @!p0 $0x0  }
0xed: {  	[sflag:s0] =	ssyncadd.s32 @!p0 $0xFFFFF000  }
0xee: {  	_ =	swait.ge @!p0 [sflag:s0], $0x1000  }
0xef: {  	[sflag:s0] =	ssyncset.done @!p0 $0x0  }
0xf0: {  	[sflag:s0] =	ssyncadd.s32 @!p0 $0xFFFFF000  }
0xf1: {  	_ =	swait.ge @!p0 [sflag:s0], $0x1000  }
0xf2: {  	[sflag:s0] =	ssyncset.done @!p0 $0x0  }
0xf3: {  	[sflag:s0] =	ssyncadd.s32 @!p0 $0xFFFFF000  }
0xf4: {  	_ =	swait.ge @!p0 [sflag:s0], $0x1000  }
0xf5: {  	[sflag:s0] =	ssyncset.done @!p0 $0x0  }
0xf6: {  	[sflag:s0] =	ssyncadd.s32 @!p0 $0xFFFFF000  }
0xf7: {  	_ =	swait.ge @!p0 [sflag:s0], $0x1000  }
0xf8: {  	[sflag:s0] =	ssyncset.done @!p0 $0x0  }
0xf9: {  	s31 =	simm.s32 $0x340;
	s16 =	simm.s32 $0x240;
	[sflag:s0] =	ssyncadd.s32 @!p0 $0xFFFFF000  }
0xfa: {  	s19 =	simm.s32 $0x280;
	s21 =	simm.s32 $0x200;
	_ =	swait.ge @!p0 [sflag:s0], $0x1000  }
0xfb: {  	s20 =	simm.s32 $0x2C0;
	s25 =	simm.s32 $0x3C0;
	[sflag:s0] =	ssyncset.done @!p0 $0x0  }
0xfc: {  	s2 =	simm.s32 $0x0;
	s30 =	simm.s32 $0x300;
	[sflag:s0] =	ssyncadd.s32 @!p0 $0xFFFFF000  }
.LBB2_7:
0xfd: {  	s4 =	sshll.u32 s2, $0x7  }
0xfe: {  	[smem:$0x7E1] =	sst s2;
	s0 =	sadd.s32 $0xB400, s4  }
0xff: {  	s1 =	simm.s32 $0x0;
	s3 =	sadd.s32 $0xC400, s4;
	[dreg:$0xb] =	wrdreg s0  }
0x100: {  	s9 =	simm.s32 $0x0;
	s5 =	sadd.s32 $0xD400, s4;
	[dreg:$0xc] =	wrdreg s3  }
0x101: {  	s6 =	sadd.s32 $0xE400, s4;
	s7 =	sadd.s32 $0xF400, s4;
	[dreg:$0xd] =	wrdreg s5  }
0x102: {  	s8 =	sadd.s32 $0x10400, s4;
	s24 =	sand.u32 $0x60, s1;
	[dreg:$0xe] =	wrdreg s6  }
0x103: {  	s22 =	sand.u32 $0xC00, s9;
	s10 =	sadd.s32 $0x11400, s4;
	[dreg:$0xf] =	wrdreg s7  }
0x104: {  	[dreg:$0x10] =	wrdreg s8;
	s11 =	sor.u32 s4, s22;
	s17 =	sor.u32 $0x10, s24  }
0x105: {  	[dreg:$0x11] =	wrdreg s10;
	s12 =	sor.u32 s17, s11  }
0x106: {  	s1 =	sor.u32 s24, s11;
	v6 =	vld [tilespmem:s12+$0x400]  }
0x107: {  	v0 =	vld [tilespmem:s1+$0x400];
	_ =	sdelay $0x6  }
0x108: {  	v1 =	vld.idx.msk [tilespmem:v6+s21+$0x0], $0xffff  }
0x109: {  	v2 =	vld.idx.msk [tilespmem:v0+s21+$0x0], $0xffff  }
0x10a: {  	s13 =	simm.s32 $0x20;
	s14 =	simm.s32 $0x100  }
0x10b: {  	s29 =	sand.u32 $0x60, s13;
	s3 =	sand.u32 $0xC00, s14  }
0x10c: {  	s10 =	sor.u32 $0x10, s29;
	s23 =	sor.u32 s4, s3  }
0x10d: {  	s26 =	sor.u32 s10, s23;
	[tilespmem:s12+$0xA400] =	vst v1  }
0x10e: {  	[tilespmem:s1+$0xA400] =	vst v2;
	v2 =	vld [tilespmem:s26+$0x400]  }
0x10f: {  	v3 =	vld.idx.msk [tilespmem:v6+s16+$0x0], $0xffff  }
0x110: {  	s1 =	sor.u32 s29, s23;
	v4 =	vld.idx.msk [tilespmem:v0+s16+$0x0], $0xffff  }
0x111: {  	v1 =	vld [tilespmem:s1+$0x400]  }
0x112: {  	s15 =	rddreg [dreg:$0xb]  }
0x113: {  	s0 =	sadd.s32 s22, s15  }
0x114: {  	s5 =	sadd.s32 s17, s0  }
0x115: {  	s0 =	sadd.s32 s24, s0;
	[tilespmem:s5+$0x0] =	vst v3  }
0x116: {  	[tilespmem:s0+$0x0] =	vst v4;
	v3 =	vld.idx.msk [tilespmem:v6+s19+$0x0], $0xffff  }
0x117: {  	v4 =	vld.idx.msk [tilespmem:v0+s19+$0x0], $0xffff  }
0x118: {  	s0 =	rddreg [dreg:$0xc];
	v5 =	vld.idx.msk [tilespmem:v2+s21+$0x0], $0xffff  }
0x119: {  	s0 =	sadd.s32 s22, s0;
	v7 =	vld.idx.msk [tilespmem:v1+s21+$0x0], $0xffff  }
0x11a: {  	s8 =	sadd.s32 s17, s0  }
0x11b: {  	s0 =	sadd.s32 s24, s0;
	[tilespmem:s8+$0x0] =	vst v3  }
0x11c: {  	s9 =	simm.s32 $0x40;
	s7 =	simm.s32 $0x200;
	[tilespmem:s0+$0x0] =	vst v4;
	v4 =	vld.idx.msk [tilespmem:v6+s20+$0x0], $0xffff  }
0x11d: {  	s6 =	sand.u32 $0x60, s9;
	s7 =	sand.u32 $0xC00, s7;
	v8 =	vld.idx.msk [tilespmem:v0+s20+$0x0], $0xffff;
	[tilespmem:s26+$0xA400] =	vst v5  }
0x11e: {  	s9 =	sor.u32 $0x10, s6;
	s11 =	sor.u32 s4, s7;
	s0 =	rddreg [dreg:$0xd];
	[tilespmem:s1+$0xA400] =	vst v7;
	v5 =	vld.idx.msk [tilespmem:v2+s16+$0x0], $0xffff  }
0x11f: {  	s0 =	sadd.s32 s22, s0;
	s1 =	sor.u32 s9, s11;
	v7 =	vld.idx.msk [tilespmem:v1+s16+$0x0], $0xffff  }
0x120: {  	s2 =	sor.u32 s6, s11;
	s8 =	sadd.s32 s17, s0;
	v3 =	vld [tilespmem:s1+$0x400]  }
0x121: {  	s12 =	rddreg [dreg:$0xb];
	s0 =	sadd.s32 s24, s0;
	[tilespmem:s8+$0x0] =	vst v4;
	v4 =	vld [tilespmem:s2+$0x400]  }
0x122: {  	s13 =	sadd.s32 s3, s12;
	[tilespmem:s0+$0x0] =	vst v8;
	v8 =	vld.idx.msk [tilespmem:v6+s30+$0x0], $0xffff  }
0x123: {  	s15 =	sadd.s32 s10, s13;
	v9 =	vld.idx.msk [tilespmem:v0+s30+$0x0], $0xffff  }
0x124: {  	s14 =	rddreg [dreg:$0xe];
	[tilespmem:s15+$0x0] =	vst v5  }
0x125: {  	s0 =	sadd.s32 s29, s13;
	s23 =	sadd.s32 s22, s14;
	v5 =	vld.idx.msk [tilespmem:v2+s19+$0x0], $0xffff  }
0x126: {  	[tilespmem:s0+$0x0] =	vst v7;
	s11 =	sadd.s32 s17, s23  }
0x127: {  	s26 =	rddreg [dreg:$0xc];
	v7 =	vld.idx.msk [tilespmem:v1+s19+$0x0], $0xffff;
	s0 =	sadd.s32 s24, s23;
	[tilespmem:s11+$0x0] =	vst v8  }
0x128: {  	s12 =	sadd.s32 s3, s26;
	[tilespmem:s0+$0x0] =	vst v9;
	v9 =	vld.idx.msk [tilespmem:v3+s21+$0x0], $0xffff  }
0x129: {  	s14 =	sadd.s32 s10, s12;
	v8 =	vld.idx.msk [tilespmem:v6+s31+$0x0], $0xffff  }
0x12a: {  	[tilespmem:s14+$0x0] =	vst v5;
	v5 =	vld.idx.msk [tilespmem:v0+s31+$0x0], $0xffff  }
0x12b: {  	s0 =	sadd.s32 s29, s12;
	s13 =	rddreg [dreg:$0xf];
	v10 =	vld.idx.msk [tilespmem:v4+s21+$0x0], $0xffff  }
0x12c: {  	s11 =	simm.s32 $0x60;
	s12 =	simm.s32 $0x300;
	[tilespmem:s0+$0x0] =	vst v7;
	s0 =	sadd.s32 s22, s13;
	v11 =	vld.idx.msk [tilespmem:v2+s20+$0x0], $0xffff  }
0x12d: {  	s14 =	sand.u32 $0x60, s11;
	s13 =	sand.u32 $0xC00, s12;
	s26 =	sadd.s32 s17, s0;
	v12 =	vld.idx.msk [tilespmem:v1+s20+$0x0], $0xffff;
	[tilespmem:s1+$0xA400] =	vst v9  }
0x12e: {  	s23 =	sor.u32 $0x10, s14;
	s8 =	sor.u32 s4, s13;
	[tilespmem:s26+$0x0] =	vst v8;
	v9 =	vld.idx.msk [tilespmem:v3+s16+$0x0], $0xffff  }
0x12f: {  	s26 =	sor.u32 s23, s8;
	v8 =	vld.idx.msk [tilespmem:v6+s18+$0x0], $0xffff  }
0x130: {  	s15 =	rddreg [dreg:$0xd];
	s0 =	sadd.s32 s24, s0;
	s28 =	sor.u32 s14, s8;
	[tilespmem:s2+$0xA400] =	vst v10;
	v7 =	vld [tilespmem:s26+$0x400]  }
0x131: {  	s1 =	rddreg [dreg:$0x10];
	s2 =	sadd.s32 s3, s15;
	[tilespmem:s0+$0x0] =	vst v5;
	v5 =	vld [tilespmem:s28+$0x400]  }
0x132: {  	v10 =	vld.idx.msk [tilespmem:v4+s16+$0x0], $0xffff;
	s5 =	rddreg [dreg:$0xb];
	s15 =	sadd.s32 s10, s2  }
0x133: {  	s2 =	sadd.s32 s29, s2;
	v16 =	vld.idx.msk [tilespmem:v0+s18+$0x0], $0xffff;
	[tilespmem:s15+$0x0] =	vst v11;
	s0 =	sadd.s32 s7, s5  }
0x134: {  	s1 =	sadd.s32 s22, s1;
	[tilespmem:s2+$0x0] =	vst v12;
	v11 =	vld.idx.msk [tilespmem:v2+s30+$0x0], $0xffff;
	s15 =	sadd.s32 s9, s0  }
0x135: {  	s8 =	sadd.s32 s17, s1;
	v12 =	vld.idx.msk [tilespmem:v1+s30+$0x0], $0xffff;
	[tilespmem:s15+$0x0] =	vst v9  }
0x136: {  	s2 =	rddreg [dreg:$0xe];
	s0 =	sadd.s32 s6, s0;
	[tilespmem:s8+$0x0] =	vst v8;
	v8 =	vld.idx.msk [tilespmem:v3+s19+$0x0], $0xffff  }
0x137: {  	s2 =	sadd.s32 s3, s2;
	v6 =	vld.idx.msk [tilespmem:v6+s25+$0x0], $0xffff;
	[tilespmem:s0+$0x0] =	vst v10  }
0x138: {  	s30 =	sadd.s32 s10, s2;
	s5 =	rddreg [dreg:$0x11];
	v15 =	vld.idx.msk [tilespmem:v4+s19+$0x0], $0xffff  }
0x139: {  	s1 =	sadd.s32 s24, s1;
	s15 =	rddreg [dreg:$0xc];
	[tilespmem:s30+$0x0] =	vst v11;
	v13 =	vld.idx.msk [tilespmem:v7+s21+$0x0], $0xffff  }
0x13a: {  	s0 =	sadd.s32 s29, s2;
	[tilespmem:s1+$0x0] =	vst v16;
	s2 =	sadd.s32 s22, s5;
	s5 =	sadd.s32 s7, s15;
	v10 =	vld.idx.msk [tilespmem:v2+s31+$0x0], $0xffff  }
0x13b: {  	[tilespmem:s0+$0x0] =	vst v12;
	v14 =	vld.idx.msk [tilespmem:v5+s21+$0x0], $0xffff;
	s30 =	sadd.s32 s9, s5  }
0x13c: {  	s22 =	sadd.s32 s17, s2;
	s15 =	rddreg [dreg:$0xf];
	s0 =	sadd.s32 s6, s5;
	v9 =	vld.idx.msk [tilespmem:v1+s31+$0x0], $0xffff;
	[tilespmem:s30+$0x0] =	vst v8  }
0x13d: {  	s24 =	sadd.s32 s24, s2;
	s17 =	simm.s32 $0x340;
	s31 =	sadd.s32 s3, s15;
	v11 =	vld.idx.msk [tilespmem:v3+s20+$0x0], $0xffff;
	[tilespmem:s0+$0x0] =	vst v15  }
0x13e: {  	v8 =	vmov v3;
	[tilespmem:s22+$0x0] =	vst v6;
	s5 =	sadd.s32 s29, s31;
	v6 =	vmov v7;
	s0 =	sadd.s32 s10, s31;
	v12 =	vld.idx.msk [tilespmem:v4+s20+$0x0], $0xffff;
	s8 =	rddreg [dreg:$0xd]  }
.LBB2_8:
0x13f: {  	[tilespmem:s0+$0x0] =	vst v10  }
0x140: {  	s11 =	sadd.s32 $0x20, s11;
	s12 =	sadd.s32 $0x100, s12;
	v10 =	vld.idx.msk [tilespmem:v0+s25+$0x0], $0xffff;
	[tilespmem:s28+$0xA400] =	vst v14  }
0x141: {  	s31 =	sand.u32 $0x60, s11;
	s1 =	sand.u32 $0xC00, s12;
	[tilespmem:s26+$0xA400] =	vst v13;
	v16 =	vld.idx.msk [tilespmem:v5+s16+$0x0], $0xffff  }
0x142: {  	s8 =	sadd.s32 s7, s8;
	s15 =	sor.u32 $0x10, s31;
	v0 =	vmov v1;
	v1 =	vmov v4;
	s25 =	sor.u32 s4, s1;
	v13 =	vld.idx.msk [tilespmem:v2+s18+$0x0], $0xffff  }
0x143: {  	v4 =	vmov v5;
	s0 =	smov.u32 s9;
	s9 =	sadd.s32 s6, s8;
	s26 =	sor.u32 s15, s25;
	[tilespmem:s5+$0x0] =	vst v9;
	v14 =	vld.idx.msk [tilespmem:v6+s16+$0x0], $0xffff  }
0x144: {  	v15 =	vmov v7;
	s22 =	rddreg [dreg:$0xb];
	s30 =	sadd.s32 s0, s8;
	s28 =	sor.u32 s31, s25;
	[tilespmem:s9+$0x0] =	vst v12;
	v7 =	vld [tilespmem:s26+$0x400]  }
0x145: {  	s2 =	rddreg [dreg:$0x10];
	s5 =	sadd.s32 s13, s22;
	[tilespmem:s30+$0x0] =	vst v11;
	s30 =	simm.s32 $0x300;
	v5 =	vld [tilespmem:s28+$0x400]  }
0x146: {  	s2 =	sadd.s32 s3, s2;
	s22 =	sadd.s32 s14, s5;
	v9 =	vld.idx.msk [tilespmem:v3+s30+$0x0], $0xffff;
	[tilespmem:s24+$0x0] =	vst v10  }
0x147: {  	s9 =	smov.u32 s23;
	s23 =	smov.u32 s15;
	s15 =	sadd.s32 s10, s2;
	v11 =	vld.idx.msk [tilespmem:v1+s30+$0x0], $0xffff;
	[tilespmem:s22+$0x0] =	vst v16  }
0x148: {  	s8 =	rddreg [dreg:$0xe];
	s5 =	sadd.s32 s9, s5;
	[tilespmem:s15+$0x0] =	vst v13;
	v17 =	vld.idx.msk [tilespmem:v4+s19+$0x0], $0xffff  }
0x149: {  	s25 =	simm.s32 $0x3C0;
	s8 =	sadd.s32 s7, s8;
	s24 =	rddreg [dreg:$0xc];
	[tilespmem:s5+$0x0] =	vst v14;
	v18 =	vld.idx.msk [tilespmem:v0+s18+$0x0], $0xffff  }
0x14a: {  	s22 =	sadd.s32 s6, s8;
	s15 =	rddreg [dreg:$0x11];
	s5 =	sadd.s32 s0, s8;
	v12 =	vld.idx.msk [tilespmem:v2+s25+$0x0], $0xffff  }
0x14b: {  	v63 =	vld.idx.msk [tilespmem:v6+s19+$0x0], $0xffff;
	[tilespmem:s5+$0x0] =	vst v9;
	s5 =	sadd.s32 s3, s15;
	s3 =	smov.u32 s7;
	s7 =	smov.u32 s13  }
0x14c: {  	p0 =	slt.u32 s11, $0x1E0;
	s2 =	sadd.s32 s29, s2;
	v2 =	vmov v3;
	v3 =	vmov v6;
	v10 =	vld.idx.msk [tilespmem:v8+s17+$0x0], $0xffff;
	s8 =	sadd.s32 s7, s24;
	[tilespmem:s22+$0x0] =	vst v11  }
.Ltmp2:
0x14d: {  	s13 =	rddreg [dreg:$0xf];
	s15 =	sadd.s32 s14, s8;
	v14 =	vld.idx.msk [tilespmem:v5+s21+$0x0], $0xffff;
	(pc) =	sbr.rel @p0 .LBB2_8-.Ltmp2, $4  }
0x14e: {  	s24 =	sadd.s32 s29, s5;
	s29 =	smov.u32 s6;
	s22 =	sadd.s32 s10, s5;
	v9 =	vld.idx.msk [tilespmem:v1+s17+$0x0], $0xffff;
	[tilespmem:s15+$0x0] =	vst v17  }
0x14f: {  	s6 =	smov.u32 s14;
	v13 =	vld.idx.msk [tilespmem:v7+s21+$0x0], $0xffff;
	s8 =	sadd.s32 s9, s8;
	s14 =	smov.u32 s31;
	[tilespmem:s22+$0x0] =	vst v12  }
0x150: {  	s31 =	sadd.s32 s3, s13;
	s13 =	smov.u32 s1;
	s10 =	smov.u32 s0;
	[tilespmem:s8+$0x0] =	vst v63;
	v12 =	vld.idx.msk [tilespmem:v4+s20+$0x0], $0xffff  }
0x151: {  	v6 =	vmov v7;
	v8 =	vmov v15;
	s5 =	sadd.s32 s29, s31;
	s0 =	sadd.s32 s10, s31;
	s8 =	rddreg [dreg:$0xd];
	[tilespmem:s2+$0x0] =	vst v18;
	v11 =	vld.idx.msk [tilespmem:v3+s20+$0x0], $0xffff  }
0x152: {  	_ =	sdelay $0x2  }
0x153: {  	[tilespmem:s28+$0xA400] =	vst v14  }
0x154: {  	v14 =	vld.idx.msk [tilespmem:v5+s16+$0x0], $0xffff  }
0x155: {  	[tilespmem:s26+$0xA400] =	vst v13  }
0x156: {  	v13 =	vld.idx.msk [tilespmem:v6+s16+$0x0], $0xffff;
	s1 =	rddreg [dreg:$0xb]  }
0x157: {  	s1 =	sadd.s32 s13, s1  }
0x158: {  	s2 =	sadd.s32 s23, s1;
	s1 =	sadd.s32 s14, s1  }
0x159: {  	[tilespmem:s1+$0x0] =	vst v14  }
0x15a: {  	v14 =	vld.idx.msk [tilespmem:v5+s19+$0x0], $0xffff  }
0x15b: {  	[tilespmem:s2+$0x0] =	vst v13  }
0x15c: {  	s22 =	sadd.s32 s7, s8;
	v13 =	vld.idx.msk [tilespmem:v6+s19+$0x0], $0xffff;
	s1 =	rddreg [dreg:$0xc]  }
0x15d: {  	s4 =	sadd.s32 s9, s22;
	s1 =	sadd.s32 s13, s1  }
0x15e: {  	[tilespmem:s4+$0x0] =	vst v11;
	s15 =	sadd.s32 s23, s1;
	s1 =	sadd.s32 s14, s1  }
0x15f: {  	v11 =	vld.idx.msk [tilespmem:v3+s30+$0x0], $0xffff;
	[tilespmem:s1+$0x0] =	vst v14;
	s1 =	sadd.s32 s6, s22  }
0x160: {  	v14 =	vld.idx.msk [tilespmem:v5+s20+$0x0], $0xffff;
	[tilespmem:s1+$0x0] =	vst v12  }
0x161: {  	[tilespmem:s15+$0x0] =	vst v13;
	s28 =	rddreg [dreg:$0xe];
	v12 =	vld.idx.msk [tilespmem:v4+s30+$0x0], $0xffff  }
0x162: {  	v13 =	vld.idx.msk [tilespmem:v6+s20+$0x0], $0xffff;
	s2 =	rddreg [dreg:$0xd];
	s11 =	sadd.s32 s7, s28  }
0x163: {  	s26 =	sadd.s32 s13, s2;
	s15 =	sadd.s32 s9, s11  }
0x164: {  	v0 =	vld.idx.msk [tilespmem:v0+s25+$0x0], $0xffff;
	s1 =	sadd.s32 s14, s26;
	[tilespmem:s15+$0x0] =	vst v11  }
0x165: {  	[tilespmem:s1+$0x0] =	vst v14;
	s1 =	sadd.s32 s6, s11;
	v8 =	vld.idx.msk [tilespmem:v8+s17+$0x0], $0xffff  }
0x166: {  	s8 =	sadd.s32 s23, s26;
	v14 =	vld.idx.msk [tilespmem:v5+s30+$0x0], $0xffff;
	[tilespmem:s1+$0x0] =	vst v12  }
0x167: {  	[tilespmem:s8+$0x0] =	vst v13;
	s26 =	rddreg [dreg:$0xf];
	v54 =	vld.idx.msk [tilespmem:v4+s17+$0x0], $0xffff  }
0x168: {  	[tilespmem:s0+$0x0] =	vst v10;
	v13 =	vld.idx.msk [tilespmem:v6+s30+$0x0], $0xffff;
	s12 =	rddreg [dreg:$0xe];
	s8 =	sadd.s32 s7, s26  }
0x169: {  	v10 =	vld.idx.msk [tilespmem:v2+s18+$0x0], $0xffff;
	s11 =	rddreg [dreg:$0x10];
	[tilespmem:s5+$0x0] =	vst v9;
	s22 =	sadd.s32 s13, s12;
	s12 =	sadd.s32 s9, s8  }
0x16a: {  	v57 =	vld.idx.msk [tilespmem:v1+s18+$0x0], $0xffff;
	s1 =	sadd.s32 s14, s22;
	[tilespmem:s12+$0x0] =	vst v8  }
0x16b: {  	s0 =	sadd.s32 s6, s8;
	[tilespmem:s1+$0x0] =	vst v14;
	v56 =	vld.idx.msk [tilespmem:v3+s18+$0x0], $0xffff  }
0x16c: {  	s28 =	sadd.s32 s23, s22;
	s4 =	rddreg [dreg:$0x10];
	v55 =	vld.idx.msk [tilespmem:v5+s17+$0x0], $0xffff;
	[tilespmem:s0+$0x0] =	vst v54  }
0x16d: {  	s2 =	sadd.s32 s3, s11;
	[tilespmem:s28+$0x0] =	vst v13;
	v11 =	vld.idx.msk [tilespmem:v4+s18+$0x0], $0xffff  }
0x16e: {  	[tilespmem:s24+$0x0] =	vst v0;
	v7 =	vld.idx.msk [tilespmem:v7+s17+$0x0], $0xffff;
	s17 =	sadd.s32 s10, s2  }
0x16f: {  	s22 =	sadd.s32 s7, s4;
	s1 =	rddreg [dreg:$0xf];
	s2 =	sadd.s32 s29, s2;
	[tilespmem:s17+$0x0] =	vst v10  }
0x170: {  	s28 =	sadd.s32 s9, s22;
	s8 =	rddreg [dreg:$0x11];
	v58 =	vld.idx.msk [tilespmem:v2+s25+$0x0], $0xffff;
	[tilespmem:s2+$0x0] =	vst v57  }
0x171: {  	s0 =	sadd.s32 s6, s22;
	s1 =	sadd.s32 s13, s1;
	[tilespmem:s28+$0x0] =	vst v56;
	v59 =	vld.idx.msk [tilespmem:v1+s25+$0x0], $0xffff  }
0x172: {  	s15 =	sadd.s32 s23, s1;
	s11 =	rddreg [dreg:$0x11];
	v60 =	vld.idx.msk [tilespmem:v3+s25+$0x0], $0xffff;
	[tilespmem:s0+$0x0] =	vst v11  }
0x173: {  	s1 =	sadd.s32 s14, s1;
	[tilespmem:s15+$0x0] =	vst v7;
	s15 =	sadd.s32 s3, s8;
	v61 =	vld.idx.msk [tilespmem:v4+s25+$0x0], $0xffff  }
0x174: {  	s26 =	rddreg [dreg:$0x10];
	v7 =	vld.idx.msk [tilespmem:v6+s18+$0x0], $0xffff;
	[tilespmem:s1+$0x0] =	vst v55;
	s24 =	sadd.s32 s10, s15  }
0x175: {  	s0 =	sadd.s32 s29, s15;
	s1 =	sadd.s32 s7, s11;
	v8 =	vld.idx.msk [tilespmem:v5+s18+$0x0], $0xffff;
	[tilespmem:s24+$0x0] =	vst v58  }
0x176: {  	s4 =	sadd.s32 s13, s26;
	s26 =	sadd.s32 s9, s1;
	[tilespmem:s0+$0x0] =	vst v59  }
0x177: {  	s1 =	sadd.s32 s6, s1;
	[tilespmem:s26+$0x0] =	vst v60  }
0x178: {  	s12 =	sadd.s32 s23, s4;
	[tilespmem:s1+$0x0] =	vst v61  }
0x179: {  	s17 =	sadd.s32 s14, s4;
	[tilespmem:s12+$0x0] =	vst v7  }
0x17a: {  	s22 =	rddreg [dreg:$0x11];
	[tilespmem:s17+$0x0] =	vst v8  }
0x17b: {  	s2 =	sld [smem:$0x7E1];
	_ =	sdelay $0x2  }
0x17c: {  	v62 =	vld.idx.msk [tilespmem:v6+s25+$0x0], $0xffff;
	s2 =	sadd.s32 $0x1, s2  }
0x17d: {  	v63 =	vld.idx.msk [tilespmem:v5+s25+$0x0], $0xffff;
	p0 =	sne.s32 s2, $0x8  }
.Ltmp3:
0x17e: {  	_ = 	snop;
	(pc) =	sbr.rel @p0 .LBB2_7-.Ltmp3, $4  }
0x17f: {  	s28 =	sadd.s32 s13, s22  }
0x180: {  	s29 =	sadd.s32 s23, s28  }
0x181: {  	s0 =	sadd.s32 s14, s28;
	[tilespmem:s29+$0x0] =	vst v62  }
0x182: {  	s31 =	simm.s32 $0x340;
	[tilespmem:s0+$0x0] =	vst v63  }
0x183: {  	s0 =	sld [smem:$0x7F4]  }
0x184: {  	s2 =	sld [smem:$0x7E2];
	_ =	sdelay $0x1  }
0x185: {  	s30 =	simm.s32 $0x0;
	s13 =	sld [smem:$0x7F5]  }
0x186: {  	s1 =	simm.s32 $0xA400;
	s15 =	sld [smem:$0x7F6];
	s0 =	sadd.s32 s2, s0  }
0x187: {  	[hbm4b:s0+s30] =	stream.linear.scatter [tilespmem:s1], [sflag:$0x4], $0x1000, $0x38;
	[tilespmem:$0x12400] =	vst v63  }
0x188: {  	s14 =	simm.s32 $0xB400;
	s17 =	sld [smem:$0x7F7];
	s0 =	sadd.s32 s2, s13  }
0x189: {  	[hbm4b:s0+s30] =	stream.linear.scatter [tilespmem:s14], [sflag:$0x4], $0x1000, $0x38;
	[tilespmem:$0x12400] =	vst v63  }
0x18a: {  	s16 =	simm.s32 $0xC400;
	s19 =	sld [smem:$0x7F8];
	s0 =	sadd.s32 s2, s15  }
0x18b: {  	[hbm4b:s0+s30] =	stream.linear.scatter [tilespmem:s16], [sflag:$0x4], $0x1000, $0x38;
	[tilespmem:$0x12400] =	vst v63  }
0x18c: {  	s18 =	simm.s32 $0xD400;
	s21 =	sld [smem:$0x7FB];
	s0 =	sadd.s32 s2, s17  }
0x18d: {  	[hbm4b:s0+s30] =	stream.linear.scatter [tilespmem:s18], [sflag:$0x4], $0x1000, $0x38;
	[tilespmem:$0x12400] =	vst v63  }
0x18e: {  	s20 =	simm.s32 $0xE400;
	s23 =	sld [smem:$0x7FC];
	s0 =	sadd.s32 s2, s19  }
0x18f: {  	[hbm4b:s0+s30] =	stream.linear.scatter [tilespmem:s20], [sflag:$0x4], $0x1000, $0x38;
	[tilespmem:$0x12400] =	vst v63  }
0x190: {  	s22 =	simm.s32 $0xF400;
	s25 =	sld [smem:$0x7FD];
	s0 =	sadd.s32 s2, s21  }
0x191: {  	[hbm4b:s0+s30] =	stream.linear.scatter [tilespmem:s22], [sflag:$0x4], $0x1000, $0x38;
	[tilespmem:$0x12400] =	vst v63  }
0x192: {  	s24 =	simm.s32 $0x10400;
	s0 =	sadd.s32 s2, s23  }
0x193: {  	[hbm4b:s0+s30] =	stream.linear.scatter [tilespmem:s24], [sflag:$0x4], $0x1000, $0x38;
	[tilespmem:$0x12400] =	vst v63  }
0x194: {  	s26 =	simm.s32 $0x11400;
	s28 =	simm.s32 $0x2;
	s0 =	sadd.s32 s2, s25  }
0x195: {  	[hbm4b:s0+s30] =	stream.linear.scatter [tilespmem:s26], [sflag:$0x4], $0x1000, $0x38;
	[tilespmem:$0x12400] =	vst v63  }
0x196: {  	_ =	swait.ge [sflag:s28], $0x1000  }
0x197: {  	s29 =	sld [smem:$0x7E6]  }
0x198: {  	s0 =	sld [smem:$0x7F9]  }
0x199: {  	s2 =	sld [smem:$0x7E4];
	_ =	sdelay $0x1  }
0x19a: {  	[sflag:s28] =	ssyncset.done $0x0;
	p0 =	seq.s32 s29, $0xF  }
0x19b: {  	[sflag:s28] =	ssyncadd.s32 $0xFFFFF000;
	s0 =	sadd.s32 @!p0 s2, s0  }
0x19c: {  	s31 =	simm.s32 $0x3;
	s1 =	rddreg [dreg:$0x1];
	s0 =	sshrl.u32 @!p0 s0, $0x3  }
0x19d: {  	s2 =	simm.s32 @!p0 $0x400;
	s0 =	sadd.s32 @!p0 s1, s0;
	s1 =	simm.s32 @!p0 $0x0  }
0x19e: {  	[tilespmem:s2], [sflag:$0x1] =	stream.linear.gather @!p0 [hbm4b:s0+s1], $0x1000, $0x38;
	[tilespmem:$0x12400] =	vst v63  }
0x19f: {  	_ =	swait.ge [sflag:s31], $0x1000  }
0x1a0: {  	[sflag:s31] =	ssyncset.done $0x0  }
0x1a1: {  	[sflag:s31] =	ssyncadd.s32 $0xFFFFF000  }
0x1a2: {  	_ =	swait.ge [sflag:s31], $0x1000  }
0x1a3: {  	[sflag:s31] =	ssyncset.done $0x0  }
0x1a4: {  	[sflag:s31] =	ssyncadd.s32 $0xFFFFF000  }
0x1a5: {  	_ =	swait.ge [sflag:s31], $0x1000  }
0x1a6: {  	[sflag:s31] =	ssyncset.done $0x0  }
0x1a7: {  	[sflag:s31] =	ssyncadd.s32 $0xFFFFF000  }
0x1a8: {  	_ =	swait.ge [sflag:s31], $0x1000  }
0x1a9: {  	[sflag:s31] =	ssyncset.done $0x0  }
0x1aa: {  	[sflag:s31] =	ssyncadd.s32 $0xFFFFF000  }
0x1ab: {  	_ =	swait.ge [sflag:s31], $0x1000  }
0x1ac: {  	[sflag:s31] =	ssyncset.done $0x0  }
0x1ad: {  	[sflag:s31] =	ssyncadd.s32 $0xFFFFF000  }
0x1ae: {  	_ =	swait.ge [sflag:s31], $0x1000  }
0x1af: {  	[sflag:s31] =	ssyncset.done $0x0  }
0x1b0: {  	[sflag:s31] =	ssyncadd.s32 $0xFFFFF000  }
0x1b1: {  	_ =	swait.ge [sflag:s31], $0x1000  }
0x1b2: {  	[sflag:s31] =	ssyncset.done $0x0  }
0x1b3: {  	s11 =	simm.s32 $0xC0;
	[sflag:s31] =	ssyncadd.s32 $0xFFFFF000  }
0x1b4: {  	s12 =	simm.s32 $0x80;
	s13 =	simm.s32 $0x100;
	_ =	swait.ge [sflag:s31], $0x1000  }
0x1b5: {  	s15 =	simm.s32 $0x40;
	s14 =	simm.s32 $0x140;
	[sflag:s31] =	ssyncset.done $0x0  }
0x1b6: {  	s16 =	simm.s32 $0x180;
	s2 =	simm.s32 $0x0;
	[sflag:s31] =	ssyncadd.s32 $0xFFFFF000  }
.LBB2_11:
0x1b7: {  	s4 =	sshll.u32 s2, $0x7  }
0x1b8: {  	[smem:$0x7E0] =	sst s2;
	s0 =	sadd.s32 $0x3400, s4  }
0x1b9: {  	s1 =	simm.s32 $0x0;
	s23 =	sadd.s32 $0x4400, s4;
	[dreg:$0x12] =	wrdreg s0  }
0x1ba: {  	s24 =	sadd.s32 $0x5400, s4;
	s25 =	sadd.s32 $0x6400, s4;
	[dreg:$0x13] =	wrdreg s23  }
0x1bb: {  	s26 =	sadd.s32 $0x7400, s4;
	s31 =	sadd.s32 $0x8400, s4;
	[dreg:$0x14] =	wrdreg s24  }
0x1bc: {  	s29 =	sand.u32 $0x60, s1;
	s1 =	simm.s32 $0x0;
	[dreg:$0x15] =	wrdreg s25  }
0x1bd: {  	s2 =	sadd.s32 $0x9400, s4;
	[dreg:$0x17] =	wrdreg s31;
	s31 =	sand.u32 $0xC00, s1  }
0x1be: {  	[dreg:$0x16] =	wrdreg s26;
	s25 =	sor.u32 $0x10, s29;
	s3 =	sor.u32 s4, s31  }
0x1bf: {  	[dreg:$0x18] =	wrdreg s2;
	s5 =	sor.u32 s25, s3  }
0x1c0: {  	s1 =	sor.u32 s29, s3;
	v6 =	vld [tilespmem:s5+$0x1400]  }
0x1c1: {  	v0 =	vld [tilespmem:s1+$0x1400];
	_ =	sdelay $0x6  }
0x1c2: {  	v1 =	vld.idx.msk [tilespmem:v6+s30+$0x0], $0xffff  }
0x1c3: {  	v2 =	vld.idx.msk [tilespmem:v0+s30+$0x0], $0xffff  }
0x1c4: {  	s6 =	simm.s32 $0x20;
	s7 =	simm.s32 $0x100  }
0x1c5: {  	s26 =	sand.u32 $0x60, s6;
	s3 =	sand.u32 $0xC00, s7  }
0x1c6: {  	s10 =	sor.u32 $0x10, s26;
	s9 =	sor.u32 s4, s3  }
0x1c7: {  	s17 =	sor.u32 s10, s9;
	[tilespmem:s5+$0x2400] =	vst v1  }
0x1c8: {  	[tilespmem:s1+$0x2400] =	vst v2;
	v2 =	vld [tilespmem:s17+$0x1400]  }
0x1c9: {  	v3 =	vld.idx.msk [tilespmem:v6+s15+$0x0], $0xffff  }
0x1ca: {  	s1 =	sor.u32 s26, s9;
	v4 =	vld.idx.msk [tilespmem:v0+s15+$0x0], $0xffff  }
0x1cb: {  	v1 =	vld [tilespmem:s1+$0x1400]  }
0x1cc: {  	s8 =	rddreg [dreg:$0x12]  }
0x1cd: {  	s0 =	sadd.s32 s31, s8  }
0x1ce: {  	s5 =	sadd.s32 s25, s0  }
0x1cf: {  	s0 =	sadd.s32 s29, s0;
	[tilespmem:s5+$0x0] =	vst v3  }
0x1d0: {  	[tilespmem:s0+$0x0] =	vst v4;
	v3 =	vld.idx.msk [tilespmem:v6+s12+$0x0], $0xffff  }
0x1d1: {  	v4 =	vld.idx.msk [tilespmem:v0+s12+$0x0], $0xffff  }
0x1d2: {  	s0 =	rddreg [dreg:$0x13];
	v5 =	vld.idx.msk [tilespmem:v2+s30+$0x0], $0xffff  }
0x1d3: {  	s0 =	sadd.s32 s31, s0;
	v7 =	vld.idx.msk [tilespmem:v1+s30+$0x0], $0xffff  }
0x1d4: {  	s18 =	sadd.s32 s25, s0  }
0x1d5: {  	s0 =	sadd.s32 s29, s0;
	[tilespmem:s18+$0x0] =	vst v3  }
0x1d6: {  	s19 =	simm.s32 $0x40;
	s7 =	simm.s32 $0x200;
	[tilespmem:s0+$0x0] =	vst v4;
	v4 =	vld.idx.msk [tilespmem:v6+s11+$0x0], $0xffff  }
0x1d7: {  	s6 =	sand.u32 $0x60, s19;
	s7 =	sand.u32 $0xC00, s7;
	v8 =	vld.idx.msk [tilespmem:v0+s11+$0x0], $0xffff;
	[tilespmem:s17+$0x2400] =	vst v5  }
0x1d8: {  	s20 =	sor.u32 s4, s7;
	s9 =	sor.u32 $0x10, s6;
	s0 =	rddreg [dreg:$0x14];
	[tilespmem:s1+$0x2400] =	vst v7;
	v5 =	vld.idx.msk [tilespmem:v2+s15+$0x0], $0xffff  }
0x1d9: {  	s0 =	sadd.s32 s31, s0;
	s1 =	sor.u32 s9, s20;
	v7 =	vld.idx.msk [tilespmem:v1+s15+$0x0], $0xffff  }
0x1da: {  	s2 =	sor.u32 s6, s20;
	s8 =	sadd.s32 s25, s0;
	v3 =	vld [tilespmem:s1+$0x1400]  }
0x1db: {  	s21 =	rddreg [dreg:$0x12];
	s0 =	sadd.s32 s29, s0;
	[tilespmem:s8+$0x0] =	vst v4;
	v4 =	vld [tilespmem:s2+$0x1400]  }
0x1dc: {  	s22 =	sadd.s32 s3, s21;
	[tilespmem:s0+$0x0] =	vst v8;
	v8 =	vld.idx.msk [tilespmem:v6+s13+$0x0], $0xffff  }
0x1dd: {  	s24 =	sadd.s32 s10, s22;
	v9 =	vld.idx.msk [tilespmem:v0+s13+$0x0], $0xffff  }
0x1de: {  	s23 =	rddreg [dreg:$0x15];
	[tilespmem:s24+$0x0] =	vst v5  }
0x1df: {  	s0 =	sadd.s32 s26, s22;
	s13 =	sadd.s32 s31, s23;
	v5 =	vld.idx.msk [tilespmem:v2+s12+$0x0], $0xffff  }
0x1e0: {  	[tilespmem:s0+$0x0] =	vst v7;
	s18 =	sadd.s32 s25, s13  }
0x1e1: {  	s17 =	rddreg [dreg:$0x13];
	v7 =	vld.idx.msk [tilespmem:v1+s12+$0x0], $0xffff;
	s0 =	sadd.s32 s29, s13;
	[tilespmem:s18+$0x0] =	vst v8  }
0x1e2: {  	s19 =	sadd.s32 s3, s17;
	[tilespmem:s0+$0x0] =	vst v9;
	v9 =	vld.idx.msk [tilespmem:v3+s30+$0x0], $0xffff  }
0x1e3: {  	s21 =	sadd.s32 s10, s19;
	v8 =	vld.idx.msk [tilespmem:v6+s14+$0x0], $0xffff  }
0x1e4: {  	[tilespmem:s21+$0x0] =	vst v5;
	v5 =	vld.idx.msk [tilespmem:v0+s14+$0x0], $0xffff  }
0x1e5: {  	s0 =	sadd.s32 s26, s19;
	v10 =	vld.idx.msk [tilespmem:v4+s30+$0x0], $0xffff  }
0x1e6: {  	s20 =	rddreg [dreg:$0x16];
	[tilespmem:s0+$0x0] =	vst v7;
	v11 =	vld.idx.msk [tilespmem:v2+s11+$0x0], $0xffff  }
0x1e7: {  	s12 =	simm.s32 $0x300;
	s0 =	sadd.s32 s31, s20;
	v12 =	vld.idx.msk [tilespmem:v1+s11+$0x0], $0xffff;
	s11 =	simm.s32 $0x60  }
0x1e8: {  	s13 =	sand.u32 $0xC00, s12;
	s23 =	sadd.s32 s25, s0;
	s14 =	sand.u32 $0x60, s11;
	[tilespmem:s1+$0x2400] =	vst v9  }
0x1e9: {  	s8 =	sor.u32 s4, s13;
	s28 =	sor.u32 $0x10, s14;
	[tilespmem:s23+$0x0] =	vst v8;
	v9 =	vld.idx.msk [tilespmem:v3+s15+$0x0], $0xffff  }
0x1ea: {  	s22 =	rddreg [dreg:$0x14];
	s23 =	sor.u32 s28, s8;
	v8 =	vld.idx.msk [tilespmem:v6+s16+$0x0], $0xffff  }
0x1eb: {  	s0 =	sadd.s32 s29, s0;
	[tilespmem:s2+$0x2400] =	vst v10;
	s2 =	sadd.s32 s3, s22;
	v7 =	vld [tilespmem:s23+$0x1400]  }
0x1ec: {  	s21 =	simm.s32 $0x180;
	s1 =	rddreg [dreg:$0x17];
	[tilespmem:s0+$0x0] =	vst v5;
	v10 =	vld.idx.msk [tilespmem:v4+s15+$0x0], $0xffff;
	s24 =	sadd.s32 s10, s2  }
0x1ed: {  	s5 =	rddreg [dreg:$0x12];
	v16 =	vld.idx.msk [tilespmem:v0+s21+$0x0], $0xffff;
	[tilespmem:s24+$0x0] =	vst v11;
	s24 =	sor.u32 s14, s8  }
0x1ee: {  	s19 =	simm.s32 $0x100;
	s2 =	sadd.s32 s26, s2;
	s0 =	sadd.s32 s7, s5;
	v5 =	vld [tilespmem:s24+$0x1400]  }
0x1ef: {  	s1 =	sadd.s32 s31, s1;
	[tilespmem:s2+$0x0] =	vst v12;
	v11 =	vld.idx.msk [tilespmem:v2+s19+$0x0], $0xffff;
	s15 =	sadd.s32 s9, s0  }
0x1f0: {  	s17 =	simm.s32 $0x80;
	s8 =	sadd.s32 s25, s1;
	v12 =	vld.idx.msk [tilespmem:v1+s19+$0x0], $0xffff;
	[tilespmem:s15+$0x0] =	vst v9  }
0x1f1: {  	s22 =	simm.s32 $0x1C0;
	s2 =	rddreg [dreg:$0x15];
	s0 =	sadd.s32 s6, s0;
	[tilespmem:s8+$0x0] =	vst v8;
	v8 =	vld.idx.msk [tilespmem:v3+s17+$0x0], $0xffff  }
0x1f2: {  	v6 =	vld.idx.msk [tilespmem:v6+s22+$0x0], $0xffff;
	[tilespmem:s0+$0x0] =	vst v10;
	s0 =	sadd.s32 s3, s2  }
0x1f3: {  	v15 =	vld.idx.msk [tilespmem:v4+s17+$0x0], $0xffff;
	s15 =	sadd.s32 s10, s0  }
0x1f4: {  	s20 =	simm.s32 $0x140;
	s1 =	sadd.s32 s29, s1;
	s5 =	rddreg [dreg:$0x13];
	[tilespmem:s15+$0x0] =	vst v11;
	v13 =	vld.idx.msk [tilespmem:v7+s30+$0x0], $0xffff  }
0x1f5: {  	s2 =	rddreg [dreg:$0x18];
	[tilespmem:s1+$0x0] =	vst v16;
	s0 =	sadd.s32 s26, s0;
	s5 =	sadd.s32 s7, s5;
	v10 =	vld.idx.msk [tilespmem:v2+s20+$0x0], $0xffff  }
0x1f6: {  	s18 =	simm.s32 $0xC0;
	s16 =	simm.s32 $0x40;
	[tilespmem:s0+$0x0] =	vst v12;
	v14 =	vld.idx.msk [tilespmem:v5+s30+$0x0], $0xffff;
	s30 =	sadd.s32 s9, s5  }
0x1f7: {  	s2 =	sadd.s32 s31, s2;
	s15 =	rddreg [dreg:$0x16];
	s0 =	sadd.s32 s6, s5;
	v9 =	vld.idx.msk [tilespmem:v1+s20+$0x0], $0xffff;
	[tilespmem:s30+$0x0] =	vst v8  }
0x1f8: {  	s25 =	sadd.s32 s25, s2;
	s29 =	sadd.s32 s29, s2;
	s31 =	sadd.s32 s3, s15;
	[tilespmem:s0+$0x0] =	vst v15;
	v11 =	vld.idx.msk [tilespmem:v3+s18+$0x0], $0xffff  }
0x1f9: {  	[tilespmem:s25+$0x0] =	vst v6;
	s5 =	sadd.s32 s26, s31;
	v6 =	vmov v7;
	s0 =	sadd.s32 s10, s31;
	v8 =	vmov v3;
	v12 =	vld.idx.msk [tilespmem:v4+s18+$0x0], $0xffff;
	s8 =	rddreg [dreg:$0x14]  }
.LBB2_12:
0x1fa: {  	[tilespmem:s0+$0x0] =	vst v10  }
0x1fb: {  	s11 =	sadd.s32 $0x20, s11;
	s12 =	sadd.s32 $0x100, s12;
	v10 =	vld.idx.msk [tilespmem:v0+s22+$0x0], $0xffff;
	[tilespmem:s24+$0x2400] =	vst v14  }
0x1fc: {  	s8 =	sadd.s32 s7, s8;
	s31 =	sand.u32 $0x60, s11;
	s1 =	sand.u32 $0xC00, s12;
	[tilespmem:s23+$0x2400] =	vst v13;
	v16 =	vld.idx.msk [tilespmem:v5+s16+$0x0], $0xffff  }
0x1fd: {  	s15 =	sor.u32 $0x10, s31;
	v0 =	vmov v1;
	v1 =	vmov v4;
	s0 =	smov.u32 s9;
	s9 =	sor.u32 s4, s1;
	v13 =	vld.idx.msk [tilespmem:v2+s21+$0x0], $0xffff  }
0x1fe: {  	v4 =	vmov v5;
	s23 =	sor.u32 s15, s9;
	[tilespmem:s5+$0x0] =	vst v9;
	s24 =	sor.u32 s31, s9;
	s9 =	sadd.s32 s6, s8;
	v14 =	vld.idx.msk [tilespmem:v6+s16+$0x0], $0xffff  }
0x1ff: {  	v15 =	vmov v7;
	s25 =	rddreg [dreg:$0x12];
	s30 =	sadd.s32 s0, s8;
	v7 =	vld [tilespmem:s23+$0x1400];
	[tilespmem:s9+$0x0] =	vst v12  }
0x200: {  	s2 =	rddreg [dreg:$0x17];
	s5 =	sadd.s32 s13, s25;
	[tilespmem:s30+$0x0] =	vst v11;
	v5 =	vld [tilespmem:s24+$0x1400]  }
0x201: {  	s2 =	sadd.s32 s3, s2;
	s25 =	sadd.s32 s14, s5;
	v9 =	vld.idx.msk [tilespmem:v3+s19+$0x0], $0xffff;
	[tilespmem:s29+$0x0] =	vst v10  }
0x202: {  	s9 =	smov.u32 s28;
	s28 =	smov.u32 s15;
	s15 =	sadd.s32 s10, s2;
	v11 =	vld.idx.msk [tilespmem:v1+s19+$0x0], $0xffff;
	[tilespmem:s25+$0x0] =	vst v16  }
0x203: {  	s8 =	rddreg [dreg:$0x15];
	s5 =	sadd.s32 s9, s5;
	[tilespmem:s15+$0x0] =	vst v13;
	v17 =	vld.idx.msk [tilespmem:v4+s17+$0x0], $0xffff  }
0x204: {  	p0 =	slt.u32 s11, $0x1E0;
	[tilespmem:s5+$0x0] =	vst v14;
	s5 =	sadd.s32 s7, s8;
	s8 =	rddreg [dreg:$0x18];
	v18 =	vld.idx.msk [tilespmem:v0+s21+$0x0], $0xffff  }
0x205: {  	s15 =	rddreg [dreg:$0x13];
	v12 =	vld.idx.msk [tilespmem:v2+s22+$0x0], $0xffff;
	s25 =	sadd.s32 s6, s5;
	s5 =	sadd.s32 s0, s5  }
0x206: {  	v63 =	vld.idx.msk [tilespmem:v6+s17+$0x0], $0xffff;
	[tilespmem:s5+$0x0] =	vst v9;
	s5 =	sadd.s32 s3, s8;
	s3 =	smov.u32 s7;
	s7 =	smov.u32 s13  }
0x207: {  	s30 =	simm.s32 $0x0;
	s2 =	sadd.s32 s26, s2;
	v2 =	vmov v3;
	v3 =	vmov v6;
	v10 =	vld.idx.msk [tilespmem:v8+s20+$0x0], $0xffff;
	s8 =	sadd.s32 s7, s15;
	[tilespmem:s25+$0x0] =	vst v11  }
.Ltmp4:
0x208: {  	s13 =	rddreg [dreg:$0x16];
	s15 =	sadd.s32 s14, s8;
	v14 =	vld.idx.msk [tilespmem:v5+s30+$0x0], $0xffff;
	(pc) =	sbr.rel @p0 .LBB2_12-.Ltmp4, $4  }
0x209: {  	s29 =	sadd.s32 s26, s5;
	s26 =	smov.u32 s6;
	s25 =	sadd.s32 s10, s5;
	v9 =	vld.idx.msk [tilespmem:v1+s20+$0x0], $0xffff;
	[tilespmem:s15+$0x0] =	vst v17  }
0x20a: {  	v13 =	vld.idx.msk [tilespmem:v7+s30+$0x0], $0xffff;
	s6 =	smov.u32 s14;
	s8 =	sadd.s32 s9, s8;
	s14 =	smov.u32 s31;
	[tilespmem:s25+$0x0] =	vst v12  }
0x20b: {  	s31 =	sadd.s32 s3, s13;
	s13 =	smov.u32 s1;
	s10 =	smov.u32 s0;
	[tilespmem:s8+$0x0] =	vst v63;
	v12 =	vld.idx.msk [tilespmem:v4+s18+$0x0], $0xffff  }
0x20c: {  	v6 =	vmov v7;
	v8 =	vmov v15;
	s5 =	sadd.s32 s26, s31;
	s0 =	sadd.s32 s10, s31;
	s8 =	rddreg [dreg:$0x14];
	[tilespmem:s2+$0x0] =	vst v18;
	v11 =	vld.idx.msk [tilespmem:v3+s18+$0x0], $0xffff  }
0x20d: {  	_ =	sdelay $0x2  }
0x20e: {  	[tilespmem:s24+$0x2400] =	vst v14  }
0x20f: {  	v14 =	vld.idx.msk [tilespmem:v5+s16+$0x0], $0xffff  }
0x210: {  	[tilespmem:s23+$0x2400] =	vst v13  }
0x211: {  	v13 =	vld.idx.msk [tilespmem:v6+s16+$0x0], $0xffff;
	s1 =	rddreg [dreg:$0x12]  }
0x212: {  	s1 =	sadd.s32 s13, s1  }
0x213: {  	s2 =	sadd.s32 s28, s1;
	s1 =	sadd.s32 s14, s1  }
0x214: {  	[tilespmem:s1+$0x0] =	vst v14  }
0x215: {  	v14 =	vld.idx.msk [tilespmem:v5+s17+$0x0], $0xffff  }
0x216: {  	[tilespmem:s2+$0x0] =	vst v13  }
0x217: {  	s31 =	sadd.s32 s7, s8;
	v13 =	vld.idx.msk [tilespmem:v6+s17+$0x0], $0xffff;
	s1 =	rddreg [dreg:$0x13]  }
0x218: {  	s4 =	sadd.s32 s9, s31;
	s1 =	sadd.s32 s13, s1  }
0x219: {  	[tilespmem:s4+$0x0] =	vst v11;
	s25 =	sadd.s32 s28, s1;
	s1 =	sadd.s32 s14, s1  }
0x21a: {  	v11 =	vld.idx.msk [tilespmem:v3+s19+$0x0], $0xffff;
	[tilespmem:s1+$0x0] =	vst v14;
	s1 =	sadd.s32 s6, s31  }
0x21b: {  	v14 =	vld.idx.msk [tilespmem:v5+s18+$0x0], $0xffff;
	[tilespmem:s1+$0x0] =	vst v12  }
0x21c: {  	[tilespmem:s25+$0x0] =	vst v13;
	s11 =	rddreg [dreg:$0x15];
	v12 =	vld.idx.msk [tilespmem:v4+s19+$0x0], $0xffff  }
0x21d: {  	v13 =	vld.idx.msk [tilespmem:v6+s18+$0x0], $0xffff;
	s2 =	rddreg [dreg:$0x14];
	s15 =	sadd.s32 s7, s11  }
0x21e: {  	[tilespmem:s0+$0x0] =	vst v10;
	s8 =	sadd.s32 s13, s2;
	s17 =	sadd.s32 s9, s15  }
0x21f: {  	v10 =	vld.idx.msk [tilespmem:v2+s21+$0x0], $0xffff;
	s1 =	sadd.s32 s14, s8;
	[tilespmem:s17+$0x0] =	vst v11  }
0x220: {  	[tilespmem:s1+$0x0] =	vst v14;
	s1 =	sadd.s32 s6, s15;
	v8 =	vld.idx.msk [tilespmem:v8+s20+$0x0], $0xffff  }
0x221: {  	s12 =	sadd.s32 s28, s8;
	v14 =	vld.idx.msk [tilespmem:v5+s19+$0x0], $0xffff;
	[tilespmem:s1+$0x0] =	vst v12  }
0x222: {  	s25 =	rddreg [dreg:$0x17];
	[tilespmem:s12+$0x0] =	vst v13;
	v54 =	vld.idx.msk [tilespmem:v4+s20+$0x0], $0xffff  }
0x223: {  	s2 =	sadd.s32 s3, s25;
	v13 =	vld.idx.msk [tilespmem:v6+s19+$0x0], $0xffff;
	s19 =	rddreg [dreg:$0x16]  }
0x224: {  	[tilespmem:s5+$0x0] =	vst v9;
	s11 =	sadd.s32 s10, s2;
	s24 =	sadd.s32 s7, s19  }
0x225: {  	v0 =	vld.idx.msk [tilespmem:v0+s22+$0x0], $0xffff;
	[tilespmem:s11+$0x0] =	vst v10;
	s16 =	rddreg [dreg:$0x15];
	s31 =	sadd.s32 s9, s24  }
0x226: {  	v57 =	vld.idx.msk [tilespmem:v1+s21+$0x0], $0xffff;
	s18 =	sadd.s32 s13, s16;
	s0 =	sadd.s32 s6, s24;
	[tilespmem:s31+$0x0] =	vst v8  }
0x227: {  	s23 =	sadd.s32 s28, s18;
	s4 =	rddreg [dreg:$0x17];
	v56 =	vld.idx.msk [tilespmem:v3+s21+$0x0], $0xffff;
	[tilespmem:s0+$0x0] =	vst v54  }
0x228: {  	s1 =	sadd.s32 s14, s18;
	[tilespmem:s23+$0x0] =	vst v13;
	v11 =	vld.idx.msk [tilespmem:v4+s21+$0x0], $0xffff  }
0x229: {  	[tilespmem:s1+$0x0] =	vst v14;
	v7 =	vld.idx.msk [tilespmem:v7+s20+$0x0], $0xffff  }
0x22a: {  	s17 =	sadd.s32 s26, s2;
	s18 =	rddreg [dreg:$0x18];
	v55 =	vld.idx.msk [tilespmem:v5+s20+$0x0], $0xffff;
	s12 =	sadd.s32 s7, s4  }
0x22b: {  	v58 =	vld.idx.msk [tilespmem:v2+s22+$0x0], $0xffff;
	[tilespmem:s17+$0x0] =	vst v57;
	s1 =	rddreg [dreg:$0x16];
	s16 =	sadd.s32 s9, s12  }
0x22c: {  	v59 =	vld.idx.msk [tilespmem:v1+s22+$0x0], $0xffff;
	s0 =	sadd.s32 s6, s12;
	s1 =	sadd.s32 s13, s1;
	[tilespmem:s16+$0x0] =	vst v56  }
0x22d: {  	s8 =	sadd.s32 s28, s1;
	s19 =	rddreg [dreg:$0x18];
	[tilespmem:s0+$0x0] =	vst v11;
	v60 =	vld.idx.msk [tilespmem:v3+s22+$0x0], $0xffff  }
0x22e: {  	s1 =	sadd.s32 s14, s1;
	[tilespmem:s8+$0x0] =	vst v7;
	v61 =	vld.idx.msk [tilespmem:v4+s22+$0x0], $0xffff  }
0x22f: {  	s15 =	rddreg [dreg:$0x17];
	v7 =	vld.idx.msk [tilespmem:v6+s21+$0x0], $0xffff;
	[tilespmem:s1+$0x0] =	vst v55  }
0x230: {  	v8 =	vld.idx.msk [tilespmem:v5+s21+$0x0], $0xffff;
	s21 =	sadd.s32 s3, s18  }
0x231: {  	[tilespmem:s29+$0x0] =	vst v0;
	s25 =	sadd.s32 s10, s21  }
0x232: {  	s1 =	sadd.s32 s7, s19;
	s0 =	sadd.s32 s26, s21;
	[tilespmem:s25+$0x0] =	vst v58  }
0x233: {  	s26 =	sadd.s32 s9, s1;
	[tilespmem:s0+$0x0] =	vst v59  }
0x234: {  	s4 =	sadd.s32 s13, s15;
	s1 =	sadd.s32 s6, s1;
	[tilespmem:s26+$0x0] =	vst v60  }
0x235: {  	s20 =	sadd.s32 s28, s4;
	[tilespmem:s1+$0x0] =	vst v61  }
0x236: {  	s23 =	sadd.s32 s14, s4;
	[tilespmem:s20+$0x0] =	vst v7  }
0x237: {  	s24 =	rddreg [dreg:$0x18];
	[tilespmem:s23+$0x0] =	vst v8  }
0x238: {  	s2 =	sld [smem:$0x7E0];
	_ =	sdelay $0x2  }
0x239: {  	v62 =	vld.idx.msk [tilespmem:v6+s22+$0x0], $0xffff;
	s2 =	sadd.s32 $0x1, s2  }
0x23a: {  	v63 =	vld.idx.msk [tilespmem:v5+s22+$0x0], $0xffff;
	p0 =	sne.s32 s2, $0x8  }
.Ltmp5:
0x23b: {  	_ = 	snop;
	(pc) =	sbr.rel @p0 .LBB2_11-.Ltmp5, $4  }
0x23c: {  	s29 =	sadd.s32 s13, s24  }
0x23d: {  	s11 =	simm.s32 $0xC0;
	s31 =	sadd.s32 s28, s29  }
0x23e: {  	s12 =	simm.s32 $0x80;
	s16 =	simm.s32 $0x180;
	s0 =	sadd.s32 s14, s29;
	[tilespmem:s31+$0x0] =	vst v62  }
0x23f: {  	s15 =	simm.s32 $0x40;
	s13 =	simm.s32 $0x100;
	s14 =	simm.s32 $0x140;
	[tilespmem:s0+$0x0] =	vst v63  }
0x240: {  	s0 =	sld [smem:$0x7EB]  }
0x241: {  	s1 =	sld [smem:$0x7E5];
	_ =	sdelay $0x2  }
0x242: {  	s15 =	rddreg [dreg:$0x2];
	s0 =	sor.u32 s0, s1  }
0x243: {  	s4 =	simm.s32 $0x0;
	s2 =	simm.s32 $0x2400;
	s3 =	sshrl.u32 s0, $0x3  }
0x244: {  	s17 =	simm.s32 $0x3400;
	s0 =	sadd.s32 s15, s3;
	s16 =	sor.u32 $0x8000, s3  }
0x245: {  	[hbm4b:s0+s4] =	stream.linear.scatter [tilespmem:s2], [sflag:$0x3], $0x1000, $0x38;
	[tilespmem:$0x12400] =	vst v63  }
0x246: {  	s19 =	simm.s32 $0x4400;
	s18 =	sor.u32 $0x10000, s3;
	s0 =	sadd.s32 s15, s16  }
0x247: {  	[hbm4b:s0+s4] =	stream.linear.scatter [tilespmem:s17], [sflag:$0x3], $0x1000, $0x38;
	[tilespmem:$0x12400] =	vst v63  }
0x248: {  	s21 =	simm.s32 $0x5400;
	s20 =	sor.u32 $0x18000, s3;
	s0 =	sadd.s32 s15, s18  }
0x249: {  	[hbm4b:s0+s4] =	stream.linear.scatter [tilespmem:s19], [sflag:$0x3], $0x1000, $0x38;
	[tilespmem:$0x12400] =	vst v63  }
0x24a: {  	s23 =	simm.s32 $0x6400;
	s22 =	sor.u32 $0x20000, s3;
	s0 =	sadd.s32 s15, s20  }
0x24b: {  	[hbm4b:s0+s4] =	stream.linear.scatter [tilespmem:s21], [sflag:$0x3], $0x1000, $0x38;
	[tilespmem:$0x12400] =	vst v63  }
0x24c: {  	s25 =	simm.s32 $0x7400;
	s24 =	sor.u32 $0x28000, s3;
	s0 =	sadd.s32 s15, s22  }
0x24d: {  	[hbm4b:s0+s4] =	stream.linear.scatter [tilespmem:s23], [sflag:$0x3], $0x1000, $0x38;
	[tilespmem:$0x12400] =	vst v63  }
0x24e: {  	s28 =	simm.s32 $0x8400;
	s26 =	sor.u32 $0x30000, s3;
	s0 =	sadd.s32 s15, s24  }
0x24f: {  	[hbm4b:s0+s4] =	stream.linear.scatter [tilespmem:s25], [sflag:$0x3], $0x1000, $0x38;
	[tilespmem:$0x12400] =	vst v63  }
0x250: {  	s30 =	simm.s32 $0x9400;
	s29 =	sor.u32 $0x38000, s3;
	s0 =	sadd.s32 s15, s26  }
0x251: {  	[hbm4b:s0+s4] =	stream.linear.scatter [tilespmem:s28], [sflag:$0x3], $0x1000, $0x38;
	[tilespmem:$0x12400] =	vst v63  }
0x252: {  	s31 =	simm.s32 $0x4;
	[smem:$0x7DF] =	sst s3;
	s0 =	sadd.s32 s15, s29  }
0x253: {  	[hbm4b:s0+s4] =	stream.linear.scatter [tilespmem:s30], [sflag:$0x3], $0x1000, $0x38;
	[tilespmem:$0x12400] =	vst v63  }
0x254: {  	_ =	swait.ge [sflag:s31], $0x1000  }
0x255: {  	[sflag:s31] =	ssyncset.done $0x0  }
0x256: {  	[sflag:s31] =	ssyncadd.s32 $0xFFFFF000  }
0x257: {  	_ =	swait.ge [sflag:s31], $0x1000  }
0x258: {  	[sflag:s31] =	ssyncset.done $0x0  }
0x259: {  	[sflag:s31] =	ssyncadd.s32 $0xFFFFF000  }
0x25a: {  	_ =	swait.ge [sflag:s31], $0x1000  }
0x25b: {  	[sflag:s31] =	ssyncset.done $0x0  }
0x25c: {  	[sflag:s31] =	ssyncadd.s32 $0xFFFFF000  }
0x25d: {  	_ =	swait.ge [sflag:s31], $0x1000  }
0x25e: {  	[sflag:s31] =	ssyncset.done $0x0  }
0x25f: {  	[sflag:s31] =	ssyncadd.s32 $0xFFFFF000  }
0x260: {  	_ =	swait.ge [sflag:s31], $0x1000  }
0x261: {  	[sflag:s31] =	ssyncset.done $0x0  }
0x262: {  	[sflag:s31] =	ssyncadd.s32 $0xFFFFF000  }
0x263: {  	_ =	swait.ge [sflag:s31], $0x1000  }
0x264: {  	[sflag:s31] =	ssyncset.done $0x0  }
0x265: {  	[sflag:s31] =	ssyncadd.s32 $0xFFFFF000  }
0x266: {  	_ =	swait.ge [sflag:s31], $0x1000  }
0x267: {  	[sflag:s31] =	ssyncset.done $0x0  }
0x268: {  	s2 =	simm.s32 $0x0;
	s16 =	simm.s32 $0x300;
	[sflag:s31] =	ssyncadd.s32 $0xFFFFF000  }
0x269: {  	s17 =	simm.s32 $0x280;
	s18 =	simm.s32 $0x340;
	_ =	swait.ge [sflag:s31], $0x1000  }
0x26a: {  	s20 =	simm.s32 $0x240;
	s19 =	simm.s32 $0x2C0;
	[sflag:s31] =	ssyncset.done $0x0  }
0x26b: {  	s21 =	simm.s32 $0x380;
	s25 =	simm.s32 $0x3C0;
	[sflag:s31] =	ssyncadd.s32 $0xFFFFF000  }
.LBB2_15:
0x26c: {  	s4 =	sshll.u32 s2, $0x7  }
0x26d: {  	[smem:$0x7DE] =	sst s2;
	s0 =	sadd.s32 $0xB400, s4  }
0x26e: {  	s1 =	simm.s32 $0x0;
	s23 =	sadd.s32 $0xC400, s4;
	[dreg:$0x19] =	wrdreg s0  }
0x26f: {  	s2 =	simm.s32 $0x0;
	s24 =	sadd.s32 $0xD400, s4;
	[dreg:$0x1a] =	wrdreg s23  }
0x270: {  	s26 =	sadd.s32 $0xE400, s4;
	s30 =	sadd.s32 $0xF400, s4;
	[dreg:$0x1b] =	wrdreg s24  }
0x271: {  	s31 =	sadd.s32 $0x10400, s4;
	s14 =	sand.u32 $0x60, s1;
	[dreg:$0x1c] =	wrdreg s26  }
0x272: {  	s3 =	sadd.s32 $0x11400, s4;
	[dreg:$0x1e] =	wrdreg s31;
	s31 =	sand.u32 $0xC00, s2  }
0x273: {  	[dreg:$0x1d] =	wrdreg s30;
	s30 =	sor.u32 $0x10, s14;
	s5 =	sor.u32 s4, s31  }
0x274: {  	[dreg:$0x1f] =	wrdreg s3;
	s6 =	sor.u32 s30, s5  }
0x275: {  	s1 =	sor.u32 s14, s5;
	v6 =	vld [tilespmem:s6+$0x1400]  }
0x276: {  	v0 =	vld [tilespmem:s1+$0x1400];
	_ =	sdelay $0x5  }
0x277: {  	s22 =	simm.s32 $0x200  }
0x278: {  	v1 =	vld.idx.msk [tilespmem:v6+s22+$0x0], $0xffff  }
0x279: {  	v2 =	vld.idx.msk [tilespmem:v0+s22+$0x0], $0xffff  }
0x27a: {  	s7 =	simm.s32 $0x20;
	s8 =	simm.s32 $0x100  }
0x27b: {  	s26 =	sand.u32 $0x60, s7;
	s3 =	sand.u32 $0xC00, s8  }
0x27c: {  	s11 =	sor.u32 s4, s3;
	s10 =	sor.u32 $0x10, s26  }
0x27d: {  	s12 =	sor.u32 s10, s11;
	[tilespmem:s6+$0xA400] =	vst v1  }
0x27e: {  	[tilespmem:s1+$0xA400] =	vst v2;
	v2 =	vld [tilespmem:s12+$0x1400]  }
0x27f: {  	v3 =	vld.idx.msk [tilespmem:v6+s20+$0x0], $0xffff  }
0x280: {  	s1 =	sor.u32 s26, s11;
	v4 =	vld.idx.msk [tilespmem:v0+s20+$0x0], $0xffff  }
0x281: {  	v1 =	vld [tilespmem:s1+$0x1400]  }
0x282: {  	s9 =	rddreg [dreg:$0x19]  }
0x283: {  	s0 =	sadd.s32 s31, s9  }
0x284: {  	s5 =	sadd.s32 s30, s0  }
0x285: {  	s0 =	sadd.s32 s14, s0;
	[tilespmem:s5+$0x0] =	vst v3  }
0x286: {  	[tilespmem:s0+$0x0] =	vst v4;
	v3 =	vld.idx.msk [tilespmem:v6+s17+$0x0], $0xffff  }
0x287: {  	v4 =	vld.idx.msk [tilespmem:v0+s17+$0x0], $0xffff  }
0x288: {  	s0 =	rddreg [dreg:$0x1a];
	v5 =	vld.idx.msk [tilespmem:v2+s22+$0x0], $0xffff  }
0x289: {  	s0 =	sadd.s32 s31, s0;
	v7 =	vld.idx.msk [tilespmem:v1+s22+$0x0], $0xffff  }
0x28a: {  	s13 =	sadd.s32 s30, s0  }
0x28b: {  	s0 =	sadd.s32 s14, s0;
	[tilespmem:s13+$0x0] =	vst v3  }
0x28c: {  	s15 =	simm.s32 $0x40;
	s7 =	simm.s32 $0x200;
	[tilespmem:s0+$0x0] =	vst v4;
	v4 =	vld.idx.msk [tilespmem:v6+s19+$0x0], $0xffff  }
0x28d: {  	s7 =	sand.u32 $0xC00, s7;
	s6 =	sand.u32 $0x60, s15;
	v8 =	vld.idx.msk [tilespmem:v0+s19+$0x0], $0xffff;
	[tilespmem:s12+$0xA400] =	vst v5  }
0x28e: {  	s23 =	sor.u32 s4, s7;
	s9 =	sor.u32 $0x10, s6;
	s0 =	rddreg [dreg:$0x1b];
	[tilespmem:s1+$0xA400] =	vst v7;
	v5 =	vld.idx.msk [tilespmem:v2+s20+$0x0], $0xffff  }
0x28f: {  	s0 =	sadd.s32 s31, s0;
	s1 =	sor.u32 s9, s23;
	v7 =	vld.idx.msk [tilespmem:v1+s20+$0x0], $0xffff  }
0x290: {  	s2 =	sor.u32 s6, s23;
	s8 =	sadd.s32 s30, s0;
	v3 =	vld [tilespmem:s1+$0x1400]  }
0x291: {  	s24 =	rddreg [dreg:$0x19];
	s0 =	sadd.s32 s14, s0;
	[tilespmem:s8+$0x0] =	vst v4;
	v4 =	vld [tilespmem:s2+$0x1400]  }
0x292: {  	s11 =	sadd.s32 s3, s24;
	[tilespmem:s0+$0x0] =	vst v8;
	v8 =	vld.idx.msk [tilespmem:v6+s16+$0x0], $0xffff  }
0x293: {  	s13 =	sadd.s32 s10, s11;
	v9 =	vld.idx.msk [tilespmem:v0+s16+$0x0], $0xffff  }
0x294: {  	s12 =	rddreg [dreg:$0x1c];
	[tilespmem:s13+$0x0] =	vst v5  }
0x295: {  	s0 =	sadd.s32 s26, s11;
	s15 =	sadd.s32 s31, s12;
	v5 =	vld.idx.msk [tilespmem:v2+s17+$0x0], $0xffff  }
0x296: {  	[tilespmem:s0+$0x0] =	vst v7;
	s24 =	sadd.s32 s30, s15  }
0x297: {  	s23 =	rddreg [dreg:$0x1a];
	v7 =	vld.idx.msk [tilespmem:v1+s17+$0x0], $0xffff;
	s0 =	sadd.s32 s14, s15;
	[tilespmem:s24+$0x0] =	vst v8  }
0x298: {  	s11 =	sadd.s32 s3, s23;
	[tilespmem:s0+$0x0] =	vst v9;
	v9 =	vld.idx.msk [tilespmem:v3+s22+$0x0], $0xffff  }
0x299: {  	s13 =	sadd.s32 s10, s11;
	v8 =	vld.idx.msk [tilespmem:v6+s18+$0x0], $0xffff  }
0x29a: {  	[tilespmem:s13+$0x0] =	vst v5;
	v5 =	vld.idx.msk [tilespmem:v0+s18+$0x0], $0xffff  }
0x29b: {  	s0 =	sadd.s32 s26, s11;
	s12 =	rddreg [dreg:$0x1d];
	v10 =	vld.idx.msk [tilespmem:v4+s22+$0x0], $0xffff  }
0x29c: {  	s11 =	simm.s32 $0x60;
	[tilespmem:s0+$0x0] =	vst v7;
	s0 =	sadd.s32 s31, s12;
	v11 =	vld.idx.msk [tilespmem:v2+s19+$0x0], $0xffff;
	s12 =	simm.s32 $0x300  }
0x29d: {  	s28 =	sand.u32 $0x60, s11;
	s23 =	sadd.s32 s30, s0;
	v12 =	vld.idx.msk [tilespmem:v1+s19+$0x0], $0xffff;
	s13 =	sand.u32 $0xC00, s12;
	[tilespmem:s1+$0xA400] =	vst v9  }
0x29e: {  	s29 =	sor.u32 $0x10, s28;
	s15 =	rddreg [dreg:$0x1b];
	s8 =	sor.u32 s4, s13;
	[tilespmem:s23+$0x0] =	vst v8;
	v9 =	vld.idx.msk [tilespmem:v3+s20+$0x0], $0xffff  }
0x29f: {  	s24 =	sadd.s32 s3, s15;
	s23 =	sor.u32 s29, s8;
	v8 =	vld.idx.msk [tilespmem:v6+s21+$0x0], $0xffff  }
0x2a0: {  	s15 =	sadd.s32 s10, s24;
	[tilespmem:s2+$0xA400] =	vst v10;
	v7 =	vld [tilespmem:s23+$0x1400]  }
0x2a1: {  	s0 =	sadd.s32 s14, s0;
	[tilespmem:s15+$0x0] =	vst v11;
	v10 =	vld.idx.msk [tilespmem:v4+s20+$0x0], $0xffff  }
0x2a2: {  	s2 =	sadd.s32 s26, s24;
	s24 =	sor.u32 s28, s8;
	s5 =	rddreg [dreg:$0x19];
	v11 =	vld.idx.msk [tilespmem:v2+s16+$0x0], $0xffff  }
0x2a3: {  	s1 =	rddreg [dreg:$0x1e];
	[tilespmem:s0+$0x0] =	vst v5;
	v5 =	vld [tilespmem:s24+$0x1400];
	s0 =	sadd.s32 s7, s5  }
0x2a4: {  	[tilespmem:s2+$0x0] =	vst v12;
	s1 =	sadd.s32 s31, s1;
	v16 =	vld.idx.msk [tilespmem:v0+s21+$0x0], $0xffff;
	s15 =	sadd.s32 s9, s0  }
0x2a5: {  	s8 =	sadd.s32 s30, s1;
	v12 =	vld.idx.msk [tilespmem:v1+s16+$0x0], $0xffff;
	[tilespmem:s15+$0x0] =	vst v9  }
0x2a6: {  	s2 =	rddreg [dreg:$0x1c];
	s0 =	sadd.s32 s6, s0;
	[tilespmem:s8+$0x0] =	vst v8;
	v8 =	vld.idx.msk [tilespmem:v3+s17+$0x0], $0xffff  }
0x2a7: {  	v6 =	vld.idx.msk [tilespmem:v6+s25+$0x0], $0xffff;
	[tilespmem:s0+$0x0] =	vst v10;
	s0 =	sadd.s32 s3, s2  }
0x2a8: {  	s2 =	rddreg [dreg:$0x1f];
	v15 =	vld.idx.msk [tilespmem:v4+s17+$0x0], $0xffff;
	s15 =	sadd.s32 s10, s0  }
0x2a9: {  	s1 =	sadd.s32 s14, s1;
	s5 =	rddreg [dreg:$0x1a];
	[tilespmem:s15+$0x0] =	vst v11;
	v13 =	vld.idx.msk [tilespmem:v7+s22+$0x0], $0xffff  }
0x2aa: {  	[tilespmem:s1+$0x0] =	vst v16;
	s0 =	sadd.s32 s26, s0;
	s2 =	sadd.s32 s31, s2;
	s5 =	sadd.s32 s7, s5;
	v10 =	vld.idx.msk [tilespmem:v2+s18+$0x0], $0xffff  }
0x2ab: {  	[tilespmem:s0+$0x0] =	vst v12;
	s15 =	sadd.s32 s30, s2;
	v14 =	vld.idx.msk [tilespmem:v5+s22+$0x0], $0xffff;
	s30 =	sadd.s32 s9, s5  }
0x2ac: {  	s31 =	rddreg [dreg:$0x1d];
	s0 =	sadd.s32 s6, s5;
	v9 =	vld.idx.msk [tilespmem:v1+s18+$0x0], $0xffff;
	[tilespmem:s30+$0x0] =	vst v8  }
0x2ad: {  	s14 =	sadd.s32 s14, s2;
	s31 =	sadd.s32 s3, s31;
	v11 =	vld.idx.msk [tilespmem:v3+s19+$0x0], $0xffff;
	[tilespmem:s0+$0x0] =	vst v15  }
0x2ae: {  	v8 =	vmov v3;
	[tilespmem:s15+$0x0] =	vst v6;
	s5 =	sadd.s32 s26, s31;
	v6 =	vmov v7;
	s0 =	sadd.s32 s10, s31;
	v12 =	vld.idx.msk [tilespmem:v4+s19+$0x0], $0xffff;
	s8 =	rddreg [dreg:$0x1b]  }
.LBB2_16:
0x2af: {  	[tilespmem:s0+$0x0] =	vst v10  }
0x2b0: {  	s11 =	sadd.s32 $0x20, s11;
	s12 =	sadd.s32 $0x100, s12;
	v10 =	vld.idx.msk [tilespmem:v0+s25+$0x0], $0xffff;
	[tilespmem:s24+$0xA400] =	vst v14  }
0x2b1: {  	s8 =	sadd.s32 s7, s8;
	s31 =	sand.u32 $0x60, s11;
	s1 =	sand.u32 $0xC00, s12;
	[tilespmem:s23+$0xA400] =	vst v13;
	v16 =	vld.idx.msk [tilespmem:v5+s20+$0x0], $0xffff  }
0x2b2: {  	s15 =	sor.u32 $0x10, s31;
	v0 =	vmov v1;
	v1 =	vmov v4;
	s0 =	smov.u32 s9;
	s9 =	sor.u32 s4, s1;
	v13 =	vld.idx.msk [tilespmem:v2+s21+$0x0], $0xffff  }
0x2b3: {  	v4 =	vmov v5;
	s23 =	sor.u32 s15, s9;
	[tilespmem:s5+$0x0] =	vst v9;
	s24 =	sor.u32 s31, s9;
	s9 =	sadd.s32 s6, s8;
	v14 =	vld.idx.msk [tilespmem:v6+s20+$0x0], $0xffff  }
0x2b4: {  	v15 =	vmov v7;
	s25 =	rddreg [dreg:$0x19];
	s30 =	sadd.s32 s0, s8;
	v7 =	vld [tilespmem:s23+$0x1400];
	[tilespmem:s9+$0x0] =	vst v12  }
0x2b5: {  	s2 =	rddreg [dreg:$0x1e];
	s5 =	sadd.s32 s13, s25;
	[tilespmem:s30+$0x0] =	vst v11;
	v5 =	vld [tilespmem:s24+$0x1400]  }
0x2b6: {  	s2 =	sadd.s32 s3, s2;
	s30 =	sadd.s32 s28, s5;
	v9 =	vld.idx.msk [tilespmem:v3+s16+$0x0], $0xffff;
	[tilespmem:s14+$0x0] =	vst v10  }
0x2b7: {  	s9 =	smov.u32 s29;
	s29 =	smov.u32 s15;
	s15 =	sadd.s32 s10, s2;
	v11 =	vld.idx.msk [tilespmem:v1+s16+$0x0], $0xffff;
	[tilespmem:s30+$0x0] =	vst v16  }
0x2b8: {  	s8 =	rddreg [dreg:$0x1c];
	s5 =	sadd.s32 s9, s5;
	[tilespmem:s15+$0x0] =	vst v13;
	v17 =	vld.idx.msk [tilespmem:v4+s17+$0x0], $0xffff  }
0x2b9: {  	s25 =	simm.s32 $0x3C0;
	s8 =	sadd.s32 s7, s8;
	s14 =	rddreg [dreg:$0x1f];
	[tilespmem:s5+$0x0] =	vst v14;
	v18 =	vld.idx.msk [tilespmem:v0+s21+$0x0], $0xffff  }
0x2ba: {  	s30 =	sadd.s32 s6, s8;
	s15 =	rddreg [dreg:$0x1a];
	s5 =	sadd.s32 s0, s8;
	v12 =	vld.idx.msk [tilespmem:v2+s25+$0x0], $0xffff  }
0x2bb: {  	v63 =	vld.idx.msk [tilespmem:v6+s17+$0x0], $0xffff;
	[tilespmem:s5+$0x0] =	vst v9;
	s5 =	sadd.s32 s3, s14;
	s3 =	smov.u32 s7;
	s7 =	smov.u32 s13  }
0x2bc: {  	p0 =	slt.u32 s11, $0x1E0;
	s2 =	sadd.s32 s26, s2;
	v2 =	vmov v3;
	v3 =	vmov v6;
	v10 =	vld.idx.msk [tilespmem:v8+s18+$0x0], $0xffff;
	s14 =	sadd.s32 s7, s15;
	[tilespmem:s30+$0x0] =	vst v11  }
.Ltmp6:
0x2bd: {  	s13 =	rddreg [dreg:$0x1d];
	s30 =	sadd.s32 s28, s14;
	v14 =	vld.idx.msk [tilespmem:v5+s22+$0x0], $0xffff;
	(pc) =	sbr.rel @p0 .LBB2_16-.Ltmp6, $4  }
0x2be: {  	s15 =	sadd.s32 s10, s5;
	s10 =	smov.u32 s0;
	s8 =	sadd.s32 s9, s14;
	v9 =	vld.idx.msk [tilespmem:v1+s18+$0x0], $0xffff;
	[tilespmem:s30+$0x0] =	vst v17  }
0x2bf: {  	v13 =	vld.idx.msk [tilespmem:v7+s22+$0x0], $0xffff;
	s14 =	sadd.s32 s26, s5;
	s26 =	smov.u32 s6;
	s6 =	smov.u32 s28;
	[tilespmem:s15+$0x0] =	vst v12  }
0x2c0: {  	s28 =	smov.u32 s31;
	s31 =	sadd.s32 s3, s13;
	s13 =	smov.u32 s1;
	[tilespmem:s8+$0x0] =	vst v63;
	v12 =	vld.idx.msk [tilespmem:v4+s19+$0x0], $0xffff  }
0x2c1: {  	v6 =	vmov v7;
	v8 =	vmov v15;
	s5 =	sadd.s32 s26, s31;
	s0 =	sadd.s32 s10, s31;
	s8 =	rddreg [dreg:$0x1b];
	[tilespmem:s2+$0x0] =	vst v18;
	v11 =	vld.idx.msk [tilespmem:v3+s19+$0x0], $0xffff  }
0x2c2: {  	_ =	sdelay $0x2  }
0x2c3: {  	[tilespmem:s23+$0xA400] =	vst v13  }
0x2c4: {  	[tilespmem:s24+$0xA400] =	vst v14;
	v13 =	vld.idx.msk [tilespmem:v6+s20+$0x0], $0xffff  }
0x2c5: {  	v14 =	vld.idx.msk [tilespmem:v5+s20+$0x0], $0xffff  }
0x2c6: {  	s1 =	rddreg [dreg:$0x19]  }
0x2c7: {  	s1 =	sadd.s32 s13, s1  }
0x2c8: {  	s2 =	sadd.s32 s29, s1  }
0x2c9: {  	s1 =	sadd.s32 s28, s1;
	[tilespmem:s2+$0x0] =	vst v13  }
0x2ca: {  	[tilespmem:s1+$0x0] =	vst v14;
	v13 =	vld.idx.msk [tilespmem:v6+s17+$0x0], $0xffff  }
0x2cb: {  	v14 =	vld.idx.msk [tilespmem:v5+s17+$0x0], $0xffff  }
0x2cc: {  	s1 =	rddreg [dreg:$0x1a]  }
0x2cd: {  	s1 =	sadd.s32 s13, s1  }
0x2ce: {  	s4 =	sadd.s32 s29, s1  }
0x2cf: {  	s8 =	sadd.s32 s7, s8;
	s1 =	sadd.s32 s28, s1;
	[tilespmem:s4+$0x0] =	vst v13  }
0x2d0: {  	[tilespmem:s1+$0x0] =	vst v14;
	s4 =	sadd.s32 s9, s8;
	v13 =	vld.idx.msk [tilespmem:v6+s19+$0x0], $0xffff  }
0x2d1: {  	s1 =	sadd.s32 s6, s8;
	v14 =	vld.idx.msk [tilespmem:v5+s19+$0x0], $0xffff;
	[tilespmem:s4+$0x0] =	vst v11  }
0x2d2: {  	[tilespmem:s1+$0x0] =	vst v12;
	s2 =	rddreg [dreg:$0x1b];
	v11 =	vld.idx.msk [tilespmem:v3+s16+$0x0], $0xffff  }
0x2d3: {  	v12 =	vld.idx.msk [tilespmem:v4+s16+$0x0], $0xffff;
	s11 =	sadd.s32 s13, s2  }
0x2d4: {  	[tilespmem:s0+$0x0] =	vst v10;
	v0 =	vld.idx.msk [tilespmem:v0+s25+$0x0], $0xffff;
	s12 =	rddreg [dreg:$0x1c];
	s15 =	sadd.s32 s29, s11  }
0x2d5: {  	s1 =	sadd.s32 s28, s11;
	s22 =	sadd.s32 s7, s12;
	[tilespmem:s15+$0x0] =	vst v13  }
0x2d6: {  	[tilespmem:s1+$0x0] =	vst v14;
	s24 =	sadd.s32 s9, s22;
	v13 =	vld.idx.msk [tilespmem:v6+s16+$0x0], $0xffff  }
0x2d7: {  	s1 =	sadd.s32 s6, s22;
	v14 =	vld.idx.msk [tilespmem:v5+s16+$0x0], $0xffff;
	[tilespmem:s24+$0x0] =	vst v11  }
0x2d8: {  	[tilespmem:s1+$0x0] =	vst v12;
	s23 =	rddreg [dreg:$0x1c];
	v8 =	vld.idx.msk [tilespmem:v8+s18+$0x0], $0xffff  }
0x2d9: {  	[tilespmem:s14+$0x0] =	vst v0;
	s12 =	rddreg [dreg:$0x1e];
	v54 =	vld.idx.msk [tilespmem:v4+s18+$0x0], $0xffff;
	s30 =	sadd.s32 s13, s23  }
0x2da: {  	v10 =	vld.idx.msk [tilespmem:v2+s21+$0x0], $0xffff;
	[tilespmem:s5+$0x0] =	vst v9;
	s31 =	rddreg [dreg:$0x1d];
	s8 =	sadd.s32 s29, s30  }
0x2db: {  	v57 =	vld.idx.msk [tilespmem:v1+s21+$0x0], $0xffff;
	s1 =	sadd.s32 s28, s30;
	s11 =	sadd.s32 s7, s31;
	[tilespmem:s8+$0x0] =	vst v13  }
0x2dc: {  	[tilespmem:s1+$0x0] =	vst v14;
	s15 =	sadd.s32 s9, s11;
	v7 =	vld.idx.msk [tilespmem:v7+s18+$0x0], $0xffff  }
0x2dd: {  	s2 =	sadd.s32 s3, s12;
	s0 =	sadd.s32 s6, s11;
	v55 =	vld.idx.msk [tilespmem:v5+s18+$0x0], $0xffff;
	s1 =	rddreg [dreg:$0x1d];
	[tilespmem:s15+$0x0] =	vst v8  }
0x2de: {  	s23 =	sadd.s32 s10, s2;
	s4 =	rddreg [dreg:$0x1e];
	v56 =	vld.idx.msk [tilespmem:v3+s21+$0x0], $0xffff;
	[tilespmem:s0+$0x0] =	vst v54  }
0x2df: {  	s2 =	sadd.s32 s26, s2;
	[tilespmem:s23+$0x0] =	vst v10;
	s1 =	sadd.s32 s13, s1;
	v11 =	vld.idx.msk [tilespmem:v4+s21+$0x0], $0xffff  }
0x2e0: {  	v58 =	vld.idx.msk [tilespmem:v2+s25+$0x0], $0xffff;
	s8 =	rddreg [dreg:$0x1f];
	[tilespmem:s2+$0x0] =	vst v57;
	s22 =	sadd.s32 s29, s1  }
0x2e1: {  	v59 =	vld.idx.msk [tilespmem:v1+s25+$0x0], $0xffff;
	s24 =	sadd.s32 s7, s4;
	s1 =	sadd.s32 s28, s1;
	[tilespmem:s22+$0x0] =	vst v7  }
0x2e2: {  	s31 =	sadd.s32 s9, s24;
	s30 =	rddreg [dreg:$0x1e];
	v7 =	vld.idx.msk [tilespmem:v6+s21+$0x0], $0xffff;
	[tilespmem:s1+$0x0] =	vst v55  }
0x2e3: {  	s15 =	sadd.s32 s3, s8;
	s0 =	sadd.s32 s6, s24;
	[tilespmem:s31+$0x0] =	vst v56;
	v8 =	vld.idx.msk [tilespmem:v5+s21+$0x0], $0xffff  }
0x2e4: {  	s24 =	sadd.s32 s10, s15;
	s11 =	rddreg [dreg:$0x1f];
	[tilespmem:s0+$0x0] =	vst v11;
	v60 =	vld.idx.msk [tilespmem:v3+s25+$0x0], $0xffff  }
0x2e5: {  	[tilespmem:s24+$0x0] =	vst v58;
	s4 =	sadd.s32 s13, s30;
	s0 =	sadd.s32 s26, s15;
	v61 =	vld.idx.msk [tilespmem:v4+s25+$0x0], $0xffff  }
0x2e6: {  	s12 =	sadd.s32 s29, s4;
	[tilespmem:s0+$0x0] =	vst v59  }
0x2e7: {  	s22 =	sadd.s32 s28, s4;
	s1 =	sadd.s32 s7, s11;
	[tilespmem:s12+$0x0] =	vst v7  }
0x2e8: {  	s26 =	sadd.s32 s9, s1;
	s23 =	rddreg [dreg:$0x1f];
	[tilespmem:s22+$0x0] =	vst v8  }
0x2e9: {  	s1 =	sadd.s32 s6, s1;
	[tilespmem:s26+$0x0] =	vst v60  }
0x2ea: {  	[tilespmem:s1+$0x0] =	vst v61  }
0x2eb: {  	s2 =	sld [smem:$0x7DE];
	_ =	sdelay $0x2  }
0x2ec: {  	v62 =	vld.idx.msk [tilespmem:v6+s25+$0x0], $0xffff;
	s2 =	sadd.s32 $0x1, s2  }
0x2ed: {  	v63 =	vld.idx.msk [tilespmem:v5+s25+$0x0], $0xffff;
	p0 =	sne.s32 s2, $0x8  }
.Ltmp7:
0x2ee: {  	_ = 	snop;
	(pc) =	sbr.rel @p0 .LBB2_15-.Ltmp7, $4  }
0x2ef: {  	s30 =	sadd.s32 s13, s23  }
0x2f0: {  	s31 =	sadd.s32 s29, s30  }
0x2f1: {  	s0 =	sadd.s32 s28, s30;
	[tilespmem:s31+$0x0] =	vst v62  }
0x2f2: {  	[tilespmem:s0+$0x0] =	vst v63  }
0x2f3: {  	s3 =	sld [smem:$0x7DF]  }
0x2f4: {  	s1 =	rddreg [dreg:$0x2];
	s30 =	simm.s32 $0x0  }
0x2f5: {  	s2 =	simm.s32 $0xA400;
	s16 =	simm.s32 $0xB400;
	s18 =	simm.s32 $0xC400  }
0x2f6: {  	s20 =	simm.s32 $0xD400;
	s22 =	simm.s32 $0xE400;
	s24 =	simm.s32 $0xF400  }
0x2f7: {  	s26 =	simm.s32 $0x10400;
	s29 =	simm.s32 $0x11400;
	s0 =	sor.u32 $0x40000, s3  }
0x2f8: {  	s31 =	sld [smem:$0x7E6];
	s15 =	sor.u32 $0x48000, s3;
	s0 =	sadd.s32 s1, s0  }
0x2f9: {  	[hbm4b:s0+s30] =	stream.linear.scatter [tilespmem:s2], [sflag:$0x4], $0x1000, $0x38;
	[tilespmem:$0x12400] =	vst v63  }
0x2fa: {  	s9 =	simm.s32 $0x80;
	s17 =	sor.u32 $0x50000, s3;
	s0 =	sadd.s32 s1, s15  }
0x2fb: {  	[hbm4b:s0+s30] =	stream.linear.scatter [tilespmem:s16], [sflag:$0x4], $0x1000, $0x38;
	[tilespmem:$0x12400] =	vst v63  }
0x2fc: {  	s11 =	simm.s32 $0x100;
	s19 =	sor.u32 $0x58000, s3;
	s0 =	sadd.s32 s1, s17  }
0x2fd: {  	[hbm4b:s0+s30] =	stream.linear.scatter [tilespmem:s18], [sflag:$0x4], $0x1000, $0x38;
	[tilespmem:$0x12400] =	vst v63  }
0x2fe: {  	s21 =	sor.u32 $0x60000, s3;
	s23 =	sor.u32 $0x68000, s3;
	s0 =	sadd.s32 s1, s19  }
0x2ff: {  	[hbm4b:s0+s30] =	stream.linear.scatter [tilespmem:s20], [sflag:$0x4], $0x1000, $0x38;
	[tilespmem:$0x12400] =	vst v63  }
0x300: {  	s25 =	sor.u32 $0x70000, s3;
	s2 =	sadd.s32 $0x1, s31;
	s0 =	sadd.s32 s1, s21  }
0x301: {  	[hbm4b:s0+s30] =	stream.linear.scatter [tilespmem:s22], [sflag:$0x4], $0x1000, $0x38;
	[tilespmem:$0x12400] =	vst v63  }
0x302: {  	s28 =	sor.u32 $0x78000, s3;
	p0 =	sne.s32 s2, $0x10;
	s0 =	sadd.s32 s1, s23  }
0x303: {  	[hbm4b:s0+s30] =	stream.linear.scatter [tilespmem:s24], [sflag:$0x4], $0x1000, $0x38;
	[tilespmem:$0x12400] =	vst v63  }
.Ltmp8:
0x304: {  	s15 =	simm.s32 $0x40;
	s18 =	simm.s32 $0x380;
	(pc) =	sbr.rel @p0 .LBB2_2-.Ltmp8, $4  }
0x305: {  	s21 =	simm.s32 $0x180;
	s20 =	simm.s32 $0x1C0;
	s0 =	sadd.s32 s1, s25  }
0x306: {  	[hbm4b:s0+s30] =	stream.linear.scatter [tilespmem:s26], [sflag:$0x4], $0x1000, $0x38;
	[tilespmem:$0x12400] =	vst v63  }
0x307: {  	s22 =	simm.s32 $0x140;
	s25 =	simm.s32 $0xC0;
	s0 =	sadd.s32 s1, s28  }
0x308: {  	[hbm4b:s0+s30] =	stream.linear.scatter [tilespmem:s29], [sflag:$0x4], $0x1000, $0x38;
	[tilespmem:$0x12400] =	vst v63  }
0x309: {  	s0 =	simm.s32 $0x3  }
0x30a: {  	_ =	swait.ge [sflag:s0], $0x1000  }
0x30b: {  	[sflag:s0] =	ssyncset.done $0x0  }
0x30c: {  	s1 =	simm.s32 $0x4;
	[sflag:s0] =	ssyncadd.s32 $0xFFFFF000  }
0x30d: {  	_ =	swait.ge [sflag:s1], $0x1000  }
0x30e: {  	[sflag:s1] =	ssyncset.done $0x0  }
0x30f: {  	[sflag:s1] =	ssyncadd.s32 $0xFFFFF000  }
0x310: {  	_ =	swait.ge [sflag:s0], $0x1000  }
0x311: {  	[sflag:s0] =	ssyncset.done $0x0  }
0x312: {  	[sflag:s0] =	ssyncadd.s32 $0xFFFFF000  }
0x313: {  	_ =	swait.ge [sflag:s1], $0x1000  }
0x314: {  	[sflag:s1] =	ssyncset.done $0x0  }
0x315: {  	[sflag:s1] =	ssyncadd.s32 $0xFFFFF000  }
0x316: {  	_ =	swait.ge [sflag:s0], $0x1000  }
0x317: {  	[sflag:s0] =	ssyncset.done $0x0  }
0x318: {  	[sflag:s0] =	ssyncadd.s32 $0xFFFFF000  }
0x319: {  	_ =	swait.ge [sflag:s1], $0x1000  }
0x31a: {  	[sflag:s1] =	ssyncset.done $0x0  }
0x31b: {  	[sflag:s1] =	ssyncadd.s32 $0xFFFFF000  }
0x31c: {  	_ =	swait.ge [sflag:s0], $0x1000  }
0x31d: {  	[sflag:s0] =	ssyncset.done $0x0  }
0x31e: {  	[sflag:s0] =	ssyncadd.s32 $0xFFFFF000  }
0x31f: {  	_ =	swait.ge [sflag:s1], $0x1000  }
0x320: {  	[sflag:s1] =	ssyncset.done $0x0  }
0x321: {  	[sflag:s1] =	ssyncadd.s32 $0xFFFFF000  }
0x322: {  	_ =	swait.ge [sflag:s0], $0x1000  }
0x323: {  	[sflag:s0] =	ssyncset.done $0x0  }
0x324: {  	[sflag:s0] =	ssyncadd.s32 $0xFFFFF000  }
0x325: {  	_ =	swait.ge [sflag:s1], $0x1000  }
0x326: {  	[sflag:s1] =	ssyncset.done $0x0  }
0x327: {  	[sflag:s1] =	ssyncadd.s32 $0xFFFFF000  }
0x328: {  	_ =	swait.ge [sflag:s0], $0x1000  }
0x329: {  	[sflag:s0] =	ssyncset.done $0x0  }
0x32a: {  	[sflag:s0] =	ssyncadd.s32 $0xFFFFF000  }
0x32b: {  	_ =	swait.ge [sflag:s1], $0x1000  }
0x32c: {  	[sflag:s1] =	ssyncset.done $0x0  }
0x32d: {  	[sflag:s1] =	ssyncadd.s32 $0xFFFFF000  }
0x32e: {  	_ =	swait.ge [sflag:s0], $0x1000  }
0x32f: {  	[sflag:s0] =	ssyncset.done $0x0  }
0x330: {  	[sflag:s0] =	ssyncadd.s32 $0xFFFFF000  }
0x331: {  	_ =	swait.ge [sflag:s1], $0x1000  }
0x332: {  	[sflag:s1] =	ssyncset.done $0x0  }
0x333: {  	[sflag:s1] =	ssyncadd.s32 $0xFFFFF000  }
0x334: {  	_ =	swait.ge [sflag:s0], $0x1000  }
0x335: {  	[sflag:s0] =	ssyncset.done $0x0  }
0x336: {  	[sflag:s0] =	ssyncadd.s32 $0xFFFFF000  }
0x337: {  	_ =	swait.ge [sflag:s1], $0x1000  }
0x338: {  	s2 =	sld [smem:$0x7E7]  }
0x339: {  	s31 =	sld [smem:$0x7FA];
	_ =	sdelay $0x1  }
0x33a: {  	s2 =	sadd.s32 $0x1, s2  }
0x33b: {  	p0 =	sne.s32 s2, s31  }
.Ltmp9:
0x33c: {  	_ = 	snop;
	(pc) =	sbr.rel @p0 .LBB2_1-.Ltmp9, $3  }
0x33d: {  	_ =	sdelay $0x1  }
0x33e: {  	[sflag:s1] =	ssyncset.done $0x0  }
0x33f: {  	[sflag:s1] =	ssyncadd.s32 $0xFFFFF000  }
0x340: {  	_ =	sfence.sel $0x180000  }
0x341: {  	[bflag:$0x0] =	sbarrier.arrive $0xFFFF  }
0x342: {  	_ =	strace $0x90000047  }
0x343: {  	s0 =	stileid.u32;
	[bflag:$0x2] =	sbarrier.arrive $0xFFFF  }
0x344: {  	p0 =	sne.s32 s0, $0x0;
	s0 =	rddreg [dreg:$0x3]  }
0x345: {  	s0 =	sadd.s32 @!p0 $0x100000, s0  }
0x346: {  	[sflag:s0] =	ssyncadd.tile.s32 @!p0 $0x1;
	_ =	shalt  }
.Lfunc_end2:
_tile_overlayer_lowered:
.L_overlay_start_2:
0x347: {  	(tag) =	ssettag $0x2  }
0x348: {  	s0 =	rddreg [dreg:$0x0];
	s2 =	stileid.u32  }
0x349: {  	s1 =	rddreg [dreg:$0x1];
	p0 =	sne.s32 s2, $0x0  }
0x34a: {  	s3 =	rddreg [dreg:$0x2];
	[bflag:$0x3] =	sbarrier.arrive $0xFFFF;
	s2 =	simm.s32 @!p0 $0x1C05  }
0x34b: {  	[timem:s3], [sflag:s2] =	dma.local @!p0 [hbm:s0], s1  }
0x34c: {  	s0 =	simm.s32 @!p0 $0x5  }
0x34d: {  	_ =	swait.ge @!p0 [sflag:s0], s1  }
0x34e: {  	s1 =	ssub.s32 @!p0 $0x0, s1;
	[sflag:s0] =	ssyncset.done @!p0 $0x0  }
0x34f: {  	[sflag:s0] =	ssyncadd.s32 @!p0 s1  }
0x350: {  	[bflag:$0x3] =	sbarrier.arrive $0xFFFF  }
0x351: {  	_ =	shalt  }

</sc_bundles>
